<compile_context>
chip_gen: v7x
topology: tpu7x:2x2x1
jax: 0.10.2.dev20260603
libtpu: 0.0.44.dev20260713+nightly
codegen_flags: <defaults>
</compile_context>

<pallas_src>
import functools

import jax
import jax.numpy as jnp
from jax import lax
from jax.experimental import pallas as pl
from jax.experimental.pallas import tpu as pltpu
from jax.experimental.pallas import tpu_sc as plsc

N = 50000
E = 800000
R = 3
EMB = 32
HID = 64
NCLS = 2
G = 128

NPAD = 50048
NBLK = NPAD // 128
EPAD = 819200
EC = 2048
NCH = EPAD // 16 // EC
NQ = 8192
NACC = 65536
DUMP_A = 3 * NQ
ACC_ROWS = 25088
DUMP_C = 3 * 32768
CNT_ROWS = 100352


def _embed_body(x0_ref, x1_ref, se_ref, ce_ref, w_ref, b_ref, o_ref, o2_ref):
    a = jnp.dot(se_ref[...], w_ref[...][:EMB, :], preferred_element_type=jnp.float32)
    c = jnp.dot(ce_ref[...], w_ref[...][EMB:, :], preferred_element_type=jnp.float32)
    oh0 = (lax.broadcasted_iota(jnp.int32, (16, 128), 0) == x0_ref[0]).astype(jnp.float32)
    oh1 = (lax.broadcasted_iota(jnp.int32, (16, 128), 0) == x1_ref[0]).astype(jnp.float32)
    dn = (((0,), (0,)), ((), ()))
    h = (lax.dot_general(oh0, a, dn, preferred_element_type=jnp.float32)
         + lax.dot_general(oh1, c, dn, preferred_element_type=jnp.float32)
         + b_ref[...])
    h = jnp.maximum(h, 0.0)
    o_ref[...] = h
    o2_ref[...] = h.astype(jnp.bfloat16)


def _embed(x0, x1, se, ce, lin_W, lin_b):
    return pl.pallas_call(
        _embed_body,
        grid=(NBLK,),
        in_specs=[
            pl.BlockSpec((1, 1, 128), lambda i: (i, 0, 0)),
            pl.BlockSpec((1, 1, 128), lambda i: (i, 0, 0)),
            pl.BlockSpec((16, EMB), lambda i: (0, 0)),
            pl.BlockSpec((16, EMB), lambda i: (0, 0)),
            pl.BlockSpec((2 * EMB, HID), lambda i: (0, 0)),
            pl.BlockSpec((1, HID), lambda i: (0, 0)),
        ],
        out_specs=[pl.BlockSpec((128, HID), lambda i: (i, 0)),
                   pl.BlockSpec((128, HID), lambda i: (i, 0))],
        out_shape=[jax.ShapeDtypeStruct((NPAD, HID), jnp.float32),
                   jax.ShapeDtypeStruct((NPAD, HID), jnp.bfloat16)],
    )(x0, x1, se, ce, lin_W, lin_b)


def _counts_body(dst_hbm, et_hbm, ones_hbm, zeros_hbm, cnt_hbm,
                 ebuf_dst, ebuf_et, sidx, ones_v, cnt_sh, sem):
    c = lax.axis_index("c")
    s = lax.axis_index("s")
    pltpu.sync_copy(ones_hbm, ones_v)

    def zero_chunk(j, _):
        chunk = s + j * 16
        @pl.when(chunk < 49)
        def _():
            pltpu.sync_copy(zeros_hbm, cnt_sh.at[pl.ds(chunk * 2048, 2048)])
        return 0
    lax.fori_loop(0, 4, zero_chunk, 0)
    plsc.subcore_barrier()

    def chunk_body(ch, _):
        eoff = s * (NCH * EC) + ch * EC
        pltpu.async_copy(dst_hbm.at[pl.ds(eoff, EC)], ebuf_dst, sem)
        pltpu.async_copy(et_hbm.at[pl.ds(eoff, EC)], ebuf_et, sem)
        pltpu.make_async_copy(dst_hbm.at[pl.ds(eoff, EC)], ebuf_dst, sem).wait()
        pltpu.make_async_copy(et_hbm.at[pl.ds(eoff, EC)], ebuf_et, sem).wait()

        def group_body(g, _):
            def vec_body(v, _):
                dv = ebuf_dst[pl.ds(g * 1024 + v * 16, 16)]
                ev = ebuf_et[pl.ds(g * 1024 + v * 16, 16)]
                inh = (dv >> 15) == c
                sv = jnp.where(inh, (ev << 15) + (dv & 32767), DUMP_C)
                sidx[pl.ds(v * 16, 16)] = sv
                return 0
            lax.fori_loop(0, 64, vec_body, 0)
            pltpu.sync_copy(ones_v, cnt_sh.at[sidx], add=True)
            return 0
        lax.fori_loop(0, 2, group_body, 0)
        return 0
    lax.fori_loop(0, NCH, chunk_body, 0)
    plsc.subcore_barrier()

    for r in range(R):
        pltpu.sync_copy(
            cnt_sh.at[pl.ds(r * 32768 + s * 2048, 2048)],
            cnt_hbm.at[r, pl.ds(c * 32768 + s * 2048, 2048)])


def _counts(dst, et, ones128, zeros2048):
    fn = pl.kernel(
        _counts_body,
        out_type=jax.ShapeDtypeStruct((R, NACC, 16), jnp.float32),
        mesh=plsc.VectorSubcoreMesh(core_axis_name="c", subcore_axis_name="s", num_cores=2, num_subcores=16),
        scratch_types=[
            pltpu.VMEM((EC,), jnp.int32),
            pltpu.VMEM((EC,), jnp.int32),
            pltpu.VMEM((1024,), jnp.int32),
            pltpu.VMEM((1024, 16), jnp.float32),
            pltpu.VMEM_SHARED((CNT_ROWS, 16), jnp.float32),
            pltpu.SemaphoreType.DMA,
        ],
        compiler_params=pltpu.CompilerParams(needs_layout_passes=False, use_tc_tiling_on_sc=False),
    )
    return fn(dst, et, ones128, zeros2048)


AEC = 1024
ANCH = EPAD // 16 // AEC
BATCH = 512
FLSZ = 2048
NQ2 = 16384
DUMP_A2 = 3 * NQ2
ACC_ROWS2 = 49216


def _accum_body(h_hbm, src_hbm, dst_hbm, et_hbm, zeros_hbm, acc_hbm,
                esA, edA, etA, esB, edB, etB, fl_src, fl_sidx,
                gidx, sidx, rows, acc_sh, semA, semB, semG):
    c = lax.axis_index("c")
    s = lax.axis_index("s")
    ebase = s * (ANCH * AEC)

    def issue(bufs, sem, ch):
        eoff = ebase + ch * AEC
        pltpu.async_copy(src_hbm.at[pl.ds(eoff, AEC)], bufs[0], sem)
        pltpu.async_copy(dst_hbm.at[pl.ds(eoff, AEC)], bufs[1], sem)
        pltpu.async_copy(et_hbm.at[pl.ds(eoff, AEC)], bufs[2], sem)

    def wait(bufs, sem, ch):
        eoff = ebase + ch * AEC
        pltpu.make_async_copy(src_hbm.at[pl.ds(eoff, AEC)], bufs[0], sem).wait()
        pltpu.make_async_copy(dst_hbm.at[pl.ds(eoff, AEC)], bufs[1], sem).wait()
        pltpu.make_async_copy(et_hbm.at[pl.ds(eoff, AEC)], bufs[2], sem).wait()

    def fire_full(b, q):
        def cp(j, _):
            gidx[pl.ds(j * 16, 16)] = fl_src[pl.ds(b * BATCH + j * 16, 16)]
            sidx[pl.ds(j * 16, 16)] = fl_sidx[pl.ds(b * BATCH + j * 16, 16)]
            return 0
        lax.fori_loop(0, BATCH // 16, cp, 0)
        pltpu.async_copy(h_hbm.at[gidx], rows, semG).wait()
        pltpu.sync_copy(rows, acc_sh.at[sidx], add=True)

    def process(bufs, off, q):
        def comp_body(v, off):
            rv = bufs[0][pl.ds(v * 16, 16)]
            dv = bufs[1][pl.ds(v * 16, 16)]
            ev = bufs[2][pl.ds(v * 16, 16)]
            inq = (dv >> 14) == q
            sv = (ev << 14) + (dv & 16383)
            mi = inq.astype(jnp.int32)
            pos = off + jnp.cumsum(mi) - 1
            plsc.store_scatter(fl_src, [pos], rv, mask=inq)
            plsc.store_scatter(fl_sidx, [pos], sv, mask=inq)
            return off + jnp.sum(mi)
        off2 = lax.fori_loop(0, AEC // 16, comp_body, off)

        for b in range(2):
            @pl.when(off2 >= (b + 1) * BATCH)
            def _():
                fire_full(b, q)
        nb = off2 // BATCH
        rem = off2 - nb * BATCH

        @pl.when(nb > 0)
        def _():
            def mv(j, _):
                fl_src[pl.ds(j * 16, 16)] = fl_src[pl.ds(nb * BATCH + j * 16, 16)]
                fl_sidx[pl.ds(j * 16, 16)] = fl_sidx[pl.ds(nb * BATCH + j * 16, 16)]
                return 0
            lax.fori_loop(0, BATCH // 16, mv, 0)
        return rem

    for p in range(2):
        q = 2 * p + c
        base = q * NQ2

        def zero_chunk(j, _):
            chunk = s + j * 16
            @pl.when(chunk < 96)
            def _():
                pltpu.sync_copy(zeros_hbm, acc_sh.at[pl.ds(chunk * 512, 512)])
            @pl.when(chunk == 96)
            def _():
                pltpu.sync_copy(zeros_hbm.at[pl.ds(0, 64)],
                                acc_sh.at[pl.ds(96 * 512, 64)])
            return 0
        lax.fori_loop(0, 7, zero_chunk, 0)
        plsc.subcore_barrier()

        issue((esA, edA, etA), semA, 0)

        def pair_body(i, off):
            wait((esA, edA, etA), semA, 2 * i)
            issue((esB, edB, etB), semB, 2 * i + 1)
            off = process((esA, edA, etA), off, q)
            wait((esB, edB, etB), semB, 2 * i + 1)
            nxt = lax.rem(2 * i + 2, ANCH)
            issue((esA, edA, etA), semA, nxt)
            off = process((esB, edB, etB), off, q)
            return off
        off = lax.fori_loop(0, ANCH // 2, pair_body, jnp.int32(0))
        wait((esA, edA, etA), semA, 0)

        @pl.when(off > 0)
        def _():
            lanes = lax.iota(jnp.int32, 16)
            def cpc(j, _):
                m = (j * 16 + lanes) < off
                gidx[pl.ds(j * 16, 16)] = jnp.where(m, fl_src[pl.ds(j * 16, 16)], 0)
                sidx[pl.ds(j * 16, 16)] = jnp.where(m, fl_sidx[pl.ds(j * 16, 16)], DUMP_A2)
                return 0
            lax.fori_loop(0, BATCH // 16, cpc, 0)
            pltpu.async_copy(h_hbm.at[gidx], rows, semG).wait()
            pltpu.sync_copy(rows, acc_sh.at[sidx], add=True)

        plsc.subcore_barrier()
        for r in range(R):
            pltpu.sync_copy(
                acc_sh.at[pl.ds(r * NQ2 + s * 1024, 1024)],
                acc_hbm.at[r, pl.ds(base + s * 1024, 1024)])
        plsc.subcore_barrier()


def _accum(h, src, dst, et, zeros512):
    fn = pl.kernel(
        _accum_body,
        out_type=jax.ShapeDtypeStruct((R, NACC, HID), jnp.bfloat16),
        mesh=plsc.VectorSubcoreMesh(core_axis_name="c", subcore_axis_name="s", num_cores=2, num_subcores=16),
        scratch_types=[
            pltpu.VMEM((AEC,), jnp.int32),
            pltpu.VMEM((AEC,), jnp.int32),
            pltpu.VMEM((AEC,), jnp.int32),
            pltpu.VMEM((AEC,), jnp.int32),
            pltpu.VMEM((AEC,), jnp.int32),
            pltpu.VMEM((AEC,), jnp.int32),
            pltpu.VMEM((FLSZ,), jnp.int32),
            pltpu.VMEM((FLSZ,), jnp.int32),
            pltpu.VMEM((BATCH,), jnp.int32),
            pltpu.VMEM((BATCH,), jnp.int32),
            pltpu.VMEM((BATCH, HID), jnp.bfloat16),
            pltpu.VMEM_SHARED((ACC_ROWS2, HID), jnp.bfloat16),
            pltpu.SemaphoreType.DMA,
            pltpu.SemaphoreType.DMA,
            pltpu.SemaphoreType.DMA,
        ],
        compiler_params=pltpu.CompilerParams(needs_layout_passes=False, use_tc_tiling_on_sc=False),
    )
    return fn(h, src, dst, et, zeros512)


def _combine_body(acc_ref, cnt_ref, h_ref, w_ref, root_ref, b_ref, o_ref, o2_ref):
    inv = 1.0 / jnp.maximum(cnt_ref[...], 1.0)
    acc = acc_ref[...].astype(jnp.float32)
    tot = jnp.dot(h_ref[...], root_ref[...], preferred_element_type=jnp.float32)
    for r in range(R):
        scaled = acc[r] * inv[r][:, None]
        tot = tot + jnp.dot(scaled, w_ref[...][r], preferred_element_type=jnp.float32)
    h2 = jnp.maximum(tot + b_ref[...], 0.0)
    o_ref[...] = h2
    o2_ref[...] = h2.astype(jnp.bfloat16)


def _combine(acc, cnt, h, W, root, b):
    return pl.pallas_call(
        _combine_body,
        grid=(NBLK,),
        in_specs=[
            pl.BlockSpec((R, 128, HID), lambda i: (0, i, 0)),
            pl.BlockSpec((R, 128), lambda i: (0, i)),
            pl.BlockSpec((128, HID), lambda i: (i, 0)),
            pl.BlockSpec((R, HID, HID), lambda i: (0, 0, 0)),
            pl.BlockSpec((HID, HID), lambda i: (0, 0)),
            pl.BlockSpec((1, HID), lambda i: (0, 0)),
        ],
        out_specs=[pl.BlockSpec((128, HID), lambda i: (i, 0)),
                   pl.BlockSpec((128, HID), lambda i: (i, 0))],
        out_shape=[jax.ShapeDtypeStruct((NPAD, HID), jnp.float32),
                   jax.ShapeDtypeStruct((NPAD, HID), jnp.bfloat16)],
    )(acc, cnt, h, W, root, b)


def _pool_body(batch_ref, h_ref, w_ref, b_ref, o_ref, pooled, cnts):
    i = pl.program_id(0)

    @pl.when(i == 0)
    def _():
        pooled[...] = jnp.zeros_like(pooled)
        cnts[...] = jnp.zeros_like(cnts)

    oh = (lax.broadcasted_iota(jnp.int32, (G, 128), 0) == batch_ref[0]).astype(jnp.float32)
    pooled[...] += jnp.dot(oh, h_ref[...], preferred_element_type=jnp.float32)
    cnts[...] += jnp.sum(oh, axis=1, keepdims=True)

    @pl.when(i == NBLK - 1)
    def _():
        mean = pooled[...] / jnp.maximum(cnts[...][:, 0:1], 1.0)
        o_ref[...] = jnp.dot(mean, w_ref[...], preferred_element_type=jnp.float32) + b_ref[...]


def _pool(batch, h, out_W, out_b):
    return pl.pallas_call(
        _pool_body,
        grid=(NBLK,),
        in_specs=[
            pl.BlockSpec((1, 1, 128), lambda i: (i, 0, 0)),
            pl.BlockSpec((128, HID), lambda i: (i, 0)),
            pl.BlockSpec((HID, 8), lambda i: (0, 0)),
            pl.BlockSpec((1, 8), lambda i: (0, 0)),
        ],
        out_specs=pl.BlockSpec((G, 8), lambda i: (0, 0)),
        out_shape=jax.ShapeDtypeStruct((G, 8), jnp.float32),
        scratch_shapes=[
            pltpu.VMEM((G, HID), jnp.float32),
            pltpu.VMEM((G, 8), jnp.float32),
        ],
    )(batch, h, out_W, out_b)


def kernel(x, edge_index, edge_type, batch, se, ce, lin_W, lin_b, W1, root1, b1,
           W2, root2, b2, out_W, out_b):
    x = x.astype(jnp.int32)
    x0 = jnp.zeros((NPAD,), jnp.int32).at[:N].set(x[:, 0]).reshape(NBLK, 1, 128)
    x1 = jnp.zeros((NPAD,), jnp.int32).at[:N].set(x[:, 1]).reshape(NBLK, 1, 128)
    src = jnp.zeros((EPAD,), jnp.int32).at[:E].set(edge_index[0].astype(jnp.int32))
    dst = jnp.full((EPAD,), NACC - 1, jnp.int32).at[:E].set(edge_index[1].astype(jnp.int32))
    et = jnp.zeros((EPAD,), jnp.int32).at[:E].set(edge_type.astype(jnp.int32))
    batchp = jnp.full((NPAD,), G, jnp.int32).at[:N].set(batch.astype(jnp.int32)).reshape(NBLK, 1, 128)

    ones128 = jnp.ones((1024, 16), jnp.float32)
    zeros2048 = jnp.zeros((2048, 16), jnp.float32)
    zeros512 = jnp.zeros((512, HID), jnp.bfloat16)
    out_Wp = jnp.zeros((HID, 8), jnp.float32).at[:, :NCLS].set(out_W)
    out_bp = jnp.zeros((1, 8), jnp.float32).at[0, :NCLS].set(out_b)

    h0, h0b = _embed(x0, x1, se, ce, lin_W, lin_b[None, :])
    cnt = _counts(dst, et, ones128, zeros2048)[:, :, 0]

    acc1 = _accum(h0b, src, dst, et, zeros512)
    h1, h1b = _combine(acc1, cnt, h0, W1, root1, b1[None, :])
    acc2 = _accum(h1b, src, dst, et, zeros512)
    h2, _h2b = _combine(acc2, cnt, h1, W2, root2, b2[None, :])

    out = _pool(batchp, h2, out_Wp, out_bp)
    return out[:, :NCLS]

# --- scband reference (transcript-rebuilt; emitter-appended) ---
"""Pipeline reference for scband-rgcnclassifier-88648124990750 (READ-ONLY COPY).

The authoritative reference and input builder live on the scoring server;
editing this copy changes nothing except your own understanding.
"""

import jax, jax.numpy as jnp
import numpy as np

N = 50000
E = 800000
R = 3
EMB = 32
HID = 64
NCLS = 2
NSH = 16
NCO = 16
G = 128


def setup_inputs(seed: int = 0) -> dict:
    key = jax.random.key(seed)
    ks = jax.random.split(key, 16)
    x = jax.random.randint(ks[0], (N, 2), 0, 16, dtype=jnp.int64) if jax.config.jax_enable_x64 else jax.random.randint(ks[0], (N, 2), 0, 16)
    edge_index = jax.random.randint(ks[1], (2, E), 0, N)
    edge_type = jax.random.randint(ks[2], (E,), 0, R)
    batch = jnp.sort(jax.random.randint(ks[3], (N,), 0, G))
    se = jax.random.normal(ks[4], (NSH, EMB), dtype=jnp.float32)
    ce = jax.random.normal(ks[5], (NCO, EMB), dtype=jnp.float32)
    lin_W = jax.random.normal(ks[6], (2 * EMB, HID), dtype=jnp.float32) * (1.0 / np.sqrt(2 * EMB))
    lin_b = jnp.zeros((HID,), dtype=jnp.float32)
    W1 = jax.random.normal(ks[7], (R, HID, HID), dtype=jnp.float32) * (1.0 / np.sqrt(HID))
    root1 = jax.random.normal(ks[8], (HID, HID), dtype=jnp.float32) * (1.0 / np.sqrt(HID))
    b1 = jnp.zeros((HID,), dtype=jnp.float32)
    W2 = jax.random.normal(ks[9], (R, HID, HID), dtype=jnp.float32) * (1.0 / np.sqrt(HID))
    root2 = jax.random.normal(ks[10], (HID, HID), dtype=jnp.float32) * (1.0 / np.sqrt(HID))
    b2 = jnp.zeros((HID,), dtype=jnp.float32)
    out_W = jax.random.normal(ks[11], (HID, NCLS), dtype=jnp.float32) * (1.0 / np.sqrt(HID))
    out_b = jnp.zeros((NCLS,), dtype=jnp.float32)
    return {"x": x, "edge_index": edge_index, "edge_type": edge_type, "batch": batch,
            "se": se, "ce": ce, "lin_W": lin_W, "lin_b": lin_b,
            "W1": W1, "root1": root1, "b1": b1,
            "W2": W2, "root2": root2, "b2": b2,
            "out_W": out_W, "out_b": out_b}


def _rgcn_conv(h, src, dst, etype, W, Wroot, b):
    # Per-relation transform for all nodes: [R, N, H]
    h_all = jnp.einsum('nd,rdh->rnh', h, W)
    msgs = h_all[etype, src]  # [E, H] gather per edge by (relation, source node)
    # Per-(dst, relation) mean normalization as in PyG RGCNConv (aggr='mean')
    idx = dst * R + etype
    cnt = jax.ops.segment_sum(jnp.ones((src.shape[0],), dtype=h.dtype), idx, num_segments=h.shape[0] * R)
    norm = 1.0 / jnp.maximum(cnt[idx], 1.0)
    agg = jax.ops.segment_sum(msgs * norm[:, None], dst, num_segments=h.shape[0])
    return agg + h @ Wroot + b


def reference(x, edge_index, edge_type, batch, se, ce, lin_W, lin_b, W1, root1, b1, W2, root2, b2, out_W, out_b):
    h = jnp.concatenate([se[x[:, 0]], ce[x[:, 1]]], axis=-1)
    h = jax.nn.relu(h @ lin_W + lin_b)
    src, dst = edge_index[0], edge_index[1]
    h = jax.nn.relu(_rgcn_conv(h, src, dst, edge_type, W1, root1, b1))
    h = jax.nn.relu(_rgcn_conv(h, src, dst, edge_type, W2, root2, b2))
    sums = jax.ops.segment_sum(h, batch, num_segments=G)
    cnts = jax.ops.segment_sum(jnp.ones((h.shape[0],), dtype=h.dtype), batch, num_segments=G)
    pooled = sums / jnp.maximum(cnts, 1.0)[:, None]
    return pooled @ out_W + out_b

if __name__ == "__main__":
    import jax
    _d = setup_inputs()
    print(jax.jit(kernel)(*tuple(_d.values())))

</pallas_src>

<mosaic_0001>
#map = affine_map<(d0, d1) -> (0, 0)>
#map1 = affine_map<(d0, d1) -> (0)>
#map2 = affine_map<(d0, d1) -> (0, 0, 0)>
module attributes {stable_mosaic.version = 14 : i64} {
  func.func @_accum_body(%arg0: i32, %arg1: i32, %arg2: memref<50048x64xbf16, #tpu.memory_space<hbm>>, %arg3: memref<819200xi32, #tpu.memory_space<hbm>>, %arg4: memref<819200xi32, #tpu.memory_space<hbm>>, %arg5: memref<819200xi32, #tpu.memory_space<hbm>>, %arg6: memref<512x64xbf16, #tpu.memory_space<hbm>>, %arg7: memref<3x65536x64xbf16, #tpu.memory_space<hbm>>, %arg8: memref<1024xi32, #tpu.memory_space<vmem>>, %arg9: memref<1024xi32, #tpu.memory_space<vmem>>, %arg10: memref<1024xi32, #tpu.memory_space<vmem>>, %arg11: memref<1024xi32, #tpu.memory_space<vmem>>, %arg12: memref<1024xi32, #tpu.memory_space<vmem>>, %arg13: memref<1024xi32, #tpu.memory_space<vmem>>, %arg14: memref<2048xi32, #tpu.memory_space<vmem>>, %arg15: memref<2048xi32, #tpu.memory_space<vmem>>, %arg16: memref<512xi32, #tpu.memory_space<vmem>>, %arg17: memref<512xi32, #tpu.memory_space<vmem>>, %arg18: memref<512x64xbf16, #tpu.memory_space<vmem>>, %arg19: memref<49216x64xbf16, #tpu.memory_space<vmem_shared>>, %arg20: memref<!tpu.dma_semaphore, #tpu.memory_space<semaphore_mem>>, %arg21: memref<!tpu.dma_semaphore, #tpu.memory_space<semaphore_mem>>, %arg22: memref<!tpu.dma_semaphore, #tpu.memory_space<semaphore_mem>>) attributes {dimension_semantics = [#tpu.dimension_semantics<core_parallel>, #tpu.dimension_semantics<subcore_parallel>], iteration_bounds = array<i64: 2, 16>, scalar_prefetch = 0 : i64, scratch_operands = 15 : i64, tpu.core_type = #tpu.core_type<sc_vector_subcore>, window_params = [{transform_indices = #map}, {transform_indices = #map1}, {transform_indices = #map1}, {transform_indices = #map1}, {transform_indices = #map}, {transform_indices = #map2}]} {
    %mul3A = arith.constant 51200 : i32
    %mul3A_0 = arith.muli %arg1, %mul3A : i32
    %add3A = arith.constant 0 : i32
    %add3A_1 = arith.addi %add3A, %arg0 : i32
    %mul3A_2 = arith.constant 16384 : i32
    %mul3A_3 = arith.muli %add3A_1, %mul3A_2 : i32
    %scan3A = arith.constant 0 : i32
    %scan3A_4 = arith.constant 0 : i32
    %scan3A_5 = arith.constant 7 : i32
    %scan3A_6 = arith.addi %scan3A_4, %scan3A_5 : i32
    %scan3A_7 = arith.constant 1 : i32
    %scan3A_8 = scf.for %scan3A_124 = %scan3A_4 to %scan3A_6 step %scan3A_7 iter_args(%scan3A_125 = %scan3A) -> (i32)  : i32 {
      %mul3A_126 = arith.constant 16 : i32
      %mul3A_127 = arith.muli %scan3A_124, %mul3A_126 : i32
      %add3A_128 = arith.addi %arg1, %mul3A_127 : i32
      %lt3A = arith.constant 96 : i32
      %lt3A_129 = arith.cmpi slt, %add3A_128, %lt3A : i32
      %convert_element_type3A_130 = arith.extui %lt3A_129 : i1 to i32
      %cond3A_131 = arith.constant 0 : i32
      %cond3A_132 = arith.cmpi ne, %convert_element_type3A_130, %cond3A_131 : i32
      scf.if %cond3A_132 {
        %mul3A_138 = arith.constant 512 : i32
        %mul3A_139 = arith.muli %add3A_128, %mul3A_138 : i32
        "tpu.region"() ({
          %run_scoped3A_140 = tpu.sem_alloc : memref<!tpu.dma_semaphore, #tpu.memory_space<semaphore_mem>>
          %dma_start3A_141 = arith.constant 0 : i32
          %dma_start3A_142 = tpu.memref_slice %arg19[%mul3A_139, %dma_start3A_141] : memref<49216x64xbf16, #tpu.memory_space<vmem_shared>> -> memref<512x64xbf16, #tpu.memory_space<vmem_shared>>
          tpu.enqueue_dma source(%arg6 : memref<512x64xbf16, #tpu.memory_space<hbm>>) target(%dma_start3A_142 : memref<512x64xbf16, #tpu.memory_space<vmem_shared>>) target_semaphore(%run_scoped3A_140 : memref<!tpu.dma_semaphore, #tpu.memory_space<semaphore_mem>>)
          %dma_wait3A_143 = arith.constant 0 : i32
          %dma_wait3A_144 = tpu.memref_slice %arg19[%mul3A_139, %dma_wait3A_143] : memref<49216x64xbf16, #tpu.memory_space<vmem_shared>> -> memref<512x64xbf16, #tpu.memory_space<vmem_shared>>
          tpu.wait_dma2 semaphore(%run_scoped3A_140 : memref<!tpu.dma_semaphore, #tpu.memory_space<semaphore_mem>>) src(%arg6 : memref<512x64xbf16, #tpu.memory_space<hbm>>) dst(%dma_wait3A_144 : memref<512x64xbf16, #tpu.memory_space<vmem_shared>>)
          tpu.yield
        }) : () -> ()
      } else {
      }
      %eq3A = arith.constant 96 : i32
      %eq3A_133 = arith.cmpi eq, %add3A_128, %eq3A : i32
      %convert_element_type3A_134 = arith.extui %eq3A_133 : i1 to i32
      %cond3A_135 = arith.constant 0 : i32
      %cond3A_136 = arith.cmpi ne, %convert_element_type3A_134, %cond3A_135 : i32
      scf.if %cond3A_136 {
        "tpu.region"() ({
          %run_scoped3A_138 = tpu.sem_alloc : memref<!tpu.dma_semaphore, #tpu.memory_space<semaphore_mem>>
          %dma_start3A_139 = arith.constant 49152 : i32
          %dma_start3A_140 = arith.constant 0 : i32
          %dma_start3A_141 = tpu.memref_slice %arg19[%dma_start3A_139, %dma_start3A_140] : memref<49216x64xbf16, #tpu.memory_space<vmem_shared>> -> memref<64x64xbf16, #tpu.memory_space<vmem_shared>>
          %dma_start3A_142 = arith.constant 0 : i32
          %dma_start3A_143 = arith.constant 0 : i32
          %dma_start3A_144 = tpu.memref_slice %arg6[%dma_start3A_142, %dma_start3A_143] : memref<512x64xbf16, #tpu.memory_space<hbm>> -> memref<64x64xbf16, #tpu.memory_space<hbm>>
          tpu.enqueue_dma source(%dma_start3A_144 : memref<64x64xbf16, #tpu.memory_space<hbm>>) target(%dma_start3A_141 : memref<64x64xbf16, #tpu.memory_space<vmem_shared>>) target_semaphore(%run_scoped3A_138 : memref<!tpu.dma_semaphore, #tpu.memory_space<semaphore_mem>>)
          %dma_wait3A_145 = arith.constant 49152 : i32
          %dma_wait3A_146 = arith.constant 0 : i32
          %dma_wait3A_147 = tpu.memref_slice %arg19[%dma_wait3A_145, %dma_wait3A_146] : memref<49216x64xbf16, #tpu.memory_space<vmem_shared>> -> memref<64x64xbf16, #tpu.memory_space<vmem_shared>>
          %dma_wait3A_148 = arith.constant 0 : i32
          %dma_wait3A_149 = arith.constant 0 : i32
          %dma_wait3A_150 = tpu.memref_slice %arg6[%dma_wait3A_148, %dma_wait3A_149] : memref<512x64xbf16, #tpu.memory_space<hbm>> -> memref<64x64xbf16, #tpu.memory_space<hbm>>
          tpu.wait_dma2 semaphore(%run_scoped3A_138 : memref<!tpu.dma_semaphore, #tpu.memory_space<semaphore_mem>>) src(%dma_wait3A_150 : memref<64x64xbf16, #tpu.memory_space<hbm>>) dst(%dma_wait3A_147 : memref<64x64xbf16, #tpu.memory_space<vmem_shared>>)
          tpu.yield
        }) : () -> ()
      } else {
      }
      %scan3A_137 = arith.constant 0 : i32
      scf.yield %scan3A_137 : i32
    }
    %scan3A_9 = arith.constant 7 : i32
    %barrier3A = arith.constant 0 : index
    tpu.barrier barrier_id(%barrier3A)
    %add3A_10 = arith.constant 0 : i32
    %add3A_11 = arith.addi %mul3A_0, %add3A_10 : i32
    %dma_start3A = tpu.memref_slice %arg3[%add3A_11] : memref<819200xi32, #tpu.memory_space<hbm>> -> memref<1024xi32, #tpu.memory_space<hbm>>
    %dma_start3A_12 = tpu.memref_slice %arg3[%add3A_11] : memref<819200xi32, #tpu.memory_space<hbm>> -> memref<1024xi32, #tpu.memory_space<hbm>>
    tpu.enqueue_dma source(%dma_start3A_12 : memref<1024xi32, #tpu.memory_space<hbm>>) target(%arg8 : memref<1024xi32, #tpu.memory_space<vmem>>) target_semaphore(%arg20 : memref<!tpu.dma_semaphore, #tpu.memory_space<semaphore_mem>>)
    %dma_start3A_13 = tpu.memref_slice %arg4[%add3A_11] : memref<819200xi32, #tpu.memory_space<hbm>> -> memref<1024xi32, #tpu.memory_space<hbm>>
    %dma_start3A_14 = tpu.memref_slice %arg4[%add3A_11] : memref<819200xi32, #tpu.memory_space<hbm>> -> memref<1024xi32, #tpu.memory_space<hbm>>
    tpu.enqueue_dma source(%dma_start3A_14 : memref<1024xi32, #tpu.memory_space<hbm>>) target(%arg9 : memref<1024xi32, #tpu.memory_space<vmem>>) target_semaphore(%arg20 : memref<!tpu.dma_semaphore, #tpu.memory_space<semaphore_mem>>)
    %dma_start3A_15 = tpu.memref_slice %arg5[%add3A_11] : memref<819200xi32, #tpu.memory_space<hbm>> -> memref<1024xi32, #tpu.memory_space<hbm>>
    %dma_start3A_16 = tpu.memref_slice %arg5[%add3A_11] : memref<819200xi32, #tpu.memory_space<hbm>> -> memref<1024xi32, #tpu.memory_space<hbm>>
    tpu.enqueue_dma source(%dma_start3A_16 : memref<1024xi32, #tpu.memory_space<hbm>>) target(%arg10 : memref<1024xi32, #tpu.memory_space<vmem>>) target_semaphore(%arg20 : memref<!tpu.dma_semaphore, #tpu.memory_space<semaphore_mem>>)
    %scan3A_17 = arith.constant 0 : i32
    %scan3A_18 = arith.constant 0 : i32
    %scan3A_19 = arith.constant 25 : i32
    %scan3A_20 = arith.addi %scan3A_18, %scan3A_19 : i32
    %scan3A_21 = arith.constant 1 : i32
    %scan3A_22 = scf.for %scan3A_124 = %scan3A_18 to %scan3A_20 step %scan3A_21 iter_args(%scan3A_125 = %scan3A_17) -> (i32)  : i32 {
      %mul3A_126 = arith.constant 2 : i32
      %mul3A_127 = arith.muli %mul3A_126, %scan3A_124 : i32
      %mul3A_128 = arith.constant 1024 : i32
      %mul3A_129 = arith.muli %mul3A_127, %mul3A_128 : i32
      %add3A_130 = arith.addi %mul3A_0, %mul3A_129 : i32
      %dma_wait3A_131 = tpu.memref_slice %arg3[%add3A_130] : memref<819200xi32, #tpu.memory_space<hbm>> -> memref<1024xi32, #tpu.memory_space<hbm>>
      %dma_wait3A_132 = tpu.memref_slice %arg3[%add3A_130] : memref<819200xi32, #tpu.memory_space<hbm>> -> memref<1024xi32, #tpu.memory_space<hbm>>
      tpu.wait_dma2 semaphore(%arg20 : memref<!tpu.dma_semaphore, #tpu.memory_space<semaphore_mem>>) src(%dma_wait3A_132 : memref<1024xi32, #tpu.memory_space<hbm>>) dst(%arg8 : memref<1024xi32, #tpu.memory_space<vmem>>)
      %dma_wait3A_133 = tpu.memref_slice %arg4[%add3A_130] : memref<819200xi32, #tpu.memory_space<hbm>> -> memref<1024xi32, #tpu.memory_space<hbm>>
      %dma_wait3A_134 = tpu.memref_slice %arg4[%add3A_130] : memref<819200xi32, #tpu.memory_space<hbm>> -> memref<1024xi32, #tpu.memory_space<hbm>>
      tpu.wait_dma2 semaphore(%arg20 : memref<!tpu.dma_semaphore, #tpu.memory_space<semaphore_mem>>) src(%dma_wait3A_134 : memref<1024xi32, #tpu.memory_space<hbm>>) dst(%arg9 : memref<1024xi32, #tpu.memory_space<vmem>>)
      %dma_wait3A_135 = tpu.memref_slice %arg5[%add3A_130] : memref<819200xi32, #tpu.memory_space<hbm>> -> memref<1024xi32, #tpu.memory_space<hbm>>
      %dma_wait3A_136 = tpu.memref_slice %arg5[%add3A_130] : memref<819200xi32, #tpu.memory_space<hbm>> -> memref<1024xi32, #tpu.memory_space<hbm>>
      tpu.wait_dma2 semaphore(%arg20 : memref<!tpu.dma_semaphore, #tpu.memory_space<semaphore_mem>>) src(%dma_wait3A_136 : memref<1024xi32, #tpu.memory_space<hbm>>) dst(%arg10 : memref<1024xi32, #tpu.memory_space<vmem>>)
      %mul3A_137 = arith.constant 2 : i32
      %mul3A_138 = arith.muli %mul3A_137, %scan3A_124 : i32
      %add3A_139 = arith.constant 1 : i32
      %add3A_140 = arith.addi %mul3A_138, %add3A_139 : i32
      %mul3A_141 = arith.constant 1024 : i32
      %mul3A_142 = arith.muli %add3A_140, %mul3A_141 : i32
      %add3A_143 = arith.addi %mul3A_0, %mul3A_142 : i32
      %dma_start3A_144 = tpu.memref_slice %arg3[%add3A_143] : memref<819200xi32, #tpu.memory_space<hbm>> -> memref<1024xi32, #tpu.memory_space<hbm>>
      %dma_start3A_145 = tpu.memref_slice %arg3[%add3A_143] : memref<819200xi32, #tpu.memory_space<hbm>> -> memref<1024xi32, #tpu.memory_space<hbm>>
      tpu.enqueue_dma source(%dma_start3A_145 : memref<1024xi32, #tpu.memory_space<hbm>>) target(%arg11 : memref<1024xi32, #tpu.memory_space<vmem>>) target_semaphore(%arg21 : memref<!tpu.dma_semaphore, #tpu.memory_space<semaphore_mem>>)
      %dma_start3A_146 = tpu.memref_slice %arg4[%add3A_143] : memref<819200xi32, #tpu.memory_space<hbm>> -> memref<1024xi32, #tpu.memory_space<hbm>>
      %dma_start3A_147 = tpu.memref_slice %arg4[%add3A_143] : memref<819200xi32, #tpu.memory_space<hbm>> -> memref<1024xi32, #tpu.memory_space<hbm>>
      tpu.enqueue_dma source(%dma_start3A_147 : memref<1024xi32, #tpu.memory_space<hbm>>) target(%arg12 : memref<1024xi32, #tpu.memory_space<vmem>>) target_semaphore(%arg21 : memref<!tpu.dma_semaphore, #tpu.memory_space<semaphore_mem>>)
      %dma_start3A_148 = tpu.memref_slice %arg5[%add3A_143] : memref<819200xi32, #tpu.memory_space<hbm>> -> memref<1024xi32, #tpu.memory_space<hbm>>
      %dma_start3A_149 = tpu.memref_slice %arg5[%add3A_143] : memref<819200xi32, #tpu.memory_space<hbm>> -> memref<1024xi32, #tpu.memory_space<hbm>>
      tpu.enqueue_dma source(%dma_start3A_149 : memref<1024xi32, #tpu.memory_space<hbm>>) target(%arg13 : memref<1024xi32, #tpu.memory_space<vmem>>) target_semaphore(%arg21 : memref<!tpu.dma_semaphore, #tpu.memory_space<semaphore_mem>>)
      %scan3A_150 = arith.constant 0 : i32
      %scan3A_151 = arith.constant 64 : i32
      %scan3A_152 = arith.addi %scan3A_150, %scan3A_151 : i32
      %scan3A_153 = arith.constant 1 : i32
      %scan3A_154 = scf.for %scan3A_265 = %scan3A_150 to %scan3A_152 step %scan3A_153 iter_args(%scan3A_266 = %scan3A_125) -> (i32)  : i32 {
        %mul3A_267 = arith.constant 16 : i32
        %mul3A_268 = arith.muli %scan3A_265, %mul3A_267 : i32
        %get3A = arith.index_cast %mul3A_268 : i32 to index
        %get3A_269 = tpu.vector_load %arg8[%get3A] {strides = array<i32>} : memref<1024xi32, #tpu.memory_space<vmem>>, vector<16xi32>,
        %mul3A_270 = arith.constant 16 : i32
        %mul3A_271 = arith.muli %scan3A_265, %mul3A_270 : i32
        %get3A_272 = arith.index_cast %mul3A_271 : i32 to index
        %get3A_273 = tpu.vector_load %arg9[%get3A_272] {strides = array<i32>} : memref<1024xi32, #tpu.memory_space<vmem>>, vector<16xi32>,
        %mul3A_274 = arith.constant 16 : i32
        %mul3A_275 = arith.muli %scan3A_265, %mul3A_274 : i32
        %get3A_276 = arith.index_cast %mul3A_275 : i32 to index
        %get3A_277 = tpu.vector_load %arg10[%get3A_276] {strides = array<i32>} : memref<1024xi32, #tpu.memory_space<vmem>>, vector<16xi32>,
        %shift_right_arithmetic3A = arith.constant 14 : i32
        %shift_right_arithmetic3A_278 = vector.broadcast %shift_right_arithmetic3A : i32 to vector<16xi32>
        %shift_right_arithmetic3A_279 = arith.shrsi %get3A_273, %shift_right_arithmetic3A_278 : vector<16xi32>
        %eq3A = vector.broadcast %add3A_1 : i32 to vector<16xi32>
        %eq3A_280 = arith.cmpi eq, %shift_right_arithmetic3A_279, %eq3A : vector<16xi32>
        %shift_left3A = arith.constant 14 : i32
        %shift_left3A_281 = vector.broadcast %shift_left3A : i32 to vector<16xi32>
        %shift_left3A_282 = arith.shli %get3A_277, %shift_left3A_281 : vector<16xi32>
        %and3A_283 = arith.constant 16383 : i32
        %and3A_284 = vector.broadcast %and3A_283 : i32 to vector<16xi32>
        %and3A_285 = arith.andi %get3A_273, %and3A_284 : vector<16xi32>
        %add3A_286 = arith.addi %shift_left3A_282, %and3A_285 : vector<16xi32>
        %convert_element_type3A_287 = arith.extui %eq3A_280 : vector<16xi1> to vector<16xi32>
        %cumsum3A = arith.constant true
        %cumsum3A_288 = vector.broadcast %cumsum3A : i1 to vector<16xi1>
        %cumsum3A_289 = tpu.scan <sum>, %convert_element_type3A_287 masked %cumsum3A_288 : vector<16xi32>, vector<16xi1> -> vector<16xi32>
        %add3A_290 = vector.broadcast %scan3A_266 : i32 to vector<16xi32>
        %add3A_291 = arith.addi %add3A_290, %cumsum3A_289 : vector<16xi32>
        %sub3A_292 = arith.constant 1 : i32
        %sub3A_293 = vector.broadcast %sub3A_292 : i32 to vector<16xi32>
        %sub3A_294 = arith.subi %add3A_291, %sub3A_293 : vector<16xi32>
        tpu.vector_store_idx %arg14[%sub3A_294], %get3A_269 masked %eq3A_280 : memref<2048xi32, #tpu.memory_space<vmem>>[vector<16xi32>], vector<16xi32>, vector<16xi1>
        tpu.vector_store_idx %arg15[%sub3A_294], %add3A_286 masked %eq3A_280 : memref<2048xi32, #tpu.memory_space<vmem>>[vector<16xi32>], vector<16xi32>, vector<16xi1>
        %reduce_sum3A = arith.constant true
        %reduce_sum3A_295 = vector.broadcast %reduce_sum3A : i1 to vector<16xi1>
        %reduce_sum3A_296 = tpu.scan <sum>, %convert_element_type3A_287 masked %reduce_sum3A_295 : vector<16xi32>, vector<16xi1> -> vector<16xi32>
        %reduce_sum3A_297 = vector.extract %reduce_sum3A_296[15] : i32 from vector<16xi32>
        %add3A_298 = arith.addi %scan3A_266, %reduce_sum3A_297 : i32
        scf.yield %add3A_298 : i32
      }
      %scan3A_155 = arith.constant 64 : i32
      %ge3A = arith.constant 512 : i32
      %ge3A_156 = arith.cmpi sge, %scan3A_154, %ge3A : i32
      %convert_element_type3A_157 = arith.extui %ge3A_156 : i1 to i32
      %cond3A_158 = arith.constant 0 : i32
      %cond3A_159 = arith.cmpi ne, %convert_element_type3A_157, %cond3A_158 : i32
      scf.if %cond3A_159 {
        %scan3A_265 = arith.constant 0 : i32
        %scan3A_266 = arith.constant 0 : i32
        %scan3A_267 = arith.constant 32 : i32
        %scan3A_268 = arith.addi %scan3A_266, %scan3A_267 : i32
        %scan3A_269 = arith.constant 1 : i32
        %scan3A_270 = scf.for %scan3A_278 = %scan3A_266 to %scan3A_268 step %scan3A_269 iter_args(%scan3A_279 = %scan3A_265) -> (i32)  : i32 {
          %mul3A_280 = arith.constant 16 : i32
          %mul3A_281 = arith.muli %scan3A_278, %mul3A_280 : i32
          %add3A_282 = arith.constant 0 : i32
          %add3A_283 = arith.addi %add3A_282, %mul3A_281 : i32
          %get3A = arith.index_cast %add3A_283 : i32 to index
          %get3A_284 = tpu.vector_load %arg14[%get3A] {strides = array<i32>} : memref<2048xi32, #tpu.memory_space<vmem>>, vector<16xi32>,
          %mul3A_285 = arith.constant 16 : i32
          %mul3A_286 = arith.muli %scan3A_278, %mul3A_285 : i32
          %swap3A = arith.index_cast %mul3A_286 : i32 to index
          %swap3A_287 = tpu.vector_load %arg16[%swap3A] {strides = array<i32>} : memref<512xi32, #tpu.memory_space<vmem>>, vector<16xi32>,
          tpu.vector_store %arg16[%swap3A], %get3A_284 {strides = array<i32>} : memref<512xi32, #tpu.memory_space<vmem>>, vector<16xi32>,
          %mul3A_288 = arith.constant 16 : i32
          %mul3A_289 = arith.muli %scan3A_278, %mul3A_288 : i32
          %add3A_290 = arith.constant 0 : i32
          %add3A_291 = arith.addi %add3A_290, %mul3A_289 : i32
          %get3A_292 = arith.index_cast %add3A_291 : i32 to index
          %get3A_293 = tpu.vector_load %arg15[%get3A_292] {strides = array<i32>} : memref<2048xi32, #tpu.memory_space<vmem>>, vector<16xi32>,
          %mul3A_294 = arith.constant 16 : i32
          %mul3A_295 = arith.muli %scan3A_278, %mul3A_294 : i32
          %swap3A_296 = arith.index_cast %mul3A_295 : i32 to index
          %swap3A_297 = tpu.vector_load %arg17[%swap3A_296] {strides = array<i32>} : memref<512xi32, #tpu.memory_space<vmem>>, vector<16xi32>,
          tpu.vector_store %arg17[%swap3A_296], %get3A_293 {strides = array<i32>} : memref<512xi32, #tpu.memory_space<vmem>>, vector<16xi32>,
          %scan3A_298 = arith.constant 0 : i32
          scf.yield %scan3A_298 : i32
        }
        %scan3A_271 = arith.constant 32 : i32
        %dma_start3A_272 = arith.constant 0 : i32
        %dma_start3A_273 = arith.constant 0 : i32
        %dma_start3A_274 = tpu.memref_slice %arg2[%dma_start3A_272, %dma_start3A_273] : memref<50048x64xbf16, #tpu.memory_space<hbm>> -> memref<50048x64xbf16, #tpu.memory_space<hbm>>
        tpu.enqueue_indirect_dma source(%dma_start3A_274 : memref<50048x64xbf16, #tpu.memory_space<hbm>>) target(%arg18 : memref<512x64xbf16, #tpu.memory_space<vmem>>) offsets(%arg16 : memref<512xi32, #tpu.memory_space<vmem>>) semaphore(%arg22 : memref<!tpu.dma_semaphore, #tpu.memory_space<semaphore_mem>>)
        %dma_wait3A_275 = arith.constant 0 : i32
        %dma_wait3A_276 = arith.constant 0 : i32
        %dma_wait3A_277 = tpu.memref_slice %arg2[%dma_wait3A_275, %dma_wait3A_276] : memref<50048x64xbf16, #tpu.memory_space<hbm>> -> memref<50048x64xbf16, #tpu.memory_space<hbm>>
        tpu.wait_indirect_dma semaphore(%arg22 : memref<!tpu.dma_semaphore, #tpu.memory_space<semaphore_mem>>) src(%dma_wait3A_277 : memref<50048x64xbf16, #tpu.memory_space<hbm>>) dst(%arg18 : memref<512x64xbf16, #tpu.memory_space<vmem>>)
        "tpu.region"() ({
          %run_scoped3A_278 = tpu.sem_alloc : memref<!tpu.dma_semaphore, #tpu.memory_space<semaphore_mem>>
          %dma_start3A_279 = arith.constant 0 : i32
          %dma_start3A_280 = arith.constant 0 : i32
          %dma_start3A_281 = tpu.memref_slice %arg19[%dma_start3A_279, %dma_start3A_280] : memref<49216x64xbf16, #tpu.memory_space<vmem_shared>> -> memref<49216x64xbf16, #tpu.memory_space<vmem_shared>>
          tpu.enqueue_indirect_dma source(%arg18 : memref<512x64xbf16, #tpu.memory_space<vmem>>) target(%dma_start3A_281 : memref<49216x64xbf16, #tpu.memory_space<vmem_shared>>) offsets(%arg17 : memref<512xi32, #tpu.memory_space<vmem>>) semaphore(%run_scoped3A_278 : memref<!tpu.dma_semaphore, #tpu.memory_space<semaphore_mem>>) {add = true}
          %dma_wait3A_282 = arith.constant 0 : i32
          %dma_wait3A_283 = arith.constant 0 : i32
          %dma_wait3A_284 = tpu.memref_slice %arg19[%dma_wait3A_282, %dma_wait3A_283] : memref<49216x64xbf16, #tpu.memory_space<vmem_shared>> -> memref<49216x64xbf16, #tpu.memory_space<vmem_shared>>
          tpu.wait_indirect_dma semaphore(%run_scoped3A_278 : memref<!tpu.dma_semaphore, #tpu.memory_space<semaphore_mem>>) src(%arg18 : memref<512x64xbf16, #tpu.memory_space<vmem>>) dst(%dma_wait3A_284 : memref<49216x64xbf16, #tpu.memory_space<vmem_shared>>)
          tpu.yield
        }) : () -> ()
      } else {
      }
      %ge3A_160 = arith.constant 1024 : i32
      %ge3A_161 = arith.cmpi sge, %scan3A_154, %ge3A_160 : i32
      %convert_element_type3A_162 = arith.extui %ge3A_161 : i1 to i32
      %cond3A_163 = arith.constant 0 : i32
      %cond3A_164 = arith.cmpi ne, %convert_element_type3A_162, %cond3A_163 : i32
      scf.if %cond3A_164 {
        %scan3A_265 = arith.constant 0 : i32
        %scan3A_266 = arith.constant 0 : i32
        %scan3A_267 = arith.constant 32 : i32
        %scan3A_268 = arith.addi %scan3A_266, %scan3A_267 : i32
        %scan3A_269 = arith.constant 1 : i32
        %scan3A_270 = scf.for %scan3A_278 = %scan3A_266 to %scan3A_268 step %scan3A_269 iter_args(%scan3A_279 = %scan3A_265) -> (i32)  : i32 {
          %mul3A_280 = arith.constant 16 : i32
          %mul3A_281 = arith.muli %scan3A_278, %mul3A_280 : i32
          %add3A_282 = arith.constant 512 : i32
          %add3A_283 = arith.addi %add3A_282, %mul3A_281 : i32
          %get3A = arith.index_cast %add3A_283 : i32 to index
          %get3A_284 = tpu.vector_load %arg14[%get3A] {strides = array<i32>} : memref<2048xi32, #tpu.memory_space<vmem>>, vector<16xi32>,
          %mul3A_285 = arith.constant 16 : i32
          %mul3A_286 = arith.muli %scan3A_278, %mul3A_285 : i32
          %swap3A = arith.index_cast %mul3A_286 : i32 to index
          %swap3A_287 = tpu.vector_load %arg16[%swap3A] {strides = array<i32>} : memref<512xi32, #tpu.memory_space<vmem>>, vector<16xi32>,
          tpu.vector_store %arg16[%swap3A], %get3A_284 {strides = array<i32>} : memref<512xi32, #tpu.memory_space<vmem>>, vector<16xi32>,
          %mul3A_288 = arith.constant 16 : i32
          %mul3A_289 = arith.muli %scan3A_278, %mul3A_288 : i32
          %add3A_290 = arith.constant 512 : i32
          %add3A_291 = arith.addi %add3A_290, %mul3A_289 : i32
          %get3A_292 = arith.index_cast %add3A_291 : i32 to index
          %get3A_293 = tpu.vector_load %arg15[%get3A_292] {strides = array<i32>} : memref<2048xi32, #tpu.memory_space<vmem>>, vector<16xi32>,
          %mul3A_294 = arith.constant 16 : i32
          %mul3A_295 = arith.muli %scan3A_278, %mul3A_294 : i32
          %swap3A_296 = arith.index_cast %mul3A_295 : i32 to index
          %swap3A_297 = tpu.vector_load %arg17[%swap3A_296] {strides = array<i32>} : memref<512xi32, #tpu.memory_space<vmem>>, vector<16xi32>,
          tpu.vector_store %arg17[%swap3A_296], %get3A_293 {strides = array<i32>} : memref<512xi32, #tpu.memory_space<vmem>>, vector<16xi32>,
          %scan3A_298 = arith.constant 0 : i32
          scf.yield %scan3A_298 : i32
        }
        %scan3A_271 = arith.constant 32 : i32
        %dma_start3A_272 = arith.constant 0 : i32
        %dma_start3A_273 = arith.constant 0 : i32
        %dma_start3A_274 = tpu.memref_slice %arg2[%dma_start3A_272, %dma_start3A_273] : memref<50048x64xbf16, #tpu.memory_space<hbm>> -> memref<50048x64xbf16, #tpu.memory_space<hbm>>
        tpu.enqueue_indirect_dma source(%dma_start3A_274 : memref<50048x64xbf16, #tpu.memory_space<hbm>>) target(%arg18 : memref<512x64xbf16, #tpu.memory_space<vmem>>) offsets(%arg16 : memref<512xi32, #tpu.memory_space<vmem>>) semaphore(%arg22 : memref<!tpu.dma_semaphore, #tpu.memory_space<semaphore_mem>>)
        %dma_wait3A_275 = arith.constant 0 : i32
        %dma_wait3A_276 = arith.constant 0 : i32
        %dma_wait3A_277 = tpu.memref_slice %arg2[%dma_wait3A_275, %dma_wait3A_276] : memref<50048x64xbf16, #tpu.memory_space<hbm>> -> memref<50048x64xbf16, #tpu.memory_space<hbm>>
        tpu.wait_indirect_dma semaphore(%arg22 : memref<!tpu.dma_semaphore, #tpu.memory_space<semaphore_mem>>) src(%dma_wait3A_277 : memref<50048x64xbf16, #tpu.memory_space<hbm>>) dst(%arg18 : memref<512x64xbf16, #tpu.memory_space<vmem>>)
        "tpu.region"() ({
          %run_scoped3A_278 = tpu.sem_alloc : memref<!tpu.dma_semaphore, #tpu.memory_space<semaphore_mem>>
          %dma_start3A_279 = arith.constant 0 : i32
          %dma_start3A_280 = arith.constant 0 : i32
          %dma_start3A_281 = tpu.memref_slice %arg19[%dma_start3A_279, %dma_start3A_280] : memref<49216x64xbf16, #tpu.memory_space<vmem_shared>> -> memref<49216x64xbf16, #tpu.memory_space<vmem_shared>>
          tpu.enqueue_indirect_dma source(%arg18 : memref<512x64xbf16, #tpu.memory_space<vmem>>) target(%dma_start3A_281 : memref<49216x64xbf16, #tpu.memory_space<vmem_shared>>) offsets(%arg17 : memref<512xi32, #tpu.memory_space<vmem>>) semaphore(%run_scoped3A_278 : memref<!tpu.dma_semaphore, #tpu.memory_space<semaphore_mem>>) {add = true}
          %dma_wait3A_282 = arith.constant 0 : i32
          %dma_wait3A_283 = arith.constant 0 : i32
          %dma_wait3A_284 = tpu.memref_slice %arg19[%dma_wait3A_282, %dma_wait3A_283] : memref<49216x64xbf16, #tpu.memory_space<vmem_shared>> -> memref<49216x64xbf16, #tpu.memory_space<vmem_shared>>
          tpu.wait_indirect_dma semaphore(%run_scoped3A_278 : memref<!tpu.dma_semaphore, #tpu.memory_space<semaphore_mem>>) src(%arg18 : memref<512x64xbf16, #tpu.memory_space<vmem>>) dst(%dma_wait3A_284 : memref<49216x64xbf16, #tpu.memory_space<vmem_shared>>)
          tpu.yield
        }) : () -> ()
      } else {
      }
      %jit3A = arith.constant 512 : i32
      %div3A = arith.divsi %scan3A_154, %jit3A : i32
      %sign3A = arith.constant 0 : i32
      %sign3A_165 = arith.cmpi sgt, %scan3A_154, %sign3A : i32
      %sign3A_166 = arith.extui %sign3A_165 : i1 to i32
      %sign3A_167 = arith.constant 0 : i32
      %sign3A_168 = arith.cmpi slt, %scan3A_154, %sign3A_167 : i32
      %sign3A_169 = arith.extui %sign3A_168 : i1 to i32
      %sign3A_170 = arith.subi %sign3A_166, %sign3A_169 : i32
      %sign3A_171 = arith.constant 0 : i32
      %sign3A_172 = arith.cmpi sgt, %jit3A, %sign3A_171 : i32
      %sign3A_173 = arith.extui %sign3A_172 : i1 to i32
      %sign3A_174 = arith.constant 0 : i32
      %sign3A_175 = arith.cmpi slt, %jit3A, %sign3A_174 : i32
      %sign3A_176 = arith.extui %sign3A_175 : i1 to i32
      %sign3A_177 = arith.subi %sign3A_173, %sign3A_176 : i32
      %ne3A = arith.cmpi ne, %sign3A_170, %sign3A_177 : i32
      %rem3A = arith.remsi %scan3A_154, %jit3A : i32
      %ne3A_178 = arith.constant 0 : i32
      %ne3A_179 = arith.cmpi ne, %rem3A, %ne3A_178 : i32
      %and3A = arith.andi %ne3A, %ne3A_179 : i1
      %sub3A = arith.constant 1 : i32
      %sub3A_180 = arith.subi %div3A, %sub3A : i32
      %select_n3A = arith.select %and3A, %sub3A_180, %div3A : i32
      %mul3A_181 = arith.constant 512 : i32
      %mul3A_182 = arith.muli %select_n3A, %mul3A_181 : i32
      %sub3A_183 = arith.subi %scan3A_154, %mul3A_182 : i32
      %gt3A_184 = arith.constant 0 : i32
      %gt3A_185 = arith.cmpi sgt, %select_n3A, %gt3A_184 : i32
      %convert_element_type3A_186 = arith.extui %gt3A_185 : i1 to i32
      %cond3A_187 = arith.constant 0 : i32
      %cond3A_188 = arith.cmpi ne, %convert_element_type3A_186, %cond3A_187 : i32
      scf.if %cond3A_188 {
        %scan3A_265 = arith.constant 0 : i32
        %scan3A_266 = arith.constant 0 : i32
        %scan3A_267 = arith.constant 32 : i32
        %scan3A_268 = arith.addi %scan3A_266, %scan3A_267 : i32
        %scan3A_269 = arith.constant 1 : i32
        %scan3A_270 = scf.for %scan3A_272 = %scan3A_266 to %scan3A_268 step %scan3A_269 iter_args(%scan3A_273 = %scan3A_265) -> (i32)  : i32 {
          %mul3A_274 = arith.constant 512 : i32
          %mul3A_275 = arith.muli %select_n3A, %mul3A_274 : i32
          %mul3A_276 = arith.constant 16 : i32
          %mul3A_277 = arith.muli %scan3A_272, %mul3A_276 : i32
          %add3A_278 = arith.addi %mul3A_275, %mul3A_277 : i32
          %get3A = arith.index_cast %add3A_278 : i32 to index
          %get3A_279 = tpu.vector_load %arg14[%get3A] {strides = array<i32>} : memref<2048xi32, #tpu.memory_space<vmem>>, vector<16xi32>,
          %mul3A_280 = arith.constant 16 : i32
          %mul3A_281 = arith.muli %scan3A_272, %mul3A_280 : i32
          %swap3A = arith.index_cast %mul3A_281 : i32 to index
          %swap3A_282 = tpu.vector_load %arg14[%swap3A] {strides = array<i32>} : memref<2048xi32, #tpu.memory_space<vmem>>, vector<16xi32>,
          tpu.vector_store %arg14[%swap3A], %get3A_279 {strides = array<i32>} : memref<2048xi32, #tpu.memory_space<vmem>>, vector<16xi32>,
          %mul3A_283 = arith.constant 512 : i32
          %mul3A_284 = arith.muli %select_n3A, %mul3A_283 : i32
          %mul3A_285 = arith.constant 16 : i32
          %mul3A_286 = arith.muli %scan3A_272, %mul3A_285 : i32
          %add3A_287 = arith.addi %mul3A_284, %mul3A_286 : i32
          %get3A_288 = arith.index_cast %add3A_287 : i32 to index
          %get3A_289 = tpu.vector_load %arg15[%get3A_288] {strides = array<i32>} : memref<2048xi32, #tpu.memory_space<vmem>>, vector<16xi32>,
          %mul3A_290 = arith.constant 16 : i32
          %mul3A_291 = arith.muli %scan3A_272, %mul3A_290 : i32
          %swap3A_292 = arith.index_cast %mul3A_291 : i32 to index
          %swap3A_293 = tpu.vector_load %arg15[%swap3A_292] {strides = array<i32>} : memref<2048xi32, #tpu.memory_space<vmem>>, vector<16xi32>,
          tpu.vector_store %arg15[%swap3A_292], %get3A_289 {strides = array<i32>} : memref<2048xi32, #tpu.memory_space<vmem>>, vector<16xi32>,
          %scan3A_294 = arith.constant 0 : i32
          scf.yield %scan3A_294 : i32
        }
        %scan3A_271 = arith.constant 32 : i32
      } else {
      }
      %mul3A_189 = arith.constant 2 : i32
      %mul3A_190 = arith.muli %mul3A_189, %scan3A_124 : i32
      %add3A_191 = arith.constant 1 : i32
      %add3A_192 = arith.addi %mul3A_190, %add3A_191 : i32
      %mul3A_193 = arith.constant 1024 : i32
      %mul3A_194 = arith.muli %add3A_192, %mul3A_193 : i32
      %add3A_195 = arith.addi %mul3A_0, %mul3A_194 : i32
      %dma_wait3A_196 = tpu.memref_slice %arg3[%add3A_195] : memref<819200xi32, #tpu.memory_space<hbm>> -> memref<1024xi32, #tpu.memory_space<hbm>>
      %dma_wait3A_197 = tpu.memref_slice %arg3[%add3A_195] : memref<819200xi32, #tpu.memory_space<hbm>> -> memref<1024xi32, #tpu.memory_space<hbm>>
      tpu.wait_dma2 semaphore(%arg21 : memref<!tpu.dma_semaphore, #tpu.memory_space<semaphore_mem>>) src(%dma_wait3A_197 : memref<1024xi32, #tpu.memory_space<hbm>>) dst(%arg11 : memref<1024xi32, #tpu.memory_space<vmem>>)
      %dma_wait3A_198 = tpu.memref_slice %arg4[%add3A_195] : memref<819200xi32, #tpu.memory_space<hbm>> -> memref<1024xi32, #tpu.memory_space<hbm>>
      %dma_wait3A_199 = tpu.memref_slice %arg4[%add3A_195] : memref<819200xi32, #tpu.memory_space<hbm>> -> memref<1024xi32, #tpu.memory_space<hbm>>
      tpu.wait_dma2 semaphore(%arg21 : memref<!tpu.dma_semaphore, #tpu.memory_space<semaphore_mem>>) src(%dma_wait3A_199 : memref<1024xi32, #tpu.memory_space<hbm>>) dst(%arg12 : memref<1024xi32, #tpu.memory_space<vmem>>)
      %dma_wait3A_200 = tpu.memref_slice %arg5[%add3A_195] : memref<819200xi32, #tpu.memory_space<hbm>> -> memref<1024xi32, #tpu.memory_space<hbm>>
      %dma_wait3A_201 = tpu.memref_slice %arg5[%add3A_195] : memref<819200xi32, #tpu.memory_space<hbm>> -> memref<1024xi32, #tpu.memory_space<hbm>>
      tpu.wait_dma2 semaphore(%arg21 : memref<!tpu.dma_semaphore, #tpu.memory_space<semaphore_mem>>) src(%dma_wait3A_201 : memref<1024xi32, #tpu.memory_space<hbm>>) dst(%arg13 : memref<1024xi32, #tpu.memory_space<vmem>>)
      %mul3A_202 = arith.constant 2 : i32
      %mul3A_203 = arith.muli %mul3A_202, %scan3A_124 : i32
      %add3A_204 = arith.constant 2 : i32
      %add3A_205 = arith.addi %mul3A_203, %add3A_204 : i32
      %rem3A_206 = arith.constant 50 : i32
      %rem3A_207 = arith.remsi %add3A_205, %rem3A_206 : i32
      %mul3A_208 = arith.constant 1024 : i32
      %mul3A_209 = arith.muli %rem3A_207, %mul3A_208 : i32
      %add3A_210 = arith.addi %mul3A_0, %mul3A_209 : i32
      %dma_start3A_211 = tpu.memref_slice %arg3[%add3A_210] : memref<819200xi32, #tpu.memory_space<hbm>> -> memref<1024xi32, #tpu.memory_space<hbm>>
      %dma_start3A_212 = tpu.memref_slice %arg3[%add3A_210] : memref<819200xi32, #tpu.memory_space<hbm>> -> memref<1024xi32, #tpu.memory_space<hbm>>
      tpu.enqueue_dma source(%dma_start3A_212 : memref<1024xi32, #tpu.memory_space<hbm>>) target(%arg8 : memref<1024xi32, #tpu.memory_space<vmem>>) target_semaphore(%arg20 : memref<!tpu.dma_semaphore, #tpu.memory_space<semaphore_mem>>)
      %dma_start3A_213 = tpu.memref_slice %arg4[%add3A_210] : memref<819200xi32, #tpu.memory_space<hbm>> -> memref<1024xi32, #tpu.memory_space<hbm>>
      %dma_start3A_214 = tpu.memref_slice %arg4[%add3A_210] : memref<819200xi32, #tpu.memory_space<hbm>> -> memref<1024xi32, #tpu.memory_space<hbm>>
      tpu.enqueue_dma source(%dma_start3A_214 : memref<1024xi32, #tpu.memory_space<hbm>>) target(%arg9 : memref<1024xi32, #tpu.memory_space<vmem>>) target_semaphore(%arg20 : memref<!tpu.dma_semaphore, #tpu.memory_space<semaphore_mem>>)
      %dma_start3A_215 = tpu.memref_slice %arg5[%add3A_210] : memref<819200xi32, #tpu.memory_space<hbm>> -> memref<1024xi32, #tpu.memory_space<hbm>>
      %dma_start3A_216 = tpu.memref_slice %arg5[%add3A_210] : memref<819200xi32, #tpu.memory_space<hbm>> -> memref<1024xi32, #tpu.memory_space<hbm>>
      tpu.enqueue_dma source(%dma_start3A_216 : memref<1024xi32, #tpu.memory_space<hbm>>) target(%arg10 : memref<1024xi32, #tpu.memory_space<vmem>>) target_semaphore(%arg20 : memref<!tpu.dma_semaphore, #tpu.memory_space<semaphore_mem>>)
      %scan3A_217 = arith.constant 0 : i32
      %scan3A_218 = arith.constant 64 : i32
      %scan3A_219 = arith.addi %scan3A_217, %scan3A_218 : i32
      %scan3A_220 = arith.constant 1 : i32
      %scan3A_221 = scf.for %scan3A_265 = %scan3A_217 to %scan3A_219 step %scan3A_220 iter_args(%scan3A_266 = %sub3A_183) -> (i32)  : i32 {
        %mul3A_267 = arith.constant 16 : i32
        %mul3A_268 = arith.muli %scan3A_265, %mul3A_267 : i32
        %get3A = arith.index_cast %mul3A_268 : i32 to index
        %get3A_269 = tpu.vector_load %arg11[%get3A] {strides = array<i32>} : memref<1024xi32, #tpu.memory_space<vmem>>, vector<16xi32>,
        %mul3A_270 = arith.constant 16 : i32
        %mul3A_271 = arith.muli %scan3A_265, %mul3A_270 : i32
        %get3A_272 = arith.index_cast %mul3A_271 : i32 to index
        %get3A_273 = tpu.vector_load %arg12[%get3A_272] {strides = array<i32>} : memref<1024xi32, #tpu.memory_space<vmem>>, vector<16xi32>,
        %mul3A_274 = arith.constant 16 : i32
        %mul3A_275 = arith.muli %scan3A_265, %mul3A_274 : i32
        %get3A_276 = arith.index_cast %mul3A_275 : i32 to index
        %get3A_277 = tpu.vector_load %arg13[%get3A_276] {strides = array<i32>} : memref<1024xi32, #tpu.memory_space<vmem>>, vector<16xi32>,
        %shift_right_arithmetic3A = arith.constant 14 : i32
        %shift_right_arithmetic3A_278 = vector.broadcast %shift_right_arithmetic3A : i32 to vector<16xi32>
        %shift_right_arithmetic3A_279 = arith.shrsi %get3A_273, %shift_right_arithmetic3A_278 : vector<16xi32>
        %eq3A = vector.broadcast %add3A_1 : i32 to vector<16xi32>
        %eq3A_280 = arith.cmpi eq, %shift_right_arithmetic3A_279, %eq3A : vector<16xi32>
        %shift_left3A = arith.constant 14 : i32
        %shift_left3A_281 = vector.broadcast %shift_left3A : i32 to vector<16xi32>
        %shift_left3A_282 = arith.shli %get3A_277, %shift_left3A_281 : vector<16xi32>
        %and3A_283 = arith.constant 16383 : i32
        %and3A_284 = vector.broadcast %and3A_283 : i32 to vector<16xi32>
        %and3A_285 = arith.andi %get3A_273, %and3A_284 : vector<16xi32>
        %add3A_286 = arith.addi %shift_left3A_282, %and3A_285 : vector<16xi32>
        %convert_element_type3A_287 = arith.extui %eq3A_280 : vector<16xi1> to vector<16xi32>
        %cumsum3A = arith.constant true
        %cumsum3A_288 = vector.broadcast %cumsum3A : i1 to vector<16xi1>
        %cumsum3A_289 = tpu.scan <sum>, %convert_element_type3A_287 masked %cumsum3A_288 : vector<16xi32>, vector<16xi1> -> vector<16xi32>
        %add3A_290 = vector.broadcast %scan3A_266 : i32 to vector<16xi32>
        %add3A_291 = arith.addi %add3A_290, %cumsum3A_289 : vector<16xi32>
        %sub3A_292 = arith.constant 1 : i32
        %sub3A_293 = vector.broadcast %sub3A_292 : i32 to vector<16xi32>
        %sub3A_294 = arith.subi %add3A_291, %sub3A_293 : vector<16xi32>
        tpu.vector_store_idx %arg14[%sub3A_294], %get3A_269 masked %eq3A_280 : memref<2048xi32, #tpu.memory_space<vmem>>[vector<16xi32>], vector<16xi32>, vector<16xi1>
        tpu.vector_store_idx %arg15[%sub3A_294], %add3A_286 masked %eq3A_280 : memref<2048xi32, #tpu.memory_space<vmem>>[vector<16xi32>], vector<16xi32>, vector<16xi1>
        %reduce_sum3A = arith.constant true
        %reduce_sum3A_295 = vector.broadcast %reduce_sum3A : i1 to vector<16xi1>
        %reduce_sum3A_296 = tpu.scan <sum>, %convert_element_type3A_287 masked %reduce_sum3A_295 : vector<16xi32>, vector<16xi1> -> vector<16xi32>
        %reduce_sum3A_297 = vector.extract %reduce_sum3A_296[15] : i32 from vector<16xi32>
        %add3A_298 = arith.addi %scan3A_266, %reduce_sum3A_297 : i32
        scf.yield %add3A_298 : i32
      }
      %scan3A_222 = arith.constant 64 : i32
      %ge3A_223 = arith.constant 512 : i32
      %ge3A_224 = arith.cmpi sge, %scan3A_221, %ge3A_223 : i32
      %convert_element_type3A_225 = arith.extui %ge3A_224 : i1 to i32
      %cond3A_226 = arith.constant 0 : i32
      %cond3A_227 = arith.cmpi ne, %convert_element_type3A_225, %cond3A_226 : i32
      scf.if %cond3A_227 {
        %scan3A_265 = arith.constant 0 : i32
        %scan3A_266 = arith.constant 0 : i32
        %scan3A_267 = arith.constant 32 : i32
        %scan3A_268 = arith.addi %scan3A_266, %scan3A_267 : i32
        %scan3A_269 = arith.constant 1 : i32
        %scan3A_270 = scf.for %scan3A_278 = %scan3A_266 to %scan3A_268 step %scan3A_269 iter_args(%scan3A_279 = %scan3A_265) -> (i32)  : i32 {
          %mul3A_280 = arith.constant 16 : i32
          %mul3A_281 = arith.muli %scan3A_278, %mul3A_280 : i32
          %add3A_282 = arith.constant 0 : i32
          %add3A_283 = arith.addi %add3A_282, %mul3A_281 : i32
          %get3A = arith.index_cast %add3A_283 : i32 to index
          %get3A_284 = tpu.vector_load %arg14[%get3A] {strides = array<i32>} : memref<2048xi32, #tpu.memory_space<vmem>>, vector<16xi32>,
          %mul3A_285 = arith.constant 16 : i32
          %mul3A_286 = arith.muli %scan3A_278, %mul3A_285 : i32
          %swap3A = arith.index_cast %mul3A_286 : i32 to index
          %swap3A_287 = tpu.vector_load %arg16[%swap3A] {strides = array<i32>} : memref<512xi32, #tpu.memory_space<vmem>>, vector<16xi32>,
          tpu.vector_store %arg16[%swap3A], %get3A_284 {strides = array<i32>} : memref<512xi32, #tpu.memory_space<vmem>>, vector<16xi32>,
          %mul3A_288 = arith.constant 16 : i32
          %mul3A_289 = arith.muli %scan3A_278, %mul3A_288 : i32
          %add3A_290 = arith.constant 0 : i32
          %add3A_291 = arith.addi %add3A_290, %mul3A_289 : i32
          %get3A_292 = arith.index_cast %add3A_291 : i32 to index
          %get3A_293 = tpu.vector_load %arg15[%get3A_292] {strides = array<i32>} : memref<2048xi32, #tpu.memory_space<vmem>>, vector<16xi32>,
          %mul3A_294 = arith.constant 16 : i32
          %mul3A_295 = arith.muli %scan3A_278, %mul3A_294 : i32
          %swap3A_296 = arith.index_cast %mul3A_295 : i32 to index
          %swap3A_297 = tpu.vector_load %arg17[%swap3A_296] {strides = array<i32>} : memref<512xi32, #tpu.memory_space<vmem>>, vector<16xi32>,
          tpu.vector_store %arg17[%swap3A_296], %get3A_293 {strides = array<i32>} : memref<512xi32, #tpu.memory_space<vmem>>, vector<16xi32>,
          %scan3A_298 = arith.constant 0 : i32
          scf.yield %scan3A_298 : i32
        }
        %scan3A_271 = arith.constant 32 : i32
        %dma_start3A_272 = arith.constant 0 : i32
        %dma_start3A_273 = arith.constant 0 : i32
        %dma_start3A_274 = tpu.memref_slice %arg2[%dma_start3A_272, %dma_start3A_273] : memref<50048x64xbf16, #tpu.memory_space<hbm>> -> memref<50048x64xbf16, #tpu.memory_space<hbm>>
        tpu.enqueue_indirect_dma source(%dma_start3A_274 : memref<50048x64xbf16, #tpu.memory_space<hbm>>) target(%arg18 : memref<512x64xbf16, #tpu.memory_space<vmem>>) offsets(%arg16 : memref<512xi32, #tpu.memory_space<vmem>>) semaphore(%arg22 : memref<!tpu.dma_semaphore, #tpu.memory_space<semaphore_mem>>)
        %dma_wait3A_275 = arith.constant 0 : i32
        %dma_wait3A_276 = arith.constant 0 : i32
        %dma_wait3A_277 = tpu.memref_slice %arg2[%dma_wait3A_275, %dma_wait3A_276] : memref<50048x64xbf16, #tpu.memory_space<hbm>> -> memref<50048x64xbf16, #tpu.memory_space<hbm>>
        tpu.wait_indirect_dma semaphore(%arg22 : memref<!tpu.dma_semaphore, #tpu.memory_space<semaphore_mem>>) src(%dma_wait3A_277 : memref<50048x64xbf16, #tpu.memory_space<hbm>>) dst(%arg18 : memref<512x64xbf16, #tpu.memory_space<vmem>>)
        "tpu.region"() ({
          %run_scoped3A_278 = tpu.sem_alloc : memref<!tpu.dma_semaphore, #tpu.memory_space<semaphore_mem>>
          %dma_start3A_279 = arith.constant 0 : i32
          %dma_start3A_280 = arith.constant 0 : i32
          %dma_start3A_281 = tpu.memref_slice %arg19[%dma_start3A_279, %dma_start3A_280] : memref<49216x64xbf16, #tpu.memory_space<vmem_shared>> -> memref<49216x64xbf16, #tpu.memory_space<vmem_shared>>
          tpu.enqueue_indirect_dma source(%arg18 : memref<512x64xbf16, #tpu.memory_space<vmem>>) target(%dma_start3A_281 : memref<49216x64xbf16, #tpu.memory_space<vmem_shared>>) offsets(%arg17 : memref<512xi32, #tpu.memory_space<vmem>>) semaphore(%run_scoped3A_278 : memref<!tpu.dma_semaphore, #tpu.memory_space<semaphore_mem>>) {add = true}
          %dma_wait3A_282 = arith.constant 0 : i32
          %dma_wait3A_283 = arith.constant 0 : i32
          %dma_wait3A_284 = tpu.memref_slice %arg19[%dma_wait3A_282, %dma_wait3A_283] : memref<49216x64xbf16, #tpu.memory_space<vmem_shared>> -> memref<49216x64xbf16, #tpu.memory_space<vmem_shared>>
          tpu.wait_indirect_dma semaphore(%run_scoped3A_278 : memref<!tpu.dma_semaphore, #tpu.memory_space<semaphore_mem>>) src(%arg18 : memref<512x64xbf16, #tpu.memory_space<vmem>>) dst(%dma_wait3A_284 : memref<49216x64xbf16, #tpu.memory_space<vmem_shared>>)
          tpu.yield
        }) : () -> ()
      } else {
      }
      %ge3A_228 = arith.constant 1024 : i32
      %ge3A_229 = arith.cmpi sge, %scan3A_221, %ge3A_228 : i32
      %convert_element_type3A_230 = arith.extui %ge3A_229 : i1 to i32
      %cond3A_231 = arith.constant 0 : i32
      %cond3A_232 = arith.cmpi ne, %convert_element_type3A_230, %cond3A_231 : i32
      scf.if %cond3A_232 {
        %scan3A_265 = arith.constant 0 : i32
        %scan3A_266 = arith.constant 0 : i32
        %scan3A_267 = arith.constant 32 : i32
        %scan3A_268 = arith.addi %scan3A_266, %scan3A_267 : i32
        %scan3A_269 = arith.constant 1 : i32
        %scan3A_270 = scf.for %scan3A_278 = %scan3A_266 to %scan3A_268 step %scan3A_269 iter_args(%scan3A_279 = %scan3A_265) -> (i32)  : i32 {
          %mul3A_280 = arith.constant 16 : i32
          %mul3A_281 = arith.muli %scan3A_278, %mul3A_280 : i32
          %add3A_282 = arith.constant 512 : i32
          %add3A_283 = arith.addi %add3A_282, %mul3A_281 : i32
          %get3A = arith.index_cast %add3A_283 : i32 to index
          %get3A_284 = tpu.vector_load %arg14[%get3A] {strides = array<i32>} : memref<2048xi32, #tpu.memory_space<vmem>>, vector<16xi32>,
          %mul3A_285 = arith.constant 16 : i32
          %mul3A_286 = arith.muli %scan3A_278, %mul3A_285 : i32
          %swap3A = arith.index_cast %mul3A_286 : i32 to index
          %swap3A_287 = tpu.vector_load %arg16[%swap3A] {strides = array<i32>} : memref<512xi32, #tpu.memory_space<vmem>>, vector<16xi32>,
          tpu.vector_store %arg16[%swap3A], %get3A_284 {strides = array<i32>} : memref<512xi32, #tpu.memory_space<vmem>>, vector<16xi32>,
          %mul3A_288 = arith.constant 16 : i32
          %mul3A_289 = arith.muli %scan3A_278, %mul3A_288 : i32
          %add3A_290 = arith.constant 512 : i32
          %add3A_291 = arith.addi %add3A_290, %mul3A_289 : i32
          %get3A_292 = arith.index_cast %add3A_291 : i32 to index
          %get3A_293 = tpu.vector_load %arg15[%get3A_292] {strides = array<i32>} : memref<2048xi32, #tpu.memory_space<vmem>>, vector<16xi32>,
          %mul3A_294 = arith.constant 16 : i32
          %mul3A_295 = arith.muli %scan3A_278, %mul3A_294 : i32
          %swap3A_296 = arith.index_cast %mul3A_295 : i32 to index
          %swap3A_297 = tpu.vector_load %arg17[%swap3A_296] {strides = array<i32>} : memref<512xi32, #tpu.memory_space<vmem>>, vector<16xi32>,
          tpu.vector_store %arg17[%swap3A_296], %get3A_293 {strides = array<i32>} : memref<512xi32, #tpu.memory_space<vmem>>, vector<16xi32>,
          %scan3A_298 = arith.constant 0 : i32
          scf.yield %scan3A_298 : i32
        }
        %scan3A_271 = arith.constant 32 : i32
        %dma_start3A_272 = arith.constant 0 : i32
        %dma_start3A_273 = arith.constant 0 : i32
        %dma_start3A_274 = tpu.memref_slice %arg2[%dma_start3A_272, %dma_start3A_273] : memref<50048x64xbf16, #tpu.memory_space<hbm>> -> memref<50048x64xbf16, #tpu.memory_space<hbm>>
        tpu.enqueue_indirect_dma source(%dma_start3A_274 : memref<50048x64xbf16, #tpu.memory_space<hbm>>) target(%arg18 : memref<512x64xbf16, #tpu.memory_space<vmem>>) offsets(%arg16 : memref<512xi32, #tpu.memory_space<vmem>>) semaphore(%arg22 : memref<!tpu.dma_semaphore, #tpu.memory_space<semaphore_mem>>)
        %dma_wait3A_275 = arith.constant 0 : i32
        %dma_wait3A_276 = arith.constant 0 : i32
        %dma_wait3A_277 = tpu.memref_slice %arg2[%dma_wait3A_275, %dma_wait3A_276] : memref<50048x64xbf16, #tpu.memory_space<hbm>> -> memref<50048x64xbf16, #tpu.memory_space<hbm>>
        tpu.wait_indirect_dma semaphore(%arg22 : memref<!tpu.dma_semaphore, #tpu.memory_space<semaphore_mem>>) src(%dma_wait3A_277 : memref<50048x64xbf16, #tpu.memory_space<hbm>>) dst(%arg18 : memref<512x64xbf16, #tpu.memory_space<vmem>>)
        "tpu.region"() ({
          %run_scoped3A_278 = tpu.sem_alloc : memref<!tpu.dma_semaphore, #tpu.memory_space<semaphore_mem>>
          %dma_start3A_279 = arith.constant 0 : i32
          %dma_start3A_280 = arith.constant 0 : i32
          %dma_start3A_281 = tpu.memref_slice %arg19[%dma_start3A_279, %dma_start3A_280] : memref<49216x64xbf16, #tpu.memory_space<vmem_shared>> -> memref<49216x64xbf16, #tpu.memory_space<vmem_shared>>
          tpu.enqueue_indirect_dma source(%arg18 : memref<512x64xbf16, #tpu.memory_space<vmem>>) target(%dma_start3A_281 : memref<49216x64xbf16, #tpu.memory_space<vmem_shared>>) offsets(%arg17 : memref<512xi32, #tpu.memory_space<vmem>>) semaphore(%run_scoped3A_278 : memref<!tpu.dma_semaphore, #tpu.memory_space<semaphore_mem>>) {add = true}
          %dma_wait3A_282 = arith.constant 0 : i32
          %dma_wait3A_283 = arith.constant 0 : i32
          %dma_wait3A_284 = tpu.memref_slice %arg19[%dma_wait3A_282, %dma_wait3A_283] : memref<49216x64xbf16, #tpu.memory_space<vmem_shared>> -> memref<49216x64xbf16, #tpu.memory_space<vmem_shared>>
          tpu.wait_indirect_dma semaphore(%run_scoped3A_278 : memref<!tpu.dma_semaphore, #tpu.memory_space<semaphore_mem>>) src(%arg18 : memref<512x64xbf16, #tpu.memory_space<vmem>>) dst(%dma_wait3A_284 : memref<49216x64xbf16, #tpu.memory_space<vmem_shared>>)
          tpu.yield
        }) : () -> ()
      } else {
      }
      %jit3A_233 = arith.constant 512 : i32
      %div3A_234 = arith.divsi %scan3A_221, %jit3A_233 : i32
      %sign3A_235 = arith.constant 0 : i32
      %sign3A_236 = arith.cmpi sgt, %scan3A_221, %sign3A_235 : i32
      %sign3A_237 = arith.extui %sign3A_236 : i1 to i32
      %sign3A_238 = arith.constant 0 : i32
      %sign3A_239 = arith.cmpi slt, %scan3A_221, %sign3A_238 : i32
      %sign3A_240 = arith.extui %sign3A_239 : i1 to i32
      %sign3A_241 = arith.subi %sign3A_237, %sign3A_240 : i32
      %sign3A_242 = arith.constant 0 : i32
      %sign3A_243 = arith.cmpi sgt, %jit3A_233, %sign3A_242 : i32
      %sign3A_244 = arith.extui %sign3A_243 : i1 to i32
      %sign3A_245 = arith.constant 0 : i32
      %sign3A_246 = arith.cmpi slt, %jit3A_233, %sign3A_245 : i32
      %sign3A_247 = arith.extui %sign3A_246 : i1 to i32
      %sign3A_248 = arith.subi %sign3A_244, %sign3A_247 : i32
      %ne3A_249 = arith.cmpi ne, %sign3A_241, %sign3A_248 : i32
      %rem3A_250 = arith.remsi %scan3A_221, %jit3A_233 : i32
      %ne3A_251 = arith.constant 0 : i32
      %ne3A_252 = arith.cmpi ne, %rem3A_250, %ne3A_251 : i32
      %and3A_253 = arith.andi %ne3A_249, %ne3A_252 : i1
      %sub3A_254 = arith.constant 1 : i32
      %sub3A_255 = arith.subi %div3A_234, %sub3A_254 : i32
      %select_n3A_256 = arith.select %and3A_253, %sub3A_255, %div3A_234 : i32
      %mul3A_257 = arith.constant 512 : i32
      %mul3A_258 = arith.muli %select_n3A_256, %mul3A_257 : i32
      %sub3A_259 = arith.subi %scan3A_221, %mul3A_258 : i32
      %gt3A_260 = arith.constant 0 : i32
      %gt3A_261 = arith.cmpi sgt, %select_n3A_256, %gt3A_260 : i32
      %convert_element_type3A_262 = arith.extui %gt3A_261 : i1 to i32
      %cond3A_263 = arith.constant 0 : i32
      %cond3A_264 = arith.cmpi ne, %convert_element_type3A_262, %cond3A_263 : i32
      scf.if %cond3A_264 {
        %scan3A_265 = arith.constant 0 : i32
        %scan3A_266 = arith.constant 0 : i32
        %scan3A_267 = arith.constant 32 : i32
        %scan3A_268 = arith.addi %scan3A_266, %scan3A_267 : i32
        %scan3A_269 = arith.constant 1 : i32
        %scan3A_270 = scf.for %scan3A_272 = %scan3A_266 to %scan3A_268 step %scan3A_269 iter_args(%scan3A_273 = %scan3A_265) -> (i32)  : i32 {
          %mul3A_274 = arith.constant 512 : i32
          %mul3A_275 = arith.muli %select_n3A_256, %mul3A_274 : i32
          %mul3A_276 = arith.constant 16 : i32
          %mul3A_277 = arith.muli %scan3A_272, %mul3A_276 : i32
          %add3A_278 = arith.addi %mul3A_275, %mul3A_277 : i32
          %get3A = arith.index_cast %add3A_278 : i32 to index
          %get3A_279 = tpu.vector_load %arg14[%get3A] {strides = array<i32>} : memref<2048xi32, #tpu.memory_space<vmem>>, vector<16xi32>,
          %mul3A_280 = arith.constant 16 : i32
          %mul3A_281 = arith.muli %scan3A_272, %mul3A_280 : i32
          %swap3A = arith.index_cast %mul3A_281 : i32 to index
          %swap3A_282 = tpu.vector_load %arg14[%swap3A] {strides = array<i32>} : memref<2048xi32, #tpu.memory_space<vmem>>, vector<16xi32>,
          tpu.vector_store %arg14[%swap3A], %get3A_279 {strides = array<i32>} : memref<2048xi32, #tpu.memory_space<vmem>>, vector<16xi32>,
          %mul3A_283 = arith.constant 512 : i32
          %mul3A_284 = arith.muli %select_n3A_256, %mul3A_283 : i32
          %mul3A_285 = arith.constant 16 : i32
          %mul3A_286 = arith.muli %scan3A_272, %mul3A_285 : i32
          %add3A_287 = arith.addi %mul3A_284, %mul3A_286 : i32
          %get3A_288 = arith.index_cast %add3A_287 : i32 to index
          %get3A_289 = tpu.vector_load %arg15[%get3A_288] {strides = array<i32>} : memref<2048xi32, #tpu.memory_space<vmem>>, vector<16xi32>,
          %mul3A_290 = arith.constant 16 : i32
          %mul3A_291 = arith.muli %scan3A_272, %mul3A_290 : i32
          %swap3A_292 = arith.index_cast %mul3A_291 : i32 to index
          %swap3A_293 = tpu.vector_load %arg15[%swap3A_292] {strides = array<i32>} : memref<2048xi32, #tpu.memory_space<vmem>>, vector<16xi32>,
          tpu.vector_store %arg15[%swap3A_292], %get3A_289 {strides = array<i32>} : memref<2048xi32, #tpu.memory_space<vmem>>, vector<16xi32>,
          %scan3A_294 = arith.constant 0 : i32
          scf.yield %scan3A_294 : i32
        }
        %scan3A_271 = arith.constant 32 : i32
      } else {
      }
      scf.yield %sub3A_259 : i32
    }
    %scan3A_23 = arith.constant 25 : i32
    %add3A_24 = arith.constant 0 : i32
    %add3A_25 = arith.addi %mul3A_0, %add3A_24 : i32
    %dma_wait3A = tpu.memref_slice %arg3[%add3A_25] : memref<819200xi32, #tpu.memory_space<hbm>> -> memref<1024xi32, #tpu.memory_space<hbm>>
    %dma_wait3A_26 = tpu.memref_slice %arg3[%add3A_25] : memref<819200xi32, #tpu.memory_space<hbm>> -> memref<1024xi32, #tpu.memory_space<hbm>>
    tpu.wait_dma2 semaphore(%arg20 : memref<!tpu.dma_semaphore, #tpu.memory_space<semaphore_mem>>) src(%dma_wait3A_26 : memref<1024xi32, #tpu.memory_space<hbm>>) dst(%arg8 : memref<1024xi32, #tpu.memory_space<vmem>>)
    %dma_wait3A_27 = tpu.memref_slice %arg4[%add3A_25] : memref<819200xi32, #tpu.memory_space<hbm>> -> memref<1024xi32, #tpu.memory_space<hbm>>
    %dma_wait3A_28 = tpu.memref_slice %arg4[%add3A_25] : memref<819200xi32, #tpu.memory_space<hbm>> -> memref<1024xi32, #tpu.memory_space<hbm>>
    tpu.wait_dma2 semaphore(%arg20 : memref<!tpu.dma_semaphore, #tpu.memory_space<semaphore_mem>>) src(%dma_wait3A_28 : memref<1024xi32, #tpu.memory_space<hbm>>) dst(%arg9 : memref<1024xi32, #tpu.memory_space<vmem>>)
    %dma_wait3A_29 = tpu.memref_slice %arg5[%add3A_25] : memref<819200xi32, #tpu.memory_space<hbm>> -> memref<1024xi32, #tpu.memory_space<hbm>>
    %dma_wait3A_30 = tpu.memref_slice %arg5[%add3A_25] : memref<819200xi32, #tpu.memory_space<hbm>> -> memref<1024xi32, #tpu.memory_space<hbm>>
    tpu.wait_dma2 semaphore(%arg20 : memref<!tpu.dma_semaphore, #tpu.memory_space<semaphore_mem>>) src(%dma_wait3A_30 : memref<1024xi32, #tpu.memory_space<hbm>>) dst(%arg10 : memref<1024xi32, #tpu.memory_space<vmem>>)
    %gt3A = arith.constant 0 : i32
    %gt3A_31 = arith.cmpi sgt, %scan3A_22, %gt3A : i32
    %convert_element_type3A = arith.extui %gt3A_31 : i1 to i32
    %cond3A = arith.constant 0 : i32
    %cond3A_32 = arith.cmpi ne, %convert_element_type3A, %cond3A : i32
    scf.if %cond3A_32 {
      %iota3A = tpu.iota {dimensions = array<i32: 0>} : vector<16xi32>
      %scan3A_124 = arith.constant 0 : i32
      %scan3A_125 = arith.constant 0 : i32
      %scan3A_126 = arith.constant 32 : i32
      %scan3A_127 = arith.addi %scan3A_125, %scan3A_126 : i32
      %scan3A_128 = arith.constant 1 : i32
      %scan3A_129 = scf.for %scan3A_137 = %scan3A_125 to %scan3A_127 step %scan3A_128 iter_args(%scan3A_138 = %scan3A_124) -> (i32)  : i32 {
        %mul3A_139 = arith.constant 16 : i32
        %mul3A_140 = arith.muli %scan3A_137, %mul3A_139 : i32
        %add3A_141 = vector.broadcast %mul3A_140 : i32 to vector<16xi32>
        %add3A_142 = arith.addi %add3A_141, %iota3A : vector<16xi32>
        %lt3A = vector.broadcast %scan3A_22 : i32 to vector<16xi32>
        %lt3A_143 = arith.cmpi slt, %add3A_142, %lt3A : vector<16xi32>
        %mul3A_144 = arith.constant 16 : i32
        %mul3A_145 = arith.muli %scan3A_137, %mul3A_144 : i32
        %get3A = arith.index_cast %mul3A_145 : i32 to index
        %get3A_146 = tpu.vector_load %arg14[%get3A] {strides = array<i32>} : memref<2048xi32, #tpu.memory_space<vmem>>, vector<16xi32>,
        %jit3A = arith.constant 0 : i32
        %broadcast_in_dim3A = vector.broadcast %jit3A : i32 to vector<16xi32>
        %select_n3A = arith.select %lt3A_143, %get3A_146, %broadcast_in_dim3A : vector<16xi1>, vector<16xi32>
        %mul3A_147 = arith.constant 16 : i32
        %mul3A_148 = arith.muli %scan3A_137, %mul3A_147 : i32
        %swap3A = arith.index_cast %mul3A_148 : i32 to index
        %swap3A_149 = tpu.vector_load %arg16[%swap3A] {strides = array<i32>} : memref<512xi32, #tpu.memory_space<vmem>>, vector<16xi32>,
        tpu.vector_store %arg16[%swap3A], %select_n3A {strides = array<i32>} : memref<512xi32, #tpu.memory_space<vmem>>, vector<16xi32>,
        %mul3A_150 = arith.constant 16 : i32
        %mul3A_151 = arith.muli %scan3A_137, %mul3A_150 : i32
        %get3A_152 = arith.index_cast %mul3A_151 : i32 to index
        %get3A_153 = tpu.vector_load %arg15[%get3A_152] {strides = array<i32>} : memref<2048xi32, #tpu.memory_space<vmem>>, vector<16xi32>,
        %jit3A_154 = arith.constant 49152 : i32
        %broadcast_in_dim3A_155 = vector.broadcast %jit3A_154 : i32 to vector<16xi32>
        %select_n3A_156 = arith.select %lt3A_143, %get3A_153, %broadcast_in_dim3A_155 : vector<16xi1>, vector<16xi32>
        %mul3A_157 = arith.constant 16 : i32
        %mul3A_158 = arith.muli %scan3A_137, %mul3A_157 : i32
        %swap3A_159 = arith.index_cast %mul3A_158 : i32 to index
        %swap3A_160 = tpu.vector_load %arg17[%swap3A_159] {strides = array<i32>} : memref<512xi32, #tpu.memory_space<vmem>>, vector<16xi32>,
        tpu.vector_store %arg17[%swap3A_159], %select_n3A_156 {strides = array<i32>} : memref<512xi32, #tpu.memory_space<vmem>>, vector<16xi32>,
        %scan3A_161 = arith.constant 0 : i32
        scf.yield %scan3A_161 : i32
      }
      %scan3A_130 = arith.constant 32 : i32
      %dma_start3A_131 = arith.constant 0 : i32
      %dma_start3A_132 = arith.constant 0 : i32
      %dma_start3A_133 = tpu.memref_slice %arg2[%dma_start3A_131, %dma_start3A_132] : memref<50048x64xbf16, #tpu.memory_space<hbm>> -> memref<50048x64xbf16, #tpu.memory_space<hbm>>
      tpu.enqueue_indirect_dma source(%dma_start3A_133 : memref<50048x64xbf16, #tpu.memory_space<hbm>>) target(%arg18 : memref<512x64xbf16, #tpu.memory_space<vmem>>) offsets(%arg16 : memref<512xi32, #tpu.memory_space<vmem>>) semaphore(%arg22 : memref<!tpu.dma_semaphore, #tpu.memory_space<semaphore_mem>>)
      %dma_wait3A_134 = arith.constant 0 : i32
      %dma_wait3A_135 = arith.constant 0 : i32
      %dma_wait3A_136 = tpu.memref_slice %arg2[%dma_wait3A_134, %dma_wait3A_135] : memref<50048x64xbf16, #tpu.memory_space<hbm>> -> memref<50048x64xbf16, #tpu.memory_space<hbm>>
      tpu.wait_indirect_dma semaphore(%arg22 : memref<!tpu.dma_semaphore, #tpu.memory_space<semaphore_mem>>) src(%dma_wait3A_136 : memref<50048x64xbf16, #tpu.memory_space<hbm>>) dst(%arg18 : memref<512x64xbf16, #tpu.memory_space<vmem>>)
      "tpu.region"() ({
        %run_scoped3A_137 = tpu.sem_alloc : memref<!tpu.dma_semaphore, #tpu.memory_space<semaphore_mem>>
        %dma_start3A_138 = arith.constant 0 : i32
        %dma_start3A_139 = arith.constant 0 : i32
        %dma_start3A_140 = tpu.memref_slice %arg19[%dma_start3A_138, %dma_start3A_139] : memref<49216x64xbf16, #tpu.memory_space<vmem_shared>> -> memref<49216x64xbf16, #tpu.memory_space<vmem_shared>>
        tpu.enqueue_indirect_dma source(%arg18 : memref<512x64xbf16, #tpu.memory_space<vmem>>) target(%dma_start3A_140 : memref<49216x64xbf16, #tpu.memory_space<vmem_shared>>) offsets(%arg17 : memref<512xi32, #tpu.memory_space<vmem>>) semaphore(%run_scoped3A_137 : memref<!tpu.dma_semaphore, #tpu.memory_space<semaphore_mem>>) {add = true}
        %dma_wait3A_141 = arith.constant 0 : i32
        %dma_wait3A_142 = arith.constant 0 : i32
        %dma_wait3A_143 = tpu.memref_slice %arg19[%dma_wait3A_141, %dma_wait3A_142] : memref<49216x64xbf16, #tpu.memory_space<vmem_shared>> -> memref<49216x64xbf16, #tpu.memory_space<vmem_shared>>
        tpu.wait_indirect_dma semaphore(%run_scoped3A_137 : memref<!tpu.dma_semaphore, #tpu.memory_space<semaphore_mem>>) src(%arg18 : memref<512x64xbf16, #tpu.memory_space<vmem>>) dst(%dma_wait3A_143 : memref<49216x64xbf16, #tpu.memory_space<vmem_shared>>)
        tpu.yield
      }) : () -> ()
    } else {
    }
    %barrier3A_33 = arith.constant 0 : index
    tpu.barrier barrier_id(%barrier3A_33)
    %mul3A_34 = arith.constant 1024 : i32
    %mul3A_35 = arith.muli %arg1, %mul3A_34 : i32
    %add3A_36 = arith.constant 0 : i32
    %add3A_37 = arith.addi %add3A_36, %mul3A_35 : i32
    %mul3A_38 = arith.constant 1024 : i32
    %mul3A_39 = arith.muli %arg1, %mul3A_38 : i32
    %add3A_40 = arith.addi %mul3A_3, %mul3A_39 : i32
    %run_scoped3A = arith.constant 0 : i32
    "tpu.region"() ({
      %run_scoped3A_124 = tpu.sem_alloc : memref<!tpu.dma_semaphore, #tpu.memory_space<semaphore_mem>>
      %dma_start3A_125 = arith.constant 0 : i32
      %dma_start3A_126 = tpu.memref_slice %arg7[%run_scoped3A, %add3A_40, %dma_start3A_125] : memref<3x65536x64xbf16, #tpu.memory_space<hbm>> -> memref<1x1024x64xbf16, #tpu.memory_space<hbm>>
      %dma_start3A_127 = tpu.memref_squeeze %dma_start3A_126 : memref<1x1024x64xbf16, #tpu.memory_space<hbm>> -> memref<1024x64xbf16, #tpu.memory_space<hbm>>
      %dma_start3A_128 = arith.constant 0 : i32
      %dma_start3A_129 = tpu.memref_slice %arg19[%add3A_37, %dma_start3A_128] : memref<49216x64xbf16, #tpu.memory_space<vmem_shared>> -> memref<1024x64xbf16, #tpu.memory_space<vmem_shared>>
      tpu.enqueue_dma source(%dma_start3A_129 : memref<1024x64xbf16, #tpu.memory_space<vmem_shared>>) target(%dma_start3A_127 : memref<1024x64xbf16, #tpu.memory_space<hbm>>) target_semaphore(%run_scoped3A_124 : memref<!tpu.dma_semaphore, #tpu.memory_space<semaphore_mem>>)
      %dma_wait3A_130 = arith.constant 0 : i32
      %dma_wait3A_131 = tpu.memref_slice %arg7[%run_scoped3A, %add3A_40, %dma_wait3A_130] : memref<3x65536x64xbf16, #tpu.memory_space<hbm>> -> memref<1x1024x64xbf16, #tpu.memory_space<hbm>>
      %dma_wait3A_132 = tpu.memref_squeeze %dma_wait3A_131 : memref<1x1024x64xbf16, #tpu.memory_space<hbm>> -> memref<1024x64xbf16, #tpu.memory_space<hbm>>
      %dma_wait3A_133 = arith.constant 0 : i32
      %dma_wait3A_134 = tpu.memref_slice %arg19[%add3A_37, %dma_wait3A_133] : memref<49216x64xbf16, #tpu.memory_space<vmem_shared>> -> memref<1024x64xbf16, #tpu.memory_space<vmem_shared>>
      tpu.wait_dma2 semaphore(%run_scoped3A_124 : memref<!tpu.dma_semaphore, #tpu.memory_space<semaphore_mem>>) src(%dma_wait3A_134 : memref<1024x64xbf16, #tpu.memory_space<vmem_shared>>) dst(%dma_wait3A_132 : memref<1024x64xbf16, #tpu.memory_space<hbm>>)
      tpu.yield
    }) : () -> ()
    %mul3A_41 = arith.constant 1024 : i32
    %mul3A_42 = arith.muli %arg1, %mul3A_41 : i32
    %add3A_43 = arith.constant 16384 : i32
    %add3A_44 = arith.addi %add3A_43, %mul3A_42 : i32
    %mul3A_45 = arith.constant 1024 : i32
    %mul3A_46 = arith.muli %arg1, %mul3A_45 : i32
    %add3A_47 = arith.addi %mul3A_3, %mul3A_46 : i32
    %run_scoped3A_48 = arith.constant 1 : i32
    "tpu.region"() ({
      %run_scoped3A_124 = tpu.sem_alloc : memref<!tpu.dma_semaphore, #tpu.memory_space<semaphore_mem>>
      %dma_start3A_125 = arith.constant 0 : i32
      %dma_start3A_126 = tpu.memref_slice %arg7[%run_scoped3A_48, %add3A_47, %dma_start3A_125] : memref<3x65536x64xbf16, #tpu.memory_space<hbm>> -> memref<1x1024x64xbf16, #tpu.memory_space<hbm>>
      %dma_start3A_127 = tpu.memref_squeeze %dma_start3A_126 : memref<1x1024x64xbf16, #tpu.memory_space<hbm>> -> memref<1024x64xbf16, #tpu.memory_space<hbm>>
      %dma_start3A_128 = arith.constant 0 : i32
      %dma_start3A_129 = tpu.memref_slice %arg19[%add3A_44, %dma_start3A_128] : memref<49216x64xbf16, #tpu.memory_space<vmem_shared>> -> memref<1024x64xbf16, #tpu.memory_space<vmem_shared>>
      tpu.enqueue_dma source(%dma_start3A_129 : memref<1024x64xbf16, #tpu.memory_space<vmem_shared>>) target(%dma_start3A_127 : memref<1024x64xbf16, #tpu.memory_space<hbm>>) target_semaphore(%run_scoped3A_124 : memref<!tpu.dma_semaphore, #tpu.memory_space<semaphore_mem>>)
      %dma_wait3A_130 = arith.constant 0 : i32
      %dma_wait3A_131 = tpu.memref_slice %arg7[%run_scoped3A_48, %add3A_47, %dma_wait3A_130] : memref<3x65536x64xbf16, #tpu.memory_space<hbm>> -> memref<1x1024x64xbf16, #tpu.memory_space<hbm>>
      %dma_wait3A_132 = tpu.memref_squeeze %dma_wait3A_131 : memref<1x1024x64xbf16, #tpu.memory_space<hbm>> -> memref<1024x64xbf16, #tpu.memory_space<hbm>>
      %dma_wait3A_133 = arith.constant 0 : i32
      %dma_wait3A_134 = tpu.memref_slice %arg19[%add3A_44, %dma_wait3A_133] : memref<49216x64xbf16, #tpu.memory_space<vmem_shared>> -> memref<1024x64xbf16, #tpu.memory_space<vmem_shared>>
      tpu.wait_dma2 semaphore(%run_scoped3A_124 : memref<!tpu.dma_semaphore, #tpu.memory_space<semaphore_mem>>) src(%dma_wait3A_134 : memref<1024x64xbf16, #tpu.memory_space<vmem_shared>>) dst(%dma_wait3A_132 : memref<1024x64xbf16, #tpu.memory_space<hbm>>)
      tpu.yield
    }) : () -> ()
    %mul3A_49 = arith.constant 1024 : i32
    %mul3A_50 = arith.muli %arg1, %mul3A_49 : i32
    %add3A_51 = arith.constant 32768 : i32
    %add3A_52 = arith.addi %add3A_51, %mul3A_50 : i32
    %mul3A_53 = arith.constant 1024 : i32
    %mul3A_54 = arith.muli %arg1, %mul3A_53 : i32
    %add3A_55 = arith.addi %mul3A_3, %mul3A_54 : i32
    %run_scoped3A_56 = arith.constant 2 : i32
    "tpu.region"() ({
      %run_scoped3A_124 = tpu.sem_alloc : memref<!tpu.dma_semaphore, #tpu.memory_space<semaphore_mem>>
      %dma_start3A_125 = arith.constant 0 : i32
      %dma_start3A_126 = tpu.memref_slice %arg7[%run_scoped3A_56, %add3A_55, %dma_start3A_125] : memref<3x65536x64xbf16, #tpu.memory_space<hbm>> -> memref<1x1024x64xbf16, #tpu.memory_space<hbm>>
      %dma_start3A_127 = tpu.memref_squeeze %dma_start3A_126 : memref<1x1024x64xbf16, #tpu.memory_space<hbm>> -> memref<1024x64xbf16, #tpu.memory_space<hbm>>
      %dma_start3A_128 = arith.constant 0 : i32
      %dma_start3A_129 = tpu.memref_slice %arg19[%add3A_52, %dma_start3A_128] : memref<49216x64xbf16, #tpu.memory_space<vmem_shared>> -> memref<1024x64xbf16, #tpu.memory_space<vmem_shared>>
      tpu.enqueue_dma source(%dma_start3A_129 : memref<1024x64xbf16, #tpu.memory_space<vmem_shared>>) target(%dma_start3A_127 : memref<1024x64xbf16, #tpu.memory_space<hbm>>) target_semaphore(%run_scoped3A_124 : memref<!tpu.dma_semaphore, #tpu.memory_space<semaphore_mem>>)
      %dma_wait3A_130 = arith.constant 0 : i32
      %dma_wait3A_131 = tpu.memref_slice %arg7[%run_scoped3A_56, %add3A_55, %dma_wait3A_130] : memref<3x65536x64xbf16, #tpu.memory_space<hbm>> -> memref<1x1024x64xbf16, #tpu.memory_space<hbm>>
      %dma_wait3A_132 = tpu.memref_squeeze %dma_wait3A_131 : memref<1x1024x64xbf16, #tpu.memory_space<hbm>> -> memref<1024x64xbf16, #tpu.memory_space<hbm>>
      %dma_wait3A_133 = arith.constant 0 : i32
      %dma_wait3A_134 = tpu.memref_slice %arg19[%add3A_52, %dma_wait3A_133] : memref<49216x64xbf16, #tpu.memory_space<vmem_shared>> -> memref<1024x64xbf16, #tpu.memory_space<vmem_shared>>
      tpu.wait_dma2 semaphore(%run_scoped3A_124 : memref<!tpu.dma_semaphore, #tpu.memory_space<semaphore_mem>>) src(%dma_wait3A_134 : memref<1024x64xbf16, #tpu.memory_space<vmem_shared>>) dst(%dma_wait3A_132 : memref<1024x64xbf16, #tpu.memory_space<hbm>>)
      tpu.yield
    }) : () -> ()
    %barrier3A_57 = arith.constant 0 : index
    tpu.barrier barrier_id(%barrier3A_57)
    %add3A_58 = arith.constant 2 : i32
    %add3A_59 = arith.addi %add3A_58, %arg0 : i32
    %mul3A_60 = arith.constant 16384 : i32
    %mul3A_61 = arith.muli %add3A_59, %mul3A_60 : i32
    %scan3A_62 = arith.constant 0 : i32
    %scan3A_63 = arith.constant 0 : i32
    %scan3A_64 = arith.constant 7 : i32
    %scan3A_65 = arith.addi %scan3A_63, %scan3A_64 : i32
    %scan3A_66 = arith.constant 1 : i32
    %scan3A_67 = scf.for %scan3A_124 = %scan3A_63 to %scan3A_65 step %scan3A_66 iter_args(%scan3A_125 = %scan3A_62) -> (i32)  : i32 {
      %mul3A_126 = arith.constant 16 : i32
      %mul3A_127 = arith.muli %scan3A_124, %mul3A_126 : i32
      %add3A_128 = arith.addi %arg1, %mul3A_127 : i32
      %lt3A = arith.constant 96 : i32
      %lt3A_129 = arith.cmpi slt, %add3A_128, %lt3A : i32
      %convert_element_type3A_130 = arith.extui %lt3A_129 : i1 to i32
      %cond3A_131 = arith.constant 0 : i32
      %cond3A_132 = arith.cmpi ne, %convert_element_type3A_130, %cond3A_131 : i32
      scf.if %cond3A_132 {
        %mul3A_138 = arith.constant 512 : i32
        %mul3A_139 = arith.muli %add3A_128, %mul3A_138 : i32
        "tpu.region"() ({
          %run_scoped3A_140 = tpu.sem_alloc : memref<!tpu.dma_semaphore, #tpu.memory_space<semaphore_mem>>
          %dma_start3A_141 = arith.constant 0 : i32
          %dma_start3A_142 = tpu.memref_slice %arg19[%mul3A_139, %dma_start3A_141] : memref<49216x64xbf16, #tpu.memory_space<vmem_shared>> -> memref<512x64xbf16, #tpu.memory_space<vmem_shared>>
          tpu.enqueue_dma source(%arg6 : memref<512x64xbf16, #tpu.memory_space<hbm>>) target(%dma_start3A_142 : memref<512x64xbf16, #tpu.memory_space<vmem_shared>>) target_semaphore(%run_scoped3A_140 : memref<!tpu.dma_semaphore, #tpu.memory_space<semaphore_mem>>)
          %dma_wait3A_143 = arith.constant 0 : i32
          %dma_wait3A_144 = tpu.memref_slice %arg19[%mul3A_139, %dma_wait3A_143] : memref<49216x64xbf16, #tpu.memory_space<vmem_shared>> -> memref<512x64xbf16, #tpu.memory_space<vmem_shared>>
          tpu.wait_dma2 semaphore(%run_scoped3A_140 : memref<!tpu.dma_semaphore, #tpu.memory_space<semaphore_mem>>) src(%arg6 : memref<512x64xbf16, #tpu.memory_space<hbm>>) dst(%dma_wait3A_144 : memref<512x64xbf16, #tpu.memory_space<vmem_shared>>)
          tpu.yield
        }) : () -> ()
      } else {
      }
      %eq3A = arith.constant 96 : i32
      %eq3A_133 = arith.cmpi eq, %add3A_128, %eq3A : i32
      %convert_element_type3A_134 = arith.extui %eq3A_133 : i1 to i32
      %cond3A_135 = arith.constant 0 : i32
      %cond3A_136 = arith.cmpi ne, %convert_element_type3A_134, %cond3A_135 : i32
      scf.if %cond3A_136 {
        "tpu.region"() ({
          %run_scoped3A_138 = tpu.sem_alloc : memref<!tpu.dma_semaphore, #tpu.memory_space<semaphore_mem>>
          %dma_start3A_139 = arith.constant 49152 : i32
          %dma_start3A_140 = arith.constant 0 : i32
          %dma_start3A_141 = tpu.memref_slice %arg19[%dma_start3A_139, %dma_start3A_140] : memref<49216x64xbf16, #tpu.memory_space<vmem_shared>> -> memref<64x64xbf16, #tpu.memory_space<vmem_shared>>
          %dma_start3A_142 = arith.constant 0 : i32
          %dma_start3A_143 = arith.constant 0 : i32
          %dma_start3A_144 = tpu.memref_slice %arg6[%dma_start3A_142, %dma_start3A_143] : memref<512x64xbf16, #tpu.memory_space<hbm>> -> memref<64x64xbf16, #tpu.memory_space<hbm>>
          tpu.enqueue_dma source(%dma_start3A_144 : memref<64x64xbf16, #tpu.memory_space<hbm>>) target(%dma_start3A_141 : memref<64x64xbf16, #tpu.memory_space<vmem_shared>>) target_semaphore(%run_scoped3A_138 : memref<!tpu.dma_semaphore, #tpu.memory_space<semaphore_mem>>)
          %dma_wait3A_145 = arith.constant 49152 : i32
          %dma_wait3A_146 = arith.constant 0 : i32
          %dma_wait3A_147 = tpu.memref_slice %arg19[%dma_wait3A_145, %dma_wait3A_146] : memref<49216x64xbf16, #tpu.memory_space<vmem_shared>> -> memref<64x64xbf16, #tpu.memory_space<vmem_shared>>
          %dma_wait3A_148 = arith.constant 0 : i32
          %dma_wait3A_149 = arith.constant 0 : i32
          %dma_wait3A_150 = tpu.memref_slice %arg6[%dma_wait3A_148, %dma_wait3A_149] : memref<512x64xbf16, #tpu.memory_space<hbm>> -> memref<64x64xbf16, #tpu.memory_space<hbm>>
          tpu.wait_dma2 semaphore(%run_scoped3A_138 : memref<!tpu.dma_semaphore, #tpu.memory_space<semaphore_mem>>) src(%dma_wait3A_150 : memref<64x64xbf16, #tpu.memory_space<hbm>>) dst(%dma_wait3A_147 : memref<64x64xbf16, #tpu.memory_space<vmem_shared>>)
          tpu.yield
        }) : () -> ()
      } else {
      }
      %scan3A_137 = arith.constant 0 : i32
      scf.yield %scan3A_137 : i32
    }
    %scan3A_68 = arith.constant 7 : i32
    %barrier3A_69 = arith.constant 0 : index
    tpu.barrier barrier_id(%barrier3A_69)
    %add3A_70 = arith.constant 0 : i32
    %add3A_71 = arith.addi %mul3A_0, %add3A_70 : i32
    %dma_start3A_72 = tpu.memref_slice %arg3[%add3A_71] : memref<819200xi32, #tpu.memory_space<hbm>> -> memref<1024xi32, #tpu.memory_space<hbm>>
    %dma_start3A_73 = tpu.memref_slice %arg3[%add3A_71] : memref<819200xi32, #tpu.memory_space<hbm>> -> memref<1024xi32, #tpu.memory_space<hbm>>
    tpu.enqueue_dma source(%dma_start3A_73 : memref<1024xi32, #tpu.memory_space<hbm>>) target(%arg8 : memref<1024xi32, #tpu.memory_space<vmem>>) target_semaphore(%arg20 : memref<!tpu.dma_semaphore, #tpu.memory_space<semaphore_mem>>)
    %dma_start3A_74 = tpu.memref_slice %arg4[%add3A_71] : memref<819200xi32, #tpu.memory_space<hbm>> -> memref<1024xi32, #tpu.memory_space<hbm>>
    %dma_start3A_75 = tpu.memref_slice %arg4[%add3A_71] : memref<819200xi32, #tpu.memory_space<hbm>> -> memref<1024xi32, #tpu.memory_space<hbm>>
    tpu.enqueue_dma source(%dma_start3A_75 : memref<1024xi32, #tpu.memory_space<hbm>>) target(%arg9 : memref<1024xi32, #tpu.memory_space<vmem>>) target_semaphore(%arg20 : memref<!tpu.dma_semaphore, #tpu.memory_space<semaphore_mem>>)
    %dma_start3A_76 = tpu.memref_slice %arg5[%add3A_71] : memref<819200xi32, #tpu.memory_space<hbm>> -> memref<1024xi32, #tpu.memory_space<hbm>>
    %dma_start3A_77 = tpu.memref_slice %arg5[%add3A_71] : memref<819200xi32, #tpu.memory_space<hbm>> -> memref<1024xi32, #tpu.memory_space<hbm>>
    tpu.enqueue_dma source(%dma_start3A_77 : memref<1024xi32, #tpu.memory_space<hbm>>) target(%arg10 : memref<1024xi32, #tpu.memory_space<vmem>>) target_semaphore(%arg20 : memref<!tpu.dma_semaphore, #tpu.memory_space<semaphore_mem>>)
    %scan3A_78 = arith.constant 0 : i32
    %scan3A_79 = arith.constant 0 : i32
    %scan3A_80 = arith.constant 25 : i32
    %scan3A_81 = arith.addi %scan3A_79, %scan3A_80 : i32
    %scan3A_82 = arith.constant 1 : i32
    %scan3A_83 = scf.for %scan3A_124 = %scan3A_79 to %scan3A_81 step %scan3A_82 iter_args(%scan3A_125 = %scan3A_78) -> (i32)  : i32 {
      %mul3A_126 = arith.constant 2 : i32
      %mul3A_127 = arith.muli %mul3A_126, %scan3A_124 : i32
      %mul3A_128 = arith.constant 1024 : i32
      %mul3A_129 = arith.muli %mul3A_127, %mul3A_128 : i32
      %add3A_130 = arith.addi %mul3A_0, %mul3A_129 : i32
      %dma_wait3A_131 = tpu.memref_slice %arg3[%add3A_130] : memref<819200xi32, #tpu.memory_space<hbm>> -> memref<1024xi32, #tpu.memory_space<hbm>>
      %dma_wait3A_132 = tpu.memref_slice %arg3[%add3A_130] : memref<819200xi32, #tpu.memory_space<hbm>> -> memref<1024xi32, #tpu.memory_space<hbm>>
      tpu.wait_dma2 semaphore(%arg20 : memref<!tpu.dma_semaphore, #tpu.memory_space<semaphore_mem>>) src(%dma_wait3A_132 : memref<1024xi32, #tpu.memory_space<hbm>>) dst(%arg8 : memref<1024xi32, #tpu.memory_space<vmem>>)
      %dma_wait3A_133 = tpu.memref_slice %arg4[%add3A_130] : memref<819200xi32, #tpu.memory_space<hbm>> -> memref<1024xi32, #tpu.memory_space<hbm>>
      %dma_wait3A_134 = tpu.memref_slice %arg4[%add3A_130] : memref<819200xi32, #tpu.memory_space<hbm>> -> memref<1024xi32, #tpu.memory_space<hbm>>
      tpu.wait_dma2 semaphore(%arg20 : memref<!tpu.dma_semaphore, #tpu.memory_space<semaphore_mem>>) src(%dma_wait3A_134 : memref<1024xi32, #tpu.memory_space<hbm>>) dst(%arg9 : memref<1024xi32, #tpu.memory_space<vmem>>)
      %dma_wait3A_135 = tpu.memref_slice %arg5[%add3A_130] : memref<819200xi32, #tpu.memory_space<hbm>> -> memref<1024xi32, #tpu.memory_space<hbm>>
      %dma_wait3A_136 = tpu.memref_slice %arg5[%add3A_130] : memref<819200xi32, #tpu.memory_space<hbm>> -> memref<1024xi32, #tpu.memory_space<hbm>>
      tpu.wait_dma2 semaphore(%arg20 : memref<!tpu.dma_semaphore, #tpu.memory_space<semaphore_mem>>) src(%dma_wait3A_136 : memref<1024xi32, #tpu.memory_space<hbm>>) dst(%arg10 : memref<1024xi32, #tpu.memory_space<vmem>>)
      %mul3A_137 = arith.constant 2 : i32
      %mul3A_138 = arith.muli %mul3A_137, %scan3A_124 : i32
      %add3A_139 = arith.constant 1 : i32
      %add3A_140 = arith.addi %mul3A_138, %add3A_139 : i32
      %mul3A_141 = arith.constant 1024 : i32
      %mul3A_142 = arith.muli %add3A_140, %mul3A_141 : i32
      %add3A_143 = arith.addi %mul3A_0, %mul3A_142 : i32
      %dma_start3A_144 = tpu.memref_slice %arg3[%add3A_143] : memref<819200xi32, #tpu.memory_space<hbm>> -> memref<1024xi32, #tpu.memory_space<hbm>>
      %dma_start3A_145 = tpu.memref_slice %arg3[%add3A_143] : memref<819200xi32, #tpu.memory_space<hbm>> -> memref<1024xi32, #tpu.memory_space<hbm>>
      tpu.enqueue_dma source(%dma_start3A_145 : memref<1024xi32, #tpu.memory_space<hbm>>) target(%arg11 : memref<1024xi32, #tpu.memory_space<vmem>>) target_semaphore(%arg21 : memref<!tpu.dma_semaphore, #tpu.memory_space<semaphore_mem>>)
      %dma_start3A_146 = tpu.memref_slice %arg4[%add3A_143] : memref<819200xi32, #tpu.memory_space<hbm>> -> memref<1024xi32, #tpu.memory_space<hbm>>
      %dma_start3A_147 = tpu.memref_slice %arg4[%add3A_143] : memref<819200xi32, #tpu.memory_space<hbm>> -> memref<1024xi32, #tpu.memory_space<hbm>>
      tpu.enqueue_dma source(%dma_start3A_147 : memref<1024xi32, #tpu.memory_space<hbm>>) target(%arg12 : memref<1024xi32, #tpu.memory_space<vmem>>) target_semaphore(%arg21 : memref<!tpu.dma_semaphore, #tpu.memory_space<semaphore_mem>>)
      %dma_start3A_148 = tpu.memref_slice %arg5[%add3A_143] : memref<819200xi32, #tpu.memory_space<hbm>> -> memref<1024xi32, #tpu.memory_space<hbm>>
      %dma_start3A_149 = tpu.memref_slice %arg5[%add3A_143] : memref<819200xi32, #tpu.memory_space<hbm>> -> memref<1024xi32, #tpu.memory_space<hbm>>
      tpu.enqueue_dma source(%dma_start3A_149 : memref<1024xi32, #tpu.memory_space<hbm>>) target(%arg13 : memref<1024xi32, #tpu.memory_space<vmem>>) target_semaphore(%arg21 : memref<!tpu.dma_semaphore, #tpu.memory_space<semaphore_mem>>)
      %scan3A_150 = arith.constant 0 : i32
      %scan3A_151 = arith.constant 64 : i32
      %scan3A_152 = arith.addi %scan3A_150, %scan3A_151 : i32
      %scan3A_153 = arith.constant 1 : i32
      %scan3A_154 = scf.for %scan3A_265 = %scan3A_150 to %scan3A_152 step %scan3A_153 iter_args(%scan3A_266 = %scan3A_125) -> (i32)  : i32 {
        %mul3A_267 = arith.constant 16 : i32
        %mul3A_268 = arith.muli %scan3A_265, %mul3A_267 : i32
        %get3A = arith.index_cast %mul3A_268 : i32 to index
        %get3A_269 = tpu.vector_load %arg8[%get3A] {strides = array<i32>} : memref<1024xi32, #tpu.memory_space<vmem>>, vector<16xi32>,
        %mul3A_270 = arith.constant 16 : i32
        %mul3A_271 = arith.muli %scan3A_265, %mul3A_270 : i32
        %get3A_272 = arith.index_cast %mul3A_271 : i32 to index
        %get3A_273 = tpu.vector_load %arg9[%get3A_272] {strides = array<i32>} : memref<1024xi32, #tpu.memory_space<vmem>>, vector<16xi32>,
        %mul3A_274 = arith.constant 16 : i32
        %mul3A_275 = arith.muli %scan3A_265, %mul3A_274 : i32
        %get3A_276 = arith.index_cast %mul3A_275 : i32 to index
        %get3A_277 = tpu.vector_load %arg10[%get3A_276] {strides = array<i32>} : memref<1024xi32, #tpu.memory_space<vmem>>, vector<16xi32>,
        %shift_right_arithmetic3A = arith.constant 14 : i32
        %shift_right_arithmetic3A_278 = vector.broadcast %shift_right_arithmetic3A : i32 to vector<16xi32>
        %shift_right_arithmetic3A_279 = arith.shrsi %get3A_273, %shift_right_arithmetic3A_278 : vector<16xi32>
        %eq3A = vector.broadcast %add3A_59 : i32 to vector<16xi32>
        %eq3A_280 = arith.cmpi eq, %shift_right_arithmetic3A_279, %eq3A : vector<16xi32>
        %shift_left3A = arith.constant 14 : i32
        %shift_left3A_281 = vector.broadcast %shift_left3A : i32 to vector<16xi32>
        %shift_left3A_282 = arith.shli %get3A_277, %shift_left3A_281 : vector<16xi32>
        %and3A_283 = arith.constant 16383 : i32
        %and3A_284 = vector.broadcast %and3A_283 : i32 to vector<16xi32>
        %and3A_285 = arith.andi %get3A_273, %and3A_284 : vector<16xi32>
        %add3A_286 = arith.addi %shift_left3A_282, %and3A_285 : vector<16xi32>
        %convert_element_type3A_287 = arith.extui %eq3A_280 : vector<16xi1> to vector<16xi32>
        %cumsum3A = arith.constant true
        %cumsum3A_288 = vector.broadcast %cumsum3A : i1 to vector<16xi1>
        %cumsum3A_289 = tpu.scan <sum>, %convert_element_type3A_287 masked %cumsum3A_288 : vector<16xi32>, vector<16xi1> -> vector<16xi32>
        %add3A_290 = vector.broadcast %scan3A_266 : i32 to vector<16xi32>
        %add3A_291 = arith.addi %add3A_290, %cumsum3A_289 : vector<16xi32>
        %sub3A_292 = arith.constant 1 : i32
        %sub3A_293 = vector.broadcast %sub3A_292 : i32 to vector<16xi32>
        %sub3A_294 = arith.subi %add3A_291, %sub3A_293 : vector<16xi32>
        tpu.vector_store_idx %arg14[%sub3A_294], %get3A_269 masked %eq3A_280 : memref<2048xi32, #tpu.memory_space<vmem>>[vector<16xi32>], vector<16xi32>, vector<16xi1>
        tpu.vector_store_idx %arg15[%sub3A_294], %add3A_286 masked %eq3A_280 : memref<2048xi32, #tpu.memory_space<vmem>>[vector<16xi32>], vector<16xi32>, vector<16xi1>
        %reduce_sum3A = arith.constant true
        %reduce_sum3A_295 = vector.broadcast %reduce_sum3A : i1 to vector<16xi1>
        %reduce_sum3A_296 = tpu.scan <sum>, %convert_element_type3A_287 masked %reduce_sum3A_295 : vector<16xi32>, vector<16xi1> -> vector<16xi32>
        %reduce_sum3A_297 = vector.extract %reduce_sum3A_296[15] : i32 from vector<16xi32>
        %add3A_298 = arith.addi %scan3A_266, %reduce_sum3A_297 : i32
        scf.yield %add3A_298 : i32
      }
      %scan3A_155 = arith.constant 64 : i32
      %ge3A = arith.constant 512 : i32
      %ge3A_156 = arith.cmpi sge, %scan3A_154, %ge3A : i32
      %convert_element_type3A_157 = arith.extui %ge3A_156 : i1 to i32
      %cond3A_158 = arith.constant 0 : i32
      %cond3A_159 = arith.cmpi ne, %convert_element_type3A_157, %cond3A_158 : i32
      scf.if %cond3A_159 {
        %scan3A_265 = arith.constant 0 : i32
        %scan3A_266 = arith.constant 0 : i32
        %scan3A_267 = arith.constant 32 : i32
        %scan3A_268 = arith.addi %scan3A_266, %scan3A_267 : i32
        %scan3A_269 = arith.constant 1 : i32
        %scan3A_270 = scf.for %scan3A_278 = %scan3A_266 to %scan3A_268 step %scan3A_269 iter_args(%scan3A_279 = %scan3A_265) -> (i32)  : i32 {
          %mul3A_280 = arith.constant 16 : i32
          %mul3A_281 = arith.muli %scan3A_278, %mul3A_280 : i32
          %add3A_282 = arith.constant 0 : i32
          %add3A_283 = arith.addi %add3A_282, %mul3A_281 : i32
          %get3A = arith.index_cast %add3A_283 : i32 to index
          %get3A_284 = tpu.vector_load %arg14[%get3A] {strides = array<i32>} : memref<2048xi32, #tpu.memory_space<vmem>>, vector<16xi32>,
          %mul3A_285 = arith.constant 16 : i32
          %mul3A_286 = arith.muli %scan3A_278, %mul3A_285 : i32
          %swap3A = arith.index_cast %mul3A_286 : i32 to index
          %swap3A_287 = tpu.vector_load %arg16[%swap3A] {strides = array<i32>} : memref<512xi32, #tpu.memory_space<vmem>>, vector<16xi32>,
          tpu.vector_store %arg16[%swap3A], %get3A_284 {strides = array<i32>} : memref<512xi32, #tpu.memory_space<vmem>>, vector<16xi32>,
          %mul3A_288 = arith.constant 16 : i32
          %mul3A_289 = arith.muli %scan3A_278, %mul3A_288 : i32
          %add3A_290 = arith.constant 0 : i32
          %add3A_291 = arith.addi %add3A_290, %mul3A_289 : i32
          %get3A_292 = arith.index_cast %add3A_291 : i32 to index
          %get3A_293 = tpu.vector_load %arg15[%get3A_292] {strides = array<i32>} : memref<2048xi32, #tpu.memory_space<vmem>>, vector<16xi32>,
          %mul3A_294 = arith.constant 16 : i32
          %mul3A_295 = arith.muli %scan3A_278, %mul3A_294 : i32
          %swap3A_296 = arith.index_cast %mul3A_295 : i32 to index
          %swap3A_297 = tpu.vector_load %arg17[%swap3A_296] {strides = array<i32>} : memref<512xi32, #tpu.memory_space<vmem>>, vector<16xi32>,
          tpu.vector_store %arg17[%swap3A_296], %get3A_293 {strides = array<i32>} : memref<512xi32, #tpu.memory_space<vmem>>, vector<16xi32>,
          %scan3A_298 = arith.constant 0 : i32
          scf.yield %scan3A_298 : i32
        }
        %scan3A_271 = arith.constant 32 : i32
        %dma_start3A_272 = arith.constant 0 : i32
        %dma_start3A_273 = arith.constant 0 : i32
        %dma_start3A_274 = tpu.memref_slice %arg2[%dma_start3A_272, %dma_start3A_273] : memref<50048x64xbf16, #tpu.memory_space<hbm>> -> memref<50048x64xbf16, #tpu.memory_space<hbm>>
        tpu.enqueue_indirect_dma source(%dma_start3A_274 : memref<50048x64xbf16, #tpu.memory_space<hbm>>) target(%arg18 : memref<512x64xbf16, #tpu.memory_space<vmem>>) offsets(%arg16 : memref<512xi32, #tpu.memory_space<vmem>>) semaphore(%arg22 : memref<!tpu.dma_semaphore, #tpu.memory_space<semaphore_mem>>)
        %dma_wait3A_275 = arith.constant 0 : i32
        %dma_wait3A_276 = arith.constant 0 : i32
        %dma_wait3A_277 = tpu.memref_slice %arg2[%dma_wait3A_275, %dma_wait3A_276] : memref<50048x64xbf16, #tpu.memory_space<hbm>> -> memref<50048x64xbf16, #tpu.memory_space<hbm>>
        tpu.wait_indirect_dma semaphore(%arg22 : memref<!tpu.dma_semaphore, #tpu.memory_space<semaphore_mem>>) src(%dma_wait3A_277 : memref<50048x64xbf16, #tpu.memory_space<hbm>>) dst(%arg18 : memref<512x64xbf16, #tpu.memory_space<vmem>>)
        "tpu.region"() ({
          %run_scoped3A_278 = tpu.sem_alloc : memref<!tpu.dma_semaphore, #tpu.memory_space<semaphore_mem>>
          %dma_start3A_279 = arith.constant 0 : i32
          %dma_start3A_280 = arith.constant 0 : i32
          %dma_start3A_281 = tpu.memref_slice %arg19[%dma_start3A_279, %dma_start3A_280] : memref<49216x64xbf16, #tpu.memory_space<vmem_shared>> -> memref<49216x64xbf16, #tpu.memory_space<vmem_shared>>
          tpu.enqueue_indirect_dma source(%arg18 : memref<512x64xbf16, #tpu.memory_space<vmem>>) target(%dma_start3A_281 : memref<49216x64xbf16, #tpu.memory_space<vmem_shared>>) offsets(%arg17 : memref<512xi32, #tpu.memory_space<vmem>>) semaphore(%run_scoped3A_278 : memref<!tpu.dma_semaphore, #tpu.memory_space<semaphore_mem>>) {add = true}
          %dma_wait3A_282 = arith.constant 0 : i32
          %dma_wait3A_283 = arith.constant 0 : i32
          %dma_wait3A_284 = tpu.memref_slice %arg19[%dma_wait3A_282, %dma_wait3A_283] : memref<49216x64xbf16, #tpu.memory_space<vmem_shared>> -> memref<49216x64xbf16, #tpu.memory_space<vmem_shared>>
          tpu.wait_indirect_dma semaphore(%run_scoped3A_278 : memref<!tpu.dma_semaphore, #tpu.memory_space<semaphore_mem>>) src(%arg18 : memref<512x64xbf16, #tpu.memory_space<vmem>>) dst(%dma_wait3A_284 : memref<49216x64xbf16, #tpu.memory_space<vmem_shared>>)
          tpu.yield
        }) : () -> ()
      } else {
      }
      %ge3A_160 = arith.constant 1024 : i32
      %ge3A_161 = arith.cmpi sge, %scan3A_154, %ge3A_160 : i32
      %convert_element_type3A_162 = arith.extui %ge3A_161 : i1 to i32
      %cond3A_163 = arith.constant 0 : i32
      %cond3A_164 = arith.cmpi ne, %convert_element_type3A_162, %cond3A_163 : i32
      scf.if %cond3A_164 {
        %scan3A_265 = arith.constant 0 : i32
        %scan3A_266 = arith.constant 0 : i32
        %scan3A_267 = arith.constant 32 : i32
        %scan3A_268 = arith.addi %scan3A_266, %scan3A_267 : i32
        %scan3A_269 = arith.constant 1 : i32
        %scan3A_270 = scf.for %scan3A_278 = %scan3A_266 to %scan3A_268 step %scan3A_269 iter_args(%scan3A_279 = %scan3A_265) -> (i32)  : i32 {
          %mul3A_280 = arith.constant 16 : i32
          %mul3A_281 = arith.muli %scan3A_278, %mul3A_280 : i32
          %add3A_282 = arith.constant 512 : i32
          %add3A_283 = arith.addi %add3A_282, %mul3A_281 : i32
          %get3A = arith.index_cast %add3A_283 : i32 to index
          %get3A_284 = tpu.vector_load %arg14[%get3A] {strides = array<i32>} : memref<2048xi32, #tpu.memory_space<vmem>>, vector<16xi32>,
          %mul3A_285 = arith.constant 16 : i32
          %mul3A_286 = arith.muli %scan3A_278, %mul3A_285 : i32
          %swap3A = arith.index_cast %mul3A_286 : i32 to index
          %swap3A_287 = tpu.vector_load %arg16[%swap3A] {strides = array<i32>} : memref<512xi32, #tpu.memory_space<vmem>>, vector<16xi32>,
          tpu.vector_store %arg16[%swap3A], %get3A_284 {strides = array<i32>} : memref<512xi32, #tpu.memory_space<vmem>>, vector<16xi32>,
          %mul3A_288 = arith.constant 16 : i32
          %mul3A_289 = arith.muli %scan3A_278, %mul3A_288 : i32
          %add3A_290 = arith.constant 512 : i32
          %add3A_291 = arith.addi %add3A_290, %mul3A_289 : i32
          %get3A_292 = arith.index_cast %add3A_291 : i32 to index
          %get3A_293 = tpu.vector_load %arg15[%get3A_292] {strides = array<i32>} : memref<2048xi32, #tpu.memory_space<vmem>>, vector<16xi32>,
          %mul3A_294 = arith.constant 16 : i32
          %mul3A_295 = arith.muli %scan3A_278, %mul3A_294 : i32
          %swap3A_296 = arith.index_cast %mul3A_295 : i32 to index
          %swap3A_297 = tpu.vector_load %arg17[%swap3A_296] {strides = array<i32>} : memref<512xi32, #tpu.memory_space<vmem>>, vector<16xi32>,
          tpu.vector_store %arg17[%swap3A_296], %get3A_293 {strides = array<i32>} : memref<512xi32, #tpu.memory_space<vmem>>, vector<16xi32>,
          %scan3A_298 = arith.constant 0 : i32
          scf.yield %scan3A_298 : i32
        }
        %scan3A_271 = arith.constant 32 : i32
        %dma_start3A_272 = arith.constant 0 : i32
        %dma_start3A_273 = arith.constant 0 : i32
        %dma_start3A_274 = tpu.memref_slice %arg2[%dma_start3A_272, %dma_start3A_273] : memref<50048x64xbf16, #tpu.memory_space<hbm>> -> memref<50048x64xbf16, #tpu.memory_space<hbm>>
        tpu.enqueue_indirect_dma source(%dma_start3A_274 : memref<50048x64xbf16, #tpu.memory_space<hbm>>) target(%arg18 : memref<512x64xbf16, #tpu.memory_space<vmem>>) offsets(%arg16 : memref<512xi32, #tpu.memory_space<vmem>>) semaphore(%arg22 : memref<!tpu.dma_semaphore, #tpu.memory_space<semaphore_mem>>)
        %dma_wait3A_275 = arith.constant 0 : i32
        %dma_wait3A_276 = arith.constant 0 : i32
        %dma_wait3A_277 = tpu.memref_slice %arg2[%dma_wait3A_275, %dma_wait3A_276] : memref<50048x64xbf16, #tpu.memory_space<hbm>> -> memref<50048x64xbf16, #tpu.memory_space<hbm>>
        tpu.wait_indirect_dma semaphore(%arg22 : memref<!tpu.dma_semaphore, #tpu.memory_space<semaphore_mem>>) src(%dma_wait3A_277 : memref<50048x64xbf16, #tpu.memory_space<hbm>>) dst(%arg18 : memref<512x64xbf16, #tpu.memory_space<vmem>>)
        "tpu.region"() ({
          %run_scoped3A_278 = tpu.sem_alloc : memref<!tpu.dma_semaphore, #tpu.memory_space<semaphore_mem>>
          %dma_start3A_279 = arith.constant 0 : i32
          %dma_start3A_280 = arith.constant 0 : i32
          %dma_start3A_281 = tpu.memref_slice %arg19[%dma_start3A_279, %dma_start3A_280] : memref<49216x64xbf16, #tpu.memory_space<vmem_shared>> -> memref<49216x64xbf16, #tpu.memory_space<vmem_shared>>
          tpu.enqueue_indirect_dma source(%arg18 : memref<512x64xbf16, #tpu.memory_space<vmem>>) target(%dma_start3A_281 : memref<49216x64xbf16, #tpu.memory_space<vmem_shared>>) offsets(%arg17 : memref<512xi32, #tpu.memory_space<vmem>>) semaphore(%run_scoped3A_278 : memref<!tpu.dma_semaphore, #tpu.memory_space<semaphore_mem>>) {add = true}
          %dma_wait3A_282 = arith.constant 0 : i32
          %dma_wait3A_283 = arith.constant 0 : i32
          %dma_wait3A_284 = tpu.memref_slice %arg19[%dma_wait3A_282, %dma_wait3A_283] : memref<49216x64xbf16, #tpu.memory_space<vmem_shared>> -> memref<49216x64xbf16, #tpu.memory_space<vmem_shared>>
          tpu.wait_indirect_dma semaphore(%run_scoped3A_278 : memref<!tpu.dma_semaphore, #tpu.memory_space<semaphore_mem>>) src(%arg18 : memref<512x64xbf16, #tpu.memory_space<vmem>>) dst(%dma_wait3A_284 : memref<49216x64xbf16, #tpu.memory_space<vmem_shared>>)
          tpu.yield
        }) : () -> ()
      } else {
      }
      %jit3A = arith.constant 512 : i32
      %div3A = arith.divsi %scan3A_154, %jit3A : i32
      %sign3A = arith.constant 0 : i32
      %sign3A_165 = arith.cmpi sgt, %scan3A_154, %sign3A : i32
      %sign3A_166 = arith.extui %sign3A_165 : i1 to i32
      %sign3A_167 = arith.constant 0 : i32
      %sign3A_168 = arith.cmpi slt, %scan3A_154, %sign3A_167 : i32
      %sign3A_169 = arith.extui %sign3A_168 : i1 to i32
      %sign3A_170 = arith.subi %sign3A_166, %sign3A_169 : i32
      %sign3A_171 = arith.constant 0 : i32
      %sign3A_172 = arith.cmpi sgt, %jit3A, %sign3A_171 : i32
      %sign3A_173 = arith.extui %sign3A_172 : i1 to i32
      %sign3A_174 = arith.constant 0 : i32
      %sign3A_175 = arith.cmpi slt, %jit3A, %sign3A_174 : i32
      %sign3A_176 = arith.extui %sign3A_175 : i1 to i32
      %sign3A_177 = arith.subi %sign3A_173, %sign3A_176 : i32
      %ne3A = arith.cmpi ne, %sign3A_170, %sign3A_177 : i32
      %rem3A = arith.remsi %scan3A_154, %jit3A : i32
      %ne3A_178 = arith.constant 0 : i32
      %ne3A_179 = arith.cmpi ne, %rem3A, %ne3A_178 : i32
      %and3A = arith.andi %ne3A, %ne3A_179 : i1
      %sub3A = arith.constant 1 : i32
      %sub3A_180 = arith.subi %div3A, %sub3A : i32
      %select_n3A = arith.select %and3A, %sub3A_180, %div3A : i32
      %mul3A_181 = arith.constant 512 : i32
      %mul3A_182 = arith.muli %select_n3A, %mul3A_181 : i32
      %sub3A_183 = arith.subi %scan3A_154, %mul3A_182 : i32
      %gt3A_184 = arith.constant 0 : i32
      %gt3A_185 = arith.cmpi sgt, %select_n3A, %gt3A_184 : i32
      %convert_element_type3A_186 = arith.extui %gt3A_185 : i1 to i32
      %cond3A_187 = arith.constant 0 : i32
      %cond3A_188 = arith.cmpi ne, %convert_element_type3A_186, %cond3A_187 : i32
      scf.if %cond3A_188 {
        %scan3A_265 = arith.constant 0 : i32
        %scan3A_266 = arith.constant 0 : i32
        %scan3A_267 = arith.constant 32 : i32
        %scan3A_268 = arith.addi %scan3A_266, %scan3A_267 : i32
        %scan3A_269 = arith.constant 1 : i32
        %scan3A_270 = scf.for %scan3A_272 = %scan3A_266 to %scan3A_268 step %scan3A_269 iter_args(%scan3A_273 = %scan3A_265) -> (i32)  : i32 {
          %mul3A_274 = arith.constant 512 : i32
          %mul3A_275 = arith.muli %select_n3A, %mul3A_274 : i32
          %mul3A_276 = arith.constant 16 : i32
          %mul3A_277 = arith.muli %scan3A_272, %mul3A_276 : i32
          %add3A_278 = arith.addi %mul3A_275, %mul3A_277 : i32
          %get3A = arith.index_cast %add3A_278 : i32 to index
          %get3A_279 = tpu.vector_load %arg14[%get3A] {strides = array<i32>} : memref<2048xi32, #tpu.memory_space<vmem>>, vector<16xi32>,
          %mul3A_280 = arith.constant 16 : i32
          %mul3A_281 = arith.muli %scan3A_272, %mul3A_280 : i32
          %swap3A = arith.index_cast %mul3A_281 : i32 to index
          %swap3A_282 = tpu.vector_load %arg14[%swap3A] {strides = array<i32>} : memref<2048xi32, #tpu.memory_space<vmem>>, vector<16xi32>,
          tpu.vector_store %arg14[%swap3A], %get3A_279 {strides = array<i32>} : memref<2048xi32, #tpu.memory_space<vmem>>, vector<16xi32>,
          %mul3A_283 = arith.constant 512 : i32
          %mul3A_284 = arith.muli %select_n3A, %mul3A_283 : i32
          %mul3A_285 = arith.constant 16 : i32
          %mul3A_286 = arith.muli %scan3A_272, %mul3A_285 : i32
          %add3A_287 = arith.addi %mul3A_284, %mul3A_286 : i32
          %get3A_288 = arith.index_cast %add3A_287 : i32 to index
          %get3A_289 = tpu.vector_load %arg15[%get3A_288] {strides = array<i32>} : memref<2048xi32, #tpu.memory_space<vmem>>, vector<16xi32>,
          %mul3A_290 = arith.constant 16 : i32
          %mul3A_291 = arith.muli %scan3A_272, %mul3A_290 : i32
          %swap3A_292 = arith.index_cast %mul3A_291 : i32 to index
          %swap3A_293 = tpu.vector_load %arg15[%swap3A_292] {strides = array<i32>} : memref<2048xi32, #tpu.memory_space<vmem>>, vector<16xi32>,
          tpu.vector_store %arg15[%swap3A_292], %get3A_289 {strides = array<i32>} : memref<2048xi32, #tpu.memory_space<vmem>>, vector<16xi32>,
          %scan3A_294 = arith.constant 0 : i32
          scf.yield %scan3A_294 : i32
        }
        %scan3A_271 = arith.constant 32 : i32
      } else {
      }
      %mul3A_189 = arith.constant 2 : i32
      %mul3A_190 = arith.muli %mul3A_189, %scan3A_124 : i32
      %add3A_191 = arith.constant 1 : i32
      %add3A_192 = arith.addi %mul3A_190, %add3A_191 : i32
      %mul3A_193 = arith.constant 1024 : i32
      %mul3A_194 = arith.muli %add3A_192, %mul3A_193 : i32
      %add3A_195 = arith.addi %mul3A_0, %mul3A_194 : i32
      %dma_wait3A_196 = tpu.memref_slice %arg3[%add3A_195] : memref<819200xi32, #tpu.memory_space<hbm>> -> memref<1024xi32, #tpu.memory_space<hbm>>
      %dma_wait3A_197 = tpu.memref_slice %arg3[%add3A_195] : memref<819200xi32, #tpu.memory_space<hbm>> -> memref<1024xi32, #tpu.memory_space<hbm>>
      tpu.wait_dma2 semaphore(%arg21 : memref<!tpu.dma_semaphore, #tpu.memory_space<semaphore_mem>>) src(%dma_wait3A_197 : memref<1024xi32, #tpu.memory_space<hbm>>) dst(%arg11 : memref<1024xi32, #tpu.memory_space<vmem>>)
      %dma_wait3A_198 = tpu.memref_slice %arg4[%add3A_195] : memref<819200xi32, #tpu.memory_space<hbm>> -> memref<1024xi32, #tpu.memory_space<hbm>>
      %dma_wait3A_199 = tpu.memref_slice %arg4[%add3A_195] : memref<819200xi32, #tpu.memory_space<hbm>> -> memref<1024xi32, #tpu.memory_space<hbm>>
      tpu.wait_dma2 semaphore(%arg21 : memref<!tpu.dma_semaphore, #tpu.memory_space<semaphore_mem>>) src(%dma_wait3A_199 : memref<1024xi32, #tpu.memory_space<hbm>>) dst(%arg12 : memref<1024xi32, #tpu.memory_space<vmem>>)
      %dma_wait3A_200 = tpu.memref_slice %arg5[%add3A_195] : memref<819200xi32, #tpu.memory_space<hbm>> -> memref<1024xi32, #tpu.memory_space<hbm>>
      %dma_wait3A_201 = tpu.memref_slice %arg5[%add3A_195] : memref<819200xi32, #tpu.memory_space<hbm>> -> memref<1024xi32, #tpu.memory_space<hbm>>
      tpu.wait_dma2 semaphore(%arg21 : memref<!tpu.dma_semaphore, #tpu.memory_space<semaphore_mem>>) src(%dma_wait3A_201 : memref<1024xi32, #tpu.memory_space<hbm>>) dst(%arg13 : memref<1024xi32, #tpu.memory_space<vmem>>)
      %mul3A_202 = arith.constant 2 : i32
      %mul3A_203 = arith.muli %mul3A_202, %scan3A_124 : i32
      %add3A_204 = arith.constant 2 : i32
      %add3A_205 = arith.addi %mul3A_203, %add3A_204 : i32
      %rem3A_206 = arith.constant 50 : i32
      %rem3A_207 = arith.remsi %add3A_205, %rem3A_206 : i32
      %mul3A_208 = arith.constant 1024 : i32
      %mul3A_209 = arith.muli %rem3A_207, %mul3A_208 : i32
      %add3A_210 = arith.addi %mul3A_0, %mul3A_209 : i32
      %dma_start3A_211 = tpu.memref_slice %arg3[%add3A_210] : memref<819200xi32, #tpu.memory_space<hbm>> -> memref<1024xi32, #tpu.memory_space<hbm>>
      %dma_start3A_212 = tpu.memref_slice %arg3[%add3A_210] : memref<819200xi32, #tpu.memory_space<hbm>> -> memref<1024xi32, #tpu.memory_space<hbm>>
      tpu.enqueue_dma source(%dma_start3A_212 : memref<1024xi32, #tpu.memory_space<hbm>>) target(%arg8 : memref<1024xi32, #tpu.memory_space<vmem>>) target_semaphore(%arg20 : memref<!tpu.dma_semaphore, #tpu.memory_space<semaphore_mem>>)
      %dma_start3A_213 = tpu.memref_slice %arg4[%add3A_210] : memref<819200xi32, #tpu.memory_space<hbm>> -> memref<1024xi32, #tpu.memory_space<hbm>>
      %dma_start3A_214 = tpu.memref_slice %arg4[%add3A_210] : memref<819200xi32, #tpu.memory_space<hbm>> -> memref<1024xi32, #tpu.memory_space<hbm>>
      tpu.enqueue_dma source(%dma_start3A_214 : memref<1024xi32, #tpu.memory_space<hbm>>) target(%arg9 : memref<1024xi32, #tpu.memory_space<vmem>>) target_semaphore(%arg20 : memref<!tpu.dma_semaphore, #tpu.memory_space<semaphore_mem>>)
      %dma_start3A_215 = tpu.memref_slice %arg5[%add3A_210] : memref<819200xi32, #tpu.memory_space<hbm>> -> memref<1024xi32, #tpu.memory_space<hbm>>
      %dma_start3A_216 = tpu.memref_slice %arg5[%add3A_210] : memref<819200xi32, #tpu.memory_space<hbm>> -> memref<1024xi32, #tpu.memory_space<hbm>>
      tpu.enqueue_dma source(%dma_start3A_216 : memref<1024xi32, #tpu.memory_space<hbm>>) target(%arg10 : memref<1024xi32, #tpu.memory_space<vmem>>) target_semaphore(%arg20 : memref<!tpu.dma_semaphore, #tpu.memory_space<semaphore_mem>>)
      %scan3A_217 = arith.constant 0 : i32
      %scan3A_218 = arith.constant 64 : i32
      %scan3A_219 = arith.addi %scan3A_217, %scan3A_218 : i32
      %scan3A_220 = arith.constant 1 : i32
      %scan3A_221 = scf.for %scan3A_265 = %scan3A_217 to %scan3A_219 step %scan3A_220 iter_args(%scan3A_266 = %sub3A_183) -> (i32)  : i32 {
        %mul3A_267 = arith.constant 16 : i32
        %mul3A_268 = arith.muli %scan3A_265, %mul3A_267 : i32
        %get3A = arith.index_cast %mul3A_268 : i32 to index
        %get3A_269 = tpu.vector_load %arg11[%get3A] {strides = array<i32>} : memref<1024xi32, #tpu.memory_space<vmem>>, vector<16xi32>,
        %mul3A_270 = arith.constant 16 : i32
        %mul3A_271 = arith.muli %scan3A_265, %mul3A_270 : i32
        %get3A_272 = arith.index_cast %mul3A_271 : i32 to index
        %get3A_273 = tpu.vector_load %arg12[%get3A_272] {strides = array<i32>} : memref<1024xi32, #tpu.memory_space<vmem>>, vector<16xi32>,
        %mul3A_274 = arith.constant 16 : i32
        %mul3A_275 = arith.muli %scan3A_265, %mul3A_274 : i32
        %get3A_276 = arith.index_cast %mul3A_275 : i32 to index
        %get3A_277 = tpu.vector_load %arg13[%get3A_276] {strides = array<i32>} : memref<1024xi32, #tpu.memory_space<vmem>>, vector<16xi32>,
        %shift_right_arithmetic3A = arith.constant 14 : i32
        %shift_right_arithmetic3A_278 = vector.broadcast %shift_right_arithmetic3A : i32 to vector<16xi32>
        %shift_right_arithmetic3A_279 = arith.shrsi %get3A_273, %shift_right_arithmetic3A_278 : vector<16xi32>
        %eq3A = vector.broadcast %add3A_59 : i32 to vector<16xi32>
        %eq3A_280 = arith.cmpi eq, %shift_right_arithmetic3A_279, %eq3A : vector<16xi32>
        %shift_left3A = arith.constant 14 : i32
        %shift_left3A_281 = vector.broadcast %shift_left3A : i32 to vector<16xi32>
        %shift_left3A_282 = arith.shli %get3A_277, %shift_left3A_281 : vector<16xi32>
        %and3A_283 = arith.constant 16383 : i32
        %and3A_284 = vector.broadcast %and3A_283 : i32 to vector<16xi32>
        %and3A_285 = arith.andi %get3A_273, %and3A_284 : vector<16xi32>
        %add3A_286 = arith.addi %shift_left3A_282, %and3A_285 : vector<16xi32>
        %convert_element_type3A_287 = arith.extui %eq3A_280 : vector<16xi1> to vector<16xi32>
        %cumsum3A = arith.constant true
        %cumsum3A_288 = vector.broadcast %cumsum3A : i1 to vector<16xi1>
        %cumsum3A_289 = tpu.scan <sum>, %convert_element_type3A_287 masked %cumsum3A_288 : vector<16xi32>, vector<16xi1> -> vector<16xi32>
        %add3A_290 = vector.broadcast %scan3A_266 : i32 to vector<16xi32>
        %add3A_291 = arith.addi %add3A_290, %cumsum3A_289 : vector<16xi32>
        %sub3A_292 = arith.constant 1 : i32
        %sub3A_293 = vector.broadcast %sub3A_292 : i32 to vector<16xi32>
        %sub3A_294 = arith.subi %add3A_291, %sub3A_293 : vector<16xi32>
        tpu.vector_store_idx %arg14[%sub3A_294], %get3A_269 masked %eq3A_280 : memref<2048xi32, #tpu.memory_space<vmem>>[vector<16xi32>], vector<16xi32>, vector<16xi1>
        tpu.vector_store_idx %arg15[%sub3A_294], %add3A_286 masked %eq3A_280 : memref<2048xi32, #tpu.memory_space<vmem>>[vector<16xi32>], vector<16xi32>, vector<16xi1>
        %reduce_sum3A = arith.constant true
        %reduce_sum3A_295 = vector.broadcast %reduce_sum3A : i1 to vector<16xi1>
        %reduce_sum3A_296 = tpu.scan <sum>, %convert_element_type3A_287 masked %reduce_sum3A_295 : vector<16xi32>, vector<16xi1> -> vector<16xi32>
        %reduce_sum3A_297 = vector.extract %reduce_sum3A_296[15] : i32 from vector<16xi32>
        %add3A_298 = arith.addi %scan3A_266, %reduce_sum3A_297 : i32
        scf.yield %add3A_298 : i32
      }
      %scan3A_222 = arith.constant 64 : i32
      %ge3A_223 = arith.constant 512 : i32
      %ge3A_224 = arith.cmpi sge, %scan3A_221, %ge3A_223 : i32
      %convert_element_type3A_225 = arith.extui %ge3A_224 : i1 to i32
      %cond3A_226 = arith.constant 0 : i32
      %cond3A_227 = arith.cmpi ne, %convert_element_type3A_225, %cond3A_226 : i32
      scf.if %cond3A_227 {
        %scan3A_265 = arith.constant 0 : i32
        %scan3A_266 = arith.constant 0 : i32
        %scan3A_267 = arith.constant 32 : i32
        %scan3A_268 = arith.addi %scan3A_266, %scan3A_267 : i32
        %scan3A_269 = arith.constant 1 : i32
        %scan3A_270 = scf.for %scan3A_278 = %scan3A_266 to %scan3A_268 step %scan3A_269 iter_args(%scan3A_279 = %scan3A_265) -> (i32)  : i32 {
          %mul3A_280 = arith.constant 16 : i32
          %mul3A_281 = arith.muli %scan3A_278, %mul3A_280 : i32
          %add3A_282 = arith.constant 0 : i32
          %add3A_283 = arith.addi %add3A_282, %mul3A_281 : i32
          %get3A = arith.index_cast %add3A_283 : i32 to index
          %get3A_284 = tpu.vector_load %arg14[%get3A] {strides = array<i32>} : memref<2048xi32, #tpu.memory_space<vmem>>, vector<16xi32>,
          %mul3A_285 = arith.constant 16 : i32
          %mul3A_286 = arith.muli %scan3A_278, %mul3A_285 : i32
          %swap3A = arith.index_cast %mul3A_286 : i32 to index
          %swap3A_287 = tpu.vector_load %arg16[%swap3A] {strides = array<i32>} : memref<512xi32, #tpu.memory_space<vmem>>, vector<16xi32>,
          tpu.vector_store %arg16[%swap3A], %get3A_284 {strides = array<i32>} : memref<512xi32, #tpu.memory_space<vmem>>, vector<16xi32>,
          %mul3A_288 = arith.constant 16 : i32
          %mul3A_289 = arith.muli %scan3A_278, %mul3A_288 : i32
          %add3A_290 = arith.constant 0 : i32
          %add3A_291 = arith.addi %add3A_290, %mul3A_289 : i32
          %get3A_292 = arith.index_cast %add3A_291 : i32 to index
          %get3A_293 = tpu.vector_load %arg15[%get3A_292] {strides = array<i32>} : memref<2048xi32, #tpu.memory_space<vmem>>, vector<16xi32>,
          %mul3A_294 = arith.constant 16 : i32
          %mul3A_295 = arith.muli %scan3A_278, %mul3A_294 : i32
          %swap3A_296 = arith.index_cast %mul3A_295 : i32 to index
          %swap3A_297 = tpu.vector_load %arg17[%swap3A_296] {strides = array<i32>} : memref<512xi32, #tpu.memory_space<vmem>>, vector<16xi32>,
          tpu.vector_store %arg17[%swap3A_296], %get3A_293 {strides = array<i32>} : memref<512xi32, #tpu.memory_space<vmem>>, vector<16xi32>,
          %scan3A_298 = arith.constant 0 : i32
          scf.yield %scan3A_298 : i32
        }
        %scan3A_271 = arith.constant 32 : i32
        %dma_start3A_272 = arith.constant 0 : i32
        %dma_start3A_273 = arith.constant 0 : i32
        %dma_start3A_274 = tpu.memref_slice %arg2[%dma_start3A_272, %dma_start3A_273] : memref<50048x64xbf16, #tpu.memory_space<hbm>> -> memref<50048x64xbf16, #tpu.memory_space<hbm>>
        tpu.enqueue_indirect_dma source(%dma_start3A_274 : memref<50048x64xbf16, #tpu.memory_space<hbm>>) target(%arg18 : memref<512x64xbf16, #tpu.memory_space<vmem>>) offsets(%arg16 : memref<512xi32, #tpu.memory_space<vmem>>) semaphore(%arg22 : memref<!tpu.dma_semaphore, #tpu.memory_space<semaphore_mem>>)
        %dma_wait3A_275 = arith.constant 0 : i32
        %dma_wait3A_276 = arith.constant 0 : i32
        %dma_wait3A_277 = tpu.memref_slice %arg2[%dma_wait3A_275, %dma_wait3A_276] : memref<50048x64xbf16, #tpu.memory_space<hbm>> -> memref<50048x64xbf16, #tpu.memory_space<hbm>>
        tpu.wait_indirect_dma semaphore(%arg22 : memref<!tpu.dma_semaphore, #tpu.memory_space<semaphore_mem>>) src(%dma_wait3A_277 : memref<50048x64xbf16, #tpu.memory_space<hbm>>) dst(%arg18 : memref<512x64xbf16, #tpu.memory_space<vmem>>)
        "tpu.region"() ({
          %run_scoped3A_278 = tpu.sem_alloc : memref<!tpu.dma_semaphore, #tpu.memory_space<semaphore_mem>>
          %dma_start3A_279 = arith.constant 0 : i32
          %dma_start3A_280 = arith.constant 0 : i32
          %dma_start3A_281 = tpu.memref_slice %arg19[%dma_start3A_279, %dma_start3A_280] : memref<49216x64xbf16, #tpu.memory_space<vmem_shared>> -> memref<49216x64xbf16, #tpu.memory_space<vmem_shared>>
          tpu.enqueue_indirect_dma source(%arg18 : memref<512x64xbf16, #tpu.memory_space<vmem>>) target(%dma_start3A_281 : memref<49216x64xbf16, #tpu.memory_space<vmem_shared>>) offsets(%arg17 : memref<512xi32, #tpu.memory_space<vmem>>) semaphore(%run_scoped3A_278 : memref<!tpu.dma_semaphore, #tpu.memory_space<semaphore_mem>>) {add = true}
          %dma_wait3A_282 = arith.constant 0 : i32
          %dma_wait3A_283 = arith.constant 0 : i32
          %dma_wait3A_284 = tpu.memref_slice %arg19[%dma_wait3A_282, %dma_wait3A_283] : memref<49216x64xbf16, #tpu.memory_space<vmem_shared>> -> memref<49216x64xbf16, #tpu.memory_space<vmem_shared>>
          tpu.wait_indirect_dma semaphore(%run_scoped3A_278 : memref<!tpu.dma_semaphore, #tpu.memory_space<semaphore_mem>>) src(%arg18 : memref<512x64xbf16, #tpu.memory_space<vmem>>) dst(%dma_wait3A_284 : memref<49216x64xbf16, #tpu.memory_space<vmem_shared>>)
          tpu.yield
        }) : () -> ()
      } else {
      }
      %ge3A_228 = arith.constant 1024 : i32
      %ge3A_229 = arith.cmpi sge, %scan3A_221, %ge3A_228 : i32
      %convert_element_type3A_230 = arith.extui %ge3A_229 : i1 to i32
      %cond3A_231 = arith.constant 0 : i32
      %cond3A_232 = arith.cmpi ne, %convert_element_type3A_230, %cond3A_231 : i32
      scf.if %cond3A_232 {
        %scan3A_265 = arith.constant 0 : i32
        %scan3A_266 = arith.constant 0 : i32
        %scan3A_267 = arith.constant 32 : i32
        %scan3A_268 = arith.addi %scan3A_266, %scan3A_267 : i32
        %scan3A_269 = arith.constant 1 : i32
        %scan3A_270 = scf.for %scan3A_278 = %scan3A_266 to %scan3A_268 step %scan3A_269 iter_args(%scan3A_279 = %scan3A_265) -> (i32)  : i32 {
          %mul3A_280 = arith.constant 16 : i32
          %mul3A_281 = arith.muli %scan3A_278, %mul3A_280 : i32
          %add3A_282 = arith.constant 512 : i32
          %add3A_283 = arith.addi %add3A_282, %mul3A_281 : i32
          %get3A = arith.index_cast %add3A_283 : i32 to index
          %get3A_284 = tpu.vector_load %arg14[%get3A] {strides = array<i32>} : memref<2048xi32, #tpu.memory_space<vmem>>, vector<16xi32>,
          %mul3A_285 = arith.constant 16 : i32
          %mul3A_286 = arith.muli %scan3A_278, %mul3A_285 : i32
          %swap3A = arith.index_cast %mul3A_286 : i32 to index
          %swap3A_287 = tpu.vector_load %arg16[%swap3A] {strides = array<i32>} : memref<512xi32, #tpu.memory_space<vmem>>, vector<16xi32>,
          tpu.vector_store %arg16[%swap3A], %get3A_284 {strides = array<i32>} : memref<512xi32, #tpu.memory_space<vmem>>, vector<16xi32>,
          %mul3A_288 = arith.constant 16 : i32
          %mul3A_289 = arith.muli %scan3A_278, %mul3A_288 : i32
          %add3A_290 = arith.constant 512 : i32
          %add3A_291 = arith.addi %add3A_290, %mul3A_289 : i32
          %get3A_292 = arith.index_cast %add3A_291 : i32 to index
          %get3A_293 = tpu.vector_load %arg15[%get3A_292] {strides = array<i32>} : memref<2048xi32, #tpu.memory_space<vmem>>, vector<16xi32>,
          %mul3A_294 = arith.constant 16 : i32
          %mul3A_295 = arith.muli %scan3A_278, %mul3A_294 : i32
          %swap3A_296 = arith.index_cast %mul3A_295 : i32 to index
          %swap3A_297 = tpu.vector_load %arg17[%swap3A_296] {strides = array<i32>} : memref<512xi32, #tpu.memory_space<vmem>>, vector<16xi32>,
          tpu.vector_store %arg17[%swap3A_296], %get3A_293 {strides = array<i32>} : memref<512xi32, #tpu.memory_space<vmem>>, vector<16xi32>,
          %scan3A_298 = arith.constant 0 : i32
          scf.yield %scan3A_298 : i32
        }
        %scan3A_271 = arith.constant 32 : i32
        %dma_start3A_272 = arith.constant 0 : i32
        %dma_start3A_273 = arith.constant 0 : i32
        %dma_start3A_274 = tpu.memref_slice %arg2[%dma_start3A_272, %dma_start3A_273] : memref<50048x64xbf16, #tpu.memory_space<hbm>> -> memref<50048x64xbf16, #tpu.memory_space<hbm>>
        tpu.enqueue_indirect_dma source(%dma_start3A_274 : memref<50048x64xbf16, #tpu.memory_space<hbm>>) target(%arg18 : memref<512x64xbf16, #tpu.memory_space<vmem>>) offsets(%arg16 : memref<512xi32, #tpu.memory_space<vmem>>) semaphore(%arg22 : memref<!tpu.dma_semaphore, #tpu.memory_space<semaphore_mem>>)
        %dma_wait3A_275 = arith.constant 0 : i32
        %dma_wait3A_276 = arith.constant 0 : i32
        %dma_wait3A_277 = tpu.memref_slice %arg2[%dma_wait3A_275, %dma_wait3A_276] : memref<50048x64xbf16, #tpu.memory_space<hbm>> -> memref<50048x64xbf16, #tpu.memory_space<hbm>>
        tpu.wait_indirect_dma semaphore(%arg22 : memref<!tpu.dma_semaphore, #tpu.memory_space<semaphore_mem>>) src(%dma_wait3A_277 : memref<50048x64xbf16, #tpu.memory_space<hbm>>) dst(%arg18 : memref<512x64xbf16, #tpu.memory_space<vmem>>)
        "tpu.region"() ({
          %run_scoped3A_278 = tpu.sem_alloc : memref<!tpu.dma_semaphore, #tpu.memory_space<semaphore_mem>>
          %dma_start3A_279 = arith.constant 0 : i32
          %dma_start3A_280 = arith.constant 0 : i32
          %dma_start3A_281 = tpu.memref_slice %arg19[%dma_start3A_279, %dma_start3A_280] : memref<49216x64xbf16, #tpu.memory_space<vmem_shared>> -> memref<49216x64xbf16, #tpu.memory_space<vmem_shared>>
          tpu.enqueue_indirect_dma source(%arg18 : memref<512x64xbf16, #tpu.memory_space<vmem>>) target(%dma_start3A_281 : memref<49216x64xbf16, #tpu.memory_space<vmem_shared>>) offsets(%arg17 : memref<512xi32, #tpu.memory_space<vmem>>) semaphore(%run_scoped3A_278 : memref<!tpu.dma_semaphore, #tpu.memory_space<semaphore_mem>>) {add = true}
          %dma_wait3A_282 = arith.constant 0 : i32
          %dma_wait3A_283 = arith.constant 0 : i32
          %dma_wait3A_284 = tpu.memref_slice %arg19[%dma_wait3A_282, %dma_wait3A_283] : memref<49216x64xbf16, #tpu.memory_space<vmem_shared>> -> memref<49216x64xbf16, #tpu.memory_space<vmem_shared>>
          tpu.wait_indirect_dma semaphore(%run_scoped3A_278 : memref<!tpu.dma_semaphore, #tpu.memory_space<semaphore_mem>>) src(%arg18 : memref<512x64xbf16, #tpu.memory_space<vmem>>) dst(%dma_wait3A_284 : memref<49216x64xbf16, #tpu.memory_space<vmem_shared>>)
          tpu.yield
        }) : () -> ()
      } else {
      }
      %jit3A_233 = arith.constant 512 : i32
      %div3A_234 = arith.divsi %scan3A_221, %jit3A_233 : i32
      %sign3A_235 = arith.constant 0 : i32
      %sign3A_236 = arith.cmpi sgt, %scan3A_221, %sign3A_235 : i32
      %sign3A_237 = arith.extui %sign3A_236 : i1 to i32
      %sign3A_238 = arith.constant 0 : i32
      %sign3A_239 = arith.cmpi slt, %scan3A_221, %sign3A_238 : i32
      %sign3A_240 = arith.extui %sign3A_239 : i1 to i32
      %sign3A_241 = arith.subi %sign3A_237, %sign3A_240 : i32
      %sign3A_242 = arith.constant 0 : i32
      %sign3A_243 = arith.cmpi sgt, %jit3A_233, %sign3A_242 : i32
      %sign3A_244 = arith.extui %sign3A_243 : i1 to i32
      %sign3A_245 = arith.constant 0 : i32
      %sign3A_246 = arith.cmpi slt, %jit3A_233, %sign3A_245 : i32
      %sign3A_247 = arith.extui %sign3A_246 : i1 to i32
      %sign3A_248 = arith.subi %sign3A_244, %sign3A_247 : i32
      %ne3A_249 = arith.cmpi ne, %sign3A_241, %sign3A_248 : i32
      %rem3A_250 = arith.remsi %scan3A_221, %jit3A_233 : i32
      %ne3A_251 = arith.constant 0 : i32
      %ne3A_252 = arith.cmpi ne, %rem3A_250, %ne3A_251 : i32
      %and3A_253 = arith.andi %ne3A_249, %ne3A_252 : i1
      %sub3A_254 = arith.constant 1 : i32
      %sub3A_255 = arith.subi %div3A_234, %sub3A_254 : i32
      %select_n3A_256 = arith.select %and3A_253, %sub3A_255, %div3A_234 : i32
      %mul3A_257 = arith.constant 512 : i32
      %mul3A_258 = arith.muli %select_n3A_256, %mul3A_257 : i32
      %sub3A_259 = arith.subi %scan3A_221, %mul3A_258 : i32
      %gt3A_260 = arith.constant 0 : i32
      %gt3A_261 = arith.cmpi sgt, %select_n3A_256, %gt3A_260 : i32
      %convert_element_type3A_262 = arith.extui %gt3A_261 : i1 to i32
      %cond3A_263 = arith.constant 0 : i32
      %cond3A_264 = arith.cmpi ne, %convert_element_type3A_262, %cond3A_263 : i32
      scf.if %cond3A_264 {
        %scan3A_265 = arith.constant 0 : i32
        %scan3A_266 = arith.constant 0 : i32
        %scan3A_267 = arith.constant 32 : i32
        %scan3A_268 = arith.addi %scan3A_266, %scan3A_267 : i32
        %scan3A_269 = arith.constant 1 : i32
        %scan3A_270 = scf.for %scan3A_272 = %scan3A_266 to %scan3A_268 step %scan3A_269 iter_args(%scan3A_273 = %scan3A_265) -> (i32)  : i32 {
          %mul3A_274 = arith.constant 512 : i32
          %mul3A_275 = arith.muli %select_n3A_256, %mul3A_274 : i32
          %mul3A_276 = arith.constant 16 : i32
          %mul3A_277 = arith.muli %scan3A_272, %mul3A_276 : i32
          %add3A_278 = arith.addi %mul3A_275, %mul3A_277 : i32
          %get3A = arith.index_cast %add3A_278 : i32 to index
          %get3A_279 = tpu.vector_load %arg14[%get3A] {strides = array<i32>} : memref<2048xi32, #tpu.memory_space<vmem>>, vector<16xi32>,
          %mul3A_280 = arith.constant 16 : i32
          %mul3A_281 = arith.muli %scan3A_272, %mul3A_280 : i32
          %swap3A = arith.index_cast %mul3A_281 : i32 to index
          %swap3A_282 = tpu.vector_load %arg14[%swap3A] {strides = array<i32>} : memref<2048xi32, #tpu.memory_space<vmem>>, vector<16xi32>,
          tpu.vector_store %arg14[%swap3A], %get3A_279 {strides = array<i32>} : memref<2048xi32, #tpu.memory_space<vmem>>, vector<16xi32>,
          %mul3A_283 = arith.constant 512 : i32
          %mul3A_284 = arith.muli %select_n3A_256, %mul3A_283 : i32
          %mul3A_285 = arith.constant 16 : i32
          %mul3A_286 = arith.muli %scan3A_272, %mul3A_285 : i32
          %add3A_287 = arith.addi %mul3A_284, %mul3A_286 : i32
          %get3A_288 = arith.index_cast %add3A_287 : i32 to index
          %get3A_289 = tpu.vector_load %arg15[%get3A_288] {strides = array<i32>} : memref<2048xi32, #tpu.memory_space<vmem>>, vector<16xi32>,
          %mul3A_290 = arith.constant 16 : i32
          %mul3A_291 = arith.muli %scan3A_272, %mul3A_290 : i32
          %swap3A_292 = arith.index_cast %mul3A_291 : i32 to index
          %swap3A_293 = tpu.vector_load %arg15[%swap3A_292] {strides = array<i32>} : memref<2048xi32, #tpu.memory_space<vmem>>, vector<16xi32>,
          tpu.vector_store %arg15[%swap3A_292], %get3A_289 {strides = array<i32>} : memref<2048xi32, #tpu.memory_space<vmem>>, vector<16xi32>,
          %scan3A_294 = arith.constant 0 : i32
          scf.yield %scan3A_294 : i32
        }
        %scan3A_271 = arith.constant 32 : i32
      } else {
      }
      scf.yield %sub3A_259 : i32
    }
    %scan3A_84 = arith.constant 25 : i32
    %add3A_85 = arith.constant 0 : i32
    %add3A_86 = arith.addi %mul3A_0, %add3A_85 : i32
    %dma_wait3A_87 = tpu.memref_slice %arg3[%add3A_86] : memref<819200xi32, #tpu.memory_space<hbm>> -> memref<1024xi32, #tpu.memory_space<hbm>>
    %dma_wait3A_88 = tpu.memref_slice %arg3[%add3A_86] : memref<819200xi32, #tpu.memory_space<hbm>> -> memref<1024xi32, #tpu.memory_space<hbm>>
    tpu.wait_dma2 semaphore(%arg20 : memref<!tpu.dma_semaphore, #tpu.memory_space<semaphore_mem>>) src(%dma_wait3A_88 : memref<1024xi32, #tpu.memory_space<hbm>>) dst(%arg8 : memref<1024xi32, #tpu.memory_space<vmem>>)
    %dma_wait3A_89 = tpu.memref_slice %arg4[%add3A_86] : memref<819200xi32, #tpu.memory_space<hbm>> -> memref<1024xi32, #tpu.memory_space<hbm>>
    %dma_wait3A_90 = tpu.memref_slice %arg4[%add3A_86] : memref<819200xi32, #tpu.memory_space<hbm>> -> memref<1024xi32, #tpu.memory_space<hbm>>
    tpu.wait_dma2 semaphore(%arg20 : memref<!tpu.dma_semaphore, #tpu.memory_space<semaphore_mem>>) src(%dma_wait3A_90 : memref<1024xi32, #tpu.memory_space<hbm>>) dst(%arg9 : memref<1024xi32, #tpu.memory_space<vmem>>)
    %dma_wait3A_91 = tpu.memref_slice %arg5[%add3A_86] : memref<819200xi32, #tpu.memory_space<hbm>> -> memref<1024xi32, #tpu.memory_space<hbm>>
    %dma_wait3A_92 = tpu.memref_slice %arg5[%add3A_86] : memref<819200xi32, #tpu.memory_space<hbm>> -> memref<1024xi32, #tpu.memory_space<hbm>>
    tpu.wait_dma2 semaphore(%arg20 : memref<!tpu.dma_semaphore, #tpu.memory_space<semaphore_mem>>) src(%dma_wait3A_92 : memref<1024xi32, #tpu.memory_space<hbm>>) dst(%arg10 : memref<1024xi32, #tpu.memory_space<vmem>>)
    %gt3A_93 = arith.constant 0 : i32
    %gt3A_94 = arith.cmpi sgt, %scan3A_83, %gt3A_93 : i32
    %convert_element_type3A_95 = arith.extui %gt3A_94 : i1 to i32
    %cond3A_96 = arith.constant 0 : i32
    %cond3A_97 = arith.cmpi ne, %convert_element_type3A_95, %cond3A_96 : i32
    scf.if %cond3A_97 {
      %iota3A = tpu.iota {dimensions = array<i32: 0>} : vector<16xi32>
      %scan3A_124 = arith.constant 0 : i32
      %scan3A_125 = arith.constant 0 : i32
      %scan3A_126 = arith.constant 32 : i32
      %scan3A_127 = arith.addi %scan3A_125, %scan3A_126 : i32
      %scan3A_128 = arith.constant 1 : i32
      %scan3A_129 = scf.for %scan3A_137 = %scan3A_125 to %scan3A_127 step %scan3A_128 iter_args(%scan3A_138 = %scan3A_124) -> (i32)  : i32 {
        %mul3A_139 = arith.constant 16 : i32
        %mul3A_140 = arith.muli %scan3A_137, %mul3A_139 : i32
        %add3A_141 = vector.broadcast %mul3A_140 : i32 to vector<16xi32>
        %add3A_142 = arith.addi %add3A_141, %iota3A : vector<16xi32>
        %lt3A = vector.broadcast %scan3A_83 : i32 to vector<16xi32>
        %lt3A_143 = arith.cmpi slt, %add3A_142, %lt3A : vector<16xi32>
        %mul3A_144 = arith.constant 16 : i32
        %mul3A_145 = arith.muli %scan3A_137, %mul3A_144 : i32
        %get3A = arith.index_cast %mul3A_145 : i32 to index
        %get3A_146 = tpu.vector_load %arg14[%get3A] {strides = array<i32>} : memref<2048xi32, #tpu.memory_space<vmem>>, vector<16xi32>,
        %jit3A = arith.constant 0 : i32
        %broadcast_in_dim3A = vector.broadcast %jit3A : i32 to vector<16xi32>
        %select_n3A = arith.select %lt3A_143, %get3A_146, %broadcast_in_dim3A : vector<16xi1>, vector<16xi32>
        %mul3A_147 = arith.constant 16 : i32
        %mul3A_148 = arith.muli %scan3A_137, %mul3A_147 : i32
        %swap3A = arith.index_cast %mul3A_148 : i32 to index
        %swap3A_149 = tpu.vector_load %arg16[%swap3A] {strides = array<i32>} : memref<512xi32, #tpu.memory_space<vmem>>, vector<16xi32>,
        tpu.vector_store %arg16[%swap3A], %select_n3A {strides = array<i32>} : memref<512xi32, #tpu.memory_space<vmem>>, vector<16xi32>,
        %mul3A_150 = arith.constant 16 : i32
        %mul3A_151 = arith.muli %scan3A_137, %mul3A_150 : i32
        %get3A_152 = arith.index_cast %mul3A_151 : i32 to index
        %get3A_153 = tpu.vector_load %arg15[%get3A_152] {strides = array<i32>} : memref<2048xi32, #tpu.memory_space<vmem>>, vector<16xi32>,
        %jit3A_154 = arith.constant 49152 : i32
        %broadcast_in_dim3A_155 = vector.broadcast %jit3A_154 : i32 to vector<16xi32>
        %select_n3A_156 = arith.select %lt3A_143, %get3A_153, %broadcast_in_dim3A_155 : vector<16xi1>, vector<16xi32>
        %mul3A_157 = arith.constant 16 : i32
        %mul3A_158 = arith.muli %scan3A_137, %mul3A_157 : i32
        %swap3A_159 = arith.index_cast %mul3A_158 : i32 to index
        %swap3A_160 = tpu.vector_load %arg17[%swap3A_159] {strides = array<i32>} : memref<512xi32, #tpu.memory_space<vmem>>, vector<16xi32>,
        tpu.vector_store %arg17[%swap3A_159], %select_n3A_156 {strides = array<i32>} : memref<512xi32, #tpu.memory_space<vmem>>, vector<16xi32>,
        %scan3A_161 = arith.constant 0 : i32
        scf.yield %scan3A_161 : i32
      }
      %scan3A_130 = arith.constant 32 : i32
      %dma_start3A_131 = arith.constant 0 : i32
      %dma_start3A_132 = arith.constant 0 : i32
      %dma_start3A_133 = tpu.memref_slice %arg2[%dma_start3A_131, %dma_start3A_132] : memref<50048x64xbf16, #tpu.memory_space<hbm>> -> memref<50048x64xbf16, #tpu.memory_space<hbm>>
      tpu.enqueue_indirect_dma source(%dma_start3A_133 : memref<50048x64xbf16, #tpu.memory_space<hbm>>) target(%arg18 : memref<512x64xbf16, #tpu.memory_space<vmem>>) offsets(%arg16 : memref<512xi32, #tpu.memory_space<vmem>>) semaphore(%arg22 : memref<!tpu.dma_semaphore, #tpu.memory_space<semaphore_mem>>)
      %dma_wait3A_134 = arith.constant 0 : i32
      %dma_wait3A_135 = arith.constant 0 : i32
      %dma_wait3A_136 = tpu.memref_slice %arg2[%dma_wait3A_134, %dma_wait3A_135] : memref<50048x64xbf16, #tpu.memory_space<hbm>> -> memref<50048x64xbf16, #tpu.memory_space<hbm>>
      tpu.wait_indirect_dma semaphore(%arg22 : memref<!tpu.dma_semaphore, #tpu.memory_space<semaphore_mem>>) src(%dma_wait3A_136 : memref<50048x64xbf16, #tpu.memory_space<hbm>>) dst(%arg18 : memref<512x64xbf16, #tpu.memory_space<vmem>>)
      "tpu.region"() ({
        %run_scoped3A_137 = tpu.sem_alloc : memref<!tpu.dma_semaphore, #tpu.memory_space<semaphore_mem>>
        %dma_start3A_138 = arith.constant 0 : i32
        %dma_start3A_139 = arith.constant 0 : i32
        %dma_start3A_140 = tpu.memref_slice %arg19[%dma_start3A_138, %dma_start3A_139] : memref<49216x64xbf16, #tpu.memory_space<vmem_shared>> -> memref<49216x64xbf16, #tpu.memory_space<vmem_shared>>
        tpu.enqueue_indirect_dma source(%arg18 : memref<512x64xbf16, #tpu.memory_space<vmem>>) target(%dma_start3A_140 : memref<49216x64xbf16, #tpu.memory_space<vmem_shared>>) offsets(%arg17 : memref<512xi32, #tpu.memory_space<vmem>>) semaphore(%run_scoped3A_137 : memref<!tpu.dma_semaphore, #tpu.memory_space<semaphore_mem>>) {add = true}
        %dma_wait3A_141 = arith.constant 0 : i32
        %dma_wait3A_142 = arith.constant 0 : i32
        %dma_wait3A_143 = tpu.memref_slice %arg19[%dma_wait3A_141, %dma_wait3A_142] : memref<49216x64xbf16, #tpu.memory_space<vmem_shared>> -> memref<49216x64xbf16, #tpu.memory_space<vmem_shared>>
        tpu.wait_indirect_dma semaphore(%run_scoped3A_137 : memref<!tpu.dma_semaphore, #tpu.memory_space<semaphore_mem>>) src(%arg18 : memref<512x64xbf16, #tpu.memory_space<vmem>>) dst(%dma_wait3A_143 : memref<49216x64xbf16, #tpu.memory_space<vmem_shared>>)
        tpu.yield
      }) : () -> ()
    } else {
    }
    %barrier3A_98 = arith.constant 0 : index
    tpu.barrier barrier_id(%barrier3A_98)
    %mul3A_99 = arith.constant 1024 : i32
    %mul3A_100 = arith.muli %arg1, %mul3A_99 : i32
    %add3A_101 = arith.constant 0 : i32
    %add3A_102 = arith.addi %add3A_101, %mul3A_100 : i32
    %mul3A_103 = arith.constant 1024 : i32
    %mul3A_104 = arith.muli %arg1, %mul3A_103 : i32
    %add3A_105 = arith.addi %mul3A_61, %mul3A_104 : i32
    %run_scoped3A_106 = arith.constant 0 : i32
    "tpu.region"() ({
      %run_scoped3A_124 = tpu.sem_alloc : memref<!tpu.dma_semaphore, #tpu.memory_space<semaphore_mem>>
      %dma_start3A_125 = arith.constant 0 : i32
      %dma_start3A_126 = tpu.memref_slice %arg7[%run_scoped3A_106, %add3A_105, %dma_start3A_125] : memref<3x65536x64xbf16, #tpu.memory_space<hbm>> -> memref<1x1024x64xbf16, #tpu.memory_space<hbm>>
      %dma_start3A_127 = tpu.memref_squeeze %dma_start3A_126 : memref<1x1024x64xbf16, #tpu.memory_space<hbm>> -> memref<1024x64xbf16, #tpu.memory_space<hbm>>
      %dma_start3A_128 = arith.constant 0 : i32
      %dma_start3A_129 = tpu.memref_slice %arg19[%add3A_102, %dma_start3A_128] : memref<49216x64xbf16, #tpu.memory_space<vmem_shared>> -> memref<1024x64xbf16, #tpu.memory_space<vmem_shared>>
      tpu.enqueue_dma source(%dma_start3A_129 : memref<1024x64xbf16, #tpu.memory_space<vmem_shared>>) target(%dma_start3A_127 : memref<1024x64xbf16, #tpu.memory_space<hbm>>) target_semaphore(%run_scoped3A_124 : memref<!tpu.dma_semaphore, #tpu.memory_space<semaphore_mem>>)
      %dma_wait3A_130 = arith.constant 0 : i32
      %dma_wait3A_131 = tpu.memref_slice %arg7[%run_scoped3A_106, %add3A_105, %dma_wait3A_130] : memref<3x65536x64xbf16, #tpu.memory_space<hbm>> -> memref<1x1024x64xbf16, #tpu.memory_space<hbm>>
      %dma_wait3A_132 = tpu.memref_squeeze %dma_wait3A_131 : memref<1x1024x64xbf16, #tpu.memory_space<hbm>> -> memref<1024x64xbf16, #tpu.memory_space<hbm>>
      %dma_wait3A_133 = arith.constant 0 : i32
      %dma_wait3A_134 = tpu.memref_slice %arg19[%add3A_102, %dma_wait3A_133] : memref<49216x64xbf16, #tpu.memory_space<vmem_shared>> -> memref<1024x64xbf16, #tpu.memory_space<vmem_shared>>
      tpu.wait_dma2 semaphore(%run_scoped3A_124 : memref<!tpu.dma_semaphore, #tpu.memory_space<semaphore_mem>>) src(%dma_wait3A_134 : memref<1024x64xbf16, #tpu.memory_space<vmem_shared>>) dst(%dma_wait3A_132 : memref<1024x64xbf16, #tpu.memory_space<hbm>>)
      tpu.yield
    }) : () -> ()
    %mul3A_107 = arith.constant 1024 : i32
    %mul3A_108 = arith.muli %arg1, %mul3A_107 : i32
    %add3A_109 = arith.constant 16384 : i32
    %add3A_110 = arith.addi %add3A_109, %mul3A_108 : i32
    %mul3A_111 = arith.constant 1024 : i32
    %mul3A_112 = arith.muli %arg1, %mul3A_111 : i32
    %add3A_113 = arith.addi %mul3A_61, %mul3A_112 : i32
    %run_scoped3A_114 = arith.constant 1 : i32
    "tpu.region"() ({
      %run_scoped3A_124 = tpu.sem_alloc : memref<!tpu.dma_semaphore, #tpu.memory_space<semaphore_mem>>
      %dma_start3A_125 = arith.constant 0 : i32
      %dma_start3A_126 = tpu.memref_slice %arg7[%run_scoped3A_114, %add3A_113, %dma_start3A_125] : memref<3x65536x64xbf16, #tpu.memory_space<hbm>> -> memref<1x1024x64xbf16, #tpu.memory_space<hbm>>
      %dma_start3A_127 = tpu.memref_squeeze %dma_start3A_126 : memref<1x1024x64xbf16, #tpu.memory_space<hbm>> -> memref<1024x64xbf16, #tpu.memory_space<hbm>>
      %dma_start3A_128 = arith.constant 0 : i32
      %dma_start3A_129 = tpu.memref_slice %arg19[%add3A_110, %dma_start3A_128] : memref<49216x64xbf16, #tpu.memory_space<vmem_shared>> -> memref<1024x64xbf16, #tpu.memory_space<vmem_shared>>
      tpu.enqueue_dma source(%dma_start3A_129 : memref<1024x64xbf16, #tpu.memory_space<vmem_shared>>) target(%dma_start3A_127 : memref<1024x64xbf16, #tpu.memory_space<hbm>>) target_semaphore(%run_scoped3A_124 : memref<!tpu.dma_semaphore, #tpu.memory_space<semaphore_mem>>)
      %dma_wait3A_130 = arith.constant 0 : i32
      %dma_wait3A_131 = tpu.memref_slice %arg7[%run_scoped3A_114, %add3A_113, %dma_wait3A_130] : memref<3x65536x64xbf16, #tpu.memory_space<hbm>> -> memref<1x1024x64xbf16, #tpu.memory_space<hbm>>
      %dma_wait3A_132 = tpu.memref_squeeze %dma_wait3A_131 : memref<1x1024x64xbf16, #tpu.memory_space<hbm>> -> memref<1024x64xbf16, #tpu.memory_space<hbm>>
      %dma_wait3A_133 = arith.constant 0 : i32
      %dma_wait3A_134 = tpu.memref_slice %arg19[%add3A_110, %dma_wait3A_133] : memref<49216x64xbf16, #tpu.memory_space<vmem_shared>> -> memref<1024x64xbf16, #tpu.memory_space<vmem_shared>>
      tpu.wait_dma2 semaphore(%run_scoped3A_124 : memref<!tpu.dma_semaphore, #tpu.memory_space<semaphore_mem>>) src(%dma_wait3A_134 : memref<1024x64xbf16, #tpu.memory_space<vmem_shared>>) dst(%dma_wait3A_132 : memref<1024x64xbf16, #tpu.memory_space<hbm>>)
      tpu.yield
    }) : () -> ()
    %mul3A_115 = arith.constant 1024 : i32
    %mul3A_116 = arith.muli %arg1, %mul3A_115 : i32
    %add3A_117 = arith.constant 32768 : i32
    %add3A_118 = arith.addi %add3A_117, %mul3A_116 : i32
    %mul3A_119 = arith.constant 1024 : i32
    %mul3A_120 = arith.muli %arg1, %mul3A_119 : i32
    %add3A_121 = arith.addi %mul3A_61, %mul3A_120 : i32
    %run_scoped3A_122 = arith.constant 2 : i32
    "tpu.region"() ({
      %run_scoped3A_124 = tpu.sem_alloc : memref<!tpu.dma_semaphore, #tpu.memory_space<semaphore_mem>>
      %dma_start3A_125 = arith.constant 0 : i32
      %dma_start3A_126 = tpu.memref_slice %arg7[%run_scoped3A_122, %add3A_121, %dma_start3A_125] : memref<3x65536x64xbf16, #tpu.memory_space<hbm>> -> memref<1x1024x64xbf16, #tpu.memory_space<hbm>>
      %dma_start3A_127 = tpu.memref_squeeze %dma_start3A_126 : memref<1x1024x64xbf16, #tpu.memory_space<hbm>> -> memref<1024x64xbf16, #tpu.memory_space<hbm>>
      %dma_start3A_128 = arith.constant 0 : i32
      %dma_start3A_129 = tpu.memref_slice %arg19[%add3A_118, %dma_start3A_128] : memref<49216x64xbf16, #tpu.memory_space<vmem_shared>> -> memref<1024x64xbf16, #tpu.memory_space<vmem_shared>>
      tpu.enqueue_dma source(%dma_start3A_129 : memref<1024x64xbf16, #tpu.memory_space<vmem_shared>>) target(%dma_start3A_127 : memref<1024x64xbf16, #tpu.memory_space<hbm>>) target_semaphore(%run_scoped3A_124 : memref<!tpu.dma_semaphore, #tpu.memory_space<semaphore_mem>>)
      %dma_wait3A_130 = arith.constant 0 : i32
      %dma_wait3A_131 = tpu.memref_slice %arg7[%run_scoped3A_122, %add3A_121, %dma_wait3A_130] : memref<3x65536x64xbf16, #tpu.memory_space<hbm>> -> memref<1x1024x64xbf16, #tpu.memory_space<hbm>>
      %dma_wait3A_132 = tpu.memref_squeeze %dma_wait3A_131 : memref<1x1024x64xbf16, #tpu.memory_space<hbm>> -> memref<1024x64xbf16, #tpu.memory_space<hbm>>
      %dma_wait3A_133 = arith.constant 0 : i32
      %dma_wait3A_134 = tpu.memref_slice %arg19[%add3A_118, %dma_wait3A_133] : memref<49216x64xbf16, #tpu.memory_space<vmem_shared>> -> memref<1024x64xbf16, #tpu.memory_space<vmem_shared>>
      tpu.wait_dma2 semaphore(%run_scoped3A_124 : memref<!tpu.dma_semaphore, #tpu.memory_space<semaphore_mem>>) src(%dma_wait3A_134 : memref<1024x64xbf16, #tpu.memory_space<vmem_shared>>) dst(%dma_wait3A_132 : memref<1024x64xbf16, #tpu.memory_space<hbm>>)
      tpu.yield
    }) : () -> ()
    %barrier3A_123 = arith.constant 0 : index
    tpu.barrier barrier_id(%barrier3A_123)
    return
  }
}

#map = affine_map<(d0, d1) -> (0)>
#map1 = affine_map<(d0, d1) -> (0, 0)>
#map2 = affine_map<(d0, d1) -> (0, 0, 0)>
module attributes {stable_mosaic.version = 14 : i64} {
  func.func @_counts_body(%arg0: i32, %arg1: i32, %arg2: memref<819200xi32, #tpu.memory_space<hbm>>, %arg3: memref<819200xi32, #tpu.memory_space<hbm>>, %arg4: memref<1024x16xf32, #tpu.memory_space<hbm>>, %arg5: memref<2048x16xf32, #tpu.memory_space<hbm>>, %arg6: memref<3x65536x16xf32, #tpu.memory_space<hbm>>, %arg7: memref<2048xi32, #tpu.memory_space<vmem>>, %arg8: memref<2048xi32, #tpu.memory_space<vmem>>, %arg9: memref<1024xi32, #tpu.memory_space<vmem>>, %arg10: memref<1024x16xf32, #tpu.memory_space<vmem>>, %arg11: memref<100352x16xf32, #tpu.memory_space<vmem_shared>>, %arg12: memref<!tpu.dma_semaphore, #tpu.memory_space<semaphore_mem>>) attributes {dimension_semantics = [#tpu.dimension_semantics<core_parallel>, #tpu.dimension_semantics<subcore_parallel>], iteration_bounds = array<i64: 2, 16>, scalar_prefetch = 0 : i64, scratch_operands = 6 : i64, tpu.core_type = #tpu.core_type<sc_vector_subcore>, window_params = [{transform_indices = #map}, {transform_indices = #map}, {transform_indices = #map1}, {transform_indices = #map1}, {transform_indices = #map2}]} {
    "tpu.region"() ({
      %run_scoped3A_41 = tpu.sem_alloc : memref<!tpu.dma_semaphore, #tpu.memory_space<semaphore_mem>>
      tpu.enqueue_dma source(%arg4 : memref<1024x16xf32, #tpu.memory_space<hbm>>) target(%arg10 : memref<1024x16xf32, #tpu.memory_space<vmem>>) target_semaphore(%run_scoped3A_41 : memref<!tpu.dma_semaphore, #tpu.memory_space<semaphore_mem>>)
      tpu.wait_dma2 semaphore(%run_scoped3A_41 : memref<!tpu.dma_semaphore, #tpu.memory_space<semaphore_mem>>) src(%arg4 : memref<1024x16xf32, #tpu.memory_space<hbm>>) dst(%arg10 : memref<1024x16xf32, #tpu.memory_space<vmem>>)
      tpu.yield
    }) : () -> ()
    %scan3A = arith.constant 0 : i32
    %scan3A_0 = arith.constant 0 : i32
    %scan3A_1 = arith.constant 4 : i32
    %scan3A_2 = arith.addi %scan3A_0, %scan3A_1 : i32
    %scan3A_3 = arith.constant 1 : i32
    %scan3A_4 = scf.for %scan3A_41 = %scan3A_0 to %scan3A_2 step %scan3A_3 iter_args(%scan3A_42 = %scan3A) -> (i32)  : i32 {
      %mul3A_43 = arith.constant 16 : i32
      %mul3A_44 = arith.muli %scan3A_41, %mul3A_43 : i32
      %add3A_45 = arith.addi %arg1, %mul3A_44 : i32
      %lt3A = arith.constant 49 : i32
      %lt3A_46 = arith.cmpi slt, %add3A_45, %lt3A : i32
      %convert_element_type3A = arith.extui %lt3A_46 : i1 to i32
      %cond3A = arith.constant 0 : i32
      %cond3A_47 = arith.cmpi ne, %convert_element_type3A, %cond3A : i32
      scf.if %cond3A_47 {
        %mul3A_49 = arith.constant 2048 : i32
        %mul3A_50 = arith.muli %add3A_45, %mul3A_49 : i32
        "tpu.region"() ({
          %run_scoped3A_51 = tpu.sem_alloc : memref<!tpu.dma_semaphore, #tpu.memory_space<semaphore_mem>>
          %dma_start3A = arith.constant 0 : i32
          %dma_start3A_52 = tpu.memref_slice %arg11[%mul3A_50, %dma_start3A] : memref<100352x16xf32, #tpu.memory_space<vmem_shared>> -> memref<2048x16xf32, #tpu.memory_space<vmem_shared>>
          tpu.enqueue_dma source(%arg5 : memref<2048x16xf32, #tpu.memory_space<hbm>>) target(%dma_start3A_52 : memref<2048x16xf32, #tpu.memory_space<vmem_shared>>) target_semaphore(%run_scoped3A_51 : memref<!tpu.dma_semaphore, #tpu.memory_space<semaphore_mem>>)
          %dma_wait3A = arith.constant 0 : i32
          %dma_wait3A_53 = tpu.memref_slice %arg11[%mul3A_50, %dma_wait3A] : memref<100352x16xf32, #tpu.memory_space<vmem_shared>> -> memref<2048x16xf32, #tpu.memory_space<vmem_shared>>
          tpu.wait_dma2 semaphore(%run_scoped3A_51 : memref<!tpu.dma_semaphore, #tpu.memory_space<semaphore_mem>>) src(%arg5 : memref<2048x16xf32, #tpu.memory_space<hbm>>) dst(%dma_wait3A_53 : memref<2048x16xf32, #tpu.memory_space<vmem_shared>>)
          tpu.yield
        }) : () -> ()
      } else {
      }
      %scan3A_48 = arith.constant 0 : i32
      scf.yield %scan3A_48 : i32
    }
    %scan3A_5 = arith.constant 4 : i32
    %barrier3A = arith.constant 0 : index
    tpu.barrier barrier_id(%barrier3A)
    %scan3A_6 = arith.constant 0 : i32
    %scan3A_7 = arith.constant 0 : i32
    %scan3A_8 = arith.constant 25 : i32
    %scan3A_9 = arith.addi %scan3A_7, %scan3A_8 : i32
    %scan3A_10 = arith.constant 1 : i32
    %scan3A_11 = scf.for %scan3A_41 = %scan3A_7 to %scan3A_9 step %scan3A_10 iter_args(%scan3A_42 = %scan3A_6) -> (i32)  : i32 {
      %mul3A_43 = arith.constant 51200 : i32
      %mul3A_44 = arith.muli %arg1, %mul3A_43 : i32
      %mul3A_45 = arith.constant 2048 : i32
      %mul3A_46 = arith.muli %scan3A_41, %mul3A_45 : i32
      %add3A_47 = arith.addi %mul3A_44, %mul3A_46 : i32
      %dma_start3A = tpu.memref_slice %arg2[%add3A_47] : memref<819200xi32, #tpu.memory_space<hbm>> -> memref<2048xi32, #tpu.memory_space<hbm>>
      %dma_start3A_48 = tpu.memref_slice %arg2[%add3A_47] : memref<819200xi32, #tpu.memory_space<hbm>> -> memref<2048xi32, #tpu.memory_space<hbm>>
      tpu.enqueue_dma source(%dma_start3A_48 : memref<2048xi32, #tpu.memory_space<hbm>>) target(%arg7 : memref<2048xi32, #tpu.memory_space<vmem>>) target_semaphore(%arg12 : memref<!tpu.dma_semaphore, #tpu.memory_space<semaphore_mem>>)
      %dma_start3A_49 = tpu.memref_slice %arg3[%add3A_47] : memref<819200xi32, #tpu.memory_space<hbm>> -> memref<2048xi32, #tpu.memory_space<hbm>>
      %dma_start3A_50 = tpu.memref_slice %arg3[%add3A_47] : memref<819200xi32, #tpu.memory_space<hbm>> -> memref<2048xi32, #tpu.memory_space<hbm>>
      tpu.enqueue_dma source(%dma_start3A_50 : memref<2048xi32, #tpu.memory_space<hbm>>) target(%arg8 : memref<2048xi32, #tpu.memory_space<vmem>>) target_semaphore(%arg12 : memref<!tpu.dma_semaphore, #tpu.memory_space<semaphore_mem>>)
      %dma_wait3A = tpu.memref_slice %arg2[%add3A_47] : memref<819200xi32, #tpu.memory_space<hbm>> -> memref<2048xi32, #tpu.memory_space<hbm>>
      %dma_wait3A_51 = tpu.memref_slice %arg2[%add3A_47] : memref<819200xi32, #tpu.memory_space<hbm>> -> memref<2048xi32, #tpu.memory_space<hbm>>
      tpu.wait_dma2 semaphore(%arg12 : memref<!tpu.dma_semaphore, #tpu.memory_space<semaphore_mem>>) src(%dma_wait3A_51 : memref<2048xi32, #tpu.memory_space<hbm>>) dst(%arg7 : memref<2048xi32, #tpu.memory_space<vmem>>)
      %dma_wait3A_52 = tpu.memref_slice %arg3[%add3A_47] : memref<819200xi32, #tpu.memory_space<hbm>> -> memref<2048xi32, #tpu.memory_space<hbm>>
      %dma_wait3A_53 = tpu.memref_slice %arg3[%add3A_47] : memref<819200xi32, #tpu.memory_space<hbm>> -> memref<2048xi32, #tpu.memory_space<hbm>>
      tpu.wait_dma2 semaphore(%arg12 : memref<!tpu.dma_semaphore, #tpu.memory_space<semaphore_mem>>) src(%dma_wait3A_53 : memref<2048xi32, #tpu.memory_space<hbm>>) dst(%arg8 : memref<2048xi32, #tpu.memory_space<vmem>>)
      %scan3A_54 = arith.constant 0 : i32
      %scan3A_55 = arith.constant 0 : i32
      %scan3A_56 = arith.constant 2 : i32
      %scan3A_57 = arith.addi %scan3A_55, %scan3A_56 : i32
      %scan3A_58 = arith.constant 1 : i32
      %scan3A_59 = scf.for %scan3A_62 = %scan3A_55 to %scan3A_57 step %scan3A_58 iter_args(%scan3A_63 = %scan3A_54) -> (i32)  : i32 {
        %scan3A_64 = arith.constant 0 : i32
        %scan3A_65 = arith.constant 0 : i32
        %scan3A_66 = arith.constant 64 : i32
        %scan3A_67 = arith.addi %scan3A_65, %scan3A_66 : i32
        %scan3A_68 = arith.constant 1 : i32
        %scan3A_69 = scf.for %scan3A_72 = %scan3A_65 to %scan3A_67 step %scan3A_68 iter_args(%scan3A_73 = %scan3A_64) -> (i32)  : i32 {
          %mul3A_74 = arith.constant 1024 : i32
          %mul3A_75 = arith.muli %scan3A_62, %mul3A_74 : i32
          %mul3A_76 = arith.constant 16 : i32
          %mul3A_77 = arith.muli %scan3A_72, %mul3A_76 : i32
          %add3A_78 = arith.addi %mul3A_75, %mul3A_77 : i32
          %get3A = arith.index_cast %add3A_78 : i32 to index
          %get3A_79 = tpu.vector_load %arg7[%get3A] {strides = array<i32>} : memref<2048xi32, #tpu.memory_space<vmem>>, vector<16xi32>,
          %mul3A_80 = arith.constant 1024 : i32
          %mul3A_81 = arith.muli %scan3A_62, %mul3A_80 : i32
          %mul3A_82 = arith.constant 16 : i32
          %mul3A_83 = arith.muli %scan3A_72, %mul3A_82 : i32
          %add3A_84 = arith.addi %mul3A_81, %mul3A_83 : i32
          %get3A_85 = arith.index_cast %add3A_84 : i32 to index
          %get3A_86 = tpu.vector_load %arg8[%get3A_85] {strides = array<i32>} : memref<2048xi32, #tpu.memory_space<vmem>>, vector<16xi32>,
          %shift_right_arithmetic3A = arith.constant 15 : i32
          %shift_right_arithmetic3A_87 = vector.broadcast %shift_right_arithmetic3A : i32 to vector<16xi32>
          %shift_right_arithmetic3A_88 = arith.shrsi %get3A_79, %shift_right_arithmetic3A_87 : vector<16xi32>
          %eq3A = vector.broadcast %arg0 : i32 to vector<16xi32>
          %eq3A_89 = arith.cmpi eq, %shift_right_arithmetic3A_88, %eq3A : vector<16xi32>
          %shift_left3A = arith.constant 15 : i32
          %shift_left3A_90 = vector.broadcast %shift_left3A : i32 to vector<16xi32>
          %shift_left3A_91 = arith.shli %get3A_86, %shift_left3A_90 : vector<16xi32>
          %and3A = arith.constant 32767 : i32
          %and3A_92 = vector.broadcast %and3A : i32 to vector<16xi32>
          %and3A_93 = arith.andi %get3A_79, %and3A_92 : vector<16xi32>
          %add3A_94 = arith.addi %shift_left3A_91, %and3A_93 : vector<16xi32>
          %jit3A = arith.constant 98304 : i32
          %broadcast_in_dim3A = vector.broadcast %jit3A : i32 to vector<16xi32>
          %select_n3A = arith.select %eq3A_89, %add3A_94, %broadcast_in_dim3A : vector<16xi1>, vector<16xi32>
          %mul3A_95 = arith.constant 16 : i32
          %mul3A_96 = arith.muli %scan3A_72, %mul3A_95 : i32
          %swap3A = arith.index_cast %mul3A_96 : i32 to index
          %swap3A_97 = tpu.vector_load %arg9[%swap3A] {strides = array<i32>} : memref<1024xi32, #tpu.memory_space<vmem>>, vector<16xi32>,
          tpu.vector_store %arg9[%swap3A], %select_n3A {strides = array<i32>} : memref<1024xi32, #tpu.memory_space<vmem>>, vector<16xi32>,
          %scan3A_98 = arith.constant 0 : i32
          scf.yield %scan3A_98 : i32
        }
        %scan3A_70 = arith.constant 64 : i32
        "tpu.region"() ({
          %run_scoped3A_72 = tpu.sem_alloc : memref<!tpu.dma_semaphore, #tpu.memory_space<semaphore_mem>>
          %dma_start3A_73 = arith.constant 0 : i32
          %dma_start3A_74 = arith.constant 0 : i32
          %dma_start3A_75 = tpu.memref_slice %arg11[%dma_start3A_73, %dma_start3A_74] : memref<100352x16xf32, #tpu.memory_space<vmem_shared>> -> memref<100352x16xf32, #tpu.memory_space<vmem_shared>>
          tpu.enqueue_indirect_dma source(%arg10 : memref<1024x16xf32, #tpu.memory_space<vmem>>) target(%dma_start3A_75 : memref<100352x16xf32, #tpu.memory_space<vmem_shared>>) offsets(%arg9 : memref<1024xi32, #tpu.memory_space<vmem>>) semaphore(%run_scoped3A_72 : memref<!tpu.dma_semaphore, #tpu.memory_space<semaphore_mem>>) {add = true}
          %dma_wait3A_76 = arith.constant 0 : i32
          %dma_wait3A_77 = arith.constant 0 : i32
          %dma_wait3A_78 = tpu.memref_slice %arg11[%dma_wait3A_76, %dma_wait3A_77] : memref<100352x16xf32, #tpu.memory_space<vmem_shared>> -> memref<100352x16xf32, #tpu.memory_space<vmem_shared>>
          tpu.wait_indirect_dma semaphore(%run_scoped3A_72 : memref<!tpu.dma_semaphore, #tpu.memory_space<semaphore_mem>>) src(%arg10 : memref<1024x16xf32, #tpu.memory_space<vmem>>) dst(%dma_wait3A_78 : memref<100352x16xf32, #tpu.memory_space<vmem_shared>>)
          tpu.yield
        }) : () -> ()
        %scan3A_71 = arith.constant 0 : i32
        scf.yield %scan3A_71 : i32
      }
      %scan3A_60 = arith.constant 2 : i32
      %scan3A_61 = arith.constant 0 : i32
      scf.yield %scan3A_61 : i32
    }
    %scan3A_12 = arith.constant 25 : i32
    %barrier3A_13 = arith.constant 0 : index
    tpu.barrier barrier_id(%barrier3A_13)
    %mul3A = arith.constant 2048 : i32
    %mul3A_14 = arith.muli %arg1, %mul3A : i32
    %add3A = arith.constant 0 : i32
    %add3A_15 = arith.addi %add3A, %mul3A_14 : i32
    %mul3A_16 = arith.constant 32768 : i32
    %mul3A_17 = arith.muli %arg0, %mul3A_16 : i32
    %mul3A_18 = arith.constant 2048 : i32
    %mul3A_19 = arith.muli %arg1, %mul3A_18 : i32
    %add3A_20 = arith.addi %mul3A_17, %mul3A_19 : i32
    %run_scoped3A = arith.constant 0 : i32
    "tpu.region"() ({
      %run_scoped3A_41 = tpu.sem_alloc : memref<!tpu.dma_semaphore, #tpu.memory_space<semaphore_mem>>
      %dma_start3A = arith.constant 0 : i32
      %dma_start3A_42 = tpu.memref_slice %arg6[%run_scoped3A, %add3A_20, %dma_start3A] : memref<3x65536x16xf32, #tpu.memory_space<hbm>> -> memref<1x2048x16xf32, #tpu.memory_space<hbm>>
      %dma_start3A_43 = tpu.memref_squeeze %dma_start3A_42 : memref<1x2048x16xf32, #tpu.memory_space<hbm>> -> memref<2048x16xf32, #tpu.memory_space<hbm>>
      %dma_start3A_44 = arith.constant 0 : i32
      %dma_start3A_45 = tpu.memref_slice %arg11[%add3A_15, %dma_start3A_44] : memref<100352x16xf32, #tpu.memory_space<vmem_shared>> -> memref<2048x16xf32, #tpu.memory_space<vmem_shared>>
      tpu.enqueue_dma source(%dma_start3A_45 : memref<2048x16xf32, #tpu.memory_space<vmem_shared>>) target(%dma_start3A_43 : memref<2048x16xf32, #tpu.memory_space<hbm>>) target_semaphore(%run_scoped3A_41 : memref<!tpu.dma_semaphore, #tpu.memory_space<semaphore_mem>>)
      %dma_wait3A = arith.constant 0 : i32
      %dma_wait3A_46 = tpu.memref_slice %arg6[%run_scoped3A, %add3A_20, %dma_wait3A] : memref<3x65536x16xf32, #tpu.memory_space<hbm>> -> memref<1x2048x16xf32, #tpu.memory_space<hbm>>
      %dma_wait3A_47 = tpu.memref_squeeze %dma_wait3A_46 : memref<1x2048x16xf32, #tpu.memory_space<hbm>> -> memref<2048x16xf32, #tpu.memory_space<hbm>>
      %dma_wait3A_48 = arith.constant 0 : i32
      %dma_wait3A_49 = tpu.memref_slice %arg11[%add3A_15, %dma_wait3A_48] : memref<100352x16xf32, #tpu.memory_space<vmem_shared>> -> memref<2048x16xf32, #tpu.memory_space<vmem_shared>>
      tpu.wait_dma2 semaphore(%run_scoped3A_41 : memref<!tpu.dma_semaphore, #tpu.memory_space<semaphore_mem>>) src(%dma_wait3A_49 : memref<2048x16xf32, #tpu.memory_space<vmem_shared>>) dst(%dma_wait3A_47 : memref<2048x16xf32, #tpu.memory_space<hbm>>)
      tpu.yield
    }) : () -> ()
    %mul3A_21 = arith.constant 2048 : i32
    %mul3A_22 = arith.muli %arg1, %mul3A_21 : i32
    %add3A_23 = arith.constant 32768 : i32
    %add3A_24 = arith.addi %add3A_23, %mul3A_22 : i32
    %mul3A_25 = arith.constant 32768 : i32
    %mul3A_26 = arith.muli %arg0, %mul3A_25 : i32
    %mul3A_27 = arith.constant 2048 : i32
    %mul3A_28 = arith.muli %arg1, %mul3A_27 : i32
    %add3A_29 = arith.addi %mul3A_26, %mul3A_28 : i32
    %run_scoped3A_30 = arith.constant 1 : i32
    "tpu.region"() ({
      %run_scoped3A_41 = tpu.sem_alloc : memref<!tpu.dma_semaphore, #tpu.memory_space<semaphore_mem>>
      %dma_start3A = arith.constant 0 : i32
      %dma_start3A_42 = tpu.memref_slice %arg6[%run_scoped3A_30, %add3A_29, %dma_start3A] : memref<3x65536x16xf32, #tpu.memory_space<hbm>> -> memref<1x2048x16xf32, #tpu.memory_space<hbm>>
      %dma_start3A_43 = tpu.memref_squeeze %dma_start3A_42 : memref<1x2048x16xf32, #tpu.memory_space<hbm>> -> memref<2048x16xf32, #tpu.memory_space<hbm>>
      %dma_start3A_44 = arith.constant 0 : i32
      %dma_start3A_45 = tpu.memref_slice %arg11[%add3A_24, %dma_start3A_44] : memref<100352x16xf32, #tpu.memory_space<vmem_shared>> -> memref<2048x16xf32, #tpu.memory_space<vmem_shared>>
      tpu.enqueue_dma source(%dma_start3A_45 : memref<2048x16xf32, #tpu.memory_space<vmem_shared>>) target(%dma_start3A_43 : memref<2048x16xf32, #tpu.memory_space<hbm>>) target_semaphore(%run_scoped3A_41 : memref<!tpu.dma_semaphore, #tpu.memory_space<semaphore_mem>>)
      %dma_wait3A = arith.constant 0 : i32
      %dma_wait3A_46 = tpu.memref_slice %arg6[%run_scoped3A_30, %add3A_29, %dma_wait3A] : memref<3x65536x16xf32, #tpu.memory_space<hbm>> -> memref<1x2048x16xf32, #tpu.memory_space<hbm>>
      %dma_wait3A_47 = tpu.memref_squeeze %dma_wait3A_46 : memref<1x2048x16xf32, #tpu.memory_space<hbm>> -> memref<2048x16xf32, #tpu.memory_space<hbm>>
      %dma_wait3A_48 = arith.constant 0 : i32
      %dma_wait3A_49 = tpu.memref_slice %arg11[%add3A_24, %dma_wait3A_48] : memref<100352x16xf32, #tpu.memory_space<vmem_shared>> -> memref<2048x16xf32, #tpu.memory_space<vmem_shared>>
      tpu.wait_dma2 semaphore(%run_scoped3A_41 : memref<!tpu.dma_semaphore, #tpu.memory_space<semaphore_mem>>) src(%dma_wait3A_49 : memref<2048x16xf32, #tpu.memory_space<vmem_shared>>) dst(%dma_wait3A_47 : memref<2048x16xf32, #tpu.memory_space<hbm>>)
      tpu.yield
    }) : () -> ()
    %mul3A_31 = arith.constant 2048 : i32
    %mul3A_32 = arith.muli %arg1, %mul3A_31 : i32
    %add3A_33 = arith.constant 65536 : i32
    %add3A_34 = arith.addi %add3A_33, %mul3A_32 : i32
    %mul3A_35 = arith.constant 32768 : i32
    %mul3A_36 = arith.muli %arg0, %mul3A_35 : i32
    %mul3A_37 = arith.constant 2048 : i32
    %mul3A_38 = arith.muli %arg1, %mul3A_37 : i32
    %add3A_39 = arith.addi %mul3A_36, %mul3A_38 : i32
    %run_scoped3A_40 = arith.constant 2 : i32
    "tpu.region"() ({
      %run_scoped3A_41 = tpu.sem_alloc : memref<!tpu.dma_semaphore, #tpu.memory_space<semaphore_mem>>
      %dma_start3A = arith.constant 0 : i32
      %dma_start3A_42 = tpu.memref_slice %arg6[%run_scoped3A_40, %add3A_39, %dma_start3A] : memref<3x65536x16xf32, #tpu.memory_space<hbm>> -> memref<1x2048x16xf32, #tpu.memory_space<hbm>>
      %dma_start3A_43 = tpu.memref_squeeze %dma_start3A_42 : memref<1x2048x16xf32, #tpu.memory_space<hbm>> -> memref<2048x16xf32, #tpu.memory_space<hbm>>
      %dma_start3A_44 = arith.constant 0 : i32
      %dma_start3A_45 = tpu.memref_slice %arg11[%add3A_34, %dma_start3A_44] : memref<100352x16xf32, #tpu.memory_space<vmem_shared>> -> memref<2048x16xf32, #tpu.memory_space<vmem_shared>>
      tpu.enqueue_dma source(%dma_start3A_45 : memref<2048x16xf32, #tpu.memory_space<vmem_shared>>) target(%dma_start3A_43 : memref<2048x16xf32, #tpu.memory_space<hbm>>) target_semaphore(%run_scoped3A_41 : memref<!tpu.dma_semaphore, #tpu.memory_space<semaphore_mem>>)
      %dma_wait3A = arith.constant 0 : i32
      %dma_wait3A_46 = tpu.memref_slice %arg6[%run_scoped3A_40, %add3A_39, %dma_wait3A] : memref<3x65536x16xf32, #tpu.memory_space<hbm>> -> memref<1x2048x16xf32, #tpu.memory_space<hbm>>
      %dma_wait3A_47 = tpu.memref_squeeze %dma_wait3A_46 : memref<1x2048x16xf32, #tpu.memory_space<hbm>> -> memref<2048x16xf32, #tpu.memory_space<hbm>>
      %dma_wait3A_48 = arith.constant 0 : i32
      %dma_wait3A_49 = tpu.memref_slice %arg11[%add3A_34, %dma_wait3A_48] : memref<100352x16xf32, #tpu.memory_space<vmem_shared>> -> memref<2048x16xf32, #tpu.memory_space<vmem_shared>>
      tpu.wait_dma2 semaphore(%run_scoped3A_41 : memref<!tpu.dma_semaphore, #tpu.memory_space<semaphore_mem>>) src(%dma_wait3A_49 : memref<2048x16xf32, #tpu.memory_space<vmem_shared>>) dst(%dma_wait3A_47 : memref<2048x16xf32, #tpu.memory_space<hbm>>)
      tpu.yield
    }) : () -> ()
    return
  }
}

#map = affine_map<(d0, d1) -> (0, 0)>
#map1 = affine_map<(d0, d1) -> (0)>
#map2 = affine_map<(d0, d1) -> (0, 0, 0)>
module attributes {stable_mosaic.version = 14 : i64} {
  func.func @_accum_body(%arg0: i32, %arg1: i32, %arg2: memref<50048x64xbf16, #tpu.memory_space<hbm>>, %arg3: memref<819200xi32, #tpu.memory_space<hbm>>, %arg4: memref<819200xi32, #tpu.memory_space<hbm>>, %arg5: memref<819200xi32, #tpu.memory_space<hbm>>, %arg6: memref<512x64xbf16, #tpu.memory_space<hbm>>, %arg7: memref<3x65536x64xbf16, #tpu.memory_space<hbm>>, %arg8: memref<1024xi32, #tpu.memory_space<vmem>>, %arg9: memref<1024xi32, #tpu.memory_space<vmem>>, %arg10: memref<1024xi32, #tpu.memory_space<vmem>>, %arg11: memref<1024xi32, #tpu.memory_space<vmem>>, %arg12: memref<1024xi32, #tpu.memory_space<vmem>>, %arg13: memref<1024xi32, #tpu.memory_space<vmem>>, %arg14: memref<2048xi32, #tpu.memory_space<vmem>>, %arg15: memref<2048xi32, #tpu.memory_space<vmem>>, %arg16: memref<512xi32, #tpu.memory_space<vmem>>, %arg17: memref<512xi32, #tpu.memory_space<vmem>>, %arg18: memref<512x64xbf16, #tpu.memory_space<vmem>>, %arg19: memref<49216x64xbf16, #tpu.memory_space<vmem_shared>>, %arg20: memref<!tpu.dma_semaphore, #tpu.memory_space<semaphore_mem>>, %arg21: memref<!tpu.dma_semaphore, #tpu.memory_space<semaphore_mem>>, %arg22: memref<!tpu.dma_semaphore, #tpu.memory_space<semaphore_mem>>) attributes {dimension_semantics = [#tpu.dimension_semantics<core_parallel>, #tpu.dimension_semantics<subcore_parallel>], iteration_bounds = array<i64: 2, 16>, scalar_prefetch = 0 : i64, scratch_operands = 15 : i64, tpu.core_type = #tpu.core_type<sc_vector_subcore>, window_params = [{transform_indices = #map}, {transform_indices = #map1}, {transform_indices = #map1}, {transform_indices = #map1}, {transform_indices = #map}, {transform_indices = #map2}]} {
    %mul3A = arith.constant 51200 : i32
    %mul3A_0 = arith.muli %arg1, %mul3A : i32
    %add3A = arith.constant 0 : i32
    %add3A_1 = arith.addi %add3A, %arg0 : i32
    %mul3A_2 = arith.constant 16384 : i32
    %mul3A_3 = arith.muli %add3A_1, %mul3A_2 : i32
    %scan3A = arith.constant 0 : i32
    %scan3A_4 = arith.constant 0 : i32
    %scan3A_5 = arith.constant 7 : i32
    %scan3A_6 = arith.addi %scan3A_4, %scan3A_5 : i32
    %scan3A_7 = arith.constant 1 : i32
    %scan3A_8 = scf.for %scan3A_124 = %scan3A_4 to %scan3A_6 step %scan3A_7 iter_args(%scan3A_125 = %scan3A) -> (i32)  : i32 {
      %mul3A_126 = arith.constant 16 : i32
      %mul3A_127 = arith.muli %scan3A_124, %mul3A_126 : i32
      %add3A_128 = arith.addi %arg1, %mul3A_127 : i32
      %lt3A = arith.constant 96 : i32
      %lt3A_129 = arith.cmpi slt, %add3A_128, %lt3A : i32
      %convert_element_type3A_130 = arith.extui %lt3A_129 : i1 to i32
      %cond3A_131 = arith.constant 0 : i32
      %cond3A_132 = arith.cmpi ne, %convert_element_type3A_130, %cond3A_131 : i32
      scf.if %cond3A_132 {
        %mul3A_138 = arith.constant 512 : i32
        %mul3A_139 = arith.muli %add3A_128, %mul3A_138 : i32
        "tpu.region"() ({
          %run_scoped3A_140 = tpu.sem_alloc : memref<!tpu.dma_semaphore, #tpu.memory_space<semaphore_mem>>
          %dma_start3A_141 = arith.constant 0 : i32
          %dma_start3A_142 = tpu.memref_slice %arg19[%mul3A_139, %dma_start3A_141] : memref<49216x64xbf16, #tpu.memory_space<vmem_shared>> -> memref<512x64xbf16, #tpu.memory_space<vmem_shared>>
          tpu.enqueue_dma source(%arg6 : memref<512x64xbf16, #tpu.memory_space<hbm>>) target(%dma_start3A_142 : memref<512x64xbf16, #tpu.memory_space<vmem_shared>>) target_semaphore(%run_scoped3A_140 : memref<!tpu.dma_semaphore, #tpu.memory_space<semaphore_mem>>)
          %dma_wait3A_143 = arith.constant 0 : i32
          %dma_wait3A_144 = tpu.memref_slice %arg19[%mul3A_139, %dma_wait3A_143] : memref<49216x64xbf16, #tpu.memory_space<vmem_shared>> -> memref<512x64xbf16, #tpu.memory_space<vmem_shared>>
          tpu.wait_dma2 semaphore(%run_scoped3A_140 : memref<!tpu.dma_semaphore, #tpu.memory_space<semaphore_mem>>) src(%arg6 : memref<512x64xbf16, #tpu.memory_space<hbm>>) dst(%dma_wait3A_144 : memref<512x64xbf16, #tpu.memory_space<vmem_shared>>)
          tpu.yield
        }) : () -> ()
      } else {
      }
      %eq3A = arith.constant 96 : i32
      %eq3A_133 = arith.cmpi eq, %add3A_128, %eq3A : i32
      %convert_element_type3A_134 = arith.extui %eq3A_133 : i1 to i32
      %cond3A_135 = arith.constant 0 : i32
      %cond3A_136 = arith.cmpi ne, %convert_element_type3A_134, %cond3A_135 : i32
      scf.if %cond3A_136 {
        "tpu.region"() ({
          %run_scoped3A_138 = tpu.sem_alloc : memref<!tpu.dma_semaphore, #tpu.memory_space<semaphore_mem>>
          %dma_start3A_139 = arith.constant 49152 : i32
          %dma_start3A_140 = arith.constant 0 : i32
          %dma_start3A_141 = tpu.memref_slice %arg19[%dma_start3A_139, %dma_start3A_140] : memref<49216x64xbf16, #tpu.memory_space<vmem_shared>> -> memref<64x64xbf16, #tpu.memory_space<vmem_shared>>
          %dma_start3A_142 = arith.constant 0 : i32
          %dma_start3A_143 = arith.constant 0 : i32
          %dma_start3A_144 = tpu.memref_slice %arg6[%dma_start3A_142, %dma_start3A_143] : memref<512x64xbf16, #tpu.memory_space<hbm>> -> memref<64x64xbf16, #tpu.memory_space<hbm>>
          tpu.enqueue_dma source(%dma_start3A_144 : memref<64x64xbf16, #tpu.memory_space<hbm>>) target(%dma_start3A_141 : memref<64x64xbf16, #tpu.memory_space<vmem_shared>>) target_semaphore(%run_scoped3A_138 : memref<!tpu.dma_semaphore, #tpu.memory_space<semaphore_mem>>)
          %dma_wait3A_145 = arith.constant 49152 : i32
          %dma_wait3A_146 = arith.constant 0 : i32
          %dma_wait3A_147 = tpu.memref_slice %arg19[%dma_wait3A_145, %dma_wait3A_146] : memref<49216x64xbf16, #tpu.memory_space<vmem_shared>> -> memref<64x64xbf16, #tpu.memory_space<vmem_shared>>
          %dma_wait3A_148 = arith.constant 0 : i32
          %dma_wait3A_149 = arith.constant 0 : i32
          %dma_wait3A_150 = tpu.memref_slice %arg6[%dma_wait3A_148, %dma_wait3A_149] : memref<512x64xbf16, #tpu.memory_space<hbm>> -> memref<64x64xbf16, #tpu.memory_space<hbm>>
          tpu.wait_dma2 semaphore(%run_scoped3A_138 : memref<!tpu.dma_semaphore, #tpu.memory_space<semaphore_mem>>) src(%dma_wait3A_150 : memref<64x64xbf16, #tpu.memory_space<hbm>>) dst(%dma_wait3A_147 : memref<64x64xbf16, #tpu.memory_space<vmem_shared>>)
          tpu.yield
        }) : () -> ()
      } else {
      }
      %scan3A_137 = arith.constant 0 : i32
      scf.yield %scan3A_137 : i32
    }
    %scan3A_9 = arith.constant 7 : i32
    %barrier3A = arith.constant 0 : index
    tpu.barrier barrier_id(%barrier3A)
    %add3A_10 = arith.constant 0 : i32
    %add3A_11 = arith.addi %mul3A_0, %add3A_10 : i32
    %dma_start3A = tpu.memref_slice %arg3[%add3A_11] : memref<819200xi32, #tpu.memory_space<hbm>> -> memref<1024xi32, #tpu.memory_space<hbm>>
    %dma_start3A_12 = tpu.memref_slice %arg3[%add3A_11] : memref<819200xi32, #tpu.memory_space<hbm>> -> memref<1024xi32, #tpu.memory_space<hbm>>
    tpu.enqueue_dma source(%dma_start3A_12 : memref<1024xi32, #tpu.memory_space<hbm>>) target(%arg8 : memref<1024xi32, #tpu.memory_space<vmem>>) target_semaphore(%arg20 : memref<!tpu.dma_semaphore, #tpu.memory_space<semaphore_mem>>)
    %dma_start3A_13 = tpu.memref_slice %arg4[%add3A_11] : memref<819200xi32, #tpu.memory_space<hbm>> -> memref<1024xi32, #tpu.memory_space<hbm>>
    %dma_start3A_14 = tpu.memref_slice %arg4[%add3A_11] : memref<819200xi32, #tpu.memory_space<hbm>> -> memref<1024xi32, #tpu.memory_space<hbm>>
    tpu.enqueue_dma source(%dma_start3A_14 : memref<1024xi32, #tpu.memory_space<hbm>>) target(%arg9 : memref<1024xi32, #tpu.memory_space<vmem>>) target_semaphore(%arg20 : memref<!tpu.dma_semaphore, #tpu.memory_space<semaphore_mem>>)
    %dma_start3A_15 = tpu.memref_slice %arg5[%add3A_11] : memref<819200xi32, #tpu.memory_space<hbm>> -> memref<1024xi32, #tpu.memory_space<hbm>>
    %dma_start3A_16 = tpu.memref_slice %arg5[%add3A_11] : memref<819200xi32, #tpu.memory_space<hbm>> -> memref<1024xi32, #tpu.memory_space<hbm>>
    tpu.enqueue_dma source(%dma_start3A_16 : memref<1024xi32, #tpu.memory_space<hbm>>) target(%arg10 : memref<1024xi32, #tpu.memory_space<vmem>>) target_semaphore(%arg20 : memref<!tpu.dma_semaphore, #tpu.memory_space<semaphore_mem>>)
    %scan3A_17 = arith.constant 0 : i32
    %scan3A_18 = arith.constant 0 : i32
    %scan3A_19 = arith.constant 25 : i32
    %scan3A_20 = arith.addi %scan3A_18, %scan3A_19 : i32
    %scan3A_21 = arith.constant 1 : i32
    %scan3A_22 = scf.for %scan3A_124 = %scan3A_18 to %scan3A_20 step %scan3A_21 iter_args(%scan3A_125 = %scan3A_17) -> (i32)  : i32 {
      %mul3A_126 = arith.constant 2 : i32
      %mul3A_127 = arith.muli %mul3A_126, %scan3A_124 : i32
      %mul3A_128 = arith.constant 1024 : i32
      %mul3A_129 = arith.muli %mul3A_127, %mul3A_128 : i32
      %add3A_130 = arith.addi %mul3A_0, %mul3A_129 : i32
      %dma_wait3A_131 = tpu.memref_slice %arg3[%add3A_130] : memref<819200xi32, #tpu.memory_space<hbm>> -> memref<1024xi32, #tpu.memory_space<hbm>>
      %dma_wait3A_132 = tpu.memref_slice %arg3[%add3A_130] : memref<819200xi32, #tpu.memory_space<hbm>> -> memref<1024xi32, #tpu.memory_space<hbm>>
      tpu.wait_dma2 semaphore(%arg20 : memref<!tpu.dma_semaphore, #tpu.memory_space<semaphore_mem>>) src(%dma_wait3A_132 : memref<1024xi32, #tpu.memory_space<hbm>>) dst(%arg8 : memref<1024xi32, #tpu.memory_space<vmem>>)
      %dma_wait3A_133 = tpu.memref_slice %arg4[%add3A_130] : memref<819200xi32, #tpu.memory_space<hbm>> -> memref<1024xi32, #tpu.memory_space<hbm>>
      %dma_wait3A_134 = tpu.memref_slice %arg4[%add3A_130] : memref<819200xi32, #tpu.memory_space<hbm>> -> memref<1024xi32, #tpu.memory_space<hbm>>
      tpu.wait_dma2 semaphore(%arg20 : memref<!tpu.dma_semaphore, #tpu.memory_space<semaphore_mem>>) src(%dma_wait3A_134 : memref<1024xi32, #tpu.memory_space<hbm>>) dst(%arg9 : memref<1024xi32, #tpu.memory_space<vmem>>)
      %dma_wait3A_135 = tpu.memref_slice %arg5[%add3A_130] : memref<819200xi32, #tpu.memory_space<hbm>> -> memref<1024xi32, #tpu.memory_space<hbm>>
      %dma_wait3A_136 = tpu.memref_slice %arg5[%add3A_130] : memref<819200xi32, #tpu.memory_space<hbm>> -> memref<1024xi32, #tpu.memory_space<hbm>>
      tpu.wait_dma2 semaphore(%arg20 : memref<!tpu.dma_semaphore, #tpu.memory_space<semaphore_mem>>) src(%dma_wait3A_136 : memref<1024xi32, #tpu.memory_space<hbm>>) dst(%arg10 : memref<1024xi32, #tpu.memory_space<vmem>>)
      %mul3A_137 = arith.constant 2 : i32
      %mul3A_138 = arith.muli %mul3A_137, %scan3A_124 : i32
      %add3A_139 = arith.constant 1 : i32
      %add3A_140 = arith.addi %mul3A_138, %add3A_139 : i32
      %mul3A_141 = arith.constant 1024 : i32
      %mul3A_142 = arith.muli %add3A_140, %mul3A_141 : i32
      %add3A_143 = arith.addi %mul3A_0, %mul3A_142 : i32
      %dma_start3A_144 = tpu.memref_slice %arg3[%add3A_143] : memref<819200xi32, #tpu.memory_space<hbm>> -> memref<1024xi32, #tpu.memory_space<hbm>>
      %dma_start3A_145 = tpu.memref_slice %arg3[%add3A_143] : memref<819200xi32, #tpu.memory_space<hbm>> -> memref<1024xi32, #tpu.memory_space<hbm>>
      tpu.enqueue_dma source(%dma_start3A_145 : memref<1024xi32, #tpu.memory_space<hbm>>) target(%arg11 : memref<1024xi32, #tpu.memory_space<vmem>>) target_semaphore(%arg21 : memref<!tpu.dma_semaphore, #tpu.memory_space<semaphore_mem>>)
      %dma_start3A_146 = tpu.memref_slice %arg4[%add3A_143] : memref<819200xi32, #tpu.memory_space<hbm>> -> memref<1024xi32, #tpu.memory_space<hbm>>
      %dma_start3A_147 = tpu.memref_slice %arg4[%add3A_143] : memref<819200xi32, #tpu.memory_space<hbm>> -> memref<1024xi32, #tpu.memory_space<hbm>>
      tpu.enqueue_dma source(%dma_start3A_147 : memref<1024xi32, #tpu.memory_space<hbm>>) target(%arg12 : memref<1024xi32, #tpu.memory_space<vmem>>) target_semaphore(%arg21 : memref<!tpu.dma_semaphore, #tpu.memory_space<semaphore_mem>>)
      %dma_start3A_148 = tpu.memref_slice %arg5[%add3A_143] : memref<819200xi32, #tpu.memory_space<hbm>> -> memref<1024xi32, #tpu.memory_space<hbm>>
      %dma_start3A_149 = tpu.memref_slice %arg5[%add3A_143] : memref<819200xi32, #tpu.memory_space<hbm>> -> memref<1024xi32, #tpu.memory_space<hbm>>
      tpu.enqueue_dma source(%dma_start3A_149 : memref<1024xi32, #tpu.memory_space<hbm>>) target(%arg13 : memref<1024xi32, #tpu.memory_space<vmem>>) target_semaphore(%arg21 : memref<!tpu.dma_semaphore, #tpu.memory_space<semaphore_mem>>)
      %scan3A_150 = arith.constant 0 : i32
      %scan3A_151 = arith.constant 64 : i32
      %scan3A_152 = arith.addi %scan3A_150, %scan3A_151 : i32
      %scan3A_153 = arith.constant 1 : i32
      %scan3A_154 = scf.for %scan3A_265 = %scan3A_150 to %scan3A_152 step %scan3A_153 iter_args(%scan3A_266 = %scan3A_125) -> (i32)  : i32 {
        %mul3A_267 = arith.constant 16 : i32
        %mul3A_268 = arith.muli %scan3A_265, %mul3A_267 : i32
        %get3A = arith.index_cast %mul3A_268 : i32 to index
        %get3A_269 = tpu.vector_load %arg8[%get3A] {strides = array<i32>} : memref<1024xi32, #tpu.memory_space<vmem>>, vector<16xi32>,
        %mul3A_270 = arith.constant 16 : i32
        %mul3A_271 = arith.muli %scan3A_265, %mul3A_270 : i32
        %get3A_272 = arith.index_cast %mul3A_271 : i32 to index
        %get3A_273 = tpu.vector_load %arg9[%get3A_272] {strides = array<i32>} : memref<1024xi32, #tpu.memory_space<vmem>>, vector<16xi32>,
        %mul3A_274 = arith.constant 16 : i32
        %mul3A_275 = arith.muli %scan3A_265, %mul3A_274 : i32
        %get3A_276 = arith.index_cast %mul3A_275 : i32 to index
        %get3A_277 = tpu.vector_load %arg10[%get3A_276] {strides = array<i32>} : memref<1024xi32, #tpu.memory_space<vmem>>, vector<16xi32>,
        %shift_right_arithmetic3A = arith.constant 14 : i32
        %shift_right_arithmetic3A_278 = vector.broadcast %shift_right_arithmetic3A : i32 to vector<16xi32>
        %shift_right_arithmetic3A_279 = arith.shrsi %get3A_273, %shift_right_arithmetic3A_278 : vector<16xi32>
        %eq3A = vector.broadcast %add3A_1 : i32 to vector<16xi32>
        %eq3A_280 = arith.cmpi eq, %shift_right_arithmetic3A_279, %eq3A : vector<16xi32>
        %shift_left3A = arith.constant 14 : i32
        %shift_left3A_281 = vector.broadcast %shift_left3A : i32 to vector<16xi32>
        %shift_left3A_282 = arith.shli %get3A_277, %shift_left3A_281 : vector<16xi32>
        %and3A_283 = arith.constant 16383 : i32
        %and3A_284 = vector.broadcast %and3A_283 : i32 to vector<16xi32>
        %and3A_285 = arith.andi %get3A_273, %and3A_284 : vector<16xi32>
        %add3A_286 = arith.addi %shift_left3A_282, %and3A_285 : vector<16xi32>
        %convert_element_type3A_287 = arith.extui %eq3A_280 : vector<16xi1> to vector<16xi32>
        %cumsum3A = arith.constant true
        %cumsum3A_288 = vector.broadcast %cumsum3A : i1 to vector<16xi1>
        %cumsum3A_289 = tpu.scan <sum>, %convert_element_type3A_287 masked %cumsum3A_288 : vector<16xi32>, vector<16xi1> -> vector<16xi32>
        %add3A_290 = vector.broadcast %scan3A_266 : i32 to vector<16xi32>
        %add3A_291 = arith.addi %add3A_290, %cumsum3A_289 : vector<16xi32>
        %sub3A_292 = arith.constant 1 : i32
        %sub3A_293 = vector.broadcast %sub3A_292 : i32 to vector<16xi32>
        %sub3A_294 = arith.subi %add3A_291, %sub3A_293 : vector<16xi32>
        tpu.vector_store_idx %arg14[%sub3A_294], %get3A_269 masked %eq3A_280 : memref<2048xi32, #tpu.memory_space<vmem>>[vector<16xi32>], vector<16xi32>, vector<16xi1>
        tpu.vector_store_idx %arg15[%sub3A_294], %add3A_286 masked %eq3A_280 : memref<2048xi32, #tpu.memory_space<vmem>>[vector<16xi32>], vector<16xi32>, vector<16xi1>
        %reduce_sum3A = arith.constant true
        %reduce_sum3A_295 = vector.broadcast %reduce_sum3A : i1 to vector<16xi1>
        %reduce_sum3A_296 = tpu.scan <sum>, %convert_element_type3A_287 masked %reduce_sum3A_295 : vector<16xi32>, vector<16xi1> -> vector<16xi32>
        %reduce_sum3A_297 = vector.extract %reduce_sum3A_296[15] : i32 from vector<16xi32>
        %add3A_298 = arith.addi %scan3A_266, %reduce_sum3A_297 : i32
        scf.yield %add3A_298 : i32
      }
      %scan3A_155 = arith.constant 64 : i32
      %ge3A = arith.constant 512 : i32
      %ge3A_156 = arith.cmpi sge, %scan3A_154, %ge3A : i32
      %convert_element_type3A_157 = arith.extui %ge3A_156 : i1 to i32
      %cond3A_158 = arith.constant 0 : i32
      %cond3A_159 = arith.cmpi ne, %convert_element_type3A_157, %cond3A_158 : i32
      scf.if %cond3A_159 {
        %scan3A_265 = arith.constant 0 : i32
        %scan3A_266 = arith.constant 0 : i32
        %scan3A_267 = arith.constant 32 : i32
        %scan3A_268 = arith.addi %scan3A_266, %scan3A_267 : i32
        %scan3A_269 = arith.constant 1 : i32
        %scan3A_270 = scf.for %scan3A_278 = %scan3A_266 to %scan3A_268 step %scan3A_269 iter_args(%scan3A_279 = %scan3A_265) -> (i32)  : i32 {
          %mul3A_280 = arith.constant 16 : i32
          %mul3A_281 = arith.muli %scan3A_278, %mul3A_280 : i32
          %add3A_282 = arith.constant 0 : i32
          %add3A_283 = arith.addi %add3A_282, %mul3A_281 : i32
          %get3A = arith.index_cast %add3A_283 : i32 to index
          %get3A_284 = tpu.vector_load %arg14[%get3A] {strides = array<i32>} : memref<2048xi32, #tpu.memory_space<vmem>>, vector<16xi32>,
          %mul3A_285 = arith.constant 16 : i32
          %mul3A_286 = arith.muli %scan3A_278, %mul3A_285 : i32
          %swap3A = arith.index_cast %mul3A_286 : i32 to index
          %swap3A_287 = tpu.vector_load %arg16[%swap3A] {strides = array<i32>} : memref<512xi32, #tpu.memory_space<vmem>>, vector<16xi32>,
          tpu.vector_store %arg16[%swap3A], %get3A_284 {strides = array<i32>} : memref<512xi32, #tpu.memory_space<vmem>>, vector<16xi32>,
          %mul3A_288 = arith.constant 16 : i32
          %mul3A_289 = arith.muli %scan3A_278, %mul3A_288 : i32
          %add3A_290 = arith.constant 0 : i32
          %add3A_291 = arith.addi %add3A_290, %mul3A_289 : i32
          %get3A_292 = arith.index_cast %add3A_291 : i32 to index
          %get3A_293 = tpu.vector_load %arg15[%get3A_292] {strides = array<i32>} : memref<2048xi32, #tpu.memory_space<vmem>>, vector<16xi32>,
          %mul3A_294 = arith.constant 16 : i32
          %mul3A_295 = arith.muli %scan3A_278, %mul3A_294 : i32
          %swap3A_296 = arith.index_cast %mul3A_295 : i32 to index
          %swap3A_297 = tpu.vector_load %arg17[%swap3A_296] {strides = array<i32>} : memref<512xi32, #tpu.memory_space<vmem>>, vector<16xi32>,
          tpu.vector_store %arg17[%swap3A_296], %get3A_293 {strides = array<i32>} : memref<512xi32, #tpu.memory_space<vmem>>, vector<16xi32>,
          %scan3A_298 = arith.constant 0 : i32
          scf.yield %scan3A_298 : i32
        }
        %scan3A_271 = arith.constant 32 : i32
        %dma_start3A_272 = arith.constant 0 : i32
        %dma_start3A_273 = arith.constant 0 : i32
        %dma_start3A_274 = tpu.memref_slice %arg2[%dma_start3A_272, %dma_start3A_273] : memref<50048x64xbf16, #tpu.memory_space<hbm>> -> memref<50048x64xbf16, #tpu.memory_space<hbm>>
        tpu.enqueue_indirect_dma source(%dma_start3A_274 : memref<50048x64xbf16, #tpu.memory_space<hbm>>) target(%arg18 : memref<512x64xbf16, #tpu.memory_space<vmem>>) offsets(%arg16 : memref<512xi32, #tpu.memory_space<vmem>>) semaphore(%arg22 : memref<!tpu.dma_semaphore, #tpu.memory_space<semaphore_mem>>)
        %dma_wait3A_275 = arith.constant 0 : i32
        %dma_wait3A_276 = arith.constant 0 : i32
        %dma_wait3A_277 = tpu.memref_slice %arg2[%dma_wait3A_275, %dma_wait3A_276] : memref<50048x64xbf16, #tpu.memory_space<hbm>> -> memref<50048x64xbf16, #tpu.memory_space<hbm>>
        tpu.wait_indirect_dma semaphore(%arg22 : memref<!tpu.dma_semaphore, #tpu.memory_space<semaphore_mem>>) src(%dma_wait3A_277 : memref<50048x64xbf16, #tpu.memory_space<hbm>>) dst(%arg18 : memref<512x64xbf16, #tpu.memory_space<vmem>>)
        "tpu.region"() ({
          %run_scoped3A_278 = tpu.sem_alloc : memref<!tpu.dma_semaphore, #tpu.memory_space<semaphore_mem>>
          %dma_start3A_279 = arith.constant 0 : i32
          %dma_start3A_280 = arith.constant 0 : i32
          %dma_start3A_281 = tpu.memref_slice %arg19[%dma_start3A_279, %dma_start3A_280] : memref<49216x64xbf16, #tpu.memory_space<vmem_shared>> -> memref<49216x64xbf16, #tpu.memory_space<vmem_shared>>
          tpu.enqueue_indirect_dma source(%arg18 : memref<512x64xbf16, #tpu.memory_space<vmem>>) target(%dma_start3A_281 : memref<49216x64xbf16, #tpu.memory_space<vmem_shared>>) offsets(%arg17 : memref<512xi32, #tpu.memory_space<vmem>>) semaphore(%run_scoped3A_278 : memref<!tpu.dma_semaphore, #tpu.memory_space<semaphore_mem>>) {add = true}
          %dma_wait3A_282 = arith.constant 0 : i32
          %dma_wait3A_283 = arith.constant 0 : i32
          %dma_wait3A_284 = tpu.memref_slice %arg19[%dma_wait3A_282, %dma_wait3A_283] : memref<49216x64xbf16, #tpu.memory_space<vmem_shared>> -> memref<49216x64xbf16, #tpu.memory_space<vmem_shared>>
          tpu.wait_indirect_dma semaphore(%run_scoped3A_278 : memref<!tpu.dma_semaphore, #tpu.memory_space<semaphore_mem>>) src(%arg18 : memref<512x64xbf16, #tpu.memory_space<vmem>>) dst(%dma_wait3A_284 : memref<49216x64xbf16, #tpu.memory_space<vmem_shared>>)
          tpu.yield
        }) : () -> ()
      } else {
      }
      %ge3A_160 = arith.constant 1024 : i32
      %ge3A_161 = arith.cmpi sge, %scan3A_154, %ge3A_160 : i32
      %convert_element_type3A_162 = arith.extui %ge3A_161 : i1 to i32
      %cond3A_163 = arith.constant 0 : i32
      %cond3A_164 = arith.cmpi ne, %convert_element_type3A_162, %cond3A_163 : i32
      scf.if %cond3A_164 {
        %scan3A_265 = arith.constant 0 : i32
        %scan3A_266 = arith.constant 0 : i32
        %scan3A_267 = arith.constant 32 : i32
        %scan3A_268 = arith.addi %scan3A_266, %scan3A_267 : i32
        %scan3A_269 = arith.constant 1 : i32
        %scan3A_270 = scf.for %scan3A_278 = %scan3A_266 to %scan3A_268 step %scan3A_269 iter_args(%scan3A_279 = %scan3A_265) -> (i32)  : i32 {
          %mul3A_280 = arith.constant 16 : i32
          %mul3A_281 = arith.muli %scan3A_278, %mul3A_280 : i32
          %add3A_282 = arith.constant 512 : i32
          %add3A_283 = arith.addi %add3A_282, %mul3A_281 : i32
          %get3A = arith.index_cast %add3A_283 : i32 to index
          %get3A_284 = tpu.vector_load %arg14[%get3A] {strides = array<i32>} : memref<2048xi32, #tpu.memory_space<vmem>>, vector<16xi32>,
          %mul3A_285 = arith.constant 16 : i32
          %mul3A_286 = arith.muli %scan3A_278, %mul3A_285 : i32
          %swap3A = arith.index_cast %mul3A_286 : i32 to index
          %swap3A_287 = tpu.vector_load %arg16[%swap3A] {strides = array<i32>} : memref<512xi32, #tpu.memory_space<vmem>>, vector<16xi32>,
          tpu.vector_store %arg16[%swap3A], %get3A_284 {strides = array<i32>} : memref<512xi32, #tpu.memory_space<vmem>>, vector<16xi32>,
          %mul3A_288 = arith.constant 16 : i32
          %mul3A_289 = arith.muli %scan3A_278, %mul3A_288 : i32
          %add3A_290 = arith.constant 512 : i32
          %add3A_291 = arith.addi %add3A_290, %mul3A_289 : i32
          %get3A_292 = arith.index_cast %add3A_291 : i32 to index
          %get3A_293 = tpu.vector_load %arg15[%get3A_292] {strides = array<i32>} : memref<2048xi32, #tpu.memory_space<vmem>>, vector<16xi32>,
          %mul3A_294 = arith.constant 16 : i32
          %mul3A_295 = arith.muli %scan3A_278, %mul3A_294 : i32
          %swap3A_296 = arith.index_cast %mul3A_295 : i32 to index
          %swap3A_297 = tpu.vector_load %arg17[%swap3A_296] {strides = array<i32>} : memref<512xi32, #tpu.memory_space<vmem>>, vector<16xi32>,
          tpu.vector_store %arg17[%swap3A_296], %get3A_293 {strides = array<i32>} : memref<512xi32, #tpu.memory_space<vmem>>, vector<16xi32>,
          %scan3A_298 = arith.constant 0 : i32
          scf.yield %scan3A_298 : i32
        }
        %scan3A_271 = arith.constant 32 : i32
        %dma_start3A_272 = arith.constant 0 : i32
        %dma_start3A_273 = arith.constant 0 : i32
        %dma_start3A_274 = tpu.memref_slice %arg2[%dma_start3A_272, %dma_start3A_273] : memref<50048x64xbf16, #tpu.memory_space<hbm>> -> memref<50048x64xbf16, #tpu.memory_space<hbm>>
        tpu.enqueue_indirect_dma source(%dma_start3A_274 : memref<50048x64xbf16, #tpu.memory_space<hbm>>) target(%arg18 : memref<512x64xbf16, #tpu.memory_space<vmem>>) offsets(%arg16 : memref<512xi32, #tpu.memory_space<vmem>>) semaphore(%arg22 : memref<!tpu.dma_semaphore, #tpu.memory_space<semaphore_mem>>)
        %dma_wait3A_275 = arith.constant 0 : i32
        %dma_wait3A_276 = arith.constant 0 : i32
        %dma_wait3A_277 = tpu.memref_slice %arg2[%dma_wait3A_275, %dma_wait3A_276] : memref<50048x64xbf16, #tpu.memory_space<hbm>> -> memref<50048x64xbf16, #tpu.memory_space<hbm>>
        tpu.wait_indirect_dma semaphore(%arg22 : memref<!tpu.dma_semaphore, #tpu.memory_space<semaphore_mem>>) src(%dma_wait3A_277 : memref<50048x64xbf16, #tpu.memory_space<hbm>>) dst(%arg18 : memref<512x64xbf16, #tpu.memory_space<vmem>>)
        "tpu.region"() ({
          %run_scoped3A_278 = tpu.sem_alloc : memref<!tpu.dma_semaphore, #tpu.memory_space<semaphore_mem>>
          %dma_start3A_279 = arith.constant 0 : i32
          %dma_start3A_280 = arith.constant 0 : i32
          %dma_start3A_281 = tpu.memref_slice %arg19[%dma_start3A_279, %dma_start3A_280] : memref<49216x64xbf16, #tpu.memory_space<vmem_shared>> -> memref<49216x64xbf16, #tpu.memory_space<vmem_shared>>
          tpu.enqueue_indirect_dma source(%arg18 : memref<512x64xbf16, #tpu.memory_space<vmem>>) target(%dma_start3A_281 : memref<49216x64xbf16, #tpu.memory_space<vmem_shared>>) offsets(%arg17 : memref<512xi32, #tpu.memory_space<vmem>>) semaphore(%run_scoped3A_278 : memref<!tpu.dma_semaphore, #tpu.memory_space<semaphore_mem>>) {add = true}
          %dma_wait3A_282 = arith.constant 0 : i32
          %dma_wait3A_283 = arith.constant 0 : i32
          %dma_wait3A_284 = tpu.memref_slice %arg19[%dma_wait3A_282, %dma_wait3A_283] : memref<49216x64xbf16, #tpu.memory_space<vmem_shared>> -> memref<49216x64xbf16, #tpu.memory_space<vmem_shared>>
          tpu.wait_indirect_dma semaphore(%run_scoped3A_278 : memref<!tpu.dma_semaphore, #tpu.memory_space<semaphore_mem>>) src(%arg18 : memref<512x64xbf16, #tpu.memory_space<vmem>>) dst(%dma_wait3A_284 : memref<49216x64xbf16, #tpu.memory_space<vmem_shared>>)
          tpu.yield
        }) : () -> ()
      } else {
      }
      %jit3A = arith.constant 512 : i32
      %div3A = arith.divsi %scan3A_154, %jit3A : i32
      %sign3A = arith.constant 0 : i32
      %sign3A_165 = arith.cmpi sgt, %scan3A_154, %sign3A : i32
      %sign3A_166 = arith.extui %sign3A_165 : i1 to i32
      %sign3A_167 = arith.constant 0 : i32
      %sign3A_168 = arith.cmpi slt, %scan3A_154, %sign3A_167 : i32
      %sign3A_169 = arith.extui %sign3A_168 : i1 to i32
      %sign3A_170 = arith.subi %sign3A_166, %sign3A_169 : i32
      %sign3A_171 = arith.constant 0 : i32
      %sign3A_172 = arith.cmpi sgt, %jit3A, %sign3A_171 : i32
      %sign3A_173 = arith.extui %sign3A_172 : i1 to i32
      %sign3A_174 = arith.constant 0 : i32
      %sign3A_175 = arith.cmpi slt, %jit3A, %sign3A_174 : i32
      %sign3A_176 = arith.extui %sign3A_175 : i1 to i32
      %sign3A_177 = arith.subi %sign3A_173, %sign3A_176 : i32
      %ne3A = arith.cmpi ne, %sign3A_170, %sign3A_177 : i32
      %rem3A = arith.remsi %scan3A_154, %jit3A : i32
      %ne3A_178 = arith.constant 0 : i32
      %ne3A_179 = arith.cmpi ne, %rem3A, %ne3A_178 : i32
      %and3A = arith.andi %ne3A, %ne3A_179 : i1
      %sub3A = arith.constant 1 : i32
      %sub3A_180 = arith.subi %div3A, %sub3A : i32
      %select_n3A = arith.select %and3A, %sub3A_180, %div3A : i32
      %mul3A_181 = arith.constant 512 : i32
      %mul3A_182 = arith.muli %select_n3A, %mul3A_181 : i32
      %sub3A_183 = arith.subi %scan3A_154, %mul3A_182 : i32
      %gt3A_184 = arith.constant 0 : i32
      %gt3A_185 = arith.cmpi sgt, %select_n3A, %gt3A_184 : i32
      %convert_element_type3A_186 = arith.extui %gt3A_185 : i1 to i32
      %cond3A_187 = arith.constant 0 : i32
      %cond3A_188 = arith.cmpi ne, %convert_element_type3A_186, %cond3A_187 : i32
      scf.if %cond3A_188 {
        %scan3A_265 = arith.constant 0 : i32
        %scan3A_266 = arith.constant 0 : i32
        %scan3A_267 = arith.constant 32 : i32
        %scan3A_268 = arith.addi %scan3A_266, %scan3A_267 : i32
        %scan3A_269 = arith.constant 1 : i32
        %scan3A_270 = scf.for %scan3A_272 = %scan3A_266 to %scan3A_268 step %scan3A_269 iter_args(%scan3A_273 = %scan3A_265) -> (i32)  : i32 {
          %mul3A_274 = arith.constant 512 : i32
          %mul3A_275 = arith.muli %select_n3A, %mul3A_274 : i32
          %mul3A_276 = arith.constant 16 : i32
          %mul3A_277 = arith.muli %scan3A_272, %mul3A_276 : i32
          %add3A_278 = arith.addi %mul3A_275, %mul3A_277 : i32
          %get3A = arith.index_cast %add3A_278 : i32 to index
          %get3A_279 = tpu.vector_load %arg14[%get3A] {strides = array<i32>} : memref<2048xi32, #tpu.memory_space<vmem>>, vector<16xi32>,
          %mul3A_280 = arith.constant 16 : i32
          %mul3A_281 = arith.muli %scan3A_272, %mul3A_280 : i32
          %swap3A = arith.index_cast %mul3A_281 : i32 to index
          %swap3A_282 = tpu.vector_load %arg14[%swap3A] {strides = array<i32>} : memref<2048xi32, #tpu.memory_space<vmem>>, vector<16xi32>,
          tpu.vector_store %arg14[%swap3A], %get3A_279 {strides = array<i32>} : memref<2048xi32, #tpu.memory_space<vmem>>, vector<16xi32>,
          %mul3A_283 = arith.constant 512 : i32
          %mul3A_284 = arith.muli %select_n3A, %mul3A_283 : i32
          %mul3A_285 = arith.constant 16 : i32
          %mul3A_286 = arith.muli %scan3A_272, %mul3A_285 : i32
          %add3A_287 = arith.addi %mul3A_284, %mul3A_286 : i32
          %get3A_288 = arith.index_cast %add3A_287 : i32 to index
          %get3A_289 = tpu.vector_load %arg15[%get3A_288] {strides = array<i32>} : memref<2048xi32, #tpu.memory_space<vmem>>, vector<16xi32>,
          %mul3A_290 = arith.constant 16 : i32
          %mul3A_291 = arith.muli %scan3A_272, %mul3A_290 : i32
          %swap3A_292 = arith.index_cast %mul3A_291 : i32 to index
          %swap3A_293 = tpu.vector_load %arg15[%swap3A_292] {strides = array<i32>} : memref<2048xi32, #tpu.memory_space<vmem>>, vector<16xi32>,
          tpu.vector_store %arg15[%swap3A_292], %get3A_289 {strides = array<i32>} : memref<2048xi32, #tpu.memory_space<vmem>>, vector<16xi32>,
          %scan3A_294 = arith.constant 0 : i32
          scf.yield %scan3A_294 : i32
        }
        %scan3A_271 = arith.constant 32 : i32
      } else {
      }
      %mul3A_189 = arith.constant 2 : i32
      %mul3A_190 = arith.muli %mul3A_189, %scan3A_124 : i32
      %add3A_191 = arith.constant 1 : i32
      %add3A_192 = arith.addi %mul3A_190, %add3A_191 : i32
      %mul3A_193 = arith.constant 1024 : i32
      %mul3A_194 = arith.muli %add3A_192, %mul3A_193 : i32
      %add3A_195 = arith.addi %mul3A_0, %mul3A_194 : i32
      %dma_wait3A_196 = tpu.memref_slice %arg3[%add3A_195] : memref<819200xi32, #tpu.memory_space<hbm>> -> memref<1024xi32, #tpu.memory_space<hbm>>
      %dma_wait3A_197 = tpu.memref_slice %arg3[%add3A_195] : memref<819200xi32, #tpu.memory_space<hbm>> -> memref<1024xi32, #tpu.memory_space<hbm>>
      tpu.wait_dma2 semaphore(%arg21 : memref<!tpu.dma_semaphore, #tpu.memory_space<semaphore_mem>>) src(%dma_wait3A_197 : memref<1024xi32, #tpu.memory_space<hbm>>) dst(%arg11 : memref<1024xi32, #tpu.memory_space<vmem>>)
      %dma_wait3A_198 = tpu.memref_slice %arg4[%add3A_195] : memref<819200xi32, #tpu.memory_space<hbm>> -> memref<1024xi32, #tpu.memory_space<hbm>>
      %dma_wait3A_199 = tpu.memref_slice %arg4[%add3A_195] : memref<819200xi32, #tpu.memory_space<hbm>> -> memref<1024xi32, #tpu.memory_space<hbm>>
      tpu.wait_dma2 semaphore(%arg21 : memref<!tpu.dma_semaphore, #tpu.memory_space<semaphore_mem>>) src(%dma_wait3A_199 : memref<1024xi32, #tpu.memory_space<hbm>>) dst(%arg12 : memref<1024xi32, #tpu.memory_space<vmem>>)
      %dma_wait3A_200 = tpu.memref_slice %arg5[%add3A_195] : memref<819200xi32, #tpu.memory_space<hbm>> -> memref<1024xi32, #tpu.memory_space<hbm>>
      %dma_wait3A_201 = tpu.memref_slice %arg5[%add3A_195] : memref<819200xi32, #tpu.memory_space<hbm>> -> memref<1024xi32, #tpu.memory_space<hbm>>
      tpu.wait_dma2 semaphore(%arg21 : memref<!tpu.dma_semaphore, #tpu.memory_space<semaphore_mem>>) src(%dma_wait3A_201 : memref<1024xi32, #tpu.memory_space<hbm>>) dst(%arg13 : memref<1024xi32, #tpu.memory_space<vmem>>)
      %mul3A_202 = arith.constant 2 : i32
      %mul3A_203 = arith.muli %mul3A_202, %scan3A_124 : i32
      %add3A_204 = arith.constant 2 : i32
      %add3A_205 = arith.addi %mul3A_203, %add3A_204 : i32
      %rem3A_206 = arith.constant 50 : i32
      %rem3A_207 = arith.remsi %add3A_205, %rem3A_206 : i32
      %mul3A_208 = arith.constant 1024 : i32
      %mul3A_209 = arith.muli %rem3A_207, %mul3A_208 : i32
      %add3A_210 = arith.addi %mul3A_0, %mul3A_209 : i32
      %dma_start3A_211 = tpu.memref_slice %arg3[%add3A_210] : memref<819200xi32, #tpu.memory_space<hbm>> -> memref<1024xi32, #tpu.memory_space<hbm>>
      %dma_start3A_212 = tpu.memref_slice %arg3[%add3A_210] : memref<819200xi32, #tpu.memory_space<hbm>> -> memref<1024xi32, #tpu.memory_space<hbm>>
      tpu.enqueue_dma source(%dma_start3A_212 : memref<1024xi32, #tpu.memory_space<hbm>>) target(%arg8 : memref<1024xi32, #tpu.memory_space<vmem>>) target_semaphore(%arg20 : memref<!tpu.dma_semaphore, #tpu.memory_space<semaphore_mem>>)
      %dma_start3A_213 = tpu.memref_slice %arg4[%add3A_210] : memref<819200xi32, #tpu.memory_space<hbm>> -> memref<1024xi32, #tpu.memory_space<hbm>>
      %dma_start3A_214 = tpu.memref_slice %arg4[%add3A_210] : memref<819200xi32, #tpu.memory_space<hbm>> -> memref<1024xi32, #tpu.memory_space<hbm>>
      tpu.enqueue_dma source(%dma_start3A_214 : memref<1024xi32, #tpu.memory_space<hbm>>) target(%arg9 : memref<1024xi32, #tpu.memory_space<vmem>>) target_semaphore(%arg20 : memref<!tpu.dma_semaphore, #tpu.memory_space<semaphore_mem>>)
      %dma_start3A_215 = tpu.memref_slice %arg5[%add3A_210] : memref<819200xi32, #tpu.memory_space<hbm>> -> memref<1024xi32, #tpu.memory_space<hbm>>
      %dma_start3A_216 = tpu.memref_slice %arg5[%add3A_210] : memref<819200xi32, #tpu.memory_space<hbm>> -> memref<1024xi32, #tpu.memory_space<hbm>>
      tpu.enqueue_dma source(%dma_start3A_216 : memref<1024xi32, #tpu.memory_space<hbm>>) target(%arg10 : memref<1024xi32, #tpu.memory_space<vmem>>) target_semaphore(%arg20 : memref<!tpu.dma_semaphore, #tpu.memory_space<semaphore_mem>>)
      %scan3A_217 = arith.constant 0 : i32
      %scan3A_218 = arith.constant 64 : i32
      %scan3A_219 = arith.addi %scan3A_217, %scan3A_218 : i32
      %scan3A_220 = arith.constant 1 : i32
      %scan3A_221 = scf.for %scan3A_265 = %scan3A_217 to %scan3A_219 step %scan3A_220 iter_args(%scan3A_266 = %sub3A_183) -> (i32)  : i32 {
        %mul3A_267 = arith.constant 16 : i32
        %mul3A_268 = arith.muli %scan3A_265, %mul3A_267 : i32
        %get3A = arith.index_cast %mul3A_268 : i32 to index
        %get3A_269 = tpu.vector_load %arg11[%get3A] {strides = array<i32>} : memref<1024xi32, #tpu.memory_space<vmem>>, vector<16xi32>,
        %mul3A_270 = arith.constant 16 : i32
        %mul3A_271 = arith.muli %scan3A_265, %mul3A_270 : i32
        %get3A_272 = arith.index_cast %mul3A_271 : i32 to index
        %get3A_273 = tpu.vector_load %arg12[%get3A_272] {strides = array<i32>} : memref<1024xi32, #tpu.memory_space<vmem>>, vector<16xi32>,
        %mul3A_274 = arith.constant 16 : i32
        %mul3A_275 = arith.muli %scan3A_265, %mul3A_274 : i32
        %get3A_276 = arith.index_cast %mul3A_275 : i32 to index
        %get3A_277 = tpu.vector_load %arg13[%get3A_276] {strides = array<i32>} : memref<1024xi32, #tpu.memory_space<vmem>>, vector<16xi32>,
        %shift_right_arithmetic3A = arith.constant 14 : i32
        %shift_right_arithmetic3A_278 = vector.broadcast %shift_right_arithmetic3A : i32 to vector<16xi32>
        %shift_right_arithmetic3A_279 = arith.shrsi %get3A_273, %shift_right_arithmetic3A_278 : vector<16xi32>
        %eq3A = vector.broadcast %add3A_1 : i32 to vector<16xi32>
        %eq3A_280 = arith.cmpi eq, %shift_right_arithmetic3A_279, %eq3A : vector<16xi32>
        %shift_left3A = arith.constant 14 : i32
        %shift_left3A_281 = vector.broadcast %shift_left3A : i32 to vector<16xi32>
        %shift_left3A_282 = arith.shli %get3A_277, %shift_left3A_281 : vector<16xi32>
        %and3A_283 = arith.constant 16383 : i32
        %and3A_284 = vector.broadcast %and3A_283 : i32 to vector<16xi32>
        %and3A_285 = arith.andi %get3A_273, %and3A_284 : vector<16xi32>
        %add3A_286 = arith.addi %shift_left3A_282, %and3A_285 : vector<16xi32>
        %convert_element_type3A_287 = arith.extui %eq3A_280 : vector<16xi1> to vector<16xi32>
        %cumsum3A = arith.constant true
        %cumsum3A_288 = vector.broadcast %cumsum3A : i1 to vector<16xi1>
        %cumsum3A_289 = tpu.scan <sum>, %convert_element_type3A_287 masked %cumsum3A_288 : vector<16xi32>, vector<16xi1> -> vector<16xi32>
        %add3A_290 = vector.broadcast %scan3A_266 : i32 to vector<16xi32>
        %add3A_291 = arith.addi %add3A_290, %cumsum3A_289 : vector<16xi32>
        %sub3A_292 = arith.constant 1 : i32
        %sub3A_293 = vector.broadcast %sub3A_292 : i32 to vector<16xi32>
        %sub3A_294 = arith.subi %add3A_291, %sub3A_293 : vector<16xi32>
        tpu.vector_store_idx %arg14[%sub3A_294], %get3A_269 masked %eq3A_280 : memref<2048xi32, #tpu.memory_space<vmem>>[vector<16xi32>], vector<16xi32>, vector<16xi1>
        tpu.vector_store_idx %arg15[%sub3A_294], %add3A_286 masked %eq3A_280 : memref<2048xi32, #tpu.memory_space<vmem>>[vector<16xi32>], vector<16xi32>, vector<16xi1>
        %reduce_sum3A = arith.constant true
        %reduce_sum3A_295 = vector.broadcast %reduce_sum3A : i1 to vector<16xi1>
        %reduce_sum3A_296 = tpu.scan <sum>, %convert_element_type3A_287 masked %reduce_sum3A_295 : vector<16xi32>, vector<16xi1> -> vector<16xi32>
        %reduce_sum3A_297 = vector.extract %reduce_sum3A_296[15] : i32 from vector<16xi32>
        %add3A_298 = arith.addi %scan3A_266, %reduce_sum3A_297 : i32
        scf.yield %add3A_298 : i32
      }
      %scan3A_222 = arith.constant 64 : i32
      %ge3A_223 = arith.constant 512 : i32
      %ge3A_224 = arith.cmpi sge, %scan3A_221, %ge3A_223 : i32
      %convert_element_type3A_225 = arith.extui %ge3A_224 : i1 to i32
      %cond3A_226 = arith.constant 0 : i32
      %cond3A_227 = arith.cmpi ne, %convert_element_type3A_225, %cond3A_226 : i32
      scf.if %cond3A_227 {
        %scan3A_265 = arith.constant 0 : i32
        %scan3A_266 = arith.constant 0 : i32
        %scan3A_267 = arith.constant 32 : i32
        %scan3A_268 = arith.addi %scan3A_266, %scan3A_267 : i32
        %scan3A_269 = arith.constant 1 : i32
        %scan3A_270 = scf.for %scan3A_278 = %scan3A_266 to %scan3A_268 step %scan3A_269 iter_args(%scan3A_279 = %scan3A_265) -> (i32)  : i32 {
          %mul3A_280 = arith.constant 16 : i32
          %mul3A_281 = arith.muli %scan3A_278, %mul3A_280 : i32
          %add3A_282 = arith.constant 0 : i32
          %add3A_283 = arith.addi %add3A_282, %mul3A_281 : i32
          %get3A = arith.index_cast %add3A_283 : i32 to index
          %get3A_284 = tpu.vector_load %arg14[%get3A] {strides = array<i32>} : memref<2048xi32, #tpu.memory_space<vmem>>, vector<16xi32>,
          %mul3A_285 = arith.constant 16 : i32
          %mul3A_286 = arith.muli %scan3A_278, %mul3A_285 : i32
          %swap3A = arith.index_cast %mul3A_286 : i32 to index
          %swap3A_287 = tpu.vector_load %arg16[%swap3A] {strides = array<i32>} : memref<512xi32, #tpu.memory_space<vmem>>, vector<16xi32>,
          tpu.vector_store %arg16[%swap3A], %get3A_284 {strides = array<i32>} : memref<512xi32, #tpu.memory_space<vmem>>, vector<16xi32>,
          %mul3A_288 = arith.constant 16 : i32
          %mul3A_289 = arith.muli %scan3A_278, %mul3A_288 : i32
          %add3A_290 = arith.constant 0 : i32
          %add3A_291 = arith.addi %add3A_290, %mul3A_289 : i32
          %get3A_292 = arith.index_cast %add3A_291 : i32 to index
          %get3A_293 = tpu.vector_load %arg15[%get3A_292] {strides = array<i32>} : memref<2048xi32, #tpu.memory_space<vmem>>, vector<16xi32>,
          %mul3A_294 = arith.constant 16 : i32
          %mul3A_295 = arith.muli %scan3A_278, %mul3A_294 : i32
          %swap3A_296 = arith.index_cast %mul3A_295 : i32 to index
          %swap3A_297 = tpu.vector_load %arg17[%swap3A_296] {strides = array<i32>} : memref<512xi32, #tpu.memory_space<vmem>>, vector<16xi32>,
          tpu.vector_store %arg17[%swap3A_296], %get3A_293 {strides = array<i32>} : memref<512xi32, #tpu.memory_space<vmem>>, vector<16xi32>,
          %scan3A_298 = arith.constant 0 : i32
          scf.yield %scan3A_298 : i32
        }
        %scan3A_271 = arith.constant 32 : i32
        %dma_start3A_272 = arith.constant 0 : i32
        %dma_start3A_273 = arith.constant 0 : i32
        %dma_start3A_274 = tpu.memref_slice %arg2[%dma_start3A_272, %dma_start3A_273] : memref<50048x64xbf16, #tpu.memory_space<hbm>> -> memref<50048x64xbf16, #tpu.memory_space<hbm>>
        tpu.enqueue_indirect_dma source(%dma_start3A_274 : memref<50048x64xbf16, #tpu.memory_space<hbm>>) target(%arg18 : memref<512x64xbf16, #tpu.memory_space<vmem>>) offsets(%arg16 : memref<512xi32, #tpu.memory_space<vmem>>) semaphore(%arg22 : memref<!tpu.dma_semaphore, #tpu.memory_space<semaphore_mem>>)
        %dma_wait3A_275 = arith.constant 0 : i32
        %dma_wait3A_276 = arith.constant 0 : i32
        %dma_wait3A_277 = tpu.memref_slice %arg2[%dma_wait3A_275, %dma_wait3A_276] : memref<50048x64xbf16, #tpu.memory_space<hbm>> -> memref<50048x64xbf16, #tpu.memory_space<hbm>>
        tpu.wait_indirect_dma semaphore(%arg22 : memref<!tpu.dma_semaphore, #tpu.memory_space<semaphore_mem>>) src(%dma_wait3A_277 : memref<50048x64xbf16, #tpu.memory_space<hbm>>) dst(%arg18 : memref<512x64xbf16, #tpu.memory_space<vmem>>)
        "tpu.region"() ({
          %run_scoped3A_278 = tpu.sem_alloc : memref<!tpu.dma_semaphore, #tpu.memory_space<semaphore_mem>>
          %dma_start3A_279 = arith.constant 0 : i32
          %dma_start3A_280 = arith.constant 0 : i32
          %dma_start3A_281 = tpu.memref_slice %arg19[%dma_start3A_279, %dma_start3A_280] : memref<49216x64xbf16, #tpu.memory_space<vmem_shared>> -> memref<49216x64xbf16, #tpu.memory_space<vmem_shared>>
          tpu.enqueue_indirect_dma source(%arg18 : memref<512x64xbf16, #tpu.memory_space<vmem>>) target(%dma_start3A_281 : memref<49216x64xbf16, #tpu.memory_space<vmem_shared>>) offsets(%arg17 : memref<512xi32, #tpu.memory_space<vmem>>) semaphore(%run_scoped3A_278 : memref<!tpu.dma_semaphore, #tpu.memory_space<semaphore_mem>>) {add = true}
          %dma_wait3A_282 = arith.constant 0 : i32
          %dma_wait3A_283 = arith.constant 0 : i32
          %dma_wait3A_284 = tpu.memref_slice %arg19[%dma_wait3A_282, %dma_wait3A_283] : memref<49216x64xbf16, #tpu.memory_space<vmem_shared>> -> memref<49216x64xbf16, #tpu.memory_space<vmem_shared>>
          tpu.wait_indirect_dma semaphore(%run_scoped3A_278 : memref<!tpu.dma_semaphore, #tpu.memory_space<semaphore_mem>>) src(%arg18 : memref<512x64xbf16, #tpu.memory_space<vmem>>) dst(%dma_wait3A_284 : memref<49216x64xbf16, #tpu.memory_space<vmem_shared>>)
          tpu.yield
        }) : () -> ()
      } else {
      }
      %ge3A_228 = arith.constant 1024 : i32
      %ge3A_229 = arith.cmpi sge, %scan3A_221, %ge3A_228 : i32
      %convert_element_type3A_230 = arith.extui %ge3A_229 : i1 to i32
      %cond3A_231 = arith.constant 0 : i32
      %cond3A_232 = arith.cmpi ne, %convert_element_type3A_230, %cond3A_231 : i32
      scf.if %cond3A_232 {
        %scan3A_265 = arith.constant 0 : i32
        %scan3A_266 = arith.constant 0 : i32
        %scan3A_267 = arith.constant 32 : i32
        %scan3A_268 = arith.addi %scan3A_266, %scan3A_267 : i32
        %scan3A_269 = arith.constant 1 : i32
        %scan3A_270 = scf.for %scan3A_278 = %scan3A_266 to %scan3A_268 step %scan3A_269 iter_args(%scan3A_279 = %scan3A_265) -> (i32)  : i32 {
          %mul3A_280 = arith.constant 16 : i32
          %mul3A_281 = arith.muli %scan3A_278, %mul3A_280 : i32
          %add3A_282 = arith.constant 512 : i32
          %add3A_283 = arith.addi %add3A_282, %mul3A_281 : i32
          %get3A = arith.index_cast %add3A_283 : i32 to index
          %get3A_284 = tpu.vector_load %arg14[%get3A] {strides = array<i32>} : memref<2048xi32, #tpu.memory_space<vmem>>, vector<16xi32>,
          %mul3A_285 = arith.constant 16 : i32
          %mul3A_286 = arith.muli %scan3A_278, %mul3A_285 : i32
          %swap3A = arith.index_cast %mul3A_286 : i32 to index
          %swap3A_287 = tpu.vector_load %arg16[%swap3A] {strides = array<i32>} : memref<512xi32, #tpu.memory_space<vmem>>, vector<16xi32>,
          tpu.vector_store %arg16[%swap3A], %get3A_284 {strides = array<i32>} : memref<512xi32, #tpu.memory_space<vmem>>, vector<16xi32>,
          %mul3A_288 = arith.constant 16 : i32
          %mul3A_289 = arith.muli %scan3A_278, %mul3A_288 : i32
          %add3A_290 = arith.constant 512 : i32
          %add3A_291 = arith.addi %add3A_290, %mul3A_289 : i32
          %get3A_292 = arith.index_cast %add3A_291 : i32 to index
          %get3A_293 = tpu.vector_load %arg15[%get3A_292] {strides = array<i32>} : memref<2048xi32, #tpu.memory_space<vmem>>, vector<16xi32>,
          %mul3A_294 = arith.constant 16 : i32
          %mul3A_295 = arith.muli %scan3A_278, %mul3A_294 : i32
          %swap3A_296 = arith.index_cast %mul3A_295 : i32 to index
          %swap3A_297 = tpu.vector_load %arg17[%swap3A_296] {strides = array<i32>} : memref<512xi32, #tpu.memory_space<vmem>>, vector<16xi32>,
          tpu.vector_store %arg17[%swap3A_296], %get3A_293 {strides = array<i32>} : memref<512xi32, #tpu.memory_space<vmem>>, vector<16xi32>,
          %scan3A_298 = arith.constant 0 : i32
          scf.yield %scan3A_298 : i32
        }
        %scan3A_271 = arith.constant 32 : i32
        %dma_start3A_272 = arith.constant 0 : i32
        %dma_start3A_273 = arith.constant 0 : i32
        %dma_start3A_274 = tpu.memref_slice %arg2[%dma_start3A_272, %dma_start3A_273] : memref<50048x64xbf16, #tpu.memory_space<hbm>> -> memref<50048x64xbf16, #tpu.memory_space<hbm>>
        tpu.enqueue_indirect_dma source(%dma_start3A_274 : memref<50048x64xbf16, #tpu.memory_space<hbm>>) target(%arg18 : memref<512x64xbf16, #tpu.memory_space<vmem>>) offsets(%arg16 : memref<512xi32, #tpu.memory_space<vmem>>) semaphore(%arg22 : memref<!tpu.dma_semaphore, #tpu.memory_space<semaphore_mem>>)
        %dma_wait3A_275 = arith.constant 0 : i32
        %dma_wait3A_276 = arith.constant 0 : i32
        %dma_wait3A_277 = tpu.memref_slice %arg2[%dma_wait3A_275, %dma_wait3A_276] : memref<50048x64xbf16, #tpu.memory_space<hbm>> -> memref<50048x64xbf16, #tpu.memory_space<hbm>>
        tpu.wait_indirect_dma semaphore(%arg22 : memref<!tpu.dma_semaphore, #tpu.memory_space<semaphore_mem>>) src(%dma_wait3A_277 : memref<50048x64xbf16, #tpu.memory_space<hbm>>) dst(%arg18 : memref<512x64xbf16, #tpu.memory_space<vmem>>)
        "tpu.region"() ({
          %run_scoped3A_278 = tpu.sem_alloc : memref<!tpu.dma_semaphore, #tpu.memory_space<semaphore_mem>>
          %dma_start3A_279 = arith.constant 0 : i32
          %dma_start3A_280 = arith.constant 0 : i32
          %dma_start3A_281 = tpu.memref_slice %arg19[%dma_start3A_279, %dma_start3A_280] : memref<49216x64xbf16, #tpu.memory_space<vmem_shared>> -> memref<49216x64xbf16, #tpu.memory_space<vmem_shared>>
          tpu.enqueue_indirect_dma source(%arg18 : memref<512x64xbf16, #tpu.memory_space<vmem>>) target(%dma_start3A_281 : memref<49216x64xbf16, #tpu.memory_space<vmem_shared>>) offsets(%arg17 : memref<512xi32, #tpu.memory_space<vmem>>) semaphore(%run_scoped3A_278 : memref<!tpu.dma_semaphore, #tpu.memory_space<semaphore_mem>>) {add = true}
          %dma_wait3A_282 = arith.constant 0 : i32
          %dma_wait3A_283 = arith.constant 0 : i32
          %dma_wait3A_284 = tpu.memref_slice %arg19[%dma_wait3A_282, %dma_wait3A_283] : memref<49216x64xbf16, #tpu.memory_space<vmem_shared>> -> memref<49216x64xbf16, #tpu.memory_space<vmem_shared>>
          tpu.wait_indirect_dma semaphore(%run_scoped3A_278 : memref<!tpu.dma_semaphore, #tpu.memory_space<semaphore_mem>>) src(%arg18 : memref<512x64xbf16, #tpu.memory_space<vmem>>) dst(%dma_wait3A_284 : memref<49216x64xbf16, #tpu.memory_space<vmem_shared>>)
          tpu.yield
        }) : () -> ()
      } else {
      }
      %jit3A_233 = arith.constant 512 : i32
      %div3A_234 = arith.divsi %scan3A_221, %jit3A_233 : i32
      %sign3A_235 = arith.constant 0 : i32
      %sign3A_236 = arith.cmpi sgt, %scan3A_221, %sign3A_235 : i32
      %sign3A_237 = arith.extui %sign3A_236 : i1 to i32
      %sign3A_238 = arith.constant 0 : i32
      %sign3A_239 = arith.cmpi slt, %scan3A_221, %sign3A_238 : i32
      %sign3A_240 = arith.extui %sign3A_239 : i1 to i32
      %sign3A_241 = arith.subi %sign3A_237, %sign3A_240 : i32
      %sign3A_242 = arith.constant 0 : i32
      %sign3A_243 = arith.cmpi sgt, %jit3A_233, %sign3A_242 : i32
      %sign3A_244 = arith.extui %sign3A_243 : i1 to i32
      %sign3A_245 = arith.constant 0 : i32
      %sign3A_246 = arith.cmpi slt, %jit3A_233, %sign3A_245 : i32
      %sign3A_247 = arith.extui %sign3A_246 : i1 to i32
      %sign3A_248 = arith.subi %sign3A_244, %sign3A_247 : i32
      %ne3A_249 = arith.cmpi ne, %sign3A_241, %sign3A_248 : i32
      %rem3A_250 = arith.remsi %scan3A_221, %jit3A_233 : i32
      %ne3A_251 = arith.constant 0 : i32
      %ne3A_252 = arith.cmpi ne, %rem3A_250, %ne3A_251 : i32
      %and3A_253 = arith.andi %ne3A_249, %ne3A_252 : i1
      %sub3A_254 = arith.constant 1 : i32
      %sub3A_255 = arith.subi %div3A_234, %sub3A_254 : i32
      %select_n3A_256 = arith.select %and3A_253, %sub3A_255, %div3A_234 : i32
      %mul3A_257 = arith.constant 512 : i32
      %mul3A_258 = arith.muli %select_n3A_256, %mul3A_257 : i32
      %sub3A_259 = arith.subi %scan3A_221, %mul3A_258 : i32
      %gt3A_260 = arith.constant 0 : i32
      %gt3A_261 = arith.cmpi sgt, %select_n3A_256, %gt3A_260 : i32
      %convert_element_type3A_262 = arith.extui %gt3A_261 : i1 to i32
      %cond3A_263 = arith.constant 0 : i32
      %cond3A_264 = arith.cmpi ne, %convert_element_type3A_262, %cond3A_263 : i32
      scf.if %cond3A_264 {
        %scan3A_265 = arith.constant 0 : i32
        %scan3A_266 = arith.constant 0 : i32
        %scan3A_267 = arith.constant 32 : i32
        %scan3A_268 = arith.addi %scan3A_266, %scan3A_267 : i32
        %scan3A_269 = arith.constant 1 : i32
        %scan3A_270 = scf.for %scan3A_272 = %scan3A_266 to %scan3A_268 step %scan3A_269 iter_args(%scan3A_273 = %scan3A_265) -> (i32)  : i32 {
          %mul3A_274 = arith.constant 512 : i32
          %mul3A_275 = arith.muli %select_n3A_256, %mul3A_274 : i32
          %mul3A_276 = arith.constant 16 : i32
          %mul3A_277 = arith.muli %scan3A_272, %mul3A_276 : i32
          %add3A_278 = arith.addi %mul3A_275, %mul3A_277 : i32
          %get3A = arith.index_cast %add3A_278 : i32 to index
          %get3A_279 = tpu.vector_load %arg14[%get3A] {strides = array<i32>} : memref<2048xi32, #tpu.memory_space<vmem>>, vector<16xi32>,
          %mul3A_280 = arith.constant 16 : i32
          %mul3A_281 = arith.muli %scan3A_272, %mul3A_280 : i32
          %swap3A = arith.index_cast %mul3A_281 : i32 to index
          %swap3A_282 = tpu.vector_load %arg14[%swap3A] {strides = array<i32>} : memref<2048xi32, #tpu.memory_space<vmem>>, vector<16xi32>,
          tpu.vector_store %arg14[%swap3A], %get3A_279 {strides = array<i32>} : memref<2048xi32, #tpu.memory_space<vmem>>, vector<16xi32>,
          %mul3A_283 = arith.constant 512 : i32
          %mul3A_284 = arith.muli %select_n3A_256, %mul3A_283 : i32
          %mul3A_285 = arith.constant 16 : i32
          %mul3A_286 = arith.muli %scan3A_272, %mul3A_285 : i32
          %add3A_287 = arith.addi %mul3A_284, %mul3A_286 : i32
          %get3A_288 = arith.index_cast %add3A_287 : i32 to index
          %get3A_289 = tpu.vector_load %arg15[%get3A_288] {strides = array<i32>} : memref<2048xi32, #tpu.memory_space<vmem>>, vector<16xi32>,
          %mul3A_290 = arith.constant 16 : i32
          %mul3A_291 = arith.muli %scan3A_272, %mul3A_290 : i32
          %swap3A_292 = arith.index_cast %mul3A_291 : i32 to index
          %swap3A_293 = tpu.vector_load %arg15[%swap3A_292] {strides = array<i32>} : memref<2048xi32, #tpu.memory_space<vmem>>, vector<16xi32>,
          tpu.vector_store %arg15[%swap3A_292], %get3A_289 {strides = array<i32>} : memref<2048xi32, #tpu.memory_space<vmem>>, vector<16xi32>,
          %scan3A_294 = arith.constant 0 : i32
          scf.yield %scan3A_294 : i32
        }
        %scan3A_271 = arith.constant 32 : i32
      } else {
      }
      scf.yield %sub3A_259 : i32
    }
    %scan3A_23 = arith.constant 25 : i32
    %add3A_24 = arith.constant 0 : i32
    %add3A_25 = arith.addi %mul3A_0, %add3A_24 : i32
    %dma_wait3A = tpu.memref_slice %arg3[%add3A_25] : memref<819200xi32, #tpu.memory_space<hbm>> -> memref<1024xi32, #tpu.memory_space<hbm>>
    %dma_wait3A_26 = tpu.memref_slice %arg3[%add3A_25] : memref<819200xi32, #tpu.memory_space<hbm>> -> memref<1024xi32, #tpu.memory_space<hbm>>
    tpu.wait_dma2 semaphore(%arg20 : memref<!tpu.dma_semaphore, #tpu.memory_space<semaphore_mem>>) src(%dma_wait3A_26 : memref<1024xi32, #tpu.memory_space<hbm>>) dst(%arg8 : memref<1024xi32, #tpu.memory_space<vmem>>)
    %dma_wait3A_27 = tpu.memref_slice %arg4[%add3A_25] : memref<819200xi32, #tpu.memory_space<hbm>> -> memref<1024xi32, #tpu.memory_space<hbm>>
    %dma_wait3A_28 = tpu.memref_slice %arg4[%add3A_25] : memref<819200xi32, #tpu.memory_space<hbm>> -> memref<1024xi32, #tpu.memory_space<hbm>>
    tpu.wait_dma2 semaphore(%arg20 : memref<!tpu.dma_semaphore, #tpu.memory_space<semaphore_mem>>) src(%dma_wait3A_28 : memref<1024xi32, #tpu.memory_space<hbm>>) dst(%arg9 : memref<1024xi32, #tpu.memory_space<vmem>>)
    %dma_wait3A_29 = tpu.memref_slice %arg5[%add3A_25] : memref<819200xi32, #tpu.memory_space<hbm>> -> memref<1024xi32, #tpu.memory_space<hbm>>
    %dma_wait3A_30 = tpu.memref_slice %arg5[%add3A_25] : memref<819200xi32, #tpu.memory_space<hbm>> -> memref<1024xi32, #tpu.memory_space<hbm>>
    tpu.wait_dma2 semaphore(%arg20 : memref<!tpu.dma_semaphore, #tpu.memory_space<semaphore_mem>>) src(%dma_wait3A_30 : memref<1024xi32, #tpu.memory_space<hbm>>) dst(%arg10 : memref<1024xi32, #tpu.memory_space<vmem>>)
    %gt3A = arith.constant 0 : i32
    %gt3A_31 = arith.cmpi sgt, %scan3A_22, %gt3A : i32
    %convert_element_type3A = arith.extui %gt3A_31 : i1 to i32
    %cond3A = arith.constant 0 : i32
    %cond3A_32 = arith.cmpi ne, %convert_element_type3A, %cond3A : i32
    scf.if %cond3A_32 {
      %iota3A = tpu.iota {dimensions = array<i32: 0>} : vector<16xi32>
      %scan3A_124 = arith.constant 0 : i32
      %scan3A_125 = arith.constant 0 : i32
      %scan3A_126 = arith.constant 32 : i32
      %scan3A_127 = arith.addi %scan3A_125, %scan3A_126 : i32
      %scan3A_128 = arith.constant 1 : i32
      %scan3A_129 = scf.for %scan3A_137 = %scan3A_125 to %scan3A_127 step %scan3A_128 iter_args(%scan3A_138 = %scan3A_124) -> (i32)  : i32 {
        %mul3A_139 = arith.constant 16 : i32
        %mul3A_140 = arith.muli %scan3A_137, %mul3A_139 : i32
        %add3A_141 = vector.broadcast %mul3A_140 : i32 to vector<16xi32>
        %add3A_142 = arith.addi %add3A_141, %iota3A : vector<16xi32>
        %lt3A = vector.broadcast %scan3A_22 : i32 to vector<16xi32>
        %lt3A_143 = arith.cmpi slt, %add3A_142, %lt3A : vector<16xi32>
        %mul3A_144 = arith.constant 16 : i32
        %mul3A_145 = arith.muli %scan3A_137, %mul3A_144 : i32
        %get3A = arith.index_cast %mul3A_145 : i32 to index
        %get3A_146 = tpu.vector_load %arg14[%get3A] {strides = array<i32>} : memref<2048xi32, #tpu.memory_space<vmem>>, vector<16xi32>,
        %jit3A = arith.constant 0 : i32
        %broadcast_in_dim3A = vector.broadcast %jit3A : i32 to vector<16xi32>
        %select_n3A = arith.select %lt3A_143, %get3A_146, %broadcast_in_dim3A : vector<16xi1>, vector<16xi32>
        %mul3A_147 = arith.constant 16 : i32
        %mul3A_148 = arith.muli %scan3A_137, %mul3A_147 : i32
        %swap3A = arith.index_cast %mul3A_148 : i32 to index
        %swap3A_149 = tpu.vector_load %arg16[%swap3A] {strides = array<i32>} : memref<512xi32, #tpu.memory_space<vmem>>, vector<16xi32>,
        tpu.vector_store %arg16[%swap3A], %select_n3A {strides = array<i32>} : memref<512xi32, #tpu.memory_space<vmem>>, vector<16xi32>,
        %mul3A_150 = arith.constant 16 : i32
        %mul3A_151 = arith.muli %scan3A_137, %mul3A_150 : i32
        %get3A_152 = arith.index_cast %mul3A_151 : i32 to index
        %get3A_153 = tpu.vector_load %arg15[%get3A_152] {strides = array<i32>} : memref<2048xi32, #tpu.memory_space<vmem>>, vector<16xi32>,
        %jit3A_154 = arith.constant 49152 : i32
        %broadcast_in_dim3A_155 = vector.broadcast %jit3A_154 : i32 to vector<16xi32>
        %select_n3A_156 = arith.select %lt3A_143, %get3A_153, %broadcast_in_dim3A_155 : vector<16xi1>, vector<16xi32>
        %mul3A_157 = arith.constant 16 : i32
        %mul3A_158 = arith.muli %scan3A_137, %mul3A_157 : i32
        %swap3A_159 = arith.index_cast %mul3A_158 : i32 to index
        %swap3A_160 = tpu.vector_load %arg17[%swap3A_159] {strides = array<i32>} : memref<512xi32, #tpu.memory_space<vmem>>, vector<16xi32>,
        tpu.vector_store %arg17[%swap3A_159], %select_n3A_156 {strides = array<i32>} : memref<512xi32, #tpu.memory_space<vmem>>, vector<16xi32>,
        %scan3A_161 = arith.constant 0 : i32
        scf.yield %scan3A_161 : i32
      }
      %scan3A_130 = arith.constant 32 : i32
      %dma_start3A_131 = arith.constant 0 : i32
      %dma_start3A_132 = arith.constant 0 : i32
      %dma_start3A_133 = tpu.memref_slice %arg2[%dma_start3A_131, %dma_start3A_132] : memref<50048x64xbf16, #tpu.memory_space<hbm>> -> memref<50048x64xbf16, #tpu.memory_space<hbm>>
      tpu.enqueue_indirect_dma source(%dma_start3A_133 : memref<50048x64xbf16, #tpu.memory_space<hbm>>) target(%arg18 : memref<512x64xbf16, #tpu.memory_space<vmem>>) offsets(%arg16 : memref<512xi32, #tpu.memory_space<vmem>>) semaphore(%arg22 : memref<!tpu.dma_semaphore, #tpu.memory_space<semaphore_mem>>)
      %dma_wait3A_134 = arith.constant 0 : i32
      %dma_wait3A_135 = arith.constant 0 : i32
      %dma_wait3A_136 = tpu.memref_slice %arg2[%dma_wait3A_134, %dma_wait3A_135] : memref<50048x64xbf16, #tpu.memory_space<hbm>> -> memref<50048x64xbf16, #tpu.memory_space<hbm>>
      tpu.wait_indirect_dma semaphore(%arg22 : memref<!tpu.dma_semaphore, #tpu.memory_space<semaphore_mem>>) src(%dma_wait3A_136 : memref<50048x64xbf16, #tpu.memory_space<hbm>>) dst(%arg18 : memref<512x64xbf16, #tpu.memory_space<vmem>>)
      "tpu.region"() ({
        %run_scoped3A_137 = tpu.sem_alloc : memref<!tpu.dma_semaphore, #tpu.memory_space<semaphore_mem>>
        %dma_start3A_138 = arith.constant 0 : i32
        %dma_start3A_139 = arith.constant 0 : i32
        %dma_start3A_140 = tpu.memref_slice %arg19[%dma_start3A_138, %dma_start3A_139] : memref<49216x64xbf16, #tpu.memory_space<vmem_shared>> -> memref<49216x64xbf16, #tpu.memory_space<vmem_shared>>
        tpu.enqueue_indirect_dma source(%arg18 : memref<512x64xbf16, #tpu.memory_space<vmem>>) target(%dma_start3A_140 : memref<49216x64xbf16, #tpu.memory_space<vmem_shared>>) offsets(%arg17 : memref<512xi32, #tpu.memory_space<vmem>>) semaphore(%run_scoped3A_137 : memref<!tpu.dma_semaphore, #tpu.memory_space<semaphore_mem>>) {add = true}
        %dma_wait3A_141 = arith.constant 0 : i32
        %dma_wait3A_142 = arith.constant 0 : i32
        %dma_wait3A_143 = tpu.memref_slice %arg19[%dma_wait3A_141, %dma_wait3A_142] : memref<49216x64xbf16, #tpu.memory_space<vmem_shared>> -> memref<49216x64xbf16, #tpu.memory_space<vmem_shared>>
        tpu.wait_indirect_dma semaphore(%run_scoped3A_137 : memref<!tpu.dma_semaphore, #tpu.memory_space<semaphore_mem>>) src(%arg18 : memref<512x64xbf16, #tpu.memory_space<vmem>>) dst(%dma_wait3A_143 : memref<49216x64xbf16, #tpu.memory_space<vmem_shared>>)
        tpu.yield
      }) : () -> ()
    } else {
    }
    %barrier3A_33 = arith.constant 0 : index
    tpu.barrier barrier_id(%barrier3A_33)
    %mul3A_34 = arith.constant 1024 : i32
    %mul3A_35 = arith.muli %arg1, %mul3A_34 : i32
    %add3A_36 = arith.constant 0 : i32
    %add3A_37 = arith.addi %add3A_36, %mul3A_35 : i32
    %mul3A_38 = arith.constant 1024 : i32
    %mul3A_39 = arith.muli %arg1, %mul3A_38 : i32
    %add3A_40 = arith.addi %mul3A_3, %mul3A_39 : i32
    %run_scoped3A = arith.constant 0 : i32
    "tpu.region"() ({
      %run_scoped3A_124 = tpu.sem_alloc : memref<!tpu.dma_semaphore, #tpu.memory_space<semaphore_mem>>
      %dma_start3A_125 = arith.constant 0 : i32
      %dma_start3A_126 = tpu.memref_slice %arg7[%run_scoped3A, %add3A_40, %dma_start3A_125] : memref<3x65536x64xbf16, #tpu.memory_space<hbm>> -> memref<1x1024x64xbf16, #tpu.memory_space<hbm>>
      %dma_start3A_127 = tpu.memref_squeeze %dma_start3A_126 : memref<1x1024x64xbf16, #tpu.memory_space<hbm>> -> memref<1024x64xbf16, #tpu.memory_space<hbm>>
      %dma_start3A_128 = arith.constant 0 : i32
      %dma_start3A_129 = tpu.memref_slice %arg19[%add3A_37, %dma_start3A_128] : memref<49216x64xbf16, #tpu.memory_space<vmem_shared>> -> memref<1024x64xbf16, #tpu.memory_space<vmem_shared>>
      tpu.enqueue_dma source(%dma_start3A_129 : memref<1024x64xbf16, #tpu.memory_space<vmem_shared>>) target(%dma_start3A_127 : memref<1024x64xbf16, #tpu.memory_space<hbm>>) target_semaphore(%run_scoped3A_124 : memref<!tpu.dma_semaphore, #tpu.memory_space<semaphore_mem>>)
      %dma_wait3A_130 = arith.constant 0 : i32
      %dma_wait3A_131 = tpu.memref_slice %arg7[%run_scoped3A, %add3A_40, %dma_wait3A_130] : memref<3x65536x64xbf16, #tpu.memory_space<hbm>> -> memref<1x1024x64xbf16, #tpu.memory_space<hbm>>
      %dma_wait3A_132 = tpu.memref_squeeze %dma_wait3A_131 : memref<1x1024x64xbf16, #tpu.memory_space<hbm>> -> memref<1024x64xbf16, #tpu.memory_space<hbm>>
      %dma_wait3A_133 = arith.constant 0 : i32
      %dma_wait3A_134 = tpu.memref_slice %arg19[%add3A_37, %dma_wait3A_133] : memref<49216x64xbf16, #tpu.memory_space<vmem_shared>> -> memref<1024x64xbf16, #tpu.memory_space<vmem_shared>>
      tpu.wait_dma2 semaphore(%run_scoped3A_124 : memref<!tpu.dma_semaphore, #tpu.memory_space<semaphore_mem>>) src(%dma_wait3A_134 : memref<1024x64xbf16, #tpu.memory_space<vmem_shared>>) dst(%dma_wait3A_132 : memref<1024x64xbf16, #tpu.memory_space<hbm>>)
      tpu.yield
    }) : () -> ()
    %mul3A_41 = arith.constant 1024 : i32
    %mul3A_42 = arith.muli %arg1, %mul3A_41 : i32
    %add3A_43 = arith.constant 16384 : i32
    %add3A_44 = arith.addi %add3A_43, %mul3A_42 : i32
    %mul3A_45 = arith.constant 1024 : i32
    %mul3A_46 = arith.muli %arg1, %mul3A_45 : i32
    %add3A_47 = arith.addi %mul3A_3, %mul3A_46 : i32
    %run_scoped3A_48 = arith.constant 1 : i32
    "tpu.region"() ({
      %run_scoped3A_124 = tpu.sem_alloc : memref<!tpu.dma_semaphore, #tpu.memory_space<semaphore_mem>>
      %dma_start3A_125 = arith.constant 0 : i32
      %dma_start3A_126 = tpu.memref_slice %arg7[%run_scoped3A_48, %add3A_47, %dma_start3A_125] : memref<3x65536x64xbf16, #tpu.memory_space<hbm>> -> memref<1x1024x64xbf16, #tpu.memory_space<hbm>>
      %dma_start3A_127 = tpu.memref_squeeze %dma_start3A_126 : memref<1x1024x64xbf16, #tpu.memory_space<hbm>> -> memref<1024x64xbf16, #tpu.memory_space<hbm>>
      %dma_start3A_128 = arith.constant 0 : i32
      %dma_start3A_129 = tpu.memref_slice %arg19[%add3A_44, %dma_start3A_128] : memref<49216x64xbf16, #tpu.memory_space<vmem_shared>> -> memref<1024x64xbf16, #tpu.memory_space<vmem_shared>>
      tpu.enqueue_dma source(%dma_start3A_129 : memref<1024x64xbf16, #tpu.memory_space<vmem_shared>>) target(%dma_start3A_127 : memref<1024x64xbf16, #tpu.memory_space<hbm>>) target_semaphore(%run_scoped3A_124 : memref<!tpu.dma_semaphore, #tpu.memory_space<semaphore_mem>>)
      %dma_wait3A_130 = arith.constant 0 : i32
      %dma_wait3A_131 = tpu.memref_slice %arg7[%run_scoped3A_48, %add3A_47, %dma_wait3A_130] : memref<3x65536x64xbf16, #tpu.memory_space<hbm>> -> memref<1x1024x64xbf16, #tpu.memory_space<hbm>>
      %dma_wait3A_132 = tpu.memref_squeeze %dma_wait3A_131 : memref<1x1024x64xbf16, #tpu.memory_space<hbm>> -> memref<1024x64xbf16, #tpu.memory_space<hbm>>
      %dma_wait3A_133 = arith.constant 0 : i32
      %dma_wait3A_134 = tpu.memref_slice %arg19[%add3A_44, %dma_wait3A_133] : memref<49216x64xbf16, #tpu.memory_space<vmem_shared>> -> memref<1024x64xbf16, #tpu.memory_space<vmem_shared>>
      tpu.wait_dma2 semaphore(%run_scoped3A_124 : memref<!tpu.dma_semaphore, #tpu.memory_space<semaphore_mem>>) src(%dma_wait3A_134 : memref<1024x64xbf16, #tpu.memory_space<vmem_shared>>) dst(%dma_wait3A_132 : memref<1024x64xbf16, #tpu.memory_space<hbm>>)
      tpu.yield
    }) : () -> ()
    %mul3A_49 = arith.constant 1024 : i32
    %mul3A_50 = arith.muli %arg1, %mul3A_49 : i32
    %add3A_51 = arith.constant 32768 : i32
    %add3A_52 = arith.addi %add3A_51, %mul3A_50 : i32
    %mul3A_53 = arith.constant 1024 : i32
    %mul3A_54 = arith.muli %arg1, %mul3A_53 : i32
    %add3A_55 = arith.addi %mul3A_3, %mul3A_54 : i32
    %run_scoped3A_56 = arith.constant 2 : i32
    "tpu.region"() ({
      %run_scoped3A_124 = tpu.sem_alloc : memref<!tpu.dma_semaphore, #tpu.memory_space<semaphore_mem>>
      %dma_start3A_125 = arith.constant 0 : i32
      %dma_start3A_126 = tpu.memref_slice %arg7[%run_scoped3A_56, %add3A_55, %dma_start3A_125] : memref<3x65536x64xbf16, #tpu.memory_space<hbm>> -> memref<1x1024x64xbf16, #tpu.memory_space<hbm>>
      %dma_start3A_127 = tpu.memref_squeeze %dma_start3A_126 : memref<1x1024x64xbf16, #tpu.memory_space<hbm>> -> memref<1024x64xbf16, #tpu.memory_space<hbm>>
      %dma_start3A_128 = arith.constant 0 : i32
      %dma_start3A_129 = tpu.memref_slice %arg19[%add3A_52, %dma_start3A_128] : memref<49216x64xbf16, #tpu.memory_space<vmem_shared>> -> memref<1024x64xbf16, #tpu.memory_space<vmem_shared>>
      tpu.enqueue_dma source(%dma_start3A_129 : memref<1024x64xbf16, #tpu.memory_space<vmem_shared>>) target(%dma_start3A_127 : memref<1024x64xbf16, #tpu.memory_space<hbm>>) target_semaphore(%run_scoped3A_124 : memref<!tpu.dma_semaphore, #tpu.memory_space<semaphore_mem>>)
      %dma_wait3A_130 = arith.constant 0 : i32
      %dma_wait3A_131 = tpu.memref_slice %arg7[%run_scoped3A_56, %add3A_55, %dma_wait3A_130] : memref<3x65536x64xbf16, #tpu.memory_space<hbm>> -> memref<1x1024x64xbf16, #tpu.memory_space<hbm>>
      %dma_wait3A_132 = tpu.memref_squeeze %dma_wait3A_131 : memref<1x1024x64xbf16, #tpu.memory_space<hbm>> -> memref<1024x64xbf16, #tpu.memory_space<hbm>>
      %dma_wait3A_133 = arith.constant 0 : i32
      %dma_wait3A_134 = tpu.memref_slice %arg19[%add3A_52, %dma_wait3A_133] : memref<49216x64xbf16, #tpu.memory_space<vmem_shared>> -> memref<1024x64xbf16, #tpu.memory_space<vmem_shared>>
      tpu.wait_dma2 semaphore(%run_scoped3A_124 : memref<!tpu.dma_semaphore, #tpu.memory_space<semaphore_mem>>) src(%dma_wait3A_134 : memref<1024x64xbf16, #tpu.memory_space<vmem_shared>>) dst(%dma_wait3A_132 : memref<1024x64xbf16, #tpu.memory_space<hbm>>)
      tpu.yield
    }) : () -> ()
    %barrier3A_57 = arith.constant 0 : index
    tpu.barrier barrier_id(%barrier3A_57)
    %add3A_58 = arith.constant 2 : i32
    %add3A_59 = arith.addi %add3A_58, %arg0 : i32
    %mul3A_60 = arith.constant 16384 : i32
    %mul3A_61 = arith.muli %add3A_59, %mul3A_60 : i32
    %scan3A_62 = arith.constant 0 : i32
    %scan3A_63 = arith.constant 0 : i32
    %scan3A_64 = arith.constant 7 : i32
    %scan3A_65 = arith.addi %scan3A_63, %scan3A_64 : i32
    %scan3A_66 = arith.constant 1 : i32
    %scan3A_67 = scf.for %scan3A_124 = %scan3A_63 to %scan3A_65 step %scan3A_66 iter_args(%scan3A_125 = %scan3A_62) -> (i32)  : i32 {
      %mul3A_126 = arith.constant 16 : i32
      %mul3A_127 = arith.muli %scan3A_124, %mul3A_126 : i32
      %add3A_128 = arith.addi %arg1, %mul3A_127 : i32
      %lt3A = arith.constant 96 : i32
      %lt3A_129 = arith.cmpi slt, %add3A_128, %lt3A : i32
      %convert_element_type3A_130 = arith.extui %lt3A_129 : i1 to i32
      %cond3A_131 = arith.constant 0 : i32
      %cond3A_132 = arith.cmpi ne, %convert_element_type3A_130, %cond3A_131 : i32
      scf.if %cond3A_132 {
        %mul3A_138 = arith.constant 512 : i32
        %mul3A_139 = arith.muli %add3A_128, %mul3A_138 : i32
        "tpu.region"() ({
          %run_scoped3A_140 = tpu.sem_alloc : memref<!tpu.dma_semaphore, #tpu.memory_space<semaphore_mem>>
          %dma_start3A_141 = arith.constant 0 : i32
          %dma_start3A_142 = tpu.memref_slice %arg19[%mul3A_139, %dma_start3A_141] : memref<49216x64xbf16, #tpu.memory_space<vmem_shared>> -> memref<512x64xbf16, #tpu.memory_space<vmem_shared>>
          tpu.enqueue_dma source(%arg6 : memref<512x64xbf16, #tpu.memory_space<hbm>>) target(%dma_start3A_142 : memref<512x64xbf16, #tpu.memory_space<vmem_shared>>) target_semaphore(%run_scoped3A_140 : memref<!tpu.dma_semaphore, #tpu.memory_space<semaphore_mem>>)
          %dma_wait3A_143 = arith.constant 0 : i32
          %dma_wait3A_144 = tpu.memref_slice %arg19[%mul3A_139, %dma_wait3A_143] : memref<49216x64xbf16, #tpu.memory_space<vmem_shared>> -> memref<512x64xbf16, #tpu.memory_space<vmem_shared>>
          tpu.wait_dma2 semaphore(%run_scoped3A_140 : memref<!tpu.dma_semaphore, #tpu.memory_space<semaphore_mem>>) src(%arg6 : memref<512x64xbf16, #tpu.memory_space<hbm>>) dst(%dma_wait3A_144 : memref<512x64xbf16, #tpu.memory_space<vmem_shared>>)
          tpu.yield
        }) : () -> ()
      } else {
      }
      %eq3A = arith.constant 96 : i32
      %eq3A_133 = arith.cmpi eq, %add3A_128, %eq3A : i32
      %convert_element_type3A_134 = arith.extui %eq3A_133 : i1 to i32
      %cond3A_135 = arith.constant 0 : i32
      %cond3A_136 = arith.cmpi ne, %convert_element_type3A_134, %cond3A_135 : i32
      scf.if %cond3A_136 {
        "tpu.region"() ({
          %run_scoped3A_138 = tpu.sem_alloc : memref<!tpu.dma_semaphore, #tpu.memory_space<semaphore_mem>>
          %dma_start3A_139 = arith.constant 49152 : i32
          %dma_start3A_140 = arith.constant 0 : i32
          %dma_start3A_141 = tpu.memref_slice %arg19[%dma_start3A_139, %dma_start3A_140] : memref<49216x64xbf16, #tpu.memory_space<vmem_shared>> -> memref<64x64xbf16, #tpu.memory_space<vmem_shared>>
          %dma_start3A_142 = arith.constant 0 : i32
          %dma_start3A_143 = arith.constant 0 : i32
          %dma_start3A_144 = tpu.memref_slice %arg6[%dma_start3A_142, %dma_start3A_143] : memref<512x64xbf16, #tpu.memory_space<hbm>> -> memref<64x64xbf16, #tpu.memory_space<hbm>>
          tpu.enqueue_dma source(%dma_start3A_144 : memref<64x64xbf16, #tpu.memory_space<hbm>>) target(%dma_start3A_141 : memref<64x64xbf16, #tpu.memory_space<vmem_shared>>) target_semaphore(%run_scoped3A_138 : memref<!tpu.dma_semaphore, #tpu.memory_space<semaphore_mem>>)
          %dma_wait3A_145 = arith.constant 49152 : i32
          %dma_wait3A_146 = arith.constant 0 : i32
          %dma_wait3A_147 = tpu.memref_slice %arg19[%dma_wait3A_145, %dma_wait3A_146] : memref<49216x64xbf16, #tpu.memory_space<vmem_shared>> -> memref<64x64xbf16, #tpu.memory_space<vmem_shared>>
          %dma_wait3A_148 = arith.constant 0 : i32
          %dma_wait3A_149 = arith.constant 0 : i32
          %dma_wait3A_150 = tpu.memref_slice %arg6[%dma_wait3A_148, %dma_wait3A_149] : memref<512x64xbf16, #tpu.memory_space<hbm>> -> memref<64x64xbf16, #tpu.memory_space<hbm>>
          tpu.wait_dma2 semaphore(%run_scoped3A_138 : memref<!tpu.dma_semaphore, #tpu.memory_space<semaphore_mem>>) src(%dma_wait3A_150 : memref<64x64xbf16, #tpu.memory_space<hbm>>) dst(%dma_wait3A_147 : memref<64x64xbf16, #tpu.memory_space<vmem_shared>>)
          tpu.yield
        }) : () -> ()
      } else {
      }
      %scan3A_137 = arith.constant 0 : i32
      scf.yield %scan3A_137 : i32
    }
    %scan3A_68 = arith.constant 7 : i32
    %barrier3A_69 = arith.constant 0 : index
    tpu.barrier barrier_id(%barrier3A_69)
    %add3A_70 = arith.constant 0 : i32
    %add3A_71 = arith.addi %mul3A_0, %add3A_70 : i32
    %dma_start3A_72 = tpu.memref_slice %arg3[%add3A_71] : memref<819200xi32, #tpu.memory_space<hbm>> -> memref<1024xi32, #tpu.memory_space<hbm>>
    %dma_start3A_73 = tpu.memref_slice %arg3[%add3A_71] : memref<819200xi32, #tpu.memory_space<hbm>> -> memref<1024xi32, #tpu.memory_space<hbm>>
    tpu.enqueue_dma source(%dma_start3A_73 : memref<1024xi32, #tpu.memory_space<hbm>>) target(%arg8 : memref<1024xi32, #tpu.memory_space<vmem>>) target_semaphore(%arg20 : memref<!tpu.dma_semaphore, #tpu.memory_space<semaphore_mem>>)
    %dma_start3A_74 = tpu.memref_slice %arg4[%add3A_71] : memref<819200xi32, #tpu.memory_space<hbm>> -> memref<1024xi32, #tpu.memory_space<hbm>>
    %dma_start3A_75 = tpu.memref_slice %arg4[%add3A_71] : memref<819200xi32, #tpu.memory_space<hbm>> -> memref<1024xi32, #tpu.memory_space<hbm>>
    tpu.enqueue_dma source(%dma_start3A_75 : memref<1024xi32, #tpu.memory_space<hbm>>) target(%arg9 : memref<1024xi32, #tpu.memory_space<vmem>>) target_semaphore(%arg20 : memref<!tpu.dma_semaphore, #tpu.memory_space<semaphore_mem>>)
    %dma_start3A_76 = tpu.memref_slice %arg5[%add3A_71] : memref<819200xi32, #tpu.memory_space<hbm>> -> memref<1024xi32, #tpu.memory_space<hbm>>
    %dma_start3A_77 = tpu.memref_slice %arg5[%add3A_71] : memref<819200xi32, #tpu.memory_space<hbm>> -> memref<1024xi32, #tpu.memory_space<hbm>>
    tpu.enqueue_dma source(%dma_start3A_77 : memref<1024xi32, #tpu.memory_space<hbm>>) target(%arg10 : memref<1024xi32, #tpu.memory_space<vmem>>) target_semaphore(%arg20 : memref<!tpu.dma_semaphore, #tpu.memory_space<semaphore_mem>>)
    %scan3A_78 = arith.constant 0 : i32
    %scan3A_79 = arith.constant 0 : i32
    %scan3A_80 = arith.constant 25 : i32
    %scan3A_81 = arith.addi %scan3A_79, %scan3A_80 : i32
    %scan3A_82 = arith.constant 1 : i32
    %scan3A_83 = scf.for %scan3A_124 = %scan3A_79 to %scan3A_81 step %scan3A_82 iter_args(%scan3A_125 = %scan3A_78) -> (i32)  : i32 {
      %mul3A_126 = arith.constant 2 : i32
      %mul3A_127 = arith.muli %mul3A_126, %scan3A_124 : i32
      %mul3A_128 = arith.constant 1024 : i32
      %mul3A_129 = arith.muli %mul3A_127, %mul3A_128 : i32
      %add3A_130 = arith.addi %mul3A_0, %mul3A_129 : i32
      %dma_wait3A_131 = tpu.memref_slice %arg3[%add3A_130] : memref<819200xi32, #tpu.memory_space<hbm>> -> memref<1024xi32, #tpu.memory_space<hbm>>
      %dma_wait3A_132 = tpu.memref_slice %arg3[%add3A_130] : memref<819200xi32, #tpu.memory_space<hbm>> -> memref<1024xi32, #tpu.memory_space<hbm>>
      tpu.wait_dma2 semaphore(%arg20 : memref<!tpu.dma_semaphore, #tpu.memory_space<semaphore_mem>>) src(%dma_wait3A_132 : memref<1024xi32, #tpu.memory_space<hbm>>) dst(%arg8 : memref<1024xi32, #tpu.memory_space<vmem>>)
      %dma_wait3A_133 = tpu.memref_slice %arg4[%add3A_130] : memref<819200xi32, #tpu.memory_space<hbm>> -> memref<1024xi32, #tpu.memory_space<hbm>>
      %dma_wait3A_134 = tpu.memref_slice %arg4[%add3A_130] : memref<819200xi32, #tpu.memory_space<hbm>> -> memref<1024xi32, #tpu.memory_space<hbm>>
      tpu.wait_dma2 semaphore(%arg20 : memref<!tpu.dma_semaphore, #tpu.memory_space<semaphore_mem>>) src(%dma_wait3A_134 : memref<1024xi32, #tpu.memory_space<hbm>>) dst(%arg9 : memref<1024xi32, #tpu.memory_space<vmem>>)
      %dma_wait3A_135 = tpu.memref_slice %arg5[%add3A_130] : memref<819200xi32, #tpu.memory_space<hbm>> -> memref<1024xi32, #tpu.memory_space<hbm>>
      %dma_wait3A_136 = tpu.memref_slice %arg5[%add3A_130] : memref<819200xi32, #tpu.memory_space<hbm>> -> memref<1024xi32, #tpu.memory_space<hbm>>
      tpu.wait_dma2 semaphore(%arg20 : memref<!tpu.dma_semaphore, #tpu.memory_space<semaphore_mem>>) src(%dma_wait3A_136 : memref<1024xi32, #tpu.memory_space<hbm>>) dst(%arg10 : memref<1024xi32, #tpu.memory_space<vmem>>)
      %mul3A_137 = arith.constant 2 : i32
      %mul3A_138 = arith.muli %mul3A_137, %scan3A_124 : i32
      %add3A_139 = arith.constant 1 : i32
      %add3A_140 = arith.addi %mul3A_138, %add3A_139 : i32
      %mul3A_141 = arith.constant 1024 : i32
      %mul3A_142 = arith.muli %add3A_140, %mul3A_141 : i32
      %add3A_143 = arith.addi %mul3A_0, %mul3A_142 : i32
      %dma_start3A_144 = tpu.memref_slice %arg3[%add3A_143] : memref<819200xi32, #tpu.memory_space<hbm>> -> memref<1024xi32, #tpu.memory_space<hbm>>
      %dma_start3A_145 = tpu.memref_slice %arg3[%add3A_143] : memref<819200xi32, #tpu.memory_space<hbm>> -> memref<1024xi32, #tpu.memory_space<hbm>>
      tpu.enqueue_dma source(%dma_start3A_145 : memref<1024xi32, #tpu.memory_space<hbm>>) target(%arg11 : memref<1024xi32, #tpu.memory_space<vmem>>) target_semaphore(%arg21 : memref<!tpu.dma_semaphore, #tpu.memory_space<semaphore_mem>>)
      %dma_start3A_146 = tpu.memref_slice %arg4[%add3A_143] : memref<819200xi32, #tpu.memory_space<hbm>> -> memref<1024xi32, #tpu.memory_space<hbm>>
      %dma_start3A_147 = tpu.memref_slice %arg4[%add3A_143] : memref<819200xi32, #tpu.memory_space<hbm>> -> memref<1024xi32, #tpu.memory_space<hbm>>
      tpu.enqueue_dma source(%dma_start3A_147 : memref<1024xi32, #tpu.memory_space<hbm>>) target(%arg12 : memref<1024xi32, #tpu.memory_space<vmem>>) target_semaphore(%arg21 : memref<!tpu.dma_semaphore, #tpu.memory_space<semaphore_mem>>)
      %dma_start3A_148 = tpu.memref_slice %arg5[%add3A_143] : memref<819200xi32, #tpu.memory_space<hbm>> -> memref<1024xi32, #tpu.memory_space<hbm>>
      %dma_start3A_149 = tpu.memref_slice %arg5[%add3A_143] : memref<819200xi32, #tpu.memory_space<hbm>> -> memref<1024xi32, #tpu.memory_space<hbm>>
      tpu.enqueue_dma source(%dma_start3A_149 : memref<1024xi32, #tpu.memory_space<hbm>>) target(%arg13 : memref<1024xi32, #tpu.memory_space<vmem>>) target_semaphore(%arg21 : memref<!tpu.dma_semaphore, #tpu.memory_space<semaphore_mem>>)
      %scan3A_150 = arith.constant 0 : i32
      %scan3A_151 = arith.constant 64 : i32
      %scan3A_152 = arith.addi %scan3A_150, %scan3A_151 : i32
      %scan3A_153 = arith.constant 1 : i32
      %scan3A_154 = scf.for %scan3A_265 = %scan3A_150 to %scan3A_152 step %scan3A_153 iter_args(%scan3A_266 = %scan3A_125) -> (i32)  : i32 {
        %mul3A_267 = arith.constant 16 : i32
        %mul3A_268 = arith.muli %scan3A_265, %mul3A_267 : i32
        %get3A = arith.index_cast %mul3A_268 : i32 to index
        %get3A_269 = tpu.vector_load %arg8[%get3A] {strides = array<i32>} : memref<1024xi32, #tpu.memory_space<vmem>>, vector<16xi32>,
        %mul3A_270 = arith.constant 16 : i32
        %mul3A_271 = arith.muli %scan3A_265, %mul3A_270 : i32
        %get3A_272 = arith.index_cast %mul3A_271 : i32 to index
        %get3A_273 = tpu.vector_load %arg9[%get3A_272] {strides = array<i32>} : memref<1024xi32, #tpu.memory_space<vmem>>, vector<16xi32>,
        %mul3A_274 = arith.constant 16 : i32
        %mul3A_275 = arith.muli %scan3A_265, %mul3A_274 : i32
        %get3A_276 = arith.index_cast %mul3A_275 : i32 to index
        %get3A_277 = tpu.vector_load %arg10[%get3A_276] {strides = array<i32>} : memref<1024xi32, #tpu.memory_space<vmem>>, vector<16xi32>,
        %shift_right_arithmetic3A = arith.constant 14 : i32
        %shift_right_arithmetic3A_278 = vector.broadcast %shift_right_arithmetic3A : i32 to vector<16xi32>
        %shift_right_arithmetic3A_279 = arith.shrsi %get3A_273, %shift_right_arithmetic3A_278 : vector<16xi32>
        %eq3A = vector.broadcast %add3A_59 : i32 to vector<16xi32>
        %eq3A_280 = arith.cmpi eq, %shift_right_arithmetic3A_279, %eq3A : vector<16xi32>
        %shift_left3A = arith.constant 14 : i32
        %shift_left3A_281 = vector.broadcast %shift_left3A : i32 to vector<16xi32>
        %shift_left3A_282 = arith.shli %get3A_277, %shift_left3A_281 : vector<16xi32>
        %and3A_283 = arith.constant 16383 : i32
        %and3A_284 = vector.broadcast %and3A_283 : i32 to vector<16xi32>
        %and3A_285 = arith.andi %get3A_273, %and3A_284 : vector<16xi32>
        %add3A_286 = arith.addi %shift_left3A_282, %and3A_285 : vector<16xi32>
        %convert_element_type3A_287 = arith.extui %eq3A_280 : vector<16xi1> to vector<16xi32>
        %cumsum3A = arith.constant true
        %cumsum3A_288 = vector.broadcast %cumsum3A : i1 to vector<16xi1>
        %cumsum3A_289 = tpu.scan <sum>, %convert_element_type3A_287 masked %cumsum3A_288 : vector<16xi32>, vector<16xi1> -> vector<16xi32>
        %add3A_290 = vector.broadcast %scan3A_266 : i32 to vector<16xi32>
        %add3A_291 = arith.addi %add3A_290, %cumsum3A_289 : vector<16xi32>
        %sub3A_292 = arith.constant 1 : i32
        %sub3A_293 = vector.broadcast %sub3A_292 : i32 to vector<16xi32>
        %sub3A_294 = arith.subi %add3A_291, %sub3A_293 : vector<16xi32>
        tpu.vector_store_idx %arg14[%sub3A_294], %get3A_269 masked %eq3A_280 : memref<2048xi32, #tpu.memory_space<vmem>>[vector<16xi32>], vector<16xi32>, vector<16xi1>
        tpu.vector_store_idx %arg15[%sub3A_294], %add3A_286 masked %eq3A_280 : memref<2048xi32, #tpu.memory_space<vmem>>[vector<16xi32>], vector<16xi32>, vector<16xi1>
        %reduce_sum3A = arith.constant true
        %reduce_sum3A_295 = vector.broadcast %reduce_sum3A : i1 to vector<16xi1>
        %reduce_sum3A_296 = tpu.scan <sum>, %convert_element_type3A_287 masked %reduce_sum3A_295 : vector<16xi32>, vector<16xi1> -> vector<16xi32>
        %reduce_sum3A_297 = vector.extract %reduce_sum3A_296[15] : i32 from vector<16xi32>
        %add3A_298 = arith.addi %scan3A_266, %reduce_sum3A_297 : i32
        scf.yield %add3A_298 : i32
      }
      %scan3A_155 = arith.constant 64 : i32
      %ge3A = arith.constant 512 : i32
      %ge3A_156 = arith.cmpi sge, %scan3A_154, %ge3A : i32
      %convert_element_type3A_157 = arith.extui %ge3A_156 : i1 to i32
      %cond3A_158 = arith.constant 0 : i32
      %cond3A_159 = arith.cmpi ne, %convert_element_type3A_157, %cond3A_158 : i32
      scf.if %cond3A_159 {
        %scan3A_265 = arith.constant 0 : i32
        %scan3A_266 = arith.constant 0 : i32
        %scan3A_267 = arith.constant 32 : i32
        %scan3A_268 = arith.addi %scan3A_266, %scan3A_267 : i32
        %scan3A_269 = arith.constant 1 : i32
        %scan3A_270 = scf.for %scan3A_278 = %scan3A_266 to %scan3A_268 step %scan3A_269 iter_args(%scan3A_279 = %scan3A_265) -> (i32)  : i32 {
          %mul3A_280 = arith.constant 16 : i32
          %mul3A_281 = arith.muli %scan3A_278, %mul3A_280 : i32
          %add3A_282 = arith.constant 0 : i32
          %add3A_283 = arith.addi %add3A_282, %mul3A_281 : i32
          %get3A = arith.index_cast %add3A_283 : i32 to index
          %get3A_284 = tpu.vector_load %arg14[%get3A] {strides = array<i32>} : memref<2048xi32, #tpu.memory_space<vmem>>, vector<16xi32>,
          %mul3A_285 = arith.constant 16 : i32
          %mul3A_286 = arith.muli %scan3A_278, %mul3A_285 : i32
          %swap3A = arith.index_cast %mul3A_286 : i32 to index
          %swap3A_287 = tpu.vector_load %arg16[%swap3A] {strides = array<i32>} : memref<512xi32, #tpu.memory_space<vmem>>, vector<16xi32>,
          tpu.vector_store %arg16[%swap3A], %get3A_284 {strides = array<i32>} : memref<512xi32, #tpu.memory_space<vmem>>, vector<16xi32>,
          %mul3A_288 = arith.constant 16 : i32
          %mul3A_289 = arith.muli %scan3A_278, %mul3A_288 : i32
          %add3A_290 = arith.constant 0 : i32
          %add3A_291 = arith.addi %add3A_290, %mul3A_289 : i32
          %get3A_292 = arith.index_cast %add3A_291 : i32 to index
          %get3A_293 = tpu.vector_load %arg15[%get3A_292] {strides = array<i32>} : memref<2048xi32, #tpu.memory_space<vmem>>, vector<16xi32>,
          %mul3A_294 = arith.constant 16 : i32
          %mul3A_295 = arith.muli %scan3A_278, %mul3A_294 : i32
          %swap3A_296 = arith.index_cast %mul3A_295 : i32 to index
          %swap3A_297 = tpu.vector_load %arg17[%swap3A_296] {strides = array<i32>} : memref<512xi32, #tpu.memory_space<vmem>>, vector<16xi32>,
          tpu.vector_store %arg17[%swap3A_296], %get3A_293 {strides = array<i32>} : memref<512xi32, #tpu.memory_space<vmem>>, vector<16xi32>,
          %scan3A_298 = arith.constant 0 : i32
          scf.yield %scan3A_298 : i32
        }
        %scan3A_271 = arith.constant 32 : i32
        %dma_start3A_272 = arith.constant 0 : i32
        %dma_start3A_273 = arith.constant 0 : i32
        %dma_start3A_274 = tpu.memref_slice %arg2[%dma_start3A_272, %dma_start3A_273] : memref<50048x64xbf16, #tpu.memory_space<hbm>> -> memref<50048x64xbf16, #tpu.memory_space<hbm>>
        tpu.enqueue_indirect_dma source(%dma_start3A_274 : memref<50048x64xbf16, #tpu.memory_space<hbm>>) target(%arg18 : memref<512x64xbf16, #tpu.memory_space<vmem>>) offsets(%arg16 : memref<512xi32, #tpu.memory_space<vmem>>) semaphore(%arg22 : memref<!tpu.dma_semaphore, #tpu.memory_space<semaphore_mem>>)
        %dma_wait3A_275 = arith.constant 0 : i32
        %dma_wait3A_276 = arith.constant 0 : i32
        %dma_wait3A_277 = tpu.memref_slice %arg2[%dma_wait3A_275, %dma_wait3A_276] : memref<50048x64xbf16, #tpu.memory_space<hbm>> -> memref<50048x64xbf16, #tpu.memory_space<hbm>>
        tpu.wait_indirect_dma semaphore(%arg22 : memref<!tpu.dma_semaphore, #tpu.memory_space<semaphore_mem>>) src(%dma_wait3A_277 : memref<50048x64xbf16, #tpu.memory_space<hbm>>) dst(%arg18 : memref<512x64xbf16, #tpu.memory_space<vmem>>)
        "tpu.region"() ({
          %run_scoped3A_278 = tpu.sem_alloc : memref<!tpu.dma_semaphore, #tpu.memory_space<semaphore_mem>>
          %dma_start3A_279 = arith.constant 0 : i32
          %dma_start3A_280 = arith.constant 0 : i32
          %dma_start3A_281 = tpu.memref_slice %arg19[%dma_start3A_279, %dma_start3A_280] : memref<49216x64xbf16, #tpu.memory_space<vmem_shared>> -> memref<49216x64xbf16, #tpu.memory_space<vmem_shared>>
          tpu.enqueue_indirect_dma source(%arg18 : memref<512x64xbf16, #tpu.memory_space<vmem>>) target(%dma_start3A_281 : memref<49216x64xbf16, #tpu.memory_space<vmem_shared>>) offsets(%arg17 : memref<512xi32, #tpu.memory_space<vmem>>) semaphore(%run_scoped3A_278 : memref<!tpu.dma_semaphore, #tpu.memory_space<semaphore_mem>>) {add = true}
          %dma_wait3A_282 = arith.constant 0 : i32
          %dma_wait3A_283 = arith.constant 0 : i32
          %dma_wait3A_284 = tpu.memref_slice %arg19[%dma_wait3A_282, %dma_wait3A_283] : memref<49216x64xbf16, #tpu.memory_space<vmem_shared>> -> memref<49216x64xbf16, #tpu.memory_space<vmem_shared>>
          tpu.wait_indirect_dma semaphore(%run_scoped3A_278 : memref<!tpu.dma_semaphore, #tpu.memory_space<semaphore_mem>>) src(%arg18 : memref<512x64xbf16, #tpu.memory_space<vmem>>) dst(%dma_wait3A_284 : memref<49216x64xbf16, #tpu.memory_space<vmem_shared>>)
          tpu.yield
        }) : () -> ()
      } else {
      }
      %ge3A_160 = arith.constant 1024 : i32
      %ge3A_161 = arith.cmpi sge, %scan3A_154, %ge3A_160 : i32
      %convert_element_type3A_162 = arith.extui %ge3A_161 : i1 to i32
      %cond3A_163 = arith.constant 0 : i32
      %cond3A_164 = arith.cmpi ne, %convert_element_type3A_162, %cond3A_163 : i32
      scf.if %cond3A_164 {
        %scan3A_265 = arith.constant 0 : i32
        %scan3A_266 = arith.constant 0 : i32
        %scan3A_267 = arith.constant 32 : i32
        %scan3A_268 = arith.addi %scan3A_266, %scan3A_267 : i32
        %scan3A_269 = arith.constant 1 : i32
        %scan3A_270 = scf.for %scan3A_278 = %scan3A_266 to %scan3A_268 step %scan3A_269 iter_args(%scan3A_279 = %scan3A_265) -> (i32)  : i32 {
          %mul3A_280 = arith.constant 16 : i32
          %mul3A_281 = arith.muli %scan3A_278, %mul3A_280 : i32
          %add3A_282 = arith.constant 512 : i32
          %add3A_283 = arith.addi %add3A_282, %mul3A_281 : i32
          %get3A = arith.index_cast %add3A_283 : i32 to index
          %get3A_284 = tpu.vector_load %arg14[%get3A] {strides = array<i32>} : memref<2048xi32, #tpu.memory_space<vmem>>, vector<16xi32>,
          %mul3A_285 = arith.constant 16 : i32
          %mul3A_286 = arith.muli %scan3A_278, %mul3A_285 : i32
          %swap3A = arith.index_cast %mul3A_286 : i32 to index
          %swap3A_287 = tpu.vector_load %arg16[%swap3A] {strides = array<i32>} : memref<512xi32, #tpu.memory_space<vmem>>, vector<16xi32>,
          tpu.vector_store %arg16[%swap3A], %get3A_284 {strides = array<i32>} : memref<512xi32, #tpu.memory_space<vmem>>, vector<16xi32>,
          %mul3A_288 = arith.constant 16 : i32
          %mul3A_289 = arith.muli %scan3A_278, %mul3A_288 : i32
          %add3A_290 = arith.constant 512 : i32
          %add3A_291 = arith.addi %add3A_290, %mul3A_289 : i32
          %get3A_292 = arith.index_cast %add3A_291 : i32 to index
          %get3A_293 = tpu.vector_load %arg15[%get3A_292] {strides = array<i32>} : memref<2048xi32, #tpu.memory_space<vmem>>, vector<16xi32>,
          %mul3A_294 = arith.constant 16 : i32
          %mul3A_295 = arith.muli %scan3A_278, %mul3A_294 : i32
          %swap3A_296 = arith.index_cast %mul3A_295 : i32 to index
          %swap3A_297 = tpu.vector_load %arg17[%swap3A_296] {strides = array<i32>} : memref<512xi32, #tpu.memory_space<vmem>>, vector<16xi32>,
          tpu.vector_store %arg17[%swap3A_296], %get3A_293 {strides = array<i32>} : memref<512xi32, #tpu.memory_space<vmem>>, vector<16xi32>,
          %scan3A_298 = arith.constant 0 : i32
          scf.yield %scan3A_298 : i32
        }
        %scan3A_271 = arith.constant 32 : i32
        %dma_start3A_272 = arith.constant 0 : i32
        %dma_start3A_273 = arith.constant 0 : i32
        %dma_start3A_274 = tpu.memref_slice %arg2[%dma_start3A_272, %dma_start3A_273] : memref<50048x64xbf16, #tpu.memory_space<hbm>> -> memref<50048x64xbf16, #tpu.memory_space<hbm>>
        tpu.enqueue_indirect_dma source(%dma_start3A_274 : memref<50048x64xbf16, #tpu.memory_space<hbm>>) target(%arg18 : memref<512x64xbf16, #tpu.memory_space<vmem>>) offsets(%arg16 : memref<512xi32, #tpu.memory_space<vmem>>) semaphore(%arg22 : memref<!tpu.dma_semaphore, #tpu.memory_space<semaphore_mem>>)
        %dma_wait3A_275 = arith.constant 0 : i32
        %dma_wait3A_276 = arith.constant 0 : i32
        %dma_wait3A_277 = tpu.memref_slice %arg2[%dma_wait3A_275, %dma_wait3A_276] : memref<50048x64xbf16, #tpu.memory_space<hbm>> -> memref<50048x64xbf16, #tpu.memory_space<hbm>>
        tpu.wait_indirect_dma semaphore(%arg22 : memref<!tpu.dma_semaphore, #tpu.memory_space<semaphore_mem>>) src(%dma_wait3A_277 : memref<50048x64xbf16, #tpu.memory_space<hbm>>) dst(%arg18 : memref<512x64xbf16, #tpu.memory_space<vmem>>)
        "tpu.region"() ({
          %run_scoped3A_278 = tpu.sem_alloc : memref<!tpu.dma_semaphore, #tpu.memory_space<semaphore_mem>>
          %dma_start3A_279 = arith.constant 0 : i32
          %dma_start3A_280 = arith.constant 0 : i32
          %dma_start3A_281 = tpu.memref_slice %arg19[%dma_start3A_279, %dma_start3A_280] : memref<49216x64xbf16, #tpu.memory_space<vmem_shared>> -> memref<49216x64xbf16, #tpu.memory_space<vmem_shared>>
          tpu.enqueue_indirect_dma source(%arg18 : memref<512x64xbf16, #tpu.memory_space<vmem>>) target(%dma_start3A_281 : memref<49216x64xbf16, #tpu.memory_space<vmem_shared>>) offsets(%arg17 : memref<512xi32, #tpu.memory_space<vmem>>) semaphore(%run_scoped3A_278 : memref<!tpu.dma_semaphore, #tpu.memory_space<semaphore_mem>>) {add = true}
          %dma_wait3A_282 = arith.constant 0 : i32
          %dma_wait3A_283 = arith.constant 0 : i32
          %dma_wait3A_284 = tpu.memref_slice %arg19[%dma_wait3A_282, %dma_wait3A_283] : memref<49216x64xbf16, #tpu.memory_space<vmem_shared>> -> memref<49216x64xbf16, #tpu.memory_space<vmem_shared>>
          tpu.wait_indirect_dma semaphore(%run_scoped3A_278 : memref<!tpu.dma_semaphore, #tpu.memory_space<semaphore_mem>>) src(%arg18 : memref<512x64xbf16, #tpu.memory_space<vmem>>) dst(%dma_wait3A_284 : memref<49216x64xbf16, #tpu.memory_space<vmem_shared>>)
          tpu.yield
        }) : () -> ()
      } else {
      }
      %jit3A = arith.constant 512 : i32
      %div3A = arith.divsi %scan3A_154, %jit3A : i32
      %sign3A = arith.constant 0 : i32
      %sign3A_165 = arith.cmpi sgt, %scan3A_154, %sign3A : i32
      %sign3A_166 = arith.extui %sign3A_165 : i1 to i32
      %sign3A_167 = arith.constant 0 : i32
      %sign3A_168 = arith.cmpi slt, %scan3A_154, %sign3A_167 : i32
      %sign3A_169 = arith.extui %sign3A_168 : i1 to i32
      %sign3A_170 = arith.subi %sign3A_166, %sign3A_169 : i32
      %sign3A_171 = arith.constant 0 : i32
      %sign3A_172 = arith.cmpi sgt, %jit3A, %sign3A_171 : i32
      %sign3A_173 = arith.extui %sign3A_172 : i1 to i32
      %sign3A_174 = arith.constant 0 : i32
      %sign3A_175 = arith.cmpi slt, %jit3A, %sign3A_174 : i32
      %sign3A_176 = arith.extui %sign3A_175 : i1 to i32
      %sign3A_177 = arith.subi %sign3A_173, %sign3A_176 : i32
      %ne3A = arith.cmpi ne, %sign3A_170, %sign3A_177 : i32
      %rem3A = arith.remsi %scan3A_154, %jit3A : i32
      %ne3A_178 = arith.constant 0 : i32
      %ne3A_179 = arith.cmpi ne, %rem3A, %ne3A_178 : i32
      %and3A = arith.andi %ne3A, %ne3A_179 : i1
      %sub3A = arith.constant 1 : i32
      %sub3A_180 = arith.subi %div3A, %sub3A : i32
      %select_n3A = arith.select %and3A, %sub3A_180, %div3A : i32
      %mul3A_181 = arith.constant 512 : i32
      %mul3A_182 = arith.muli %select_n3A, %mul3A_181 : i32
      %sub3A_183 = arith.subi %scan3A_154, %mul3A_182 : i32
      %gt3A_184 = arith.constant 0 : i32
      %gt3A_185 = arith.cmpi sgt, %select_n3A, %gt3A_184 : i32
      %convert_element_type3A_186 = arith.extui %gt3A_185 : i1 to i32
      %cond3A_187 = arith.constant 0 : i32
      %cond3A_188 = arith.cmpi ne, %convert_element_type3A_186, %cond3A_187 : i32
      scf.if %cond3A_188 {
        %scan3A_265 = arith.constant 0 : i32
        %scan3A_266 = arith.constant 0 : i32
        %scan3A_267 = arith.constant 32 : i32
        %scan3A_268 = arith.addi %scan3A_266, %scan3A_267 : i32
        %scan3A_269 = arith.constant 1 : i32
        %scan3A_270 = scf.for %scan3A_272 = %scan3A_266 to %scan3A_268 step %scan3A_269 iter_args(%scan3A_273 = %scan3A_265) -> (i32)  : i32 {
          %mul3A_274 = arith.constant 512 : i32
          %mul3A_275 = arith.muli %select_n3A, %mul3A_274 : i32
          %mul3A_276 = arith.constant 16 : i32
          %mul3A_277 = arith.muli %scan3A_272, %mul3A_276 : i32
          %add3A_278 = arith.addi %mul3A_275, %mul3A_277 : i32
          %get3A = arith.index_cast %add3A_278 : i32 to index
          %get3A_279 = tpu.vector_load %arg14[%get3A] {strides = array<i32>} : memref<2048xi32, #tpu.memory_space<vmem>>, vector<16xi32>,
          %mul3A_280 = arith.constant 16 : i32
          %mul3A_281 = arith.muli %scan3A_272, %mul3A_280 : i32
          %swap3A = arith.index_cast %mul3A_281 : i32 to index
          %swap3A_282 = tpu.vector_load %arg14[%swap3A] {strides = array<i32>} : memref<2048xi32, #tpu.memory_space<vmem>>, vector<16xi32>,
          tpu.vector_store %arg14[%swap3A], %get3A_279 {strides = array<i32>} : memref<2048xi32, #tpu.memory_space<vmem>>, vector<16xi32>,
          %mul3A_283 = arith.constant 512 : i32
          %mul3A_284 = arith.muli %select_n3A, %mul3A_283 : i32
          %mul3A_285 = arith.constant 16 : i32
          %mul3A_286 = arith.muli %scan3A_272, %mul3A_285 : i32
          %add3A_287 = arith.addi %mul3A_284, %mul3A_286 : i32
          %get3A_288 = arith.index_cast %add3A_287 : i32 to index
          %get3A_289 = tpu.vector_load %arg15[%get3A_288] {strides = array<i32>} : memref<2048xi32, #tpu.memory_space<vmem>>, vector<16xi32>,
          %mul3A_290 = arith.constant 16 : i32
          %mul3A_291 = arith.muli %scan3A_272, %mul3A_290 : i32
          %swap3A_292 = arith.index_cast %mul3A_291 : i32 to index
          %swap3A_293 = tpu.vector_load %arg15[%swap3A_292] {strides = array<i32>} : memref<2048xi32, #tpu.memory_space<vmem>>, vector<16xi32>,
          tpu.vector_store %arg15[%swap3A_292], %get3A_289 {strides = array<i32>} : memref<2048xi32, #tpu.memory_space<vmem>>, vector<16xi32>,
          %scan3A_294 = arith.constant 0 : i32
          scf.yield %scan3A_294 : i32
        }
        %scan3A_271 = arith.constant 32 : i32
      } else {
      }
      %mul3A_189 = arith.constant 2 : i32
      %mul3A_190 = arith.muli %mul3A_189, %scan3A_124 : i32
      %add3A_191 = arith.constant 1 : i32
      %add3A_192 = arith.addi %mul3A_190, %add3A_191 : i32
      %mul3A_193 = arith.constant 1024 : i32
      %mul3A_194 = arith.muli %add3A_192, %mul3A_193 : i32
      %add3A_195 = arith.addi %mul3A_0, %mul3A_194 : i32
      %dma_wait3A_196 = tpu.memref_slice %arg3[%add3A_195] : memref<819200xi32, #tpu.memory_space<hbm>> -> memref<1024xi32, #tpu.memory_space<hbm>>
      %dma_wait3A_197 = tpu.memref_slice %arg3[%add3A_195] : memref<819200xi32, #tpu.memory_space<hbm>> -> memref<1024xi32, #tpu.memory_space<hbm>>
      tpu.wait_dma2 semaphore(%arg21 : memref<!tpu.dma_semaphore, #tpu.memory_space<semaphore_mem>>) src(%dma_wait3A_197 : memref<1024xi32, #tpu.memory_space<hbm>>) dst(%arg11 : memref<1024xi32, #tpu.memory_space<vmem>>)
      %dma_wait3A_198 = tpu.memref_slice %arg4[%add3A_195] : memref<819200xi32, #tpu.memory_space<hbm>> -> memref<1024xi32, #tpu.memory_space<hbm>>
      %dma_wait3A_199 = tpu.memref_slice %arg4[%add3A_195] : memref<819200xi32, #tpu.memory_space<hbm>> -> memref<1024xi32, #tpu.memory_space<hbm>>
      tpu.wait_dma2 semaphore(%arg21 : memref<!tpu.dma_semaphore, #tpu.memory_space<semaphore_mem>>) src(%dma_wait3A_199 : memref<1024xi32, #tpu.memory_space<hbm>>) dst(%arg12 : memref<1024xi32, #tpu.memory_space<vmem>>)
      %dma_wait3A_200 = tpu.memref_slice %arg5[%add3A_195] : memref<819200xi32, #tpu.memory_space<hbm>> -> memref<1024xi32, #tpu.memory_space<hbm>>
      %dma_wait3A_201 = tpu.memref_slice %arg5[%add3A_195] : memref<819200xi32, #tpu.memory_space<hbm>> -> memref<1024xi32, #tpu.memory_space<hbm>>
      tpu.wait_dma2 semaphore(%arg21 : memref<!tpu.dma_semaphore, #tpu.memory_space<semaphore_mem>>) src(%dma_wait3A_201 : memref<1024xi32, #tpu.memory_space<hbm>>) dst(%arg13 : memref<1024xi32, #tpu.memory_space<vmem>>)
      %mul3A_202 = arith.constant 2 : i32
      %mul3A_203 = arith.muli %mul3A_202, %scan3A_124 : i32
      %add3A_204 = arith.constant 2 : i32
      %add3A_205 = arith.addi %mul3A_203, %add3A_204 : i32
      %rem3A_206 = arith.constant 50 : i32
      %rem3A_207 = arith.remsi %add3A_205, %rem3A_206 : i32
      %mul3A_208 = arith.constant 1024 : i32
      %mul3A_209 = arith.muli %rem3A_207, %mul3A_208 : i32
      %add3A_210 = arith.addi %mul3A_0, %mul3A_209 : i32
      %dma_start3A_211 = tpu.memref_slice %arg3[%add3A_210] : memref<819200xi32, #tpu.memory_space<hbm>> -> memref<1024xi32, #tpu.memory_space<hbm>>
      %dma_start3A_212 = tpu.memref_slice %arg3[%add3A_210] : memref<819200xi32, #tpu.memory_space<hbm>> -> memref<1024xi32, #tpu.memory_space<hbm>>
      tpu.enqueue_dma source(%dma_start3A_212 : memref<1024xi32, #tpu.memory_space<hbm>>) target(%arg8 : memref<1024xi32, #tpu.memory_space<vmem>>) target_semaphore(%arg20 : memref<!tpu.dma_semaphore, #tpu.memory_space<semaphore_mem>>)
      %dma_start3A_213 = tpu.memref_slice %arg4[%add3A_210] : memref<819200xi32, #tpu.memory_space<hbm>> -> memref<1024xi32, #tpu.memory_space<hbm>>
      %dma_start3A_214 = tpu.memref_slice %arg4[%add3A_210] : memref<819200xi32, #tpu.memory_space<hbm>> -> memref<1024xi32, #tpu.memory_space<hbm>>
      tpu.enqueue_dma source(%dma_start3A_214 : memref<1024xi32, #tpu.memory_space<hbm>>) target(%arg9 : memref<1024xi32, #tpu.memory_space<vmem>>) target_semaphore(%arg20 : memref<!tpu.dma_semaphore, #tpu.memory_space<semaphore_mem>>)
      %dma_start3A_215 = tpu.memref_slice %arg5[%add3A_210] : memref<819200xi32, #tpu.memory_space<hbm>> -> memref<1024xi32, #tpu.memory_space<hbm>>
      %dma_start3A_216 = tpu.memref_slice %arg5[%add3A_210] : memref<819200xi32, #tpu.memory_space<hbm>> -> memref<1024xi32, #tpu.memory_space<hbm>>
      tpu.enqueue_dma source(%dma_start3A_216 : memref<1024xi32, #tpu.memory_space<hbm>>) target(%arg10 : memref<1024xi32, #tpu.memory_space<vmem>>) target_semaphore(%arg20 : memref<!tpu.dma_semaphore, #tpu.memory_space<semaphore_mem>>)
      %scan3A_217 = arith.constant 0 : i32
      %scan3A_218 = arith.constant 64 : i32
      %scan3A_219 = arith.addi %scan3A_217, %scan3A_218 : i32
      %scan3A_220 = arith.constant 1 : i32
      %scan3A_221 = scf.for %scan3A_265 = %scan3A_217 to %scan3A_219 step %scan3A_220 iter_args(%scan3A_266 = %sub3A_183) -> (i32)  : i32 {
        %mul3A_267 = arith.constant 16 : i32
        %mul3A_268 = arith.muli %scan3A_265, %mul3A_267 : i32
        %get3A = arith.index_cast %mul3A_268 : i32 to index
        %get3A_269 = tpu.vector_load %arg11[%get3A] {strides = array<i32>} : memref<1024xi32, #tpu.memory_space<vmem>>, vector<16xi32>,
        %mul3A_270 = arith.constant 16 : i32
        %mul3A_271 = arith.muli %scan3A_265, %mul3A_270 : i32
        %get3A_272 = arith.index_cast %mul3A_271 : i32 to index
        %get3A_273 = tpu.vector_load %arg12[%get3A_272] {strides = array<i32>} : memref<1024xi32, #tpu.memory_space<vmem>>, vector<16xi32>,
        %mul3A_274 = arith.constant 16 : i32
        %mul3A_275 = arith.muli %scan3A_265, %mul3A_274 : i32
        %get3A_276 = arith.index_cast %mul3A_275 : i32 to index
        %get3A_277 = tpu.vector_load %arg13[%get3A_276] {strides = array<i32>} : memref<1024xi32, #tpu.memory_space<vmem>>, vector<16xi32>,
        %shift_right_arithmetic3A = arith.constant 14 : i32
        %shift_right_arithmetic3A_278 = vector.broadcast %shift_right_arithmetic3A : i32 to vector<16xi32>
        %shift_right_arithmetic3A_279 = arith.shrsi %get3A_273, %shift_right_arithmetic3A_278 : vector<16xi32>
        %eq3A = vector.broadcast %add3A_59 : i32 to vector<16xi32>
        %eq3A_280 = arith.cmpi eq, %shift_right_arithmetic3A_279, %eq3A : vector<16xi32>
        %shift_left3A = arith.constant 14 : i32
        %shift_left3A_281 = vector.broadcast %shift_left3A : i32 to vector<16xi32>
        %shift_left3A_282 = arith.shli %get3A_277, %shift_left3A_281 : vector<16xi32>
        %and3A_283 = arith.constant 16383 : i32
        %and3A_284 = vector.broadcast %and3A_283 : i32 to vector<16xi32>
        %and3A_285 = arith.andi %get3A_273, %and3A_284 : vector<16xi32>
        %add3A_286 = arith.addi %shift_left3A_282, %and3A_285 : vector<16xi32>
        %convert_element_type3A_287 = arith.extui %eq3A_280 : vector<16xi1> to vector<16xi32>
        %cumsum3A = arith.constant true
        %cumsum3A_288 = vector.broadcast %cumsum3A : i1 to vector<16xi1>
        %cumsum3A_289 = tpu.scan <sum>, %convert_element_type3A_287 masked %cumsum3A_288 : vector<16xi32>, vector<16xi1> -> vector<16xi32>
        %add3A_290 = vector.broadcast %scan3A_266 : i32 to vector<16xi32>
        %add3A_291 = arith.addi %add3A_290, %cumsum3A_289 : vector<16xi32>
        %sub3A_292 = arith.constant 1 : i32
        %sub3A_293 = vector.broadcast %sub3A_292 : i32 to vector<16xi32>
        %sub3A_294 = arith.subi %add3A_291, %sub3A_293 : vector<16xi32>
        tpu.vector_store_idx %arg14[%sub3A_294], %get3A_269 masked %eq3A_280 : memref<2048xi32, #tpu.memory_space<vmem>>[vector<16xi32>], vector<16xi32>, vector<16xi1>
        tpu.vector_store_idx %arg15[%sub3A_294], %add3A_286 masked %eq3A_280 : memref<2048xi32, #tpu.memory_space<vmem>>[vector<16xi32>], vector<16xi32>, vector<16xi1>
        %reduce_sum3A = arith.constant true
        %reduce_sum3A_295 = vector.broadcast %reduce_sum3A : i1 to vector<16xi1>
        %reduce_sum3A_296 = tpu.scan <sum>, %convert_element_type3A_287 masked %reduce_sum3A_295 : vector<16xi32>, vector<16xi1> -> vector<16xi32>
        %reduce_sum3A_297 = vector.extract %reduce_sum3A_296[15] : i32 from vector<16xi32>
        %add3A_298 = arith.addi %scan3A_266, %reduce_sum3A_297 : i32
        scf.yield %add3A_298 : i32
      }
      %scan3A_222 = arith.constant 64 : i32
      %ge3A_223 = arith.constant 512 : i32
      %ge3A_224 = arith.cmpi sge, %scan3A_221, %ge3A_223 : i32
      %convert_element_type3A_225 = arith.extui %ge3A_224 : i1 to i32
      %cond3A_226 = arith.constant 0 : i32
      %cond3A_227 = arith.cmpi ne, %convert_element_type3A_225, %cond3A_226 : i32
      scf.if %cond3A_227 {
        %scan3A_265 = arith.constant 0 : i32
        %scan3A_266 = arith.constant 0 : i32
        %scan3A_267 = arith.constant 32 : i32
        %scan3A_268 = arith.addi %scan3A_266, %scan3A_267 : i32
        %scan3A_269 = arith.constant 1 : i32
        %scan3A_270 = scf.for %scan3A_278 = %scan3A_266 to %scan3A_268 step %scan3A_269 iter_args(%scan3A_279 = %scan3A_265) -> (i32)  : i32 {
          %mul3A_280 = arith.constant 16 : i32
          %mul3A_281 = arith.muli %scan3A_278, %mul3A_280 : i32
          %add3A_282 = arith.constant 0 : i32
          %add3A_283 = arith.addi %add3A_282, %mul3A_281 : i32
          %get3A = arith.index_cast %add3A_283 : i32 to index
          %get3A_284 = tpu.vector_load %arg14[%get3A] {strides = array<i32>} : memref<2048xi32, #tpu.memory_space<vmem>>, vector<16xi32>,
          %mul3A_285 = arith.constant 16 : i32
          %mul3A_286 = arith.muli %scan3A_278, %mul3A_285 : i32
          %swap3A = arith.index_cast %mul3A_286 : i32 to index
          %swap3A_287 = tpu.vector_load %arg16[%swap3A] {strides = array<i32>} : memref<512xi32, #tpu.memory_space<vmem>>, vector<16xi32>,
          tpu.vector_store %arg16[%swap3A], %get3A_284 {strides = array<i32>} : memref<512xi32, #tpu.memory_space<vmem>>, vector<16xi32>,
          %mul3A_288 = arith.constant 16 : i32
          %mul3A_289 = arith.muli %scan3A_278, %mul3A_288 : i32
          %add3A_290 = arith.constant 0 : i32
          %add3A_291 = arith.addi %add3A_290, %mul3A_289 : i32
          %get3A_292 = arith.index_cast %add3A_291 : i32 to index
          %get3A_293 = tpu.vector_load %arg15[%get3A_292] {strides = array<i32>} : memref<2048xi32, #tpu.memory_space<vmem>>, vector<16xi32>,
          %mul3A_294 = arith.constant 16 : i32
          %mul3A_295 = arith.muli %scan3A_278, %mul3A_294 : i32
          %swap3A_296 = arith.index_cast %mul3A_295 : i32 to index
          %swap3A_297 = tpu.vector_load %arg17[%swap3A_296] {strides = array<i32>} : memref<512xi32, #tpu.memory_space<vmem>>, vector<16xi32>,
          tpu.vector_store %arg17[%swap3A_296], %get3A_293 {strides = array<i32>} : memref<512xi32, #tpu.memory_space<vmem>>, vector<16xi32>,
          %scan3A_298 = arith.constant 0 : i32
          scf.yield %scan3A_298 : i32
        }
        %scan3A_271 = arith.constant 32 : i32
        %dma_start3A_272 = arith.constant 0 : i32
        %dma_start3A_273 = arith.constant 0 : i32
        %dma_start3A_274 = tpu.memref_slice %arg2[%dma_start3A_272, %dma_start3A_273] : memref<50048x64xbf16, #tpu.memory_space<hbm>> -> memref<50048x64xbf16, #tpu.memory_space<hbm>>
        tpu.enqueue_indirect_dma source(%dma_start3A_274 : memref<50048x64xbf16, #tpu.memory_space<hbm>>) target(%arg18 : memref<512x64xbf16, #tpu.memory_space<vmem>>) offsets(%arg16 : memref<512xi32, #tpu.memory_space<vmem>>) semaphore(%arg22 : memref<!tpu.dma_semaphore, #tpu.memory_space<semaphore_mem>>)
        %dma_wait3A_275 = arith.constant 0 : i32
        %dma_wait3A_276 = arith.constant 0 : i32
        %dma_wait3A_277 = tpu.memref_slice %arg2[%dma_wait3A_275, %dma_wait3A_276] : memref<50048x64xbf16, #tpu.memory_space<hbm>> -> memref<50048x64xbf16, #tpu.memory_space<hbm>>
        tpu.wait_indirect_dma semaphore(%arg22 : memref<!tpu.dma_semaphore, #tpu.memory_space<semaphore_mem>>) src(%dma_wait3A_277 : memref<50048x64xbf16, #tpu.memory_space<hbm>>) dst(%arg18 : memref<512x64xbf16, #tpu.memory_space<vmem>>)
        "tpu.region"() ({
          %run_scoped3A_278 = tpu.sem_alloc : memref<!tpu.dma_semaphore, #tpu.memory_space<semaphore_mem>>
          %dma_start3A_279 = arith.constant 0 : i32
          %dma_start3A_280 = arith.constant 0 : i32
          %dma_start3A_281 = tpu.memref_slice %arg19[%dma_start3A_279, %dma_start3A_280] : memref<49216x64xbf16, #tpu.memory_space<vmem_shared>> -> memref<49216x64xbf16, #tpu.memory_space<vmem_shared>>
          tpu.enqueue_indirect_dma source(%arg18 : memref<512x64xbf16, #tpu.memory_space<vmem>>) target(%dma_start3A_281 : memref<49216x64xbf16, #tpu.memory_space<vmem_shared>>) offsets(%arg17 : memref<512xi32, #tpu.memory_space<vmem>>) semaphore(%run_scoped3A_278 : memref<!tpu.dma_semaphore, #tpu.memory_space<semaphore_mem>>) {add = true}
          %dma_wait3A_282 = arith.constant 0 : i32
          %dma_wait3A_283 = arith.constant 0 : i32
          %dma_wait3A_284 = tpu.memref_slice %arg19[%dma_wait3A_282, %dma_wait3A_283] : memref<49216x64xbf16, #tpu.memory_space<vmem_shared>> -> memref<49216x64xbf16, #tpu.memory_space<vmem_shared>>
          tpu.wait_indirect_dma semaphore(%run_scoped3A_278 : memref<!tpu.dma_semaphore, #tpu.memory_space<semaphore_mem>>) src(%arg18 : memref<512x64xbf16, #tpu.memory_space<vmem>>) dst(%dma_wait3A_284 : memref<49216x64xbf16, #tpu.memory_space<vmem_shared>>)
          tpu.yield
        }) : () -> ()
      } else {
      }
      %ge3A_228 = arith.constant 1024 : i32
      %ge3A_229 = arith.cmpi sge, %scan3A_221, %ge3A_228 : i32
      %convert_element_type3A_230 = arith.extui %ge3A_229 : i1 to i32
      %cond3A_231 = arith.constant 0 : i32
      %cond3A_232 = arith.cmpi ne, %convert_element_type3A_230, %cond3A_231 : i32
      scf.if %cond3A_232 {
        %scan3A_265 = arith.constant 0 : i32
        %scan3A_266 = arith.constant 0 : i32
        %scan3A_267 = arith.constant 32 : i32
        %scan3A_268 = arith.addi %scan3A_266, %scan3A_267 : i32
        %scan3A_269 = arith.constant 1 : i32
        %scan3A_270 = scf.for %scan3A_278 = %scan3A_266 to %scan3A_268 step %scan3A_269 iter_args(%scan3A_279 = %scan3A_265) -> (i32)  : i32 {
          %mul3A_280 = arith.constant 16 : i32
          %mul3A_281 = arith.muli %scan3A_278, %mul3A_280 : i32
          %add3A_282 = arith.constant 512 : i32
          %add3A_283 = arith.addi %add3A_282, %mul3A_281 : i32
          %get3A = arith.index_cast %add3A_283 : i32 to index
          %get3A_284 = tpu.vector_load %arg14[%get3A] {strides = array<i32>} : memref<2048xi32, #tpu.memory_space<vmem>>, vector<16xi32>,
          %mul3A_285 = arith.constant 16 : i32
          %mul3A_286 = arith.muli %scan3A_278, %mul3A_285 : i32
          %swap3A = arith.index_cast %mul3A_286 : i32 to index
          %swap3A_287 = tpu.vector_load %arg16[%swap3A] {strides = array<i32>} : memref<512xi32, #tpu.memory_space<vmem>>, vector<16xi32>,
          tpu.vector_store %arg16[%swap3A], %get3A_284 {strides = array<i32>} : memref<512xi32, #tpu.memory_space<vmem>>, vector<16xi32>,
          %mul3A_288 = arith.constant 16 : i32
          %mul3A_289 = arith.muli %scan3A_278, %mul3A_288 : i32
          %add3A_290 = arith.constant 512 : i32
          %add3A_291 = arith.addi %add3A_290, %mul3A_289 : i32
          %get3A_292 = arith.index_cast %add3A_291 : i32 to index
          %get3A_293 = tpu.vector_load %arg15[%get3A_292] {strides = array<i32>} : memref<2048xi32, #tpu.memory_space<vmem>>, vector<16xi32>,
          %mul3A_294 = arith.constant 16 : i32
          %mul3A_295 = arith.muli %scan3A_278, %mul3A_294 : i32
          %swap3A_296 = arith.index_cast %mul3A_295 : i32 to index
          %swap3A_297 = tpu.vector_load %arg17[%swap3A_296] {strides = array<i32>} : memref<512xi32, #tpu.memory_space<vmem>>, vector<16xi32>,
          tpu.vector_store %arg17[%swap3A_296], %get3A_293 {strides = array<i32>} : memref<512xi32, #tpu.memory_space<vmem>>, vector<16xi32>,
          %scan3A_298 = arith.constant 0 : i32
          scf.yield %scan3A_298 : i32
        }
        %scan3A_271 = arith.constant 32 : i32
        %dma_start3A_272 = arith.constant 0 : i32
        %dma_start3A_273 = arith.constant 0 : i32
        %dma_start3A_274 = tpu.memref_slice %arg2[%dma_start3A_272, %dma_start3A_273] : memref<50048x64xbf16, #tpu.memory_space<hbm>> -> memref<50048x64xbf16, #tpu.memory_space<hbm>>
        tpu.enqueue_indirect_dma source(%dma_start3A_274 : memref<50048x64xbf16, #tpu.memory_space<hbm>>) target(%arg18 : memref<512x64xbf16, #tpu.memory_space<vmem>>) offsets(%arg16 : memref<512xi32, #tpu.memory_space<vmem>>) semaphore(%arg22 : memref<!tpu.dma_semaphore, #tpu.memory_space<semaphore_mem>>)
        %dma_wait3A_275 = arith.constant 0 : i32
        %dma_wait3A_276 = arith.constant 0 : i32
        %dma_wait3A_277 = tpu.memref_slice %arg2[%dma_wait3A_275, %dma_wait3A_276] : memref<50048x64xbf16, #tpu.memory_space<hbm>> -> memref<50048x64xbf16, #tpu.memory_space<hbm>>
        tpu.wait_indirect_dma semaphore(%arg22 : memref<!tpu.dma_semaphore, #tpu.memory_space<semaphore_mem>>) src(%dma_wait3A_277 : memref<50048x64xbf16, #tpu.memory_space<hbm>>) dst(%arg18 : memref<512x64xbf16, #tpu.memory_space<vmem>>)
        "tpu.region"() ({
          %run_scoped3A_278 = tpu.sem_alloc : memref<!tpu.dma_semaphore, #tpu.memory_space<semaphore_mem>>
          %dma_start3A_279 = arith.constant 0 : i32
          %dma_start3A_280 = arith.constant 0 : i32
          %dma_start3A_281 = tpu.memref_slice %arg19[%dma_start3A_279, %dma_start3A_280] : memref<49216x64xbf16, #tpu.memory_space<vmem_shared>> -> memref<49216x64xbf16, #tpu.memory_space<vmem_shared>>
          tpu.enqueue_indirect_dma source(%arg18 : memref<512x64xbf16, #tpu.memory_space<vmem>>) target(%dma_start3A_281 : memref<49216x64xbf16, #tpu.memory_space<vmem_shared>>) offsets(%arg17 : memref<512xi32, #tpu.memory_space<vmem>>) semaphore(%run_scoped3A_278 : memref<!tpu.dma_semaphore, #tpu.memory_space<semaphore_mem>>) {add = true}
          %dma_wait3A_282 = arith.constant 0 : i32
          %dma_wait3A_283 = arith.constant 0 : i32
          %dma_wait3A_284 = tpu.memref_slice %arg19[%dma_wait3A_282, %dma_wait3A_283] : memref<49216x64xbf16, #tpu.memory_space<vmem_shared>> -> memref<49216x64xbf16, #tpu.memory_space<vmem_shared>>
          tpu.wait_indirect_dma semaphore(%run_scoped3A_278 : memref<!tpu.dma_semaphore, #tpu.memory_space<semaphore_mem>>) src(%arg18 : memref<512x64xbf16, #tpu.memory_space<vmem>>) dst(%dma_wait3A_284 : memref<49216x64xbf16, #tpu.memory_space<vmem_shared>>)
          tpu.yield
        }) : () -> ()
      } else {
      }
      %jit3A_233 = arith.constant 512 : i32
      %div3A_234 = arith.divsi %scan3A_221, %jit3A_233 : i32
      %sign3A_235 = arith.constant 0 : i32
      %sign3A_236 = arith.cmpi sgt, %scan3A_221, %sign3A_235 : i32
      %sign3A_237 = arith.extui %sign3A_236 : i1 to i32
      %sign3A_238 = arith.constant 0 : i32
      %sign3A_239 = arith.cmpi slt, %scan3A_221, %sign3A_238 : i32
      %sign3A_240 = arith.extui %sign3A_239 : i1 to i32
      %sign3A_241 = arith.subi %sign3A_237, %sign3A_240 : i32
      %sign3A_242 = arith.constant 0 : i32
      %sign3A_243 = arith.cmpi sgt, %jit3A_233, %sign3A_242 : i32
      %sign3A_244 = arith.extui %sign3A_243 : i1 to i32
      %sign3A_245 = arith.constant 0 : i32
      %sign3A_246 = arith.cmpi slt, %jit3A_233, %sign3A_245 : i32
      %sign3A_247 = arith.extui %sign3A_246 : i1 to i32
      %sign3A_248 = arith.subi %sign3A_244, %sign3A_247 : i32
      %ne3A_249 = arith.cmpi ne, %sign3A_241, %sign3A_248 : i32
      %rem3A_250 = arith.remsi %scan3A_221, %jit3A_233 : i32
      %ne3A_251 = arith.constant 0 : i32
      %ne3A_252 = arith.cmpi ne, %rem3A_250, %ne3A_251 : i32
      %and3A_253 = arith.andi %ne3A_249, %ne3A_252 : i1
      %sub3A_254 = arith.constant 1 : i32
      %sub3A_255 = arith.subi %div3A_234, %sub3A_254 : i32
      %select_n3A_256 = arith.select %and3A_253, %sub3A_255, %div3A_234 : i32
      %mul3A_257 = arith.constant 512 : i32
      %mul3A_258 = arith.muli %select_n3A_256, %mul3A_257 : i32
      %sub3A_259 = arith.subi %scan3A_221, %mul3A_258 : i32
      %gt3A_260 = arith.constant 0 : i32
      %gt3A_261 = arith.cmpi sgt, %select_n3A_256, %gt3A_260 : i32
      %convert_element_type3A_262 = arith.extui %gt3A_261 : i1 to i32
      %cond3A_263 = arith.constant 0 : i32
      %cond3A_264 = arith.cmpi ne, %convert_element_type3A_262, %cond3A_263 : i32
      scf.if %cond3A_264 {
        %scan3A_265 = arith.constant 0 : i32
        %scan3A_266 = arith.constant 0 : i32
        %scan3A_267 = arith.constant 32 : i32
        %scan3A_268 = arith.addi %scan3A_266, %scan3A_267 : i32
        %scan3A_269 = arith.constant 1 : i32
        %scan3A_270 = scf.for %scan3A_272 = %scan3A_266 to %scan3A_268 step %scan3A_269 iter_args(%scan3A_273 = %scan3A_265) -> (i32)  : i32 {
          %mul3A_274 = arith.constant 512 : i32
          %mul3A_275 = arith.muli %select_n3A_256, %mul3A_274 : i32
          %mul3A_276 = arith.constant 16 : i32
          %mul3A_277 = arith.muli %scan3A_272, %mul3A_276 : i32
          %add3A_278 = arith.addi %mul3A_275, %mul3A_277 : i32
          %get3A = arith.index_cast %add3A_278 : i32 to index
          %get3A_279 = tpu.vector_load %arg14[%get3A] {strides = array<i32>} : memref<2048xi32, #tpu.memory_space<vmem>>, vector<16xi32>,
          %mul3A_280 = arith.constant 16 : i32
          %mul3A_281 = arith.muli %scan3A_272, %mul3A_280 : i32
          %swap3A = arith.index_cast %mul3A_281 : i32 to index
          %swap3A_282 = tpu.vector_load %arg14[%swap3A] {strides = array<i32>} : memref<2048xi32, #tpu.memory_space<vmem>>, vector<16xi32>,
          tpu.vector_store %arg14[%swap3A], %get3A_279 {strides = array<i32>} : memref<2048xi32, #tpu.memory_space<vmem>>, vector<16xi32>,
          %mul3A_283 = arith.constant 512 : i32
          %mul3A_284 = arith.muli %select_n3A_256, %mul3A_283 : i32
          %mul3A_285 = arith.constant 16 : i32
          %mul3A_286 = arith.muli %scan3A_272, %mul3A_285 : i32
          %add3A_287 = arith.addi %mul3A_284, %mul3A_286 : i32
          %get3A_288 = arith.index_cast %add3A_287 : i32 to index
          %get3A_289 = tpu.vector_load %arg15[%get3A_288] {strides = array<i32>} : memref<2048xi32, #tpu.memory_space<vmem>>, vector<16xi32>,
          %mul3A_290 = arith.constant 16 : i32
          %mul3A_291 = arith.muli %scan3A_272, %mul3A_290 : i32
          %swap3A_292 = arith.index_cast %mul3A_291 : i32 to index
          %swap3A_293 = tpu.vector_load %arg15[%swap3A_292] {strides = array<i32>} : memref<2048xi32, #tpu.memory_space<vmem>>, vector<16xi32>,
          tpu.vector_store %arg15[%swap3A_292], %get3A_289 {strides = array<i32>} : memref<2048xi32, #tpu.memory_space<vmem>>, vector<16xi32>,
          %scan3A_294 = arith.constant 0 : i32
          scf.yield %scan3A_294 : i32
        }
        %scan3A_271 = arith.constant 32 : i32
      } else {
      }
      scf.yield %sub3A_259 : i32
    }
    %scan3A_84 = arith.constant 25 : i32
    %add3A_85 = arith.constant 0 : i32
    %add3A_86 = arith.addi %mul3A_0, %add3A_85 : i32
    %dma_wait3A_87 = tpu.memref_slice %arg3[%add3A_86] : memref<819200xi32, #tpu.memory_space<hbm>> -> memref<1024xi32, #tpu.memory_space<hbm>>
    %dma_wait3A_88 = tpu.memref_slice %arg3[%add3A_86] : memref<819200xi32, #tpu.memory_space<hbm>> -> memref<1024xi32, #tpu.memory_space<hbm>>
    tpu.wait_dma2 semaphore(%arg20 : memref<!tpu.dma_semaphore, #tpu.memory_space<semaphore_mem>>) src(%dma_wait3A_88 : memref<1024xi32, #tpu.memory_space<hbm>>) dst(%arg8 : memref<1024xi32, #tpu.memory_space<vmem>>)
    %dma_wait3A_89 = tpu.memref_slice %arg4[%add3A_86] : memref<819200xi32, #tpu.memory_space<hbm>> -> memref<1024xi32, #tpu.memory_space<hbm>>
    %dma_wait3A_90 = tpu.memref_slice %arg4[%add3A_86] : memref<819200xi32, #tpu.memory_space<hbm>> -> memref<1024xi32, #tpu.memory_space<hbm>>
    tpu.wait_dma2 semaphore(%arg20 : memref<!tpu.dma_semaphore, #tpu.memory_space<semaphore_mem>>) src(%dma_wait3A_90 : memref<1024xi32, #tpu.memory_space<hbm>>) dst(%arg9 : memref<1024xi32, #tpu.memory_space<vmem>>)
    %dma_wait3A_91 = tpu.memref_slice %arg5[%add3A_86] : memref<819200xi32, #tpu.memory_space<hbm>> -> memref<1024xi32, #tpu.memory_space<hbm>>
    %dma_wait3A_92 = tpu.memref_slice %arg5[%add3A_86] : memref<819200xi32, #tpu.memory_space<hbm>> -> memref<1024xi32, #tpu.memory_space<hbm>>
    tpu.wait_dma2 semaphore(%arg20 : memref<!tpu.dma_semaphore, #tpu.memory_space<semaphore_mem>>) src(%dma_wait3A_92 : memref<1024xi32, #tpu.memory_space<hbm>>) dst(%arg10 : memref<1024xi32, #tpu.memory_space<vmem>>)
    %gt3A_93 = arith.constant 0 : i32
    %gt3A_94 = arith.cmpi sgt, %scan3A_83, %gt3A_93 : i32
    %convert_element_type3A_95 = arith.extui %gt3A_94 : i1 to i32
    %cond3A_96 = arith.constant 0 : i32
    %cond3A_97 = arith.cmpi ne, %convert_element_type3A_95, %cond3A_96 : i32
    scf.if %cond3A_97 {
      %iota3A = tpu.iota {dimensions = array<i32: 0>} : vector<16xi32>
      %scan3A_124 = arith.constant 0 : i32
      %scan3A_125 = arith.constant 0 : i32
      %scan3A_126 = arith.constant 32 : i32
      %scan3A_127 = arith.addi %scan3A_125, %scan3A_126 : i32
      %scan3A_128 = arith.constant 1 : i32
      %scan3A_129 = scf.for %scan3A_137 = %scan3A_125 to %scan3A_127 step %scan3A_128 iter_args(%scan3A_138 = %scan3A_124) -> (i32)  : i32 {
        %mul3A_139 = arith.constant 16 : i32
        %mul3A_140 = arith.muli %scan3A_137, %mul3A_139 : i32
        %add3A_141 = vector.broadcast %mul3A_140 : i32 to vector<16xi32>
        %add3A_142 = arith.addi %add3A_141, %iota3A : vector<16xi32>
        %lt3A = vector.broadcast %scan3A_83 : i32 to vector<16xi32>
        %lt3A_143 = arith.cmpi slt, %add3A_142, %lt3A : vector<16xi32>
        %mul3A_144 = arith.constant 16 : i32
        %mul3A_145 = arith.muli %scan3A_137, %mul3A_144 : i32
        %get3A = arith.index_cast %mul3A_145 : i32 to index
        %get3A_146 = tpu.vector_load %arg14[%get3A] {strides = array<i32>} : memref<2048xi32, #tpu.memory_space<vmem>>, vector<16xi32>,
        %jit3A = arith.constant 0 : i32
        %broadcast_in_dim3A = vector.broadcast %jit3A : i32 to vector<16xi32>
        %select_n3A = arith.select %lt3A_143, %get3A_146, %broadcast_in_dim3A : vector<16xi1>, vector<16xi32>
        %mul3A_147 = arith.constant 16 : i32
        %mul3A_148 = arith.muli %scan3A_137, %mul3A_147 : i32
        %swap3A = arith.index_cast %mul3A_148 : i32 to index
        %swap3A_149 = tpu.vector_load %arg16[%swap3A] {strides = array<i32>} : memref<512xi32, #tpu.memory_space<vmem>>, vector<16xi32>,
        tpu.vector_store %arg16[%swap3A], %select_n3A {strides = array<i32>} : memref<512xi32, #tpu.memory_space<vmem>>, vector<16xi32>,
        %mul3A_150 = arith.constant 16 : i32
        %mul3A_151 = arith.muli %scan3A_137, %mul3A_150 : i32
        %get3A_152 = arith.index_cast %mul3A_151 : i32 to index
        %get3A_153 = tpu.vector_load %arg15[%get3A_152] {strides = array<i32>} : memref<2048xi32, #tpu.memory_space<vmem>>, vector<16xi32>,
        %jit3A_154 = arith.constant 49152 : i32
        %broadcast_in_dim3A_155 = vector.broadcast %jit3A_154 : i32 to vector<16xi32>
        %select_n3A_156 = arith.select %lt3A_143, %get3A_153, %broadcast_in_dim3A_155 : vector<16xi1>, vector<16xi32>
        %mul3A_157 = arith.constant 16 : i32
        %mul3A_158 = arith.muli %scan3A_137, %mul3A_157 : i32
        %swap3A_159 = arith.index_cast %mul3A_158 : i32 to index
        %swap3A_160 = tpu.vector_load %arg17[%swap3A_159] {strides = array<i32>} : memref<512xi32, #tpu.memory_space<vmem>>, vector<16xi32>,
        tpu.vector_store %arg17[%swap3A_159], %select_n3A_156 {strides = array<i32>} : memref<512xi32, #tpu.memory_space<vmem>>, vector<16xi32>,
        %scan3A_161 = arith.constant 0 : i32
        scf.yield %scan3A_161 : i32
      }
      %scan3A_130 = arith.constant 32 : i32
      %dma_start3A_131 = arith.constant 0 : i32
      %dma_start3A_132 = arith.constant 0 : i32
      %dma_start3A_133 = tpu.memref_slice %arg2[%dma_start3A_131, %dma_start3A_132] : memref<50048x64xbf16, #tpu.memory_space<hbm>> -> memref<50048x64xbf16, #tpu.memory_space<hbm>>
      tpu.enqueue_indirect_dma source(%dma_start3A_133 : memref<50048x64xbf16, #tpu.memory_space<hbm>>) target(%arg18 : memref<512x64xbf16, #tpu.memory_space<vmem>>) offsets(%arg16 : memref<512xi32, #tpu.memory_space<vmem>>) semaphore(%arg22 : memref<!tpu.dma_semaphore, #tpu.memory_space<semaphore_mem>>)
      %dma_wait3A_134 = arith.constant 0 : i32
      %dma_wait3A_135 = arith.constant 0 : i32
      %dma_wait3A_136 = tpu.memref_slice %arg2[%dma_wait3A_134, %dma_wait3A_135] : memref<50048x64xbf16, #tpu.memory_space<hbm>> -> memref<50048x64xbf16, #tpu.memory_space<hbm>>
      tpu.wait_indirect_dma semaphore(%arg22 : memref<!tpu.dma_semaphore, #tpu.memory_space<semaphore_mem>>) src(%dma_wait3A_136 : memref<50048x64xbf16, #tpu.memory_space<hbm>>) dst(%arg18 : memref<512x64xbf16, #tpu.memory_space<vmem>>)
      "tpu.region"() ({
        %run_scoped3A_137 = tpu.sem_alloc : memref<!tpu.dma_semaphore, #tpu.memory_space<semaphore_mem>>
        %dma_start3A_138 = arith.constant 0 : i32
        %dma_start3A_139 = arith.constant 0 : i32
        %dma_start3A_140 = tpu.memref_slice %arg19[%dma_start3A_138, %dma_start3A_139] : memref<49216x64xbf16, #tpu.memory_space<vmem_shared>> -> memref<49216x64xbf16, #tpu.memory_space<vmem_shared>>
        tpu.enqueue_indirect_dma source(%arg18 : memref<512x64xbf16, #tpu.memory_space<vmem>>) target(%dma_start3A_140 : memref<49216x64xbf16, #tpu.memory_space<vmem_shared>>) offsets(%arg17 : memref<512xi32, #tpu.memory_space<vmem>>) semaphore(%run_scoped3A_137 : memref<!tpu.dma_semaphore, #tpu.memory_space<semaphore_mem>>) {add = true}
        %dma_wait3A_141 = arith.constant 0 : i32
        %dma_wait3A_142 = arith.constant 0 : i32
        %dma_wait3A_143 = tpu.memref_slice %arg19[%dma_wait3A_141, %dma_wait3A_142] : memref<49216x64xbf16, #tpu.memory_space<vmem_shared>> -> memref<49216x64xbf16, #tpu.memory_space<vmem_shared>>
        tpu.wait_indirect_dma semaphore(%run_scoped3A_137 : memref<!tpu.dma_semaphore, #tpu.memory_space<semaphore_mem>>) src(%arg18 : memref<512x64xbf16, #tpu.memory_space<vmem>>) dst(%dma_wait3A_143 : memref<49216x64xbf16, #tpu.memory_space<vmem_shared>>)
        tpu.yield
      }) : () -> ()
    } else {
    }
    %barrier3A_98 = arith.constant 0 : index
    tpu.barrier barrier_id(%barrier3A_98)
    %mul3A_99 = arith.constant 1024 : i32
    %mul3A_100 = arith.muli %arg1, %mul3A_99 : i32
    %add3A_101 = arith.constant 0 : i32
    %add3A_102 = arith.addi %add3A_101, %mul3A_100 : i32
    %mul3A_103 = arith.constant 1024 : i32
    %mul3A_104 = arith.muli %arg1, %mul3A_103 : i32
    %add3A_105 = arith.addi %mul3A_61, %mul3A_104 : i32
    %run_scoped3A_106 = arith.constant 0 : i32
    "tpu.region"() ({
      %run_scoped3A_124 = tpu.sem_alloc : memref<!tpu.dma_semaphore, #tpu.memory_space<semaphore_mem>>
      %dma_start3A_125 = arith.constant 0 : i32
      %dma_start3A_126 = tpu.memref_slice %arg7[%run_scoped3A_106, %add3A_105, %dma_start3A_125] : memref<3x65536x64xbf16, #tpu.memory_space<hbm>> -> memref<1x1024x64xbf16, #tpu.memory_space<hbm>>
      %dma_start3A_127 = tpu.memref_squeeze %dma_start3A_126 : memref<1x1024x64xbf16, #tpu.memory_space<hbm>> -> memref<1024x64xbf16, #tpu.memory_space<hbm>>
      %dma_start3A_128 = arith.constant 0 : i32
      %dma_start3A_129 = tpu.memref_slice %arg19[%add3A_102, %dma_start3A_128] : memref<49216x64xbf16, #tpu.memory_space<vmem_shared>> -> memref<1024x64xbf16, #tpu.memory_space<vmem_shared>>
      tpu.enqueue_dma source(%dma_start3A_129 : memref<1024x64xbf16, #tpu.memory_space<vmem_shared>>) target(%dma_start3A_127 : memref<1024x64xbf16, #tpu.memory_space<hbm>>) target_semaphore(%run_scoped3A_124 : memref<!tpu.dma_semaphore, #tpu.memory_space<semaphore_mem>>)
      %dma_wait3A_130 = arith.constant 0 : i32
      %dma_wait3A_131 = tpu.memref_slice %arg7[%run_scoped3A_106, %add3A_105, %dma_wait3A_130] : memref<3x65536x64xbf16, #tpu.memory_space<hbm>> -> memref<1x1024x64xbf16, #tpu.memory_space<hbm>>
      %dma_wait3A_132 = tpu.memref_squeeze %dma_wait3A_131 : memref<1x1024x64xbf16, #tpu.memory_space<hbm>> -> memref<1024x64xbf16, #tpu.memory_space<hbm>>
      %dma_wait3A_133 = arith.constant 0 : i32
      %dma_wait3A_134 = tpu.memref_slice %arg19[%add3A_102, %dma_wait3A_133] : memref<49216x64xbf16, #tpu.memory_space<vmem_shared>> -> memref<1024x64xbf16, #tpu.memory_space<vmem_shared>>
      tpu.wait_dma2 semaphore(%run_scoped3A_124 : memref<!tpu.dma_semaphore, #tpu.memory_space<semaphore_mem>>) src(%dma_wait3A_134 : memref<1024x64xbf16, #tpu.memory_space<vmem_shared>>) dst(%dma_wait3A_132 : memref<1024x64xbf16, #tpu.memory_space<hbm>>)
      tpu.yield
    }) : () -> ()
    %mul3A_107 = arith.constant 1024 : i32
    %mul3A_108 = arith.muli %arg1, %mul3A_107 : i32
    %add3A_109 = arith.constant 16384 : i32
    %add3A_110 = arith.addi %add3A_109, %mul3A_108 : i32
    %mul3A_111 = arith.constant 1024 : i32
    %mul3A_112 = arith.muli %arg1, %mul3A_111 : i32
    %add3A_113 = arith.addi %mul3A_61, %mul3A_112 : i32
    %run_scoped3A_114 = arith.constant 1 : i32
    "tpu.region"() ({
      %run_scoped3A_124 = tpu.sem_alloc : memref<!tpu.dma_semaphore, #tpu.memory_space<semaphore_mem>>
      %dma_start3A_125 = arith.constant 0 : i32
      %dma_start3A_126 = tpu.memref_slice %arg7[%run_scoped3A_114, %add3A_113, %dma_start3A_125] : memref<3x65536x64xbf16, #tpu.memory_space<hbm>> -> memref<1x1024x64xbf16, #tpu.memory_space<hbm>>
      %dma_start3A_127 = tpu.memref_squeeze %dma_start3A_126 : memref<1x1024x64xbf16, #tpu.memory_space<hbm>> -> memref<1024x64xbf16, #tpu.memory_space<hbm>>
      %dma_start3A_128 = arith.constant 0 : i32
      %dma_start3A_129 = tpu.memref_slice %arg19[%add3A_110, %dma_start3A_128] : memref<49216x64xbf16, #tpu.memory_space<vmem_shared>> -> memref<1024x64xbf16, #tpu.memory_space<vmem_shared>>
      tpu.enqueue_dma source(%dma_start3A_129 : memref<1024x64xbf16, #tpu.memory_space<vmem_shared>>) target(%dma_start3A_127 : memref<1024x64xbf16, #tpu.memory_space<hbm>>) target_semaphore(%run_scoped3A_124 : memref<!tpu.dma_semaphore, #tpu.memory_space<semaphore_mem>>)
      %dma_wait3A_130 = arith.constant 0 : i32
      %dma_wait3A_131 = tpu.memref_slice %arg7[%run_scoped3A_114, %add3A_113, %dma_wait3A_130] : memref<3x65536x64xbf16, #tpu.memory_space<hbm>> -> memref<1x1024x64xbf16, #tpu.memory_space<hbm>>
      %dma_wait3A_132 = tpu.memref_squeeze %dma_wait3A_131 : memref<1x1024x64xbf16, #tpu.memory_space<hbm>> -> memref<1024x64xbf16, #tpu.memory_space<hbm>>
      %dma_wait3A_133 = arith.constant 0 : i32
      %dma_wait3A_134 = tpu.memref_slice %arg19[%add3A_110, %dma_wait3A_133] : memref<49216x64xbf16, #tpu.memory_space<vmem_shared>> -> memref<1024x64xbf16, #tpu.memory_space<vmem_shared>>
      tpu.wait_dma2 semaphore(%run_scoped3A_124 : memref<!tpu.dma_semaphore, #tpu.memory_space<semaphore_mem>>) src(%dma_wait3A_134 : memref<1024x64xbf16, #tpu.memory_space<vmem_shared>>) dst(%dma_wait3A_132 : memref<1024x64xbf16, #tpu.memory_space<hbm>>)
      tpu.yield
    }) : () -> ()
    %mul3A_115 = arith.constant 1024 : i32
    %mul3A_116 = arith.muli %arg1, %mul3A_115 : i32
    %add3A_117 = arith.constant 32768 : i32
    %add3A_118 = arith.addi %add3A_117, %mul3A_116 : i32
    %mul3A_119 = arith.constant 1024 : i32
    %mul3A_120 = arith.muli %arg1, %mul3A_119 : i32
    %add3A_121 = arith.addi %mul3A_61, %mul3A_120 : i32
    %run_scoped3A_122 = arith.constant 2 : i32
    "tpu.region"() ({
      %run_scoped3A_124 = tpu.sem_alloc : memref<!tpu.dma_semaphore, #tpu.memory_space<semaphore_mem>>
      %dma_start3A_125 = arith.constant 0 : i32
      %dma_start3A_126 = tpu.memref_slice %arg7[%run_scoped3A_122, %add3A_121, %dma_start3A_125] : memref<3x65536x64xbf16, #tpu.memory_space<hbm>> -> memref<1x1024x64xbf16, #tpu.memory_space<hbm>>
      %dma_start3A_127 = tpu.memref_squeeze %dma_start3A_126 : memref<1x1024x64xbf16, #tpu.memory_space<hbm>> -> memref<1024x64xbf16, #tpu.memory_space<hbm>>
      %dma_start3A_128 = arith.constant 0 : i32
      %dma_start3A_129 = tpu.memref_slice %arg19[%add3A_118, %dma_start3A_128] : memref<49216x64xbf16, #tpu.memory_space<vmem_shared>> -> memref<1024x64xbf16, #tpu.memory_space<vmem_shared>>
      tpu.enqueue_dma source(%dma_start3A_129 : memref<1024x64xbf16, #tpu.memory_space<vmem_shared>>) target(%dma_start3A_127 : memref<1024x64xbf16, #tpu.memory_space<hbm>>) target_semaphore(%run_scoped3A_124 : memref<!tpu.dma_semaphore, #tpu.memory_space<semaphore_mem>>)
      %dma_wait3A_130 = arith.constant 0 : i32
      %dma_wait3A_131 = tpu.memref_slice %arg7[%run_scoped3A_122, %add3A_121, %dma_wait3A_130] : memref<3x65536x64xbf16, #tpu.memory_space<hbm>> -> memref<1x1024x64xbf16, #tpu.memory_space<hbm>>
      %dma_wait3A_132 = tpu.memref_squeeze %dma_wait3A_131 : memref<1x1024x64xbf16, #tpu.memory_space<hbm>> -> memref<1024x64xbf16, #tpu.memory_space<hbm>>
      %dma_wait3A_133 = arith.constant 0 : i32
      %dma_wait3A_134 = tpu.memref_slice %arg19[%add3A_118, %dma_wait3A_133] : memref<49216x64xbf16, #tpu.memory_space<vmem_shared>> -> memref<1024x64xbf16, #tpu.memory_space<vmem_shared>>
      tpu.wait_dma2 semaphore(%run_scoped3A_124 : memref<!tpu.dma_semaphore, #tpu.memory_space<semaphore_mem>>) src(%dma_wait3A_134 : memref<1024x64xbf16, #tpu.memory_space<vmem_shared>>) dst(%dma_wait3A_132 : memref<1024x64xbf16, #tpu.memory_space<hbm>>)
      tpu.yield
    }) : () -> ()
    %barrier3A_123 = arith.constant 0 : index
    tpu.barrier barrier_id(%barrier3A_123)
    return
  }
}

module attributes {stable_mosaic.version = 14 : i64} {
  func.func @_embed_body(%arg0: i32, %arg1: memref<1x1x128xi32, #tpu.memory_space<vmem>>, %arg2: memref<1x1x128xi32, #tpu.memory_space<vmem>>, %arg3: memref<16x32xf32, #tpu.memory_space<vmem>>, %arg4: memref<16x32xf32, #tpu.memory_space<vmem>>, %arg5: memref<64x64xf32, #tpu.memory_space<vmem>>, %arg6: memref<1x64xf32, #tpu.memory_space<vmem>>, %arg7: memref<128x64xf32, #tpu.memory_space<vmem>>, %arg8: memref<128x64xbf16, #tpu.memory_space<vmem>>) attributes {dimension_semantics = [#tpu.dimension_semantics<arbitrary>], iteration_bounds = array<i64: 391>, scalar_prefetch = 0 : i64, scratch_operands = 0 : i64, tpu.core_type = #tpu.core_type<tc>, window_params = [{transform_indices = @transform_0, window_bounds = array<i64: 1, 1, 128>}, {transform_indices = @transform_1, window_bounds = array<i64: 1, 1, 128>}, {pipeline_mode = #tpu.pipeline_mode<synchronous>, transform_indices = @transform_2, window_bounds = array<i64: 16, 32>}, {pipeline_mode = #tpu.pipeline_mode<synchronous>, transform_indices = @transform_3, window_bounds = array<i64: 16, 32>}, {pipeline_mode = #tpu.pipeline_mode<synchronous>, transform_indices = @transform_4, window_bounds = array<i64: 64, 64>}, {pipeline_mode = #tpu.pipeline_mode<synchronous>, transform_indices = @transform_5, window_bounds = array<i64: 1, 64>}, {transform_indices = @transform_6, window_bounds = array<i64: 128, 64>}, {transform_indices = @transform_7, window_bounds = array<i64: 128, 64>}]} {
    %get3A = arith.constant 0 : index
    %get3A_0 = arith.constant 0 : index
    %get3A_1 = vector.load %arg3[%get3A, %get3A_0] : memref<16x32xf32, #tpu.memory_space<vmem>>, vector<16x32xf32>
    %get3A_2 = arith.constant 0 : index
    %get3A_3 = arith.constant 0 : index
    %get3A_4 = vector.load %arg5[%get3A_2, %get3A_3] : memref<64x64xf32, #tpu.memory_space<vmem>>, vector<64x64xf32>
    %slice3A = vector.extract_strided_slice %get3A_4 {offsets = [0, 0], sizes = [32, 64], strides = [1, 1]} : vector<64x64xf32> to vector<32x64xf32>
    %dot_general3A = arith.constant dense<0.000000e+00> : vector<16x64xf32>
    %dot_general3A_5 = tpu.matmul %get3A_1, %slice3A, %dot_general3A {dimension_numbers = #tpu.dot_dimension_numbers<[1], [0], [0], [1], [0, 0, 1, 1], [], []>, transpose_lhs_hint = false} : vector<16x32xf32>, vector<32x64xf32>, vector<16x64xf32> -> vector<16x64xf32>
    %get3A_6 = arith.constant 0 : index
    %get3A_7 = arith.constant 0 : index
    %get3A_8 = vector.load %arg4[%get3A_6, %get3A_7] : memref<16x32xf32, #tpu.memory_space<vmem>>, vector<16x32xf32>
    %get3A_9 = arith.constant 0 : index
    %get3A_10 = arith.constant 0 : index
    %get3A_11 = vector.load %arg5[%get3A_9, %get3A_10] : memref<64x64xf32, #tpu.memory_space<vmem>>, vector<64x64xf32>
    %slice3A_12 = vector.extract_strided_slice %get3A_11 {offsets = [32, 0], sizes = [32, 64], strides = [1, 1]} : vector<64x64xf32> to vector<32x64xf32>
    %dot_general3A_13 = arith.constant dense<0.000000e+00> : vector<16x64xf32>
    %dot_general3A_14 = tpu.matmul %get3A_8, %slice3A_12, %dot_general3A_13 {dimension_numbers = #tpu.dot_dimension_numbers<[1], [0], [0], [1], [0, 0, 1, 1], [], []>, transpose_lhs_hint = false} : vector<16x32xf32>, vector<32x64xf32>, vector<16x64xf32> -> vector<16x64xf32>
    %iota3A = tpu.iota {dimensions = array<i32: 0>} : vector<16x128xi32>
    %get3A_15 = arith.constant 0 : index
    %get3A_16 = arith.constant 0 : index
    %get3A_17 = arith.constant 0 : index
    %get3A_18 = vector.load %arg1[%get3A_15, %get3A_16, %get3A_17] : memref<1x1x128xi32, #tpu.memory_space<vmem>>, vector<1x1x128xi32>
    %get3A_19 = vector.shape_cast %get3A_18 : vector<1x1x128xi32> to vector<1x128xi32>
    %eq3A = vector.broadcast %get3A_19 : vector<1x128xi32> to vector<16x128xi32>
    %eq3A_20 = arith.cmpi eq, %iota3A, %eq3A : vector<16x128xi32>
    %convert_element_type3A = arith.extui %eq3A_20 : vector<16x128xi1> to vector<16x128xi32>
    %convert_element_type3A_21 = arith.sitofp %convert_element_type3A : vector<16x128xi32> to vector<16x128xf32>
    %iota3A_22 = tpu.iota {dimensions = array<i32: 0>} : vector<16x128xi32>
    %get3A_23 = arith.constant 0 : index
    %get3A_24 = arith.constant 0 : index
    %get3A_25 = arith.constant 0 : index
    %get3A_26 = vector.load %arg2[%get3A_23, %get3A_24, %get3A_25] : memref<1x1x128xi32, #tpu.memory_space<vmem>>, vector<1x1x128xi32>
    %get3A_27 = vector.shape_cast %get3A_26 : vector<1x1x128xi32> to vector<1x128xi32>
    %eq3A_28 = vector.broadcast %get3A_27 : vector<1x128xi32> to vector<16x128xi32>
    %eq3A_29 = arith.cmpi eq, %iota3A_22, %eq3A_28 : vector<16x128xi32>
    %convert_element_type3A_30 = arith.extui %eq3A_29 : vector<16x128xi1> to vector<16x128xi32>
    %convert_element_type3A_31 = arith.sitofp %convert_element_type3A_30 : vector<16x128xi32> to vector<16x128xf32>
    %dot_general3A_32 = arith.constant dense<0.000000e+00> : vector<128x64xf32>
    %dot_general3A_33 = tpu.matmul %convert_element_type3A_21, %dot_general3A_5, %dot_general3A_32 {dimension_numbers = #tpu.dot_dimension_numbers<[0], [0], [1], [1], [0, 1, 1, 1], [], []>, transpose_lhs_hint = false} : vector<16x128xf32>, vector<16x64xf32>, vector<128x64xf32> -> vector<128x64xf32>
    %dot_general3A_34 = arith.constant dense<0.000000e+00> : vector<128x64xf32>
    %dot_general3A_35 = tpu.matmul %convert_element_type3A_31, %dot_general3A_14, %dot_general3A_34 {dimension_numbers = #tpu.dot_dimension_numbers<[0], [0], [1], [1], [0, 1, 1, 1], [], []>, transpose_lhs_hint = false} : vector<16x128xf32>, vector<16x64xf32>, vector<128x64xf32> -> vector<128x64xf32>
    %add3A = arith.addf %dot_general3A_33, %dot_general3A_35 : vector<128x64xf32>
    %get3A_36 = arith.constant 0 : index
    %get3A_37 = arith.constant 0 : index
    %get3A_38 = vector.load %arg6[%get3A_36, %get3A_37] : memref<1x64xf32, #tpu.memory_space<vmem>>, vector<1x64xf32>
    %add3A_39 = vector.broadcast %get3A_38 : vector<1x64xf32> to vector<128x64xf32>
    %add3A_40 = arith.addf %add3A, %add3A_39 : vector<128x64xf32>
    %max3A = arith.constant 0.000000e+00 : f32
    %max3A_41 = vector.broadcast %max3A : f32 to vector<128x64xf32>
    %max3A_42 = arith.maximumf %add3A_40, %max3A_41 : vector<128x64xf32>
    %swap3A = arith.constant 0 : index
    %swap3A_43 = arith.constant 0 : index
    %swap3A_44 = vector.load %arg7[%swap3A, %swap3A_43] : memref<128x64xf32, #tpu.memory_space<vmem>>, vector<128x64xf32>
    tpu.vector_store %arg7[%swap3A, %swap3A_43], %max3A_42 {strides = array<i32>} : memref<128x64xf32, #tpu.memory_space<vmem>>, vector<128x64xf32>,
    %convert_element_type3A_45 = arith.truncf %max3A_42 : vector<128x64xf32> to vector<128x64xbf16>
    %swap3A_46 = arith.constant 0 : index
    %swap3A_47 = arith.constant 0 : index
    %swap3A_48 = vector.load %arg8[%swap3A_46, %swap3A_47] : memref<128x64xbf16, #tpu.memory_space<vmem>>, vector<128x64xbf16>
    tpu.vector_store %arg8[%swap3A_46, %swap3A_47], %convert_element_type3A_45 {strides = array<i32>} : memref<128x64xbf16, #tpu.memory_space<vmem>>, vector<128x64xbf16>,
    return
  }
  func.func @transform_0(%arg0: i32) -> (i32, i32, i32) {
    %c0_i32 = arith.constant 0 : i32
    %c0_i32_0 = arith.constant 0 : i32
    %c0_i32_1 = arith.constant 0 : i32
    return %arg0, %c0_i32, %c0_i32_0 : i32, i32, i32
  }
  func.func @transform_1(%arg0: i32) -> (i32, i32, i32) {
    %c0_i32 = arith.constant 0 : i32
    %c0_i32_0 = arith.constant 0 : i32
    %c0_i32_1 = arith.constant 0 : i32
    return %arg0, %c0_i32, %c0_i32_0 : i32, i32, i32
  }
  func.func @transform_2(%arg0: i32) -> (i32, i32) {
    %c0_i32 = arith.constant 0 : i32
    %c0_i32_0 = arith.constant 0 : i32
    %c0_i32_1 = arith.constant 0 : i32
    return %c0_i32, %c0_i32_0 : i32, i32
  }
  func.func @transform_3(%arg0: i32) -> (i32, i32) {
    %c0_i32 = arith.constant 0 : i32
    %c0_i32_0 = arith.constant 0 : i32
    %c0_i32_1 = arith.constant 0 : i32
    return %c0_i32, %c0_i32_0 : i32, i32
  }
  func.func @transform_4(%arg0: i32) -> (i32, i32) {
    %c0_i32 = arith.constant 0 : i32
    %c0_i32_0 = arith.constant 0 : i32
    %c0_i32_1 = arith.constant 0 : i32
    return %c0_i32, %c0_i32_0 : i32, i32
  }
  func.func @transform_5(%arg0: i32) -> (i32, i32) {
    %c0_i32 = arith.constant 0 : i32
    %c0_i32_0 = arith.constant 0 : i32
    %c0_i32_1 = arith.constant 0 : i32
    return %c0_i32, %c0_i32_0 : i32, i32
  }
  func.func @transform_6(%arg0: i32) -> (i32, i32) {
    %c0_i32 = arith.constant 0 : i32
    %c0_i32_0 = arith.constant 0 : i32
    return %arg0, %c0_i32 : i32, i32
  }
  func.func @transform_7(%arg0: i32) -> (i32, i32) {
    %c0_i32 = arith.constant 0 : i32
    %c0_i32_0 = arith.constant 0 : i32
    return %arg0, %c0_i32 : i32, i32
  }
}

module attributes {stable_mosaic.version = 14 : i64} {
  func.func @_combine_body(%arg0: i32, %arg1: memref<3x128x64xbf16, #tpu.memory_space<vmem>>, %arg2: memref<3x128xf32, #tpu.memory_space<vmem>>, %arg3: memref<128x64xf32, #tpu.memory_space<vmem>>, %arg4: memref<3x64x64xf32, #tpu.memory_space<vmem>>, %arg5: memref<64x64xf32, #tpu.memory_space<vmem>>, %arg6: memref<1x64xf32, #tpu.memory_space<vmem>>, %arg7: memref<128x64xf32, #tpu.memory_space<vmem>>, %arg8: memref<128x64xbf16, #tpu.memory_space<vmem>>) attributes {dimension_semantics = [#tpu.dimension_semantics<arbitrary>], iteration_bounds = array<i64: 391>, scalar_prefetch = 0 : i64, scratch_operands = 0 : i64, tpu.core_type = #tpu.core_type<tc>, window_params = [{transform_indices = @transform_0, window_bounds = array<i64: 3, 128, 64>}, {transform_indices = @transform_1, window_bounds = array<i64: 3, 128>}, {transform_indices = @transform_2, window_bounds = array<i64: 128, 64>}, {pipeline_mode = #tpu.pipeline_mode<synchronous>, transform_indices = @transform_3, window_bounds = array<i64: 3, 64, 64>}, {pipeline_mode = #tpu.pipeline_mode<synchronous>, transform_indices = @transform_4, window_bounds = array<i64: 64, 64>}, {pipeline_mode = #tpu.pipeline_mode<synchronous>, transform_indices = @transform_5, window_bounds = array<i64: 1, 64>}, {transform_indices = @transform_6, window_bounds = array<i64: 128, 64>}, {transform_indices = @transform_7, window_bounds = array<i64: 128, 64>}]} {
    %get3A = arith.constant 0 : index
    %get3A_0 = arith.constant 0 : index
    %get3A_1 = vector.load %arg2[%get3A, %get3A_0] : memref<3x128xf32, #tpu.memory_space<vmem>>, vector<3x128xf32>
    %max3A = arith.constant 1.000000e+00 : f32
    %max3A_2 = vector.broadcast %max3A : f32 to vector<3x128xf32>
    %max3A_3 = arith.maximumf %get3A_1, %max3A_2 : vector<3x128xf32>
    %div3A = arith.constant 1.000000e+00 : f32
    %div3A_4 = vector.broadcast %div3A : f32 to vector<3x128xf32>
    %div3A_5 = arith.divf %div3A_4, %max3A_3 : vector<3x128xf32>
    %get3A_6 = arith.constant 0 : index
    %get3A_7 = arith.constant 0 : index
    %get3A_8 = arith.constant 0 : index
    %get3A_9 = vector.load %arg1[%get3A_6, %get3A_7, %get3A_8] : memref<3x128x64xbf16, #tpu.memory_space<vmem>>, vector<3x128x64xbf16>
    %convert_element_type3A = arith.extf %get3A_9 : vector<3x128x64xbf16> to vector<3x128x64xf32>
    %get3A_10 = arith.constant 0 : index
    %get3A_11 = arith.constant 0 : index
    %get3A_12 = vector.load %arg3[%get3A_10, %get3A_11] : memref<128x64xf32, #tpu.memory_space<vmem>>, vector<128x64xf32>
    %get3A_13 = arith.constant 0 : index
    %get3A_14 = arith.constant 0 : index
    %get3A_15 = vector.load %arg5[%get3A_13, %get3A_14] : memref<64x64xf32, #tpu.memory_space<vmem>>, vector<64x64xf32>
    %dot_general3A = arith.constant dense<0.000000e+00> : vector<128x64xf32>
    %dot_general3A_16 = tpu.matmul %get3A_12, %get3A_15, %dot_general3A {dimension_numbers = #tpu.dot_dimension_numbers<[1], [0], [0], [1], [0, 0, 1, 1], [], []>, transpose_lhs_hint = false} : vector<128x64xf32>, vector<64x64xf32>, vector<128x64xf32> -> vector<128x64xf32>
    %slice3A = vector.extract_strided_slice %convert_element_type3A {offsets = [0, 0, 0], sizes = [1, 128, 64], strides = [1, 1, 1]} : vector<3x128x64xf32> to vector<1x128x64xf32>
    %squeeze3A = vector.shape_cast %slice3A : vector<1x128x64xf32> to vector<128x64xf32>
    %slice3A_17 = vector.extract_strided_slice %div3A_5 {offsets = [0, 0], sizes = [1, 128], strides = [1, 1]} : vector<3x128xf32> to vector<1x128xf32>
    %squeeze3A_18 = vector.shape_cast %slice3A_17 : vector<1x128xf32> to vector<128xf32>
    %broadcast_in_dim3A = vector.shape_cast %squeeze3A_18 : vector<128xf32> to vector<128x1xf32>
    %mul3A = vector.broadcast %broadcast_in_dim3A : vector<128x1xf32> to vector<128x64xf32>
    %mul3A_19 = arith.mulf %squeeze3A, %mul3A : vector<128x64xf32>
    %get3A_20 = arith.constant 0 : index
    %get3A_21 = arith.constant 0 : index
    %get3A_22 = arith.constant 0 : index
    %get3A_23 = vector.load %arg4[%get3A_20, %get3A_21, %get3A_22] : memref<3x64x64xf32, #tpu.memory_space<vmem>>, vector<3x64x64xf32>
    %slice3A_24 = vector.extract_strided_slice %get3A_23 {offsets = [0, 0, 0], sizes = [1, 64, 64], strides = [1, 1, 1]} : vector<3x64x64xf32> to vector<1x64x64xf32>
    %squeeze3A_25 = vector.shape_cast %slice3A_24 : vector<1x64x64xf32> to vector<64x64xf32>
    %dot_general3A_26 = arith.constant dense<0.000000e+00> : vector<128x64xf32>
    %dot_general3A_27 = tpu.matmul %mul3A_19, %squeeze3A_25, %dot_general3A_26 {dimension_numbers = #tpu.dot_dimension_numbers<[1], [0], [0], [1], [0, 0, 1, 1], [], []>, transpose_lhs_hint = false} : vector<128x64xf32>, vector<64x64xf32>, vector<128x64xf32> -> vector<128x64xf32>
    %add3A = arith.addf %dot_general3A_16, %dot_general3A_27 : vector<128x64xf32>
    %slice3A_28 = vector.extract_strided_slice %convert_element_type3A {offsets = [1, 0, 0], sizes = [1, 128, 64], strides = [1, 1, 1]} : vector<3x128x64xf32> to vector<1x128x64xf32>
    %squeeze3A_29 = vector.shape_cast %slice3A_28 : vector<1x128x64xf32> to vector<128x64xf32>
    %slice3A_30 = vector.extract_strided_slice %div3A_5 {offsets = [1, 0], sizes = [1, 128], strides = [1, 1]} : vector<3x128xf32> to vector<1x128xf32>
    %squeeze3A_31 = vector.shape_cast %slice3A_30 : vector<1x128xf32> to vector<128xf32>
    %broadcast_in_dim3A_32 = vector.shape_cast %squeeze3A_31 : vector<128xf32> to vector<128x1xf32>
    %mul3A_33 = vector.broadcast %broadcast_in_dim3A_32 : vector<128x1xf32> to vector<128x64xf32>
    %mul3A_34 = arith.mulf %squeeze3A_29, %mul3A_33 : vector<128x64xf32>
    %get3A_35 = arith.constant 0 : index
    %get3A_36 = arith.constant 0 : index
    %get3A_37 = arith.constant 0 : index
    %get3A_38 = vector.load %arg4[%get3A_35, %get3A_36, %get3A_37] : memref<3x64x64xf32, #tpu.memory_space<vmem>>, vector<3x64x64xf32>
    %slice3A_39 = vector.extract_strided_slice %get3A_38 {offsets = [1, 0, 0], sizes = [1, 64, 64], strides = [1, 1, 1]} : vector<3x64x64xf32> to vector<1x64x64xf32>
    %squeeze3A_40 = vector.shape_cast %slice3A_39 : vector<1x64x64xf32> to vector<64x64xf32>
    %dot_general3A_41 = arith.constant dense<0.000000e+00> : vector<128x64xf32>
    %dot_general3A_42 = tpu.matmul %mul3A_34, %squeeze3A_40, %dot_general3A_41 {dimension_numbers = #tpu.dot_dimension_numbers<[1], [0], [0], [1], [0, 0, 1, 1], [], []>, transpose_lhs_hint = false} : vector<128x64xf32>, vector<64x64xf32>, vector<128x64xf32> -> vector<128x64xf32>
    %add3A_43 = arith.addf %add3A, %dot_general3A_42 : vector<128x64xf32>
    %slice3A_44 = vector.extract_strided_slice %convert_element_type3A {offsets = [2, 0, 0], sizes = [1, 128, 64], strides = [1, 1, 1]} : vector<3x128x64xf32> to vector<1x128x64xf32>
    %squeeze3A_45 = vector.shape_cast %slice3A_44 : vector<1x128x64xf32> to vector<128x64xf32>
    %slice3A_46 = vector.extract_strided_slice %div3A_5 {offsets = [2, 0], sizes = [1, 128], strides = [1, 1]} : vector<3x128xf32> to vector<1x128xf32>
    %squeeze3A_47 = vector.shape_cast %slice3A_46 : vector<1x128xf32> to vector<128xf32>
    %broadcast_in_dim3A_48 = vector.shape_cast %squeeze3A_47 : vector<128xf32> to vector<128x1xf32>
    %mul3A_49 = vector.broadcast %broadcast_in_dim3A_48 : vector<128x1xf32> to vector<128x64xf32>
    %mul3A_50 = arith.mulf %squeeze3A_45, %mul3A_49 : vector<128x64xf32>
    %get3A_51 = arith.constant 0 : index
    %get3A_52 = arith.constant 0 : index
    %get3A_53 = arith.constant 0 : index
    %get3A_54 = vector.load %arg4[%get3A_51, %get3A_52, %get3A_53] : memref<3x64x64xf32, #tpu.memory_space<vmem>>, vector<3x64x64xf32>
    %slice3A_55 = vector.extract_strided_slice %get3A_54 {offsets = [2, 0, 0], sizes = [1, 64, 64], strides = [1, 1, 1]} : vector<3x64x64xf32> to vector<1x64x64xf32>
    %squeeze3A_56 = vector.shape_cast %slice3A_55 : vector<1x64x64xf32> to vector<64x64xf32>
    %dot_general3A_57 = arith.constant dense<0.000000e+00> : vector<128x64xf32>
    %dot_general3A_58 = tpu.matmul %mul3A_50, %squeeze3A_56, %dot_general3A_57 {dimension_numbers = #tpu.dot_dimension_numbers<[1], [0], [0], [1], [0, 0, 1, 1], [], []>, transpose_lhs_hint = false} : vector<128x64xf32>, vector<64x64xf32>, vector<128x64xf32> -> vector<128x64xf32>
    %add3A_59 = arith.addf %add3A_43, %dot_general3A_58 : vector<128x64xf32>
    %get3A_60 = arith.constant 0 : index
    %get3A_61 = arith.constant 0 : index
    %get3A_62 = vector.load %arg6[%get3A_60, %get3A_61] : memref<1x64xf32, #tpu.memory_space<vmem>>, vector<1x64xf32>
    %add3A_63 = vector.broadcast %get3A_62 : vector<1x64xf32> to vector<128x64xf32>
    %add3A_64 = arith.addf %add3A_59, %add3A_63 : vector<128x64xf32>
    %max3A_65 = arith.constant 0.000000e+00 : f32
    %max3A_66 = vector.broadcast %max3A_65 : f32 to vector<128x64xf32>
    %max3A_67 = arith.maximumf %add3A_64, %max3A_66 : vector<128x64xf32>
    %swap3A = arith.constant 0 : index
    %swap3A_68 = arith.constant 0 : index
    %swap3A_69 = vector.load %arg7[%swap3A, %swap3A_68] : memref<128x64xf32, #tpu.memory_space<vmem>>, vector<128x64xf32>
    tpu.vector_store %arg7[%swap3A, %swap3A_68], %max3A_67 {strides = array<i32>} : memref<128x64xf32, #tpu.memory_space<vmem>>, vector<128x64xf32>,
    %convert_element_type3A_70 = arith.truncf %max3A_67 : vector<128x64xf32> to vector<128x64xbf16>
    %swap3A_71 = arith.constant 0 : index
    %swap3A_72 = arith.constant 0 : index
    %swap3A_73 = vector.load %arg8[%swap3A_71, %swap3A_72] : memref<128x64xbf16, #tpu.memory_space<vmem>>, vector<128x64xbf16>
    tpu.vector_store %arg8[%swap3A_71, %swap3A_72], %convert_element_type3A_70 {strides = array<i32>} : memref<128x64xbf16, #tpu.memory_space<vmem>>, vector<128x64xbf16>,
    return
  }
  func.func @transform_0(%arg0: i32) -> (i32, i32, i32) {
    %c0_i32 = arith.constant 0 : i32
    %c0_i32_0 = arith.constant 0 : i32
    %c0_i32_1 = arith.constant 0 : i32
    return %c0_i32, %arg0, %c0_i32_0 : i32, i32, i32
  }
  func.func @transform_1(%arg0: i32) -> (i32, i32) {
    %c0_i32 = arith.constant 0 : i32
    %c0_i32_0 = arith.constant 0 : i32
    return %c0_i32, %arg0 : i32, i32
  }
  func.func @transform_2(%arg0: i32) -> (i32, i32) {
    %c0_i32 = arith.constant 0 : i32
    %c0_i32_0 = arith.constant 0 : i32
    return %arg0, %c0_i32 : i32, i32
  }
  func.func @transform_3(%arg0: i32) -> (i32, i32, i32) {
    %c0_i32 = arith.constant 0 : i32
    %c0_i32_0 = arith.constant 0 : i32
    %c0_i32_1 = arith.constant 0 : i32
    %c0_i32_2 = arith.constant 0 : i32
    return %c0_i32, %c0_i32_0, %c0_i32_1 : i32, i32, i32
  }
  func.func @transform_4(%arg0: i32) -> (i32, i32) {
    %c0_i32 = arith.constant 0 : i32
    %c0_i32_0 = arith.constant 0 : i32
    %c0_i32_1 = arith.constant 0 : i32
    return %c0_i32, %c0_i32_0 : i32, i32
  }
  func.func @transform_5(%arg0: i32) -> (i32, i32) {
    %c0_i32 = arith.constant 0 : i32
    %c0_i32_0 = arith.constant 0 : i32
    %c0_i32_1 = arith.constant 0 : i32
    return %c0_i32, %c0_i32_0 : i32, i32
  }
  func.func @transform_6(%arg0: i32) -> (i32, i32) {
    %c0_i32 = arith.constant 0 : i32
    %c0_i32_0 = arith.constant 0 : i32
    return %arg0, %c0_i32 : i32, i32
  }
  func.func @transform_7(%arg0: i32) -> (i32, i32) {
    %c0_i32 = arith.constant 0 : i32
    %c0_i32_0 = arith.constant 0 : i32
    return %arg0, %c0_i32 : i32, i32
  }
}

module attributes {stable_mosaic.version = 14 : i64} {
  func.func @_combine_body(%arg0: i32, %arg1: memref<3x128x64xbf16, #tpu.memory_space<vmem>>, %arg2: memref<3x128xf32, #tpu.memory_space<vmem>>, %arg3: memref<128x64xf32, #tpu.memory_space<vmem>>, %arg4: memref<3x64x64xf32, #tpu.memory_space<vmem>>, %arg5: memref<64x64xf32, #tpu.memory_space<vmem>>, %arg6: memref<1x64xf32, #tpu.memory_space<vmem>>, %arg7: memref<128x64xf32, #tpu.memory_space<vmem>>, %arg8: memref<128x64xbf16, #tpu.memory_space<vmem>>) attributes {dimension_semantics = [#tpu.dimension_semantics<arbitrary>], iteration_bounds = array<i64: 391>, scalar_prefetch = 0 : i64, scratch_operands = 0 : i64, tpu.core_type = #tpu.core_type<tc>, window_params = [{transform_indices = @transform_0, window_bounds = array<i64: 3, 128, 64>}, {transform_indices = @transform_1, window_bounds = array<i64: 3, 128>}, {transform_indices = @transform_2, window_bounds = array<i64: 128, 64>}, {pipeline_mode = #tpu.pipeline_mode<synchronous>, transform_indices = @transform_3, window_bounds = array<i64: 3, 64, 64>}, {pipeline_mode = #tpu.pipeline_mode<synchronous>, transform_indices = @transform_4, window_bounds = array<i64: 64, 64>}, {pipeline_mode = #tpu.pipeline_mode<synchronous>, transform_indices = @transform_5, window_bounds = array<i64: 1, 64>}, {transform_indices = @transform_6, window_bounds = array<i64: 128, 64>}, {transform_indices = @transform_7, window_bounds = array<i64: 128, 64>}]} {
    %get3A = arith.constant 0 : index
    %get3A_0 = arith.constant 0 : index
    %get3A_1 = vector.load %arg2[%get3A, %get3A_0] : memref<3x128xf32, #tpu.memory_space<vmem>>, vector<3x128xf32>
    %max3A = arith.constant 1.000000e+00 : f32
    %max3A_2 = vector.broadcast %max3A : f32 to vector<3x128xf32>
    %max3A_3 = arith.maximumf %get3A_1, %max3A_2 : vector<3x128xf32>
    %div3A = arith.constant 1.000000e+00 : f32
    %div3A_4 = vector.broadcast %div3A : f32 to vector<3x128xf32>
    %div3A_5 = arith.divf %div3A_4, %max3A_3 : vector<3x128xf32>
    %get3A_6 = arith.constant 0 : index
    %get3A_7 = arith.constant 0 : index
    %get3A_8 = arith.constant 0 : index
    %get3A_9 = vector.load %arg1[%get3A_6, %get3A_7, %get3A_8] : memref<3x128x64xbf16, #tpu.memory_space<vmem>>, vector<3x128x64xbf16>
    %convert_element_type3A = arith.extf %get3A_9 : vector<3x128x64xbf16> to vector<3x128x64xf32>
    %get3A_10 = arith.constant 0 : index
    %get3A_11 = arith.constant 0 : index
    %get3A_12 = vector.load %arg3[%get3A_10, %get3A_11] : memref<128x64xf32, #tpu.memory_space<vmem>>, vector<128x64xf32>
    %get3A_13 = arith.constant 0 : index
    %get3A_14 = arith.constant 0 : index
    %get3A_15 = vector.load %arg5[%get3A_13, %get3A_14] : memref<64x64xf32, #tpu.memory_space<vmem>>, vector<64x64xf32>
    %dot_general3A = arith.constant dense<0.000000e+00> : vector<128x64xf32>
    %dot_general3A_16 = tpu.matmul %get3A_12, %get3A_15, %dot_general3A {dimension_numbers = #tpu.dot_dimension_numbers<[1], [0], [0], [1], [0, 0, 1, 1], [], []>, transpose_lhs_hint = false} : vector<128x64xf32>, vector<64x64xf32>, vector<128x64xf32> -> vector<128x64xf32>
    %slice3A = vector.extract_strided_slice %convert_element_type3A {offsets = [0, 0, 0], sizes = [1, 128, 64], strides = [1, 1, 1]} : vector<3x128x64xf32> to vector<1x128x64xf32>
    %squeeze3A = vector.shape_cast %slice3A : vector<1x128x64xf32> to vector<128x64xf32>
    %slice3A_17 = vector.extract_strided_slice %div3A_5 {offsets = [0, 0], sizes = [1, 128], strides = [1, 1]} : vector<3x128xf32> to vector<1x128xf32>
    %squeeze3A_18 = vector.shape_cast %slice3A_17 : vector<1x128xf32> to vector<128xf32>
    %broadcast_in_dim3A = vector.shape_cast %squeeze3A_18 : vector<128xf32> to vector<128x1xf32>
    %mul3A = vector.broadcast %broadcast_in_dim3A : vector<128x1xf32> to vector<128x64xf32>
    %mul3A_19 = arith.mulf %squeeze3A, %mul3A : vector<128x64xf32>
    %get3A_20 = arith.constant 0 : index
    %get3A_21 = arith.constant 0 : index
    %get3A_22 = arith.constant 0 : index
    %get3A_23 = vector.load %arg4[%get3A_20, %get3A_21, %get3A_22] : memref<3x64x64xf32, #tpu.memory_space<vmem>>, vector<3x64x64xf32>
    %slice3A_24 = vector.extract_strided_slice %get3A_23 {offsets = [0, 0, 0], sizes = [1, 64, 64], strides = [1, 1, 1]} : vector<3x64x64xf32> to vector<1x64x64xf32>
    %squeeze3A_25 = vector.shape_cast %slice3A_24 : vector<1x64x64xf32> to vector<64x64xf32>
    %dot_general3A_26 = arith.constant dense<0.000000e+00> : vector<128x64xf32>
    %dot_general3A_27 = tpu.matmul %mul3A_19, %squeeze3A_25, %dot_general3A_26 {dimension_numbers = #tpu.dot_dimension_numbers<[1], [0], [0], [1], [0, 0, 1, 1], [], []>, transpose_lhs_hint = false} : vector<128x64xf32>, vector<64x64xf32>, vector<128x64xf32> -> vector<128x64xf32>
    %add3A = arith.addf %dot_general3A_16, %dot_general3A_27 : vector<128x64xf32>
    %slice3A_28 = vector.extract_strided_slice %convert_element_type3A {offsets = [1, 0, 0], sizes = [1, 128, 64], strides = [1, 1, 1]} : vector<3x128x64xf32> to vector<1x128x64xf32>
    %squeeze3A_29 = vector.shape_cast %slice3A_28 : vector<1x128x64xf32> to vector<128x64xf32>
    %slice3A_30 = vector.extract_strided_slice %div3A_5 {offsets = [1, 0], sizes = [1, 128], strides = [1, 1]} : vector<3x128xf32> to vector<1x128xf32>
    %squeeze3A_31 = vector.shape_cast %slice3A_30 : vector<1x128xf32> to vector<128xf32>
    %broadcast_in_dim3A_32 = vector.shape_cast %squeeze3A_31 : vector<128xf32> to vector<128x1xf32>
    %mul3A_33 = vector.broadcast %broadcast_in_dim3A_32 : vector<128x1xf32> to vector<128x64xf32>
    %mul3A_34 = arith.mulf %squeeze3A_29, %mul3A_33 : vector<128x64xf32>
    %get3A_35 = arith.constant 0 : index
    %get3A_36 = arith.constant 0 : index
    %get3A_37 = arith.constant 0 : index
    %get3A_38 = vector.load %arg4[%get3A_35, %get3A_36, %get3A_37] : memref<3x64x64xf32, #tpu.memory_space<vmem>>, vector<3x64x64xf32>
    %slice3A_39 = vector.extract_strided_slice %get3A_38 {offsets = [1, 0, 0], sizes = [1, 64, 64], strides = [1, 1, 1]} : vector<3x64x64xf32> to vector<1x64x64xf32>
    %squeeze3A_40 = vector.shape_cast %slice3A_39 : vector<1x64x64xf32> to vector<64x64xf32>
    %dot_general3A_41 = arith.constant dense<0.000000e+00> : vector<128x64xf32>
    %dot_general3A_42 = tpu.matmul %mul3A_34, %squeeze3A_40, %dot_general3A_41 {dimension_numbers = #tpu.dot_dimension_numbers<[1], [0], [0], [1], [0, 0, 1, 1], [], []>, transpose_lhs_hint = false} : vector<128x64xf32>, vector<64x64xf32>, vector<128x64xf32> -> vector<128x64xf32>
    %add3A_43 = arith.addf %add3A, %dot_general3A_42 : vector<128x64xf32>
    %slice3A_44 = vector.extract_strided_slice %convert_element_type3A {offsets = [2, 0, 0], sizes = [1, 128, 64], strides = [1, 1, 1]} : vector<3x128x64xf32> to vector<1x128x64xf32>
    %squeeze3A_45 = vector.shape_cast %slice3A_44 : vector<1x128x64xf32> to vector<128x64xf32>
    %slice3A_46 = vector.extract_strided_slice %div3A_5 {offsets = [2, 0], sizes = [1, 128], strides = [1, 1]} : vector<3x128xf32> to vector<1x128xf32>
    %squeeze3A_47 = vector.shape_cast %slice3A_46 : vector<1x128xf32> to vector<128xf32>
    %broadcast_in_dim3A_48 = vector.shape_cast %squeeze3A_47 : vector<128xf32> to vector<128x1xf32>
    %mul3A_49 = vector.broadcast %broadcast_in_dim3A_48 : vector<128x1xf32> to vector<128x64xf32>
    %mul3A_50 = arith.mulf %squeeze3A_45, %mul3A_49 : vector<128x64xf32>
    %get3A_51 = arith.constant 0 : index
    %get3A_52 = arith.constant 0 : index
    %get3A_53 = arith.constant 0 : index
    %get3A_54 = vector.load %arg4[%get3A_51, %get3A_52, %get3A_53] : memref<3x64x64xf32, #tpu.memory_space<vmem>>, vector<3x64x64xf32>
    %slice3A_55 = vector.extract_strided_slice %get3A_54 {offsets = [2, 0, 0], sizes = [1, 64, 64], strides = [1, 1, 1]} : vector<3x64x64xf32> to vector<1x64x64xf32>
    %squeeze3A_56 = vector.shape_cast %slice3A_55 : vector<1x64x64xf32> to vector<64x64xf32>
    %dot_general3A_57 = arith.constant dense<0.000000e+00> : vector<128x64xf32>
    %dot_general3A_58 = tpu.matmul %mul3A_50, %squeeze3A_56, %dot_general3A_57 {dimension_numbers = #tpu.dot_dimension_numbers<[1], [0], [0], [1], [0, 0, 1, 1], [], []>, transpose_lhs_hint = false} : vector<128x64xf32>, vector<64x64xf32>, vector<128x64xf32> -> vector<128x64xf32>
    %add3A_59 = arith.addf %add3A_43, %dot_general3A_58 : vector<128x64xf32>
    %get3A_60 = arith.constant 0 : index
    %get3A_61 = arith.constant 0 : index
    %get3A_62 = vector.load %arg6[%get3A_60, %get3A_61] : memref<1x64xf32, #tpu.memory_space<vmem>>, vector<1x64xf32>
    %add3A_63 = vector.broadcast %get3A_62 : vector<1x64xf32> to vector<128x64xf32>
    %add3A_64 = arith.addf %add3A_59, %add3A_63 : vector<128x64xf32>
    %max3A_65 = arith.constant 0.000000e+00 : f32
    %max3A_66 = vector.broadcast %max3A_65 : f32 to vector<128x64xf32>
    %max3A_67 = arith.maximumf %add3A_64, %max3A_66 : vector<128x64xf32>
    %swap3A = arith.constant 0 : index
    %swap3A_68 = arith.constant 0 : index
    %swap3A_69 = vector.load %arg7[%swap3A, %swap3A_68] : memref<128x64xf32, #tpu.memory_space<vmem>>, vector<128x64xf32>
    tpu.vector_store %arg7[%swap3A, %swap3A_68], %max3A_67 {strides = array<i32>} : memref<128x64xf32, #tpu.memory_space<vmem>>, vector<128x64xf32>,
    %convert_element_type3A_70 = arith.truncf %max3A_67 : vector<128x64xf32> to vector<128x64xbf16>
    %swap3A_71 = arith.constant 0 : index
    %swap3A_72 = arith.constant 0 : index
    %swap3A_73 = vector.load %arg8[%swap3A_71, %swap3A_72] : memref<128x64xbf16, #tpu.memory_space<vmem>>, vector<128x64xbf16>
    tpu.vector_store %arg8[%swap3A_71, %swap3A_72], %convert_element_type3A_70 {strides = array<i32>} : memref<128x64xbf16, #tpu.memory_space<vmem>>, vector<128x64xbf16>,
    return
  }
  func.func @transform_0(%arg0: i32) -> (i32, i32, i32) {
    %c0_i32 = arith.constant 0 : i32
    %c0_i32_0 = arith.constant 0 : i32
    %c0_i32_1 = arith.constant 0 : i32
    return %c0_i32, %arg0, %c0_i32_0 : i32, i32, i32
  }
  func.func @transform_1(%arg0: i32) -> (i32, i32) {
    %c0_i32 = arith.constant 0 : i32
    %c0_i32_0 = arith.constant 0 : i32
    return %c0_i32, %arg0 : i32, i32
  }
  func.func @transform_2(%arg0: i32) -> (i32, i32) {
    %c0_i32 = arith.constant 0 : i32
    %c0_i32_0 = arith.constant 0 : i32
    return %arg0, %c0_i32 : i32, i32
  }
  func.func @transform_3(%arg0: i32) -> (i32, i32, i32) {
    %c0_i32 = arith.constant 0 : i32
    %c0_i32_0 = arith.constant 0 : i32
    %c0_i32_1 = arith.constant 0 : i32
    %c0_i32_2 = arith.constant 0 : i32
    return %c0_i32, %c0_i32_0, %c0_i32_1 : i32, i32, i32
  }
  func.func @transform_4(%arg0: i32) -> (i32, i32) {
    %c0_i32 = arith.constant 0 : i32
    %c0_i32_0 = arith.constant 0 : i32
    %c0_i32_1 = arith.constant 0 : i32
    return %c0_i32, %c0_i32_0 : i32, i32
  }
  func.func @transform_5(%arg0: i32) -> (i32, i32) {
    %c0_i32 = arith.constant 0 : i32
    %c0_i32_0 = arith.constant 0 : i32
    %c0_i32_1 = arith.constant 0 : i32
    return %c0_i32, %c0_i32_0 : i32, i32
  }
  func.func @transform_6(%arg0: i32) -> (i32, i32) {
    %c0_i32 = arith.constant 0 : i32
    %c0_i32_0 = arith.constant 0 : i32
    return %arg0, %c0_i32 : i32, i32
  }
  func.func @transform_7(%arg0: i32) -> (i32, i32) {
    %c0_i32 = arith.constant 0 : i32
    %c0_i32_0 = arith.constant 0 : i32
    return %arg0, %c0_i32 : i32, i32
  }
}

module attributes {stable_mosaic.version = 14 : i64} {
  func.func @_pool_body(%arg0: i32, %arg1: memref<1x1x128xi32, #tpu.memory_space<vmem>>, %arg2: memref<128x64xf32, #tpu.memory_space<vmem>>, %arg3: memref<64x8xf32, #tpu.memory_space<vmem>>, %arg4: memref<1x8xf32, #tpu.memory_space<vmem>>, %arg5: memref<128x8xf32, #tpu.memory_space<vmem>>, %arg6: memref<128x64xf32, #tpu.memory_space<vmem>>, %arg7: memref<128x8xf32, #tpu.memory_space<vmem>>) attributes {dimension_semantics = [#tpu.dimension_semantics<arbitrary>], iteration_bounds = array<i64: 391>, scalar_prefetch = 0 : i64, scratch_operands = 2 : i64, tpu.core_type = #tpu.core_type<tc>, window_params = [{transform_indices = @transform_0, window_bounds = array<i64: 1, 1, 128>}, {transform_indices = @transform_1, window_bounds = array<i64: 128, 64>}, {pipeline_mode = #tpu.pipeline_mode<synchronous>, transform_indices = @transform_2, window_bounds = array<i64: 64, 8>}, {pipeline_mode = #tpu.pipeline_mode<synchronous>, transform_indices = @transform_3, window_bounds = array<i64: 1, 8>}, {pipeline_mode = #tpu.pipeline_mode<synchronous>, transform_indices = @transform_4, window_bounds = array<i64: 128, 8>}]} {
    %eq3A = arith.constant 0 : i32
    %eq3A_0 = arith.cmpi eq, %arg0, %eq3A : i32
    %convert_element_type3A = arith.extui %eq3A_0 : i1 to i32
    %cond3A = arith.constant 0 : i32
    %cond3A_1 = arith.cmpi ne, %convert_element_type3A, %cond3A : i32
    scf.if %cond3A_1 {
      %broadcast_in_dim3A_33 = arith.constant 0.000000e+00 : f32
      %broadcast_in_dim3A_34 = vector.broadcast %broadcast_in_dim3A_33 : f32 to vector<128x64xf32>
      %swap3A_35 = arith.constant 0 : index
      %swap3A_36 = arith.constant 0 : index
      %swap3A_37 = vector.load %arg6[%swap3A_35, %swap3A_36] : memref<128x64xf32, #tpu.memory_space<vmem>>, vector<128x64xf32>
      tpu.vector_store %arg6[%swap3A_35, %swap3A_36], %broadcast_in_dim3A_34 {strides = array<i32>} : memref<128x64xf32, #tpu.memory_space<vmem>>, vector<128x64xf32>,
      %broadcast_in_dim3A_38 = arith.constant 0.000000e+00 : f32
      %broadcast_in_dim3A_39 = vector.broadcast %broadcast_in_dim3A_38 : f32 to vector<128x8xf32>
      %swap3A_40 = arith.constant 0 : index
      %swap3A_41 = arith.constant 0 : index
      %swap3A_42 = vector.load %arg7[%swap3A_40, %swap3A_41] : memref<128x8xf32, #tpu.memory_space<vmem>>, vector<128x8xf32>
      tpu.vector_store %arg7[%swap3A_40, %swap3A_41], %broadcast_in_dim3A_39 {strides = array<i32>} : memref<128x8xf32, #tpu.memory_space<vmem>>, vector<128x8xf32>,
    } else {
    }
    %iota3A = tpu.iota {dimensions = array<i32: 0>} : vector<128x128xi32>
    %get3A = arith.constant 0 : index
    %get3A_2 = arith.constant 0 : index
    %get3A_3 = arith.constant 0 : index
    %get3A_4 = vector.load %arg1[%get3A, %get3A_2, %get3A_3] : memref<1x1x128xi32, #tpu.memory_space<vmem>>, vector<1x1x128xi32>
    %get3A_5 = vector.shape_cast %get3A_4 : vector<1x1x128xi32> to vector<1x128xi32>
    %eq3A_6 = vector.broadcast %get3A_5 : vector<1x128xi32> to vector<128x128xi32>
    %eq3A_7 = arith.cmpi eq, %iota3A, %eq3A_6 : vector<128x128xi32>
    %convert_element_type3A_8 = arith.extui %eq3A_7 : vector<128x128xi1> to vector<128x128xi32>
    %convert_element_type3A_9 = arith.sitofp %convert_element_type3A_8 : vector<128x128xi32> to vector<128x128xf32>
    %get3A_10 = arith.constant 0 : index
    %get3A_11 = arith.constant 0 : index
    %get3A_12 = vector.load %arg6[%get3A_10, %get3A_11] : memref<128x64xf32, #tpu.memory_space<vmem>>, vector<128x64xf32>
    %get3A_13 = arith.constant 0 : index
    %get3A_14 = arith.constant 0 : index
    %get3A_15 = vector.load %arg2[%get3A_13, %get3A_14] : memref<128x64xf32, #tpu.memory_space<vmem>>, vector<128x64xf32>
    %dot_general3A = arith.constant dense<0.000000e+00> : vector<128x64xf32>
    %dot_general3A_16 = tpu.matmul %convert_element_type3A_9, %get3A_15, %dot_general3A {dimension_numbers = #tpu.dot_dimension_numbers<[1], [0], [0], [1], [0, 0, 1, 1], [], []>, transpose_lhs_hint = false} : vector<128x128xf32>, vector<128x64xf32>, vector<128x64xf32> -> vector<128x64xf32>
    %add3A = arith.addf %get3A_12, %dot_general3A_16 : vector<128x64xf32>
    %swap3A = arith.constant 0 : index
    %swap3A_17 = arith.constant 0 : index
    %swap3A_18 = vector.load %arg6[%swap3A, %swap3A_17] : memref<128x64xf32, #tpu.memory_space<vmem>>, vector<128x64xf32>
    tpu.vector_store %arg6[%swap3A, %swap3A_17], %add3A {strides = array<i32>} : memref<128x64xf32, #tpu.memory_space<vmem>>, vector<128x64xf32>,
    %get3A_19 = arith.constant 0 : index
    %get3A_20 = arith.constant 0 : index
    %get3A_21 = vector.load %arg7[%get3A_19, %get3A_20] : memref<128x8xf32, #tpu.memory_space<vmem>>, vector<128x8xf32>
    %reduce_sum3A = arith.constant dense<0.000000e+00> : vector<128xf32>
    %reduce_sum3A_22 = vector.multi_reduction <add>, %convert_element_type3A_9, %reduce_sum3A [1] : vector<128x128xf32> to vector<128xf32>
    %broadcast_in_dim3A = vector.shape_cast %reduce_sum3A_22 : vector<128xf32> to vector<128x1xf32>
    %add3A_23 = vector.broadcast %broadcast_in_dim3A : vector<128x1xf32> to vector<128x8xf32>
    %add3A_24 = arith.addf %get3A_21, %add3A_23 : vector<128x8xf32>
    %swap3A_25 = arith.constant 0 : index
    %swap3A_26 = arith.constant 0 : index
    %swap3A_27 = vector.load %arg7[%swap3A_25, %swap3A_26] : memref<128x8xf32, #tpu.memory_space<vmem>>, vector<128x8xf32>
    tpu.vector_store %arg7[%swap3A_25, %swap3A_26], %add3A_24 {strides = array<i32>} : memref<128x8xf32, #tpu.memory_space<vmem>>, vector<128x8xf32>,
    %eq3A_28 = arith.constant 390 : i32
    %eq3A_29 = arith.cmpi eq, %arg0, %eq3A_28 : i32
    %convert_element_type3A_30 = arith.extui %eq3A_29 : i1 to i32
    %cond3A_31 = arith.constant 0 : i32
    %cond3A_32 = arith.cmpi ne, %convert_element_type3A_30, %cond3A_31 : i32
    scf.if %cond3A_32 {
      %get3A_33 = arith.constant 0 : index
      %get3A_34 = arith.constant 0 : index
      %get3A_35 = vector.load %arg6[%get3A_33, %get3A_34] : memref<128x64xf32, #tpu.memory_space<vmem>>, vector<128x64xf32>
      %get3A_36 = arith.constant 0 : index
      %get3A_37 = arith.constant 0 : index
      %get3A_38 = vector.load %arg7[%get3A_36, %get3A_37] : memref<128x8xf32, #tpu.memory_space<vmem>>, vector<128x8xf32>
      %slice3A = vector.extract_strided_slice %get3A_38 {offsets = [0, 0], sizes = [128, 1], strides = [1, 1]} : vector<128x8xf32> to vector<128x1xf32>
      %max3A = arith.constant 1.000000e+00 : f32
      %max3A_39 = vector.broadcast %max3A : f32 to vector<128x1xf32>
      %max3A_40 = arith.maximumf %slice3A, %max3A_39 : vector<128x1xf32>
      %div3A = vector.broadcast %max3A_40 : vector<128x1xf32> to vector<128x64xf32>
      %div3A_41 = arith.divf %get3A_35, %div3A : vector<128x64xf32>
      %get3A_42 = arith.constant 0 : index
      %get3A_43 = arith.constant 0 : index
      %get3A_44 = vector.load %arg3[%get3A_42, %get3A_43] : memref<64x8xf32, #tpu.memory_space<vmem>>, vector<64x8xf32>
      %dot_general3A_45 = arith.constant dense<0.000000e+00> : vector<128x8xf32>
      %dot_general3A_46 = tpu.matmul %div3A_41, %get3A_44, %dot_general3A_45 {dimension_numbers = #tpu.dot_dimension_numbers<[1], [0], [0], [1], [0, 0, 1, 1], [], []>, transpose_lhs_hint = false} : vector<128x64xf32>, vector<64x8xf32>, vector<128x8xf32> -> vector<128x8xf32>
      %get3A_47 = arith.constant 0 : index
      %get3A_48 = arith.constant 0 : index
      %get3A_49 = vector.load %arg4[%get3A_47, %get3A_48] : memref<1x8xf32, #tpu.memory_space<vmem>>, vector<1x8xf32>
      %add3A_50 = vector.broadcast %get3A_49 : vector<1x8xf32> to vector<128x8xf32>
      %add3A_51 = arith.addf %dot_general3A_46, %add3A_50 : vector<128x8xf32>
      %swap3A_52 = arith.constant 0 : index
      %swap3A_53 = arith.constant 0 : index
      %swap3A_54 = vector.load %arg5[%swap3A_52, %swap3A_53] : memref<128x8xf32, #tpu.memory_space<vmem>>, vector<128x8xf32>
      tpu.vector_store %arg5[%swap3A_52, %swap3A_53], %add3A_51 {strides = array<i32>} : memref<128x8xf32, #tpu.memory_space<vmem>>, vector<128x8xf32>,
    } else {
    }
    return
  }
  func.func @transform_0(%arg0: i32) -> (i32, i32, i32) {
    %c0_i32 = arith.constant 0 : i32
    %c0_i32_0 = arith.constant 0 : i32
    %c0_i32_1 = arith.constant 0 : i32
    return %arg0, %c0_i32, %c0_i32_0 : i32, i32, i32
  }
  func.func @transform_1(%arg0: i32) -> (i32, i32) {
    %c0_i32 = arith.constant 0 : i32
    %c0_i32_0 = arith.constant 0 : i32
    return %arg0, %c0_i32 : i32, i32
  }
  func.func @transform_2(%arg0: i32) -> (i32, i32) {
    %c0_i32 = arith.constant 0 : i32
    %c0_i32_0 = arith.constant 0 : i32
    %c0_i32_1 = arith.constant 0 : i32
    return %c0_i32, %c0_i32_0 : i32, i32
  }
  func.func @transform_3(%arg0: i32) -> (i32, i32) {
    %c0_i32 = arith.constant 0 : i32
    %c0_i32_0 = arith.constant 0 : i32
    %c0_i32_1 = arith.constant 0 : i32
    return %c0_i32, %c0_i32_0 : i32, i32
  }
  func.func @transform_4(%arg0: i32) -> (i32, i32) {
    %c0_i32 = arith.constant 0 : i32
    %c0_i32_0 = arith.constant 0 : i32
    %c0_i32_1 = arith.constant 0 : i32
    return %c0_i32, %c0_i32_0 : i32, i32
  }
}

</mosaic_0001>

<sc_bundles>
// kernel: kernel.12.cloned.1.call-start
scs
__scs_entry_jumppad:
0x0: {  	(pc) =	sbr.rel $0x88, $3  }
0x1: {  	(tag) =	ssettag $0x0;
	lr =	simm.s32 $0x1  }
0x2: {  	[smem:$0x3F91] =	sst lr;
	_ =	strace $0xD0000000  }
0x3: {  	_ = 	snop  }
0x4: {  	_ = 	snop  }
0x5: {  	_ = 	snop  }
0x6: {  	_ = 	snop  }
0x7: {  	_ = 	snop  }
__scs_overlays_trampoline_lowered:
0x8: {  	[smem:$0x3FA0] =	sst s0  }
0x9: {  	[smem:$0x3FA1] =	sst s1  }
0xa: {  	[smem:$0x3FA2] =	sst s2  }
0xb: {  	[smem:$0x3FA3] =	sst s3  }
0xc: {  	[smem:$0x3FA4] =	sst s4  }
0xd: {  	[smem:$0x3FA5] =	sst s5  }
0xe: {  	[smem:$0x3FA6] =	sst s6  }
0xf: {  	[smem:$0x3FA7] =	sst s7  }
0x10: {  	[smem:$0x3FA8] =	sst s8  }
0x11: {  	[smem:$0x3FA9] =	sst s9;
	s0 =	simm.s32 @!p0 $0x0  }
0x12: {  	s1 =	sld [smem:$0x3F8F];
	s0 =	simm.s32 @p0 $0x1  }
0x13: {  	[smem:$0x3FAA] =	sst s0;
	s0 =	simm.s32 @!p1 $0x0  }
0x14: {  	s2 =	sld [smem:$0x3F8E];
	s0 =	simm.s32 @p1 $0x1  }
0x15: {  	[smem:$0x3FAB] =	sst s0;
	s0 =	simm.s32 @!p2 $0x0  }
0x16: {  	s3 =	sld [smem:$0x3FDB];
	s0 =	simm.s32 @p2 $0x1  }
0x17: {  	s4 =	simm.s32 $0x1BF5;
	[smem:$0x3FAD] =	sst s0  }
0x18: {  	s0 =	sld [smem:$0x3F90];
	_ =	swait.ge [sflag:s4], $0x0  }
0x19: {  	s7 =	sld [smem:$0x3F91]  }
0x1a: {  	s8 =	sadd.s32 $0xFFFFE003, lr  }
0x1b: {  	s9 =	sadd.s32 $0xFFFFFEF7, lr;
	s5 =	simm.s32 $0xFFFFFFFF;
	p2 =	slt.u32 s8, $0xFFFFF086  }
0x1c: {  	p1 =	slt.u32 s9, $0xF7A;
	s5 =	simm.s32 @!p2 $0x0  }
0x1d: {  	s5 =	simm.s32 @p1 $0x1;
	p0 =	seq.s32 s7, s2  }
0x1e: {  	s7 =	smul.u32 @!p0 $0xF7A, s2;
	p2 =	seq.s32 @!p0 s5, $0x0  }
0x1f: {  	s9 =	smul.u32 $0xF7A, s1;
	s8 =	simm.s32 @!p0 $0x1BF5;
	p2 =	por !p2, p0  }
0x20: {  	[sflag:s8] =	ssyncset.s32 @!p0 $0xFFFFF086;
	s6 =	sadd.s32 @!p0 s3, s7;
	s7 =	simm.s32 @!p0 $0x108  }
0x21: {  	s3 =	sadd.s32 s3, s9;
	s6 =	sadd.s32 @!p0 $0x88, s6;
	s7 =	simm.s32 @p2 $0x1082  }
0x22: {  	[simem:s7], [sflag:s8] =	dma.local @!p0 [hbm:s6], $0xF7A  }
0x23: {  	s9 =	sor.u32 $0xD0000000, s2;
	s6 =	simm.s32 $0x108;
	_ =	swait.ge @!p0 [sflag:s8], $0x0  }
0x24: {  	s3 =	sadd.s32 $0x88, s3;
	s6 =	simm.s32 @!p1 $0x1082;
	[sflag:s4] =	ssyncset.s32 $0xFFFFF086  }
0x25: {  	[simem:s6], [sflag:s4] =	dma.local [hbm:s3], $0xF7A  }
0x26: {  	[smem:$0x3F91] =	sst s1;
	(tag) =	ssettag s2;
	_ =	strace s9  }
0x27: {  	s1 =	sld [smem:$0x3FA1]  }
0x28: {  	s2 =	sld [smem:$0x3FA2]  }
0x29: {  	s4 =	sld [smem:$0x3FA4]  }
0x2a: {  	p0 =	seq.s32 s5, $0x0;
	s5 =	sld [smem:$0x3FA5]  }
0x2b: {  	s6 =	sld [smem:$0x3FA6]  }
0x2c: {  	s7 =	sld [smem:$0x3FA7]  }
0x2d: {  	s3 =	simm.s32 $0x108;
	s8 =	sld [smem:$0x3FA8]  }
0x2e: {  	s3 =	simm.s32 @!p0 $0x1082;
	s9 =	sld [smem:$0x3FA9]  }
0x2f: {  	lr =	sadd.s32 s0, s3;
	s0 =	sld [smem:$0x3FA0]  }
0x30: {  	s3 =	sld [smem:$0x3FA3]  }
0x31: {  	[smem:$0x3FAC] =	sst s10  }
0x32: {  	s10 =	sld [smem:$0x3FAA];
	_ =	sdelay $0x3  }
0x33: {  	p0 =	seq.s32 s10, $0x1;
	s10 =	sld [smem:$0x3FAC];
	_ =	sdelay $0x3  }
0x34: {  	[smem:$0x3FAC] =	sst s10  }
0x35: {  	s10 =	sld [smem:$0x3FAB];
	_ =	sdelay $0x3  }
0x36: {  	p1 =	seq.s32 s10, $0x1;
	s10 =	sld [smem:$0x3FAC];
	_ =	sdelay $0x3  }
0x37: {  	[smem:$0x3FAC] =	sst s10  }
0x38: {  	s10 =	sld [smem:$0x3FAD]  }
0x39: {  	_ = 	snop;
	(pc) =	sbr.ind lr, $3  }
0x3a: {  	_ = 	snop  }
0x3b: {  	_ = 	snop  }
0x3c: {  	p2 =	seq.s32 s10, $0x1;
	s10 =	sld [smem:$0x3FAC]  }
0x3d: {  	_ =	shalt  }
0x3e: {  	_ =	shalt  }
0x3f: {  	_ =	shalt  }
0x40: {  	_ =	shalt  }
0x41: {  	_ =	shalt  }
0x42: {  	_ =	shalt  }
0x43: {  	_ =	shalt  }
0x44: {  	_ =	shalt  }
0x45: {  	_ =	shalt  }
0x46: {  	_ =	shalt  }
0x47: {  	_ =	shalt  }
0x48: {  	_ =	shalt  }
0x49: {  	_ =	shalt  }
0x4a: {  	_ =	shalt  }
0x4b: {  	_ =	shalt  }
0x4c: {  	_ =	shalt  }
0x4d: {  	_ =	shalt  }
0x4e: {  	_ =	shalt  }
0x4f: {  	_ =	shalt  }
0x50: {  	_ =	shalt  }
0x51: {  	_ =	shalt  }
0x52: {  	_ =	shalt  }
0x53: {  	_ =	shalt  }
0x54: {  	_ =	shalt  }
0x55: {  	_ =	shalt  }
0x56: {  	_ =	shalt  }
0x57: {  	_ =	shalt  }
0x58: {  	_ =	shalt  }
0x59: {  	_ =	shalt  }
0x5a: {  	_ =	shalt  }
0x5b: {  	_ =	shalt  }
0x5c: {  	_ =	shalt  }
0x5d: {  	_ =	shalt  }
0x5e: {  	_ =	shalt  }
0x5f: {  	_ =	shalt  }
0x60: {  	_ =	shalt  }
0x61: {  	_ =	shalt  }
0x62: {  	_ =	shalt  }
0x63: {  	_ =	shalt  }
0x64: {  	_ =	shalt  }
0x65: {  	_ =	shalt  }
0x66: {  	_ =	shalt  }
0x67: {  	_ =	shalt  }
0x68: {  	_ =	shalt  }
0x69: {  	_ =	shalt  }
0x6a: {  	_ =	shalt  }
0x6b: {  	_ =	shalt  }
0x6c: {  	_ =	shalt  }
0x6d: {  	_ =	shalt  }
0x6e: {  	_ =	shalt  }
0x6f: {  	_ =	shalt  }
0x70: {  	_ =	shalt  }
0x71: {  	_ =	shalt  }
0x72: {  	_ =	shalt  }
0x73: {  	_ =	shalt  }
0x74: {  	_ =	shalt  }
0x75: {  	_ =	shalt  }
0x76: {  	_ =	shalt  }
0x77: {  	_ =	shalt  }
0x78: {  	_ =	shalt  }
0x79: {  	_ =	shalt  }
0x7a: {  	_ =	shalt  }
0x7b: {  	_ =	shalt  }
0x7c: {  	_ =	shalt  }
0x7d: {  	_ =	shalt  }
0x7e: {  	_ =	shalt  }
0x7f: {  	_ =	shalt  }
0x80: {  	_ =	shalt  }
0x81: {  	_ =	shalt  }
0x82: {  	_ =	shalt  }
0x83: {  	_ =	shalt  }
0x84: {  	_ =	shalt  }
0x85: {  	_ =	shalt  }
0x86: {  	_ =	shalt  }
0x87: {  	_ =	shalt  }
.Lfunc_end0:
.L_simem_size_0:
called_computation.1_lowered:
.L_overlay_start_0:
0x88: {  	s2 =	sld [smem:$0x3FD9]  }
0x89: {  	s3 =	sld [smem:$0x3FFE];
	_ =	sdelay $0x1  }
0x8a: {  	s1 =	srdreg.scid  }
0x8b: {  	s0 =	sand.u32 $0x1, s1  }
0x8c: {  	s16 =	sshll.u32 s0, $0xA;
	s2 =	sadd.s32 s3, s2  }
0x8d: {  	s2 =	sadd.s32 s2, s16  }
0x8e: {  	[smem:$0x3FB8] =	sst s2  }
0x8f: {  	_ = 	snop  }
0x90: {  	(tm) =	ssettm $0x1  }
0x91: {  	s17 =	sld [smem:$0x3FFB];
	_ =	sdelay $0x3  }
0x92: {  	_ =	strace s17  }
0x93: {  	s2 =	sld [smem:$0x3FFC];
	_ =	sdelay $0x3  }
0x94: {  	_ =	strace s2  }
0x95: {  	s2 =	sld [smem:$0x3FFD];
	_ =	sdelay $0x3  }
0x96: {  	_ =	strace s2  }
0x97: {  	_ =	strace $0x8FFFFFFF  }
0x98: {  	s18 =	sld [smem:$0x3FDB];
	_ =	sdelay $0x1  }
0x99: {  	s19 =	simm.s32 $_scs_section_size  }
0x9a: {  	s4 =	simm.s32 $_size__tile_overlayer_lowered;
	s5 =	simm.s32 $_tile_overlayer_lowered  }
0x9b: {  	s22 =	simm.s32 $0x1BFF;
	s21 =	sshll.u32 s5, $0x1;
	s2 =	sadd.s32 s19, s18  }
0x9c: {  	s6 =	simm.s32 $0x0;
	s20 =	sshll.u32 s4, $0x1;
	s4 =	sadd.s32 s21, s2  }
0x9d: {  	[timem:s6], [sflag:s22] =	dma.local [hbm:s4], s20  }
0x9e: {  	_ =	swait.ge [sflag:s22], s20  }
0x9f: {  	s3 =	ssub.s32 $0x0, s20;
	[sflag:s22] =	ssyncset.done $0x0  }
0xa0: {  	[sflag:s22] =	ssyncadd.s32 s3;
	_ =	sdelay $0x1  }
0xa1: {  	s23 =	simm.s32 $0x1B8B  }
0xa2: {  	_ =	swait.ge [sflag:s23], $0x1  }
0xa3: {  	[sflag:s23] =	ssyncset.done $0x0  }
0xa4: {  	s25 =	simm.s32 $0x1B8E;
	s24 =	sld [smem:$0x3FFE];
	[sflag:s23] =	ssyncadd.s32 $0xFFFFFFFF  }
0xa5: {  	s26 =	simm.s32 $execute0_lowered;
	[smem:$0x3FD2] =	sst s25  }
0xa6: {  	s4 =	sshll.u32 s26, $0x1;
	_ =	strace $0x80000046;
	[dreg:$0x1] =	wrdreg $0xFFFFFFFF  }
0xa7: {  	s28 =	simm.s32 $_size_execute0_lowered;
	s2 =	sadd.s32 s2, s4;
	[dreg:$0x0] =	wrdreg $0x0  }
0xa8: {  	s4 =	sshll.u32 s28, $0x1;
	[dreg:$0x2] =	wrdreg s2  }
0xa9: {  	[dreg:$0x3] =	wrdreg s4  }
0xaa: {  	[dreg:$0x4] =	wrdreg $0xC0  }
0xab: {  	_ =	task [dreg:s6], $0x5FFFF  }
0xac: {  	[dreg:$0x1] =	wrdreg $0xFFFFFFFF  }
0xad: {  	[dreg:$0x0] =	wrdreg $0x60  }
0xae: {  	[dreg:$0x2] =	wrdreg s24  }
0xaf: {  	[dreg:$0x3] =	wrdreg $0x6C000  }
0xb0: {  	[dreg:$0x4] =	wrdreg $0xA  }
0xb1: {  	_ =	task.clear_ibuf [dreg:s6], $0x5FFFF;
	_ =	strace $0x90000046  }
0xb2: {  	s29 =	simm.s32 $0xA;
	_ =	strace $0x80000048  }
0xb3: {  	_ =	swait.ge [sflag:s29], $0x1  }
0xb4: {  	[sflag:s29] =	ssyncadd.s32 $0xFFFFFFFF  }
0xb5: {  	_ =	strace $0x90000048  }
0xb6: {  	_ =	sfence  }
0xb7: {  	s30 =	sld [smem:$0x0];
	_ =	sdelay $0x2  }
0xb8: {  	s31 =	sshll.u32 s1, $0xD;
	s1 =	sshrl.u32 s1, $0x2  }
0xb9: {  	s3 =	sand.u32 $0x4000, s31;
	s1 =	sadd.s32 s1, s30  }
0xba: {  	s0 =	sor.u32 s3, s0;
	s1 =	sshll.u32 s1, $0x11  }
0xbb: {  	s0 =	sor.u32 s1, s0  }
0xbc: {  	s0 =	sadd.s32 $0x8F2B, s0  }
0xbd: {  	[sflag:s0] =	ssyncadd.remote.s32 $0x1  }
0xbe: {  	_ =	sfence.sel $0xFFFF  }
0xbf: {  	[dreg:$0x0] =	wrdreg $0xFFFFFFFF;
	(pc) =	sbr.abs _section_cstart, $3  }
0xc0: {  	[dreg:$0x1] =	wrdreg $0xFFFFFFFF  }
0xc1: {  	_ =	task.clear_ibuf [dreg:s6], $0x2FFFF;
	_ =	strace $0x9FFFFFFF  }
0xc2: {  	(tm) =	ssettm $0x7FFFFFFF  }
0xc3: {  	_ =	shalt  }
tec
execute0_lowered:
.L_overlay_start_1:
0x0: {  	(tag) =	ssettag $0x1  }
0x1: {  	s0 =	rddreg [dreg:$0x0]  }
0x2: {  	s1 =	rddreg [dreg:$0x1];
	s2 =	simm.s32 $0x0  }
0x3: {  	s20 =	srdreg.scid;
	s9 =	stileid.u32;
	s29 =	simm.s32 $0x2800  }
0x4: {  	s30 =	simm.s32 $0x2C00;
	s31 =	simm.s32 $0x3;
	[smem:$0x7FF] =	sst s2  }
0x5: {  	s3 =	sadd.s32 $0xC5600, s0;
	s4 =	sadd.s32 $0xF6400, s0;
	s6 =	sadd.s32 $0x128C00, s0  }
0x6: {  	s2 =	sand.u32 $0x1, s20;
	s8 =	sadd.s32 $0x10F400, s0;
	s5 =	sadd.s32 $0x128400, s0  }
0x7: {  	s7 =	smul.u32 $0xC800, s9;
	s10 =	sadd.s32 $0x141C00, s0;
	s22 =	sadd.s32 $0x180000, s1  }
0x8: {  	s25 =	sshll.u32 s9, $0x10;
	s28 =	sadd.s32 $0x181C00, s0;
	s0 =	sadd.s32 $0x1C1C00, s0  }
0x9: {  	s18 =	sshll.u32 s9, $0xF;
	p0 =	sne.s32 s9, $0x0;
	s9 =	sshll.u32 s9, $0x6  }
0xa: {  	_ =	strace $0x80000047;
	[dreg:$0x3] =	wrdreg s5;
	s21 =	ssub.s32 $0x2, s2  }
0xb: {  	[dreg:$0x4] =	wrdreg s22;
	s13 =	sshll.u32 s2, $0x14;
	s19 =	sshrl.u32 s25, $0x2  }
0xc: {  	[dreg:$0x12] =	wrdreg s9;
	s22 =	sor.u32 $0x1C05, s9;
	s11 =	sshrl.u32 s21, $0x1  }
0xd: {  	s12 =	sshrl.u32 s7, $0x3;
	s26 =	sor.u32 s25, s13;
	s13 =	sor.u32 $0x2, s2  }
0xe: {  	s14 =	sor.u32 $0x400, s7;
	s20 =	sadd.s32 s19, s1;
	[dreg:$0x14] =	wrdreg s22  }
0xf: {  	s19 =	simm.s32 $0x1000;
	s23 =	sadd.s32 s4, s12;
	[dreg:$0x10] =	wrdreg s20  }
0x10: {  	s22 =	simm.s32 $0x1800;
	s24 =	sadd.s32 s6, s12;
	[dreg:$0x5] =	wrdreg s23  }
0x11: {  	s5 =	ssub.s32 s21, s11;
	s12 =	sadd.s32 s8, s12;
	[dreg:$0x6] =	wrdreg s24  }
0x12: {  	s15 =	sshll.u32 s13, $0x14;
	[dreg:$0x7] =	wrdreg s12;
	s5 =	smax.u32 s5, $0x1  }
0x13: {  	s11 =	simm.s32 $0x0;
	s23 =	sadd.s32 $0x40000, s20;
	[dreg:$0xf] =	wrdreg s5  }
0x14: {  	s12 =	sshrl.u32 s26, $0x4;
	s24 =	sadd.s32 $0x80000, s20;
	[dreg:$0x15] =	wrdreg s23  }
0x15: {  	s15 =	sor.u32 s25, s15;
	s25 =	sadd.s32 $0xC0000, s20;
	[dreg:$0x16] =	wrdreg s24  }
0x16: {  	s26 =	sadd.s32 $0x100000, s20;
	s16 =	sadd.s32 s10, s12;
	[dreg:$0x17] =	wrdreg s25  }
0x17: {  	s17 =	sadd.s32 s12, s28;
	s15 =	sshrl.u32 s15, $0x4;
	[dreg:$0x18] =	wrdreg s26  }
0x18: {  	s12 =	sadd.s32 s12, s0;
	s24 =	simm.s32 $0x2000;
	[dreg:$0x8] =	wrdreg s16  }
0x19: {  	s26 =	simm.s32 $0x200;
	s5 =	simm.s32 $0x4;
	[dreg:$0x9] =	wrdreg s17  }
0x1a: {  	s25 =	simm.s32 $0x2;
	[dreg:$0xa] =	wrdreg s12;
	s10 =	sadd.s32 s10, s15  }
0x1b: {  	s17 =	sadd.s32 s15, s28;
	s0 =	sadd.s32 s15, s0;
	[dreg:$0xb] =	wrdreg s10  }
0x1c: {  	s28 =	sadd.s32 $0x140000, s20;
	s15 =	simm.s32 $0x400;
	[dreg:$0xc] =	wrdreg s17  }
.Ltmp0:
0x1d: {  	s16 =	simm.s32 $0x800;
	[dreg:$0xd] =	wrdreg s0;
	(pc) =	sbr.rel .LBB2_1-.Ltmp0, $4  }
0x1e: {  	s20 =	simm.s32 $0x1400;
	s0 =	sadd.s32 s18, s1;
	[dreg:$0x19] =	wrdreg s28  }
0x1f: {  	s10 =	simm.s32 $0x5;
	s21 =	sadd.s32 $0x80000, s0;
	[dreg:$0xe] =	wrdreg s0  }
0x20: {  	v2 =	vimm.s32 $0x0;
	s17 =	simm.s32 $0x1;
	s0 =	sadd.s32 $0x100000, s0;
	[dreg:$0x11] =	wrdreg s21  }
0x21: {  	v3 =	vlaneseq.u32;
	v0 =	vmov s2;
	v1 =	vmov s13;
	s18 =	simm.s32 $0xC00;
	[dreg:$0x13] =	wrdreg s0;
	s0 =	simm.s32 $0x2A00  }
.LBB2_65:
0x22: {  	[bflag:$0x0] =	sbarrier.arrive $0xFFFF  }
0x23: {  	s12 =	sld [smem:$0x7FA];
	_ =	sdelay $0x1  }
0x24: {  	s9 =	rddreg [dreg:$0xb]  }
0x25: {  	[hbm:s9], [sflag:s2] =	dma.local [spmem:s12], $0x1000  }
0x26: {  	_ =	swait.ge [sflag:s5], $0x1000  }
0x27: {  	s13 =	sld [smem:$0x7FB]  }
0x28: {  	[sflag:s5] =	ssyncset.done $0x0  }
0x29: {  	s12 =	rddreg [dreg:$0xc];
	[sflag:s5] =	ssyncadd.s32 $0xFFFFF000  }
0x2a: {  	[hbm:s12], [sflag:s2] =	dma.local [spmem:s13], $0x1000  }
0x2b: {  	_ =	swait.ge [sflag:s5], $0x1000  }
0x2c: {  	s23 =	sld [smem:$0x7FC]  }
0x2d: {  	[sflag:s5] =	ssyncset.done $0x0  }
0x2e: {  	s21 =	rddreg [dreg:$0xd];
	[sflag:s5] =	ssyncadd.s32 $0xFFFFF000  }
0x2f: {  	[hbm:s21], [sflag:s2] =	dma.local [spmem:s23], $0x1000  }
0x30: {  	_ =	swait.ge [sflag:s5], $0x1000  }
0x31: {  	s11 =	sadd.s32 $0x1, s11;
	s28 =	rddreg [dreg:$0xf]  }
0x32: {  	p1 =	sne.s32 s11, s28  }
.Ltmp1:
0x33: {  	_ = 	snop;
	(pc) =	sbr.rel @!p1 .LBB2_66-.Ltmp1, $3  }
0x34: {  	[sflag:s5] =	ssyncset.done $0x0  }
0x35: {  	[sflag:s5] =	ssyncadd.s32 $0xFFFFF000  }
0x36: {  	[bflag:$0x0] =	sbarrier.arrive $0xFFFF;
	_ =	sdelay $0x1  }
.LBB2_1:
0x37: {  	[dreg:$0x1a] =	wrdreg s11  }
0x38: {  	s2 =	rddreg [dreg:$0x10]  }
0x39: {  	s9 =	rddreg [dreg:$0x3]  }
0x3a: {  	s28 =	sshrl.u32 s2, $0x3;
	s2 =	rddreg [dreg:$0x14]  }
0x3b: {  	[spmem:s28], [sflag:s2] =	dma.local [hbm:s9], $0x800  }
0x3c: {  	_ =	swait.ge [sflag:s10], $0x800  }
0x3d: {  	s23 =	rddreg [dreg:$0x15]  }
0x3e: {  	[sflag:s10] =	ssyncset.done $0x0;
	s11 =	sshrl.u32 s23, $0x3  }
0x3f: {  	[sflag:s10] =	ssyncadd.s32 $0xFFFFF800;
	[dreg:$0x1b] =	wrdreg s11  }
0x40: {  	[spmem:s11], [sflag:s2] =	dma.local [hbm:s9], $0x800  }
0x41: {  	_ =	swait.ge [sflag:s10], $0x800  }
0x42: {  	s12 =	rddreg [dreg:$0x16]  }
0x43: {  	[sflag:s10] =	ssyncset.done $0x0;
	s11 =	sshrl.u32 s12, $0x3  }
0x44: {  	[sflag:s10] =	ssyncadd.s32 $0xFFFFF800;
	[dreg:$0x1c] =	wrdreg s11  }
0x45: {  	[spmem:s11], [sflag:s2] =	dma.local [hbm:s9], $0x800  }
0x46: {  	_ =	swait.ge [sflag:s10], $0x800  }
0x47: {  	s13 =	rddreg [dreg:$0x17]  }
0x48: {  	[sflag:s10] =	ssyncset.done $0x0;
	s11 =	sshrl.u32 s13, $0x3  }
0x49: {  	[sflag:s10] =	ssyncadd.s32 $0xFFFFF800;
	[dreg:$0x1d] =	wrdreg s11  }
0x4a: {  	[spmem:s11], [sflag:s2] =	dma.local [hbm:s9], $0x800  }
0x4b: {  	_ =	swait.ge [sflag:s10], $0x800  }
0x4c: {  	s21 =	rddreg [dreg:$0x18]  }
0x4d: {  	[sflag:s10] =	ssyncset.done $0x0;
	s11 =	sshrl.u32 s21, $0x3  }
0x4e: {  	[sflag:s10] =	ssyncadd.s32 $0xFFFFF800;
	[dreg:$0x1e] =	wrdreg s11  }
0x4f: {  	[spmem:s11], [sflag:s2] =	dma.local [hbm:s9], $0x800  }
0x50: {  	_ =	swait.ge [sflag:s10], $0x800  }
0x51: {  	s23 =	rddreg [dreg:$0x19]  }
0x52: {  	[sflag:s10] =	ssyncset.done $0x0;
	s11 =	sshrl.u32 s23, $0x3  }
0x53: {  	[sflag:s10] =	ssyncadd.s32 $0xFFFFF800;
	[dreg:$0x1f] =	wrdreg s11  }
0x54: {  	[spmem:s11], [sflag:s2] =	dma.local [hbm:s9], $0x800  }
0x55: {  	_ =	swait.ge [sflag:s10], $0x800  }
0x56: {  	s2 =	stileid.u32;
	s11 =	rddreg [dreg:$0x4]  }
0x57: {  	s2 =	sshll.u32 @!p0 s2, $0x6;
	[sflag:s10] =	ssyncset.done $0x0;
	s11 =	sshrl.u32 @!p0 s11, $0x3  }
0x58: {  	s2 =	sor.u32 @!p0 $0x1C04, s2;
	[sflag:s10] =	ssyncadd.s32 $0xFFFFF800;
	[smem:$0x7FD] =	sst s11  }
0x59: {  	[spmem:s11], [sflag:s2] =	dma.local @!p0 [hbm:s9], $0x100  }
0x5a: {  	s2 =	simm.s32 @!p0 $0x4  }
0x5b: {  	_ =	swait.ge @!p0 [sflag:s2], $0x100  }
0x5c: {  	[sflag:s2] =	ssyncset.done @!p0 $0x0  }
0x5d: {  	[sflag:s2] =	ssyncadd.s32 @!p0 $0xFFFFFF00  }
0x5e: {  	[bflag:$0x0] =	sbarrier.arrive $0xFFFF  }
0x5f: {  	s12 =	simm.s32 $0x0;
	s13 =	rddreg [dreg:$0x5]  }
0x60: {  	[tilespmem:s12], [sflag:$0x1] =	stream.linear.gather [hbm4b:s13+s12], $0x400, $0x38;
	[tilespmem:$0x1EC80] =	vst v63  }
.Ltmp2:
0x61: {  	_ = 	snop;
	(pc) =	sbr.rel .LBB2_2-.Ltmp2, $4  }
0x62: {  	s21 =	rddreg [dreg:$0x6]  }
0x63: {  	[tilespmem:s15], [sflag:$0x1] =	stream.linear.gather [hbm4b:s21+s12], $0x400, $0x38;
	[tilespmem:$0x1EC80] =	vst v63  }
0x64: {  	s11 =	simm.s32 $0x0;
	s2 =	simm.s32 $0x0;
	s23 =	rddreg [dreg:$0x7]  }
0x65: {  	[tilespmem:s16], [sflag:$0x1] =	stream.linear.gather [hbm4b:s23+s12], $0x400, $0x38;
	[tilespmem:$0x1EC80] =	vst v63  }
.LBB2_28:
0x66: {  	s2 =	sadd.s32 $0x1, s2  }
0x67: {  	p1 =	sne.s32 s2, $0x19  }
.Ltmp3:
0x68: {  	_ = 	snop;
	(pc) =	sbr.rel @!p1 .LBB2_29-.Ltmp3, $3  }
0x69: {  	_ =	sdelay $0x1  }
0x6a: {  	s12 =	sshll.u32 s13, $0x9  }
0x6b: {  	s11 =	ssub.s32 s11, s12  }
.LBB2_2:
0x6c: {  	_ =	swait.ge [sflag:s17], $0x400  }
0x6d: {  	[sflag:s17] =	ssyncset.done $0x0  }
0x6e: {  	[sflag:s17] =	ssyncadd.s32 $0xFFFFFC00  }
0x6f: {  	_ =	swait.ge [sflag:s17], $0x400  }
0x70: {  	[sflag:s17] =	ssyncset.done $0x0  }
0x71: {  	s12 =	sshll.u32 s2, $0xB;
	[sflag:s17] =	ssyncadd.s32 $0xFFFFFC00  }
0x72: {  	s12 =	sadd.s32 s12, s14;
	_ =	swait.ge [sflag:s17], $0x400  }
0x73: {  	s12 =	sshrl.u32 s12, $0x3;
	[sflag:s17] =	ssyncset.done $0x0  }
0x74: {  	s21 =	simm.s32 $0x0;
	s13 =	sadd.s32 s4, s12;
	[sflag:s17] =	ssyncadd.s32 $0xFFFFFC00  }
0x75: {  	[tilespmem:s18], [sflag:$0x2] =	stream.linear.gather [hbm4b:s13+s21], $0x400, $0x38;
	[tilespmem:$0x1EC80] =	vst v63  }
0x76: {  	s9 =	sadd.s32 s6, s12  }
0x77: {  	[tilespmem:s19], [sflag:$0x2] =	stream.linear.gather [hbm4b:s9+s21], $0x400, $0x38;
	[tilespmem:$0x1EC80] =	vst v63  }
0x78: {  	s23 =	simm.s32 $0x0;
	s12 =	sadd.s32 s8, s12  }
0x79: {  	[tilespmem:s20], [sflag:$0x2] =	stream.linear.gather [hbm4b:s12+s21], $0x400, $0x38;
	[tilespmem:$0x1EC80] =	vst v63  }
0x7a: {  	v4 =	vld [tilespmem:s23+$0x400];
	_ =	sdelay $0x4  }
0x7b: {  	v5 =	vshra.s32 v4, $0xE  }
0x7c: {  	vm0 =	veq.s32 v5, v0  }
0x7d: {  	v5 =	vsel vm0, $0x1, v2  }
0x7e: {  	(xrf0) =	vadd.scan.msk.s32 $0xffff, v5;
	_ =	sdelay $0x2  }
0x7f: {  	v5 =	vmov s11  }
0x80: {  	v5 =	vadd.s32 $0xFFFFFFFF, v5  }
0x81: {  	v5 =	vbroadcast v5, $0x0  }
0x82: {  	v6 =	vld [tilespmem:s23+$0x800];
	v7, _, _ =	vpop (xrf0)  }
0x83: {  	v8 =	vld [tilespmem:s23+$0x0];
	v5 =	vadd.s32 v7, v5;
	(v2sf) =	vpush v7, $0xF;
	_ =	sdelay $0x3  }
0x84: {  	v4 =	vand.u32 $0x3FFF, v4;
	v6 =	vshll.u32 v6, $0xE  }
0x85: {  	v4 =	vor.u32 v4, v6;
	[tilespmem:v5+s22+$0x0] =	vst.idx.msk vm0, v8  }
0x86: {  	s13 =	simm.s32 $0x10;
	s23 =	simm.s32 $0x80;
	[tilespmem:v5+s24+$0x0] =	vst.idx.msk vm0, v4  }
.LBB2_3:
0x87: {  	p1 =	sne.s32 s23, $0xFC0;
	v4 =	vld [tilespmem:s13+$0x400];
	_ =	sdelay $0x4  }
0x88: {  	v5 =	vshra.s32 v4, $0xE;
	v4 =	vand.u32 $0x3FFF, v4  }
0x89: {  	vm0 =	veq.s32 v5, v0  }
0x8a: {  	v5 =	vsel vm0, $0x1, v2  }
0x8b: {  	(xrf0) =	vadd.scan.msk.s32 $0xffff, v5;
	s12 =	spop (v2sf)  }
0x8c: {  	s11 =	sadd.s32 s11, s12  }
0x8d: {  	v5 =	vmov s11  }
0x8e: {  	v5 =	vadd.s32 $0xFFFFFFFF, v5  }
0x8f: {  	v5 =	vbroadcast v5, $0x0;
	_ =	sdelay $0x1  }
0x90: {  	v6 =	vld [tilespmem:s13+$0x800];
	v7, _, _ =	vpop (xrf0)  }
0x91: {  	v8 =	vld [tilespmem:s13+$0x0];
	v5 =	vadd.s32 v7, v5;
	(v2sf) =	vpush v7, $0xF;
	_ =	sdelay $0x1  }
.Ltmp4:
0x92: {  	(pc) =	sbr.rel @p1 .LBB2_3-.Ltmp4, $4  }
0x93: {  	_ = 	snop  }
0x94: {  	v6 =	vshll.u32 v6, $0xE  }
0x95: {  	v4 =	vor.u32 v4, v6;
	[tilespmem:v5+s22+$0x0] =	vst.idx.msk vm0, v8  }
0x96: {  	s13 =	sshra.s32 s23, $0x2;
	s23 =	sadd.s32 $0x40, s23;
	[tilespmem:v5+s24+$0x0] =	vst.idx.msk vm0, v4  }
0x97: {  	v4 =	vld [tilespmem:s13+$0x400];
	_ =	sdelay $0x4  }
0x98: {  	v5 =	vshra.s32 v4, $0xE  }
0x99: {  	vm0 =	veq.s32 v5, v0  }
0x9a: {  	v5 =	vsel vm0, $0x1, v2  }
0x9b: {  	(xrf0) =	vadd.scan.msk.s32 $0xffff, v5;
	_ =	sdelay $0x5  }
0x9c: {  	v5, _, _ =	vpop (xrf0)  }
0x9d: {  	(v2sf) =	vpush v5, $0xF;
	_ =	sdelay $0x9  }
0x9e: {  	s12 =	spop (v2sf)  }
0x9f: {  	s11 =	sadd.s32 s11, s12  }
0xa0: {  	v6 =	vmov s11  }
0xa1: {  	v6 =	vadd.s32 $0xFFFFFFFF, v6  }
0xa2: {  	v6 =	vbroadcast v6, $0x0  }
0xa3: {  	v7 =	vld [tilespmem:s13+$0x800];
	s23 =	spop (v2sf)  }
0xa4: {  	v8 =	vld [tilespmem:s13+$0x0];
	v5 =	vadd.s32 v5, v6;
	s11 =	sadd.s32 s11, s23  }
0xa5: {  	p1 =	slt.s32 s11, $0x200  }
.Ltmp5:
0xa6: {  	_ = 	snop;
	(pc) =	sbr.rel @p1 .LBB2_11-.Ltmp5, $4  }
0xa7: {  	_ = 	snop  }
0xa8: {  	v4 =	vand.u32 $0x3FFF, v4;
	v63 =	vshll.u32 v7, $0xE  }
0xa9: {  	v4 =	vor.u32 v4, v63;
	[tilespmem:v5+s22+$0x0] =	vst.idx.msk vm0, v8  }
0xaa: {  	[tilespmem:v5+s24+$0x0] =	vst.idx.msk vm0, v4  }
0xab: {  	s12 =	simm.s32 $0x0  }
0xac: {  	v4 =	vld [tilespmem:s12+$0x2000]  }
0xad: {  	s13 =	simm.s32 $0x40;
	v5 =	vld [tilespmem:s12+$0x1800]  }
.LBB2_6:
0xae: {  	p1 =	sne.s32 s13, $0x7C0  }
.Ltmp6:
0xaf: {  	_ = 	snop;
	(pc) =	sbr.rel @p1 .LBB2_6-.Ltmp6, $4  }
0xb0: {  	_ = 	snop  }
0xb1: {  	s21 =	sshra.s32 s13, $0x2;
	s13 =	sadd.s32 $0x40, s13;
	[tilespmem:s12+$0x2A00] =	vst v4  }
0xb2: {  	v4 =	vld [tilespmem:s21+$0x2000];
	[tilespmem:s12+$0x2800] =	vst v5;
	s12 =	smov.u32 s21  }
0xb3: {  	v5 =	vld [tilespmem:s12+$0x1800]  }
0xb4: {  	_ =	sdelay $0x2  }
0xb5: {  	[tilespmem:s12+$0x2A00] =	vst v4  }
0xb6: {  	[tilespmem:s12+$0x2800] =	vst v5  }
0xb7: {  	[tilespmem:s30], [sflag:$0x3] =	stream.indirect.gather [hbm4b:s3+s26], $0x20, s29, s26, $0xb8;
	[tilespmem:$0x1EC80] =	vst v63  }
0xb8: {  	_ =	swait.ge [sflag:s31], $0x4000  }
0xb9: {  	p1 =	slt.u32 s11, $0x400;
	[sflag:s31] =	ssyncset.done $0x0  }
.Ltmp7:
0xba: {  	[sflag:s31] =	ssyncadd.s32 $0xFFFFC000;
	(pc) =	sbr.rel @p1 .LBB2_11-.Ltmp7, $4  }
0xbb: {  	[spmem:s1] =	stream.indirect.scatter.add.bf16 [tilespmem:s30], [sflag:$0x4], $0x20, s0, s26, $0xb8;
	[tilespmem:$0x1EC80] =	vst v63  }
0xbc: {  	_ =	swait.ge [sflag:s5], $0x4000  }
0xbd: {  	[sflag:s5] =	ssyncset.done $0x0  }
0xbe: {  	[sflag:s5] =	ssyncadd.s32 $0xFFFFC000  }
0xbf: {  	s12 =	simm.s32 $0x0  }
0xc0: {  	v4 =	vld [tilespmem:s12+$0x2200]  }
0xc1: {  	s13 =	simm.s32 $0x40;
	v5 =	vld [tilespmem:s12+$0x1A00]  }
.LBB2_9:
0xc2: {  	p1 =	sne.s32 s13, $0x7C0  }
.Ltmp8:
0xc3: {  	_ = 	snop;
	(pc) =	sbr.rel @p1 .LBB2_9-.Ltmp8, $4  }
0xc4: {  	_ = 	snop  }
0xc5: {  	s21 =	sshra.s32 s13, $0x2;
	s13 =	sadd.s32 $0x40, s13;
	[tilespmem:s12+$0x2A00] =	vst v4  }
0xc6: {  	v4 =	vld [tilespmem:s21+$0x2200];
	[tilespmem:s12+$0x2800] =	vst v5;
	s12 =	smov.u32 s21  }
0xc7: {  	v5 =	vld [tilespmem:s12+$0x1A00]  }
0xc8: {  	_ =	sdelay $0x2  }
0xc9: {  	[tilespmem:s12+$0x2A00] =	vst v4  }
0xca: {  	[tilespmem:s12+$0x2800] =	vst v5  }
0xcb: {  	[tilespmem:s30], [sflag:$0x3] =	stream.indirect.gather [hbm4b:s3+s26], $0x20, s29, s26, $0xb8;
	[tilespmem:$0x1EC80] =	vst v63  }
0xcc: {  	_ =	swait.ge [sflag:s31], $0x4000  }
0xcd: {  	[sflag:s31] =	ssyncset.done $0x0  }
0xce: {  	[sflag:s31] =	ssyncadd.s32 $0xFFFFC000  }
0xcf: {  	[spmem:s1] =	stream.indirect.scatter.add.bf16 [tilespmem:s30], [sflag:$0x4], $0x20, s0, s26, $0xb8;
	[tilespmem:$0x1EC80] =	vst v63  }
0xd0: {  	_ =	swait.ge [sflag:s5], $0x4000  }
0xd1: {  	[sflag:s5] =	ssyncset.done $0x0  }
0xd2: {  	[sflag:s5] =	ssyncadd.s32 $0xFFFFC000  }
.LBB2_11:
0xd3: {  	s12 =	sand.u32 $0x1FF, s11  }
0xd4: {  	s13 =	sshra.s32 s11, $0x1F;
	p1 =	slt.s32 s11, $0x1;
	p2 =	sne.s32 s12, $0x0  }
0xd5: {  	s23 =	sshrl.u32 s13, $0x17;
	p1 =	por !p1, !p2  }
0xd6: {  	s13 =	simm.s32 $0x1;
	s12 =	sadd.s32 s23, s11;
	p1 =	por !p1, !p1  }
0xd7: {  	s12 =	sshra.s32 s12, $0x9;
	s13 =	simm.s32 @!p1 $0x0  }
0xd8: {  	s13 =	ssub.s32 s12, s13  }
0xd9: {  	p1 =	slt.s32 s13, $0x1  }
.Ltmp9:
0xda: {  	_ = 	snop;
	(pc) =	sbr.rel @p1 .LBB2_15-.Ltmp9, $1  }
0xdb: {  	_ =	sdelay $0x3  }
0xdc: {  	s12 =	sshll.u32 s13, $0xB  }
0xdd: {  	s12 =	sshra.s32 s12, $0x2  }
0xde: {  	s21 =	sadd.s32 $0x2000, s12;
	s12 =	sadd.s32 $0x1800, s12  }
0xdf: {  	v5 =	vmov s12;
	_ =	sdelay $0x3  }
0xe0: {  	v4 =	vmov s21;
	s21 =	simm.s32 $0x0;
	s12 =	simm.s32 $0x40  }
.LBB2_13:
0xe1: {  	p1 =	sne.s32 s12, $0x7C0;
	v6 =	vld.idx.msk [tilespmem:v5+s21+$0x0 ss:$0x1], $0xffff;
	_ =	sdelay $0x5  }
0xe2: {  	[tilespmem:s21+$0x1800] =	vst v6  }
0xe3: {  	v6 =	vld.idx.msk [tilespmem:v4+s21+$0x0 ss:$0x1], $0xffff;
	_ =	sdelay $0x1  }
.Ltmp10:
0xe4: {  	(pc) =	sbr.rel @p1 .LBB2_13-.Ltmp10, $2  }
0xe5: {  	_ =	sdelay $0x2  }
0xe6: {  	[tilespmem:s21+$0x2000] =	vst v6;
	s21 =	sshra.s32 s12, $0x2;
	s12 =	sadd.s32 $0x40, s12  }
0xe7: {  	_ =	sdelay $0x3  }
0xe8: {  	v5 =	vld.idx.msk [tilespmem:v5+s21+$0x0 ss:$0x1], $0xffff;
	_ =	sdelay $0x4  }
0xe9: {  	[tilespmem:s21+$0x1800] =	vst v5  }
0xea: {  	v4 =	vld.idx.msk [tilespmem:v4+s21+$0x0 ss:$0x1], $0xffff;
	_ =	sdelay $0x4  }
0xeb: {  	[tilespmem:s21+$0x2000] =	vst v4  }
.LBB2_15:
0xec: {  	_ =	swait.ge [sflag:s25], $0x400  }
0xed: {  	[sflag:s25] =	ssyncset.done $0x0  }
0xee: {  	s12 =	sshll.u32 s2, $0x1;
	[sflag:s25] =	ssyncadd.s32 $0xFFFFFC00  }
0xef: {  	s12 =	sadd.s32 $0x2, s12;
	_ =	swait.ge [sflag:s25], $0x400  }
0xf0: {  	p1 =	seq.s32 s12, $0x32;
	s12 =	sshll.u32 s12, $0xA;
	[sflag:s25] =	ssyncset.done $0x0  }
0xf1: {  	s12 =	simm.s32 @p1 $0x0;
	[sflag:s25] =	ssyncadd.s32 $0xFFFFFC00  }
0xf2: {  	s12 =	sadd.s32 s7, s12;
	_ =	swait.ge [sflag:s25], $0x400  }
0xf3: {  	s12 =	sshrl.u32 s12, $0x3;
	[sflag:s25] =	ssyncset.done $0x0  }
0xf4: {  	s23 =	simm.s32 $0x0;
	s21 =	sadd.s32 s4, s12;
	[sflag:s25] =	ssyncadd.s32 $0xFFFFFC00  }
0xf5: {  	[tilespmem:s23], [sflag:$0x1] =	stream.linear.gather [hbm4b:s21+s23], $0x400, $0x38;
	[tilespmem:$0x1EC80] =	vst v63  }
0xf6: {  	s9 =	sadd.s32 s6, s12  }
0xf7: {  	[tilespmem:s15], [sflag:$0x1] =	stream.linear.gather [hbm4b:s9+s23], $0x400, $0x38;
	[tilespmem:$0x1EC80] =	vst v63  }
0xf8: {  	s12 =	sadd.s32 s8, s12  }
0xf9: {  	[tilespmem:s16], [sflag:$0x1] =	stream.linear.gather [hbm4b:s12+s23], $0x400, $0x38;
	[tilespmem:$0x1EC80] =	vst v63  }
0xfa: {  	s23 =	simm.s32 $0x0  }
0xfb: {  	v4 =	vld [tilespmem:s23+$0x1000];
	_ =	sdelay $0x4  }
0xfc: {  	v5 =	vshra.s32 v4, $0xE  }
0xfd: {  	vm0 =	veq.s32 v5, v0  }
0xfe: {  	v5 =	vsel vm0, $0x1, v2  }
0xff: {  	(xrf0) =	vadd.scan.msk.s32 $0xffff, v5  }
0x100: {  	s13 =	sshll.u32 s13, $0x9  }
0x101: {  	s11 =	ssub.s32 s11, s13  }
0x102: {  	v5 =	vmov s11  }
0x103: {  	v5 =	vadd.s32 $0xFFFFFFFF, v5  }
0x104: {  	v5 =	vbroadcast v5, $0x0  }
0x105: {  	v6 =	vld [tilespmem:s23+$0x1400];
	v7, _, _ =	vpop (xrf0)  }
0x106: {  	v8 =	vld [tilespmem:s23+$0xC00];
	v5 =	vadd.s32 v7, v5;
	(v2sf) =	vpush v7, $0xF;
	_ =	sdelay $0x3  }
0x107: {  	v4 =	vand.u32 $0x3FFF, v4;
	v6 =	vshll.u32 v6, $0xE  }
0x108: {  	v4 =	vor.u32 v4, v6;
	[tilespmem:v5+s22+$0x0] =	vst.idx.msk vm0, v8  }
0x109: {  	s13 =	simm.s32 $0x10;
	s23 =	simm.s32 $0x80;
	[tilespmem:v5+s24+$0x0] =	vst.idx.msk vm0, v4  }
.LBB2_16:
0x10a: {  	p1 =	sne.s32 s23, $0xFC0;
	v4 =	vld [tilespmem:s13+$0x1000];
	_ =	sdelay $0x4  }
0x10b: {  	v5 =	vshra.s32 v4, $0xE;
	v4 =	vand.u32 $0x3FFF, v4  }
0x10c: {  	vm0 =	veq.s32 v5, v0  }
0x10d: {  	v5 =	vsel vm0, $0x1, v2  }
0x10e: {  	(xrf0) =	vadd.scan.msk.s32 $0xffff, v5;
	s12 =	spop (v2sf)  }
0x10f: {  	s11 =	sadd.s32 s11, s12  }
0x110: {  	v5 =	vmov s11  }
0x111: {  	v5 =	vadd.s32 $0xFFFFFFFF, v5  }
0x112: {  	v5 =	vbroadcast v5, $0x0;
	_ =	sdelay $0x1  }
0x113: {  	v6 =	vld [tilespmem:s13+$0x1400];
	v7, _, _ =	vpop (xrf0)  }
0x114: {  	v8 =	vld [tilespmem:s13+$0xC00];
	v5 =	vadd.s32 v7, v5;
	(v2sf) =	vpush v7, $0xF;
	_ =	sdelay $0x1  }
.Ltmp11:
0x115: {  	(pc) =	sbr.rel @p1 .LBB2_16-.Ltmp11, $4  }
0x116: {  	_ = 	snop  }
0x117: {  	v6 =	vshll.u32 v6, $0xE  }
0x118: {  	v4 =	vor.u32 v4, v6;
	[tilespmem:v5+s22+$0x0] =	vst.idx.msk vm0, v8  }
0x119: {  	s13 =	sshra.s32 s23, $0x2;
	s23 =	sadd.s32 $0x40, s23;
	[tilespmem:v5+s24+$0x0] =	vst.idx.msk vm0, v4  }
0x11a: {  	v4 =	vld [tilespmem:s13+$0x1000];
	_ =	sdelay $0x4  }
0x11b: {  	v5 =	vshra.s32 v4, $0xE  }
0x11c: {  	vm0 =	veq.s32 v5, v0  }
0x11d: {  	v5 =	vsel vm0, $0x1, v2  }
0x11e: {  	(xrf0) =	vadd.scan.msk.s32 $0xffff, v5;
	_ =	sdelay $0x5  }
0x11f: {  	v5, _, _ =	vpop (xrf0)  }
0x120: {  	(v2sf) =	vpush v5, $0xF;
	_ =	sdelay $0x9  }
0x121: {  	s12 =	spop (v2sf)  }
0x122: {  	s11 =	sadd.s32 s11, s12  }
0x123: {  	v6 =	vmov s11  }
0x124: {  	v6 =	vadd.s32 $0xFFFFFFFF, v6  }
0x125: {  	v6 =	vbroadcast v6, $0x0  }
0x126: {  	v7 =	vld [tilespmem:s13+$0x1400];
	s23 =	spop (v2sf)  }
0x127: {  	v8 =	vld [tilespmem:s13+$0xC00];
	v5 =	vadd.s32 v5, v6;
	s11 =	sadd.s32 s11, s23  }
0x128: {  	p1 =	slt.s32 s11, $0x200  }
.Ltmp12:
0x129: {  	_ = 	snop;
	(pc) =	sbr.rel @p1 .LBB2_24-.Ltmp12, $4  }
0x12a: {  	_ = 	snop  }
0x12b: {  	v4 =	vand.u32 $0x3FFF, v4;
	v63 =	vshll.u32 v7, $0xE  }
0x12c: {  	v4 =	vor.u32 v4, v63;
	[tilespmem:v5+s22+$0x0] =	vst.idx.msk vm0, v8  }
0x12d: {  	[tilespmem:v5+s24+$0x0] =	vst.idx.msk vm0, v4  }
0x12e: {  	s12 =	simm.s32 $0x0  }
0x12f: {  	v4 =	vld [tilespmem:s12+$0x2000]  }
0x130: {  	s13 =	simm.s32 $0x40;
	v5 =	vld [tilespmem:s12+$0x1800]  }
.LBB2_19:
0x131: {  	p1 =	sne.s32 s13, $0x7C0  }
.Ltmp13:
0x132: {  	_ = 	snop;
	(pc) =	sbr.rel @p1 .LBB2_19-.Ltmp13, $4  }
0x133: {  	_ = 	snop  }
0x134: {  	s21 =	sshra.s32 s13, $0x2;
	s13 =	sadd.s32 $0x40, s13;
	[tilespmem:s12+$0x2A00] =	vst v4  }
0x135: {  	v4 =	vld [tilespmem:s21+$0x2000];
	[tilespmem:s12+$0x2800] =	vst v5;
	s12 =	smov.u32 s21  }
0x136: {  	v5 =	vld [tilespmem:s12+$0x1800]  }
0x137: {  	_ =	sdelay $0x2  }
0x138: {  	[tilespmem:s12+$0x2A00] =	vst v4  }
0x139: {  	[tilespmem:s12+$0x2800] =	vst v5  }
0x13a: {  	[tilespmem:s30], [sflag:$0x3] =	stream.indirect.gather [hbm4b:s3+s26], $0x20, s29, s26, $0xb8;
	[tilespmem:$0x1EC80] =	vst v63  }
0x13b: {  	_ =	swait.ge [sflag:s31], $0x4000  }
0x13c: {  	p1 =	slt.u32 s11, $0x400;
	[sflag:s31] =	ssyncset.done $0x0  }
.Ltmp14:
0x13d: {  	[sflag:s31] =	ssyncadd.s32 $0xFFFFC000;
	(pc) =	sbr.rel @p1 .LBB2_24-.Ltmp14, $4  }
0x13e: {  	[spmem:s1] =	stream.indirect.scatter.add.bf16 [tilespmem:s30], [sflag:$0x4], $0x20, s0, s26, $0xb8;
	[tilespmem:$0x1EC80] =	vst v63  }
0x13f: {  	_ =	swait.ge [sflag:s5], $0x4000  }
0x140: {  	[sflag:s5] =	ssyncset.done $0x0  }
0x141: {  	[sflag:s5] =	ssyncadd.s32 $0xFFFFC000  }
0x142: {  	s12 =	simm.s32 $0x0  }
0x143: {  	v4 =	vld [tilespmem:s12+$0x2200]  }
0x144: {  	s13 =	simm.s32 $0x40;
	v5 =	vld [tilespmem:s12+$0x1A00]  }
.LBB2_22:
0x145: {  	p1 =	sne.s32 s13, $0x7C0  }
.Ltmp15:
0x146: {  	_ = 	snop;
	(pc) =	sbr.rel @p1 .LBB2_22-.Ltmp15, $4  }
0x147: {  	_ = 	snop  }
0x148: {  	s21 =	sshra.s32 s13, $0x2;
	s13 =	sadd.s32 $0x40, s13;
	[tilespmem:s12+$0x2A00] =	vst v4  }
0x149: {  	v4 =	vld [tilespmem:s21+$0x2200];
	[tilespmem:s12+$0x2800] =	vst v5;
	s12 =	smov.u32 s21  }
0x14a: {  	v5 =	vld [tilespmem:s12+$0x1A00]  }
0x14b: {  	_ =	sdelay $0x2  }
0x14c: {  	[tilespmem:s12+$0x2A00] =	vst v4  }
0x14d: {  	[tilespmem:s12+$0x2800] =	vst v5  }
0x14e: {  	[tilespmem:s30], [sflag:$0x3] =	stream.indirect.gather [hbm4b:s3+s26], $0x20, s29, s26, $0xb8;
	[tilespmem:$0x1EC80] =	vst v63  }
0x14f: {  	_ =	swait.ge [sflag:s31], $0x4000  }
0x150: {  	[sflag:s31] =	ssyncset.done $0x0  }
0x151: {  	[sflag:s31] =	ssyncadd.s32 $0xFFFFC000  }
0x152: {  	[spmem:s1] =	stream.indirect.scatter.add.bf16 [tilespmem:s30], [sflag:$0x4], $0x20, s0, s26, $0xb8;
	[tilespmem:$0x1EC80] =	vst v63  }
0x153: {  	_ =	swait.ge [sflag:s5], $0x4000  }
0x154: {  	[sflag:s5] =	ssyncset.done $0x0  }
0x155: {  	[sflag:s5] =	ssyncadd.s32 $0xFFFFC000  }
.LBB2_24:
0x156: {  	s12 =	sand.u32 $0x1FF, s11  }
0x157: {  	s13 =	sshra.s32 s11, $0x1F;
	p1 =	slt.s32 s11, $0x1;
	p2 =	sne.s32 s12, $0x0  }
0x158: {  	s23 =	sshrl.u32 s13, $0x17;
	p1 =	por !p1, !p2  }
0x159: {  	s13 =	simm.s32 $0x1;
	s12 =	sadd.s32 s23, s11;
	p1 =	por !p1, !p1  }
0x15a: {  	s12 =	sshra.s32 s12, $0x9;
	s13 =	simm.s32 @!p1 $0x0  }
0x15b: {  	s13 =	ssub.s32 s12, s13  }
0x15c: {  	p1 =	slt.s32 s13, $0x1  }
.Ltmp16:
0x15d: {  	_ = 	snop;
	(pc) =	sbr.rel @p1 .LBB2_28-.Ltmp16, $1  }
0x15e: {  	_ =	sdelay $0x3  }
0x15f: {  	s12 =	sshll.u32 s13, $0xB  }
0x160: {  	s12 =	sshra.s32 s12, $0x2  }
0x161: {  	s21 =	sadd.s32 $0x2000, s12;
	s12 =	sadd.s32 $0x1800, s12  }
0x162: {  	v5 =	vmov s12;
	_ =	sdelay $0x3  }
0x163: {  	v4 =	vmov s21;
	s21 =	simm.s32 $0x0;
	s12 =	simm.s32 $0x40  }
.LBB2_26:
0x164: {  	p1 =	sne.s32 s12, $0x7C0;
	v6 =	vld.idx.msk [tilespmem:v5+s21+$0x0 ss:$0x1], $0xffff;
	_ =	sdelay $0x5  }
0x165: {  	[tilespmem:s21+$0x1800] =	vst v6  }
0x166: {  	v6 =	vld.idx.msk [tilespmem:v4+s21+$0x0 ss:$0x1], $0xffff;
	_ =	sdelay $0x1  }
.Ltmp17:
0x167: {  	(pc) =	sbr.rel @p1 .LBB2_26-.Ltmp17, $2  }
0x168: {  	_ =	sdelay $0x2  }
0x169: {  	[tilespmem:s21+$0x2000] =	vst v6;
	s21 =	sshra.s32 s12, $0x2;
	s12 =	sadd.s32 $0x40, s12  }
0x16a: {  	_ =	sdelay $0x3  }
0x16b: {  	v5 =	vld.idx.msk [tilespmem:v5+s21+$0x0 ss:$0x1], $0xffff;
	_ =	sdelay $0x4  }
0x16c: {  	[tilespmem:s21+$0x1800] =	vst v5  }
0x16d: {  	v4 =	vld.idx.msk [tilespmem:v4+s21+$0x0 ss:$0x1], $0xffff  }
.Ltmp18:
0x16e: {  	_ = 	snop;
	(pc) =	sbr.rel .LBB2_28-.Ltmp18, $2  }
0x16f: {  	_ =	sdelay $0x2  }
0x170: {  	[tilespmem:s21+$0x2000] =	vst v4  }
.LBB2_29:
0x171: {  	_ =	swait.ge [sflag:s17], $0x400  }
0x172: {  	[sflag:s17] =	ssyncset.done $0x0  }
0x173: {  	[sflag:s17] =	ssyncadd.s32 $0xFFFFFC00  }
0x174: {  	p1 =	slt.s32 s11, $0x1;
	_ =	swait.ge [sflag:s17], $0x400  }
.Ltmp19:
0x175: {  	[sflag:s17] =	ssyncset.done $0x0;
	(pc) =	sbr.rel @p1 .LBB2_33-.Ltmp19, $4  }
0x176: {  	[sflag:s17] =	ssyncadd.s32 $0xFFFFFC00  }
0x177: {  	_ =	swait.ge [sflag:s17], $0x400  }
0x178: {  	[sflag:s17] =	ssyncset.done $0x0  }
0x179: {  	[sflag:s17] =	ssyncadd.s32 $0xFFFFFC00  }
0x17a: {  	s2 =	simm.s32 $0x1800  }
0x17b: {  	v5 =	vld [tilespmem:s2+$0x0];
	_ =	sdelay $0x1  }
0x17c: {  	s12 =	simm.s32 $0x0  }
0x17d: {  	v4 =	vmov s11;
	v6 =	vor.u32 s12, v3  }
0x17e: {  	vm0 =	vlt.s32 v6, v4  }
0x17f: {  	s11 =	simm.s32 $0x2800;
	v5 =	vnsel vm0, $0x0, v5  }
0x180: {  	s13 =	simm.s32 $0x2000;
	[tilespmem:s11+$0x0] =	vst v5  }
0x181: {  	v5 =	vld [tilespmem:s13+$0x0];
	_ =	sdelay $0x3  }
0x182: {  	s9 =	smov.u32 s28  }
0x183: {  	s21 =	simm.s32 $0x10;
	s23 =	simm.s32 $0x2A10;
	s12 =	simm.s32 $0x2A00;
	v5 =	vnsel vm0, $0xC000, v5  }
.LBB2_31:
0x184: {  	[tilespmem:s12+$0x0] =	vst v5;
	s2 =	sadd.s32 $0x10, s2;
	s11 =	sadd.s32 $0x10, s11;
	s13 =	sadd.s32 $0x10, s13  }
0x185: {  	p1 =	sne.s32 s21, $0x1F0;
	s28 =	smov.u32 s21;
	s21 =	sadd.s32 $0x10, s21;
	v5 =	vld [tilespmem:s2+$0x0]  }
0x186: {  	s12 =	smov.u32 s23;
	_ =	sdelay $0x1  }
0x187: {  	v6 =	vor.u32 s28, v3  }
0x188: {  	vm0 =	vlt.s32 v6, v4  }
0x189: {  	v5 =	vnsel vm0, $0x0, v5  }
0x18a: {  	[tilespmem:s11+$0x0] =	vst v5  }
0x18b: {  	v5 =	vld [tilespmem:s13+$0x0]  }
.Ltmp20:
0x18c: {  	(pc) =	sbr.rel @p1 .LBB2_31-.Ltmp20, $2  }
0x18d: {  	_ =	sdelay $0x2  }
0x18e: {  	s23 =	sadd.s32 $0x10, s23;
	v5 =	vnsel vm0, $0xC000, v5  }
0x18f: {  	[tilespmem:s12+$0x0] =	vst v5  }
0x190: {  	[tilespmem:s30], [sflag:$0x3] =	stream.indirect.gather [hbm4b:s3+s26], $0x20, s29, s26, $0xb8;
	[tilespmem:$0x1EC80] =	vst v63  }
0x191: {  	_ =	swait.ge [sflag:s31], $0x4000  }
0x192: {  	[sflag:s31] =	ssyncset.done $0x0  }
0x193: {  	[sflag:s31] =	ssyncadd.s32 $0xFFFFC000  }
0x194: {  	[spmem:s1] =	stream.indirect.scatter.add.bf16 [tilespmem:s30], [sflag:$0x4], $0x20, s0, s26, $0xb8;
	[tilespmem:$0x1EC80] =	vst v63  }
0x195: {  	_ =	swait.ge [sflag:s5], $0x4000  }
0x196: {  	[sflag:s5] =	ssyncset.done $0x0  }
0x197: {  	s28 =	smov.u32 s9;
	[sflag:s5] =	ssyncadd.s32 $0xFFFFC000  }
.LBB2_33:
0x198: {  	[bflag:$0x0] =	sbarrier.arrive $0xFFFF  }
0x199: {  	s2 =	rddreg [dreg:$0x12]  }
0x19a: {  	s9 =	rddreg [dreg:$0xe]  }
0x19b: {  	s12 =	rddreg [dreg:$0x8];
	s11 =	sshrl.u32 s9, $0x3  }
0x19c: {  	s2 =	sor.u32 $0x1C04, s2;
	[smem:$0x7FA] =	sst s11  }
0x19d: {  	[hbm:s12], [sflag:s2] =	dma.local [spmem:s11], $0x1000  }
0x19e: {  	_ =	swait.ge [sflag:s5], $0x1000  }
0x19f: {  	s13 =	rddreg [dreg:$0x11]  }
0x1a0: {  	[sflag:s5] =	ssyncset.done $0x0;
	s23 =	rddreg [dreg:$0x9];
	s21 =	sshrl.u32 s13, $0x3  }
0x1a1: {  	[sflag:s5] =	ssyncadd.s32 $0xFFFFF000;
	[smem:$0x7FB] =	sst s21  }
0x1a2: {  	[hbm:s23], [sflag:s2] =	dma.local [spmem:s21], $0x1000  }
0x1a3: {  	_ =	swait.ge [sflag:s5], $0x1000  }
0x1a4: {  	s11 =	rddreg [dreg:$0x13]  }
0x1a5: {  	[sflag:s5] =	ssyncset.done $0x0;
	s13 =	rddreg [dreg:$0xa];
	s12 =	sshrl.u32 s11, $0x3  }
0x1a6: {  	[sflag:s5] =	ssyncadd.s32 $0xFFFFF000;
	[smem:$0x7FC] =	sst s12  }
0x1a7: {  	[hbm:s13], [sflag:s2] =	dma.local [spmem:s12], $0x1000  }
0x1a8: {  	_ =	swait.ge [sflag:s5], $0x1000  }
0x1a9: {  	[sflag:s5] =	ssyncset.done $0x0  }
0x1aa: {  	[sflag:s5] =	ssyncadd.s32 $0xFFFFF000  }
0x1ab: {  	[bflag:$0x0] =	sbarrier.arrive $0xFFFF  }
0x1ac: {  	s9 =	rddreg [dreg:$0x3]  }
0x1ad: {  	s11 =	rddreg [dreg:$0x14]  }
0x1ae: {  	[spmem:s28], [sflag:s11] =	dma.local [hbm:s9], $0x800  }
0x1af: {  	_ =	swait.ge [sflag:s10], $0x800  }
0x1b0: {  	[sflag:s10] =	ssyncset.done $0x0  }
0x1b1: {  	s12 =	rddreg [dreg:$0x1b];
	[sflag:s10] =	ssyncadd.s32 $0xFFFFF800  }
0x1b2: {  	[spmem:s12], [sflag:s11] =	dma.local [hbm:s9], $0x800  }
0x1b3: {  	_ =	swait.ge [sflag:s10], $0x800  }
0x1b4: {  	[sflag:s10] =	ssyncset.done $0x0  }
0x1b5: {  	s21 =	rddreg [dreg:$0x1c];
	[sflag:s10] =	ssyncadd.s32 $0xFFFFF800  }
0x1b6: {  	[spmem:s21], [sflag:s11] =	dma.local [hbm:s9], $0x800  }
0x1b7: {  	_ =	swait.ge [sflag:s10], $0x800  }
0x1b8: {  	[sflag:s10] =	ssyncset.done $0x0  }
0x1b9: {  	s23 =	rddreg [dreg:$0x1d];
	[sflag:s10] =	ssyncadd.s32 $0xFFFFF800  }
0x1ba: {  	[spmem:s23], [sflag:s11] =	dma.local [hbm:s9], $0x800  }
0x1bb: {  	_ =	swait.ge [sflag:s10], $0x800  }
0x1bc: {  	[sflag:s10] =	ssyncset.done $0x0  }
0x1bd: {  	s28 =	rddreg [dreg:$0x1e];
	[sflag:s10] =	ssyncadd.s32 $0xFFFFF800  }
0x1be: {  	[spmem:s28], [sflag:s11] =	dma.local [hbm:s9], $0x800  }
0x1bf: {  	_ =	swait.ge [sflag:s10], $0x800  }
0x1c0: {  	[sflag:s10] =	ssyncset.done $0x0  }
0x1c1: {  	s13 =	rddreg [dreg:$0x1f];
	[sflag:s10] =	ssyncadd.s32 $0xFFFFF800  }
0x1c2: {  	[spmem:s13], [sflag:s11] =	dma.local [hbm:s9], $0x800  }
0x1c3: {  	_ =	swait.ge [sflag:s10], $0x800  }
0x1c4: {  	s11 =	sld [smem:$0x7FD]  }
0x1c5: {  	[sflag:s10] =	ssyncset.done $0x0  }
0x1c6: {  	[sflag:s10] =	ssyncadd.s32 $0xFFFFF800  }
0x1c7: {  	[spmem:s11], [sflag:s2] =	dma.local @!p0 [hbm:s9], $0x100  }
0x1c8: {  	s11 =	simm.s32 @!p0 $0x4  }
0x1c9: {  	_ =	swait.ge @!p0 [sflag:s11], $0x100  }
0x1ca: {  	[sflag:s11] =	ssyncset.done @!p0 $0x0  }
0x1cb: {  	[sflag:s11] =	ssyncadd.s32 @!p0 $0xFFFFFF00  }
0x1cc: {  	[bflag:$0x0] =	sbarrier.arrive $0xFFFF  }
0x1cd: {  	s12 =	simm.s32 $0x0;
	s21 =	rddreg [dreg:$0x5]  }
0x1ce: {  	[tilespmem:s12], [sflag:$0x1] =	stream.linear.gather [hbm4b:s21+s12], $0x400, $0x38;
	[tilespmem:$0x1EC80] =	vst v63  }
.Ltmp21:
0x1cf: {  	_ = 	snop;
	(pc) =	sbr.rel .LBB2_34-.Ltmp21, $4  }
0x1d0: {  	s23 =	rddreg [dreg:$0x6]  }
0x1d1: {  	[tilespmem:s15], [sflag:$0x1] =	stream.linear.gather [hbm4b:s23+s12], $0x400, $0x38;
	[tilespmem:$0x1EC80] =	vst v63  }
0x1d2: {  	s13 =	simm.s32 $0x0;
	s28 =	rddreg [dreg:$0x7];
	s23 =	simm.s32 $0x0  }
0x1d3: {  	[tilespmem:s16], [sflag:$0x1] =	stream.linear.gather [hbm4b:s28+s12], $0x400, $0x38;
	[tilespmem:$0x1EC80] =	vst v63  }
.LBB2_60:
0x1d4: {  	s13 =	sadd.s32 $0x1, s13  }
0x1d5: {  	p1 =	sne.s32 s13, $0x19  }
.Ltmp22:
0x1d6: {  	_ = 	snop;
	(pc) =	sbr.rel @!p1 .LBB2_61-.Ltmp22, $3  }
0x1d7: {  	_ =	sdelay $0x1  }
0x1d8: {  	s9 =	sshll.u32 s11, $0x9  }
0x1d9: {  	s23 =	ssub.s32 s23, s9  }
.LBB2_34:
0x1da: {  	_ =	swait.ge [sflag:s17], $0x400  }
0x1db: {  	[sflag:s17] =	ssyncset.done $0x0  }
0x1dc: {  	[sflag:s17] =	ssyncadd.s32 $0xFFFFFC00  }
0x1dd: {  	_ =	swait.ge [sflag:s17], $0x400  }
0x1de: {  	[sflag:s17] =	ssyncset.done $0x0  }
0x1df: {  	s11 =	sshll.u32 s13, $0xB;
	[sflag:s17] =	ssyncadd.s32 $0xFFFFFC00  }
0x1e0: {  	s11 =	sadd.s32 s11, s14;
	_ =	swait.ge [sflag:s17], $0x400  }
0x1e1: {  	s11 =	sshrl.u32 s11, $0x3;
	[sflag:s17] =	ssyncset.done $0x0  }
0x1e2: {  	s21 =	sadd.s32 s4, s11;
	[sflag:s17] =	ssyncadd.s32 $0xFFFFFC00  }
0x1e3: {  	[tilespmem:s18], [sflag:$0x2] =	stream.linear.gather [hbm4b:s21+s12], $0x400, $0x38;
	[tilespmem:$0x1EC80] =	vst v63  }
0x1e4: {  	s9 =	sadd.s32 s6, s11  }
0x1e5: {  	[tilespmem:s19], [sflag:$0x2] =	stream.linear.gather [hbm4b:s9+s12], $0x400, $0x38;
	[tilespmem:$0x1EC80] =	vst v63  }
0x1e6: {  	s28 =	simm.s32 $0x0;
	s11 =	sadd.s32 s8, s11  }
0x1e7: {  	[tilespmem:s20], [sflag:$0x2] =	stream.linear.gather [hbm4b:s11+s12], $0x400, $0x38;
	[tilespmem:$0x1EC80] =	vst v63  }
0x1e8: {  	v4 =	vld [tilespmem:s28+$0x400];
	_ =	sdelay $0x4  }
0x1e9: {  	v5 =	vshra.s32 v4, $0xE  }
0x1ea: {  	vm0 =	veq.s32 v5, v1  }
0x1eb: {  	v5 =	vsel vm0, $0x1, v2  }
0x1ec: {  	(xrf0) =	vadd.scan.msk.s32 $0xffff, v5;
	_ =	sdelay $0x2  }
0x1ed: {  	v5 =	vmov s23  }
0x1ee: {  	v5 =	vadd.s32 $0xFFFFFFFF, v5  }
0x1ef: {  	v5 =	vbroadcast v5, $0x0  }
0x1f0: {  	v6 =	vld [tilespmem:s28+$0x800];
	v7, _, _ =	vpop (xrf0)  }
0x1f1: {  	v8 =	vld [tilespmem:s28+$0x0];
	v5 =	vadd.s32 v7, v5;
	(v2sf) =	vpush v7, $0xF;
	_ =	sdelay $0x3  }
0x1f2: {  	v4 =	vand.u32 $0x3FFF, v4;
	v6 =	vshll.u32 v6, $0xE  }
0x1f3: {  	v4 =	vor.u32 v4, v6;
	[tilespmem:v5+s22+$0x0] =	vst.idx.msk vm0, v8  }
0x1f4: {  	s21 =	simm.s32 $0x80;
	s11 =	simm.s32 $0x10;
	[tilespmem:v5+s24+$0x0] =	vst.idx.msk vm0, v4  }
.LBB2_35:
0x1f5: {  	p1 =	sne.s32 s21, $0xFC0;
	v4 =	vld [tilespmem:s11+$0x400];
	_ =	sdelay $0x4  }
0x1f6: {  	v5 =	vshra.s32 v4, $0xE;
	v4 =	vand.u32 $0x3FFF, v4  }
0x1f7: {  	vm0 =	veq.s32 v5, v1  }
0x1f8: {  	v5 =	vsel vm0, $0x1, v2  }
0x1f9: {  	(xrf0) =	vadd.scan.msk.s32 $0xffff, v5;
	s28 =	spop (v2sf)  }
0x1fa: {  	s23 =	sadd.s32 s23, s28  }
0x1fb: {  	v5 =	vmov s23  }
0x1fc: {  	v5 =	vadd.s32 $0xFFFFFFFF, v5  }
0x1fd: {  	v5 =	vbroadcast v5, $0x0;
	_ =	sdelay $0x1  }
0x1fe: {  	v6 =	vld [tilespmem:s11+$0x800];
	v7, _, _ =	vpop (xrf0)  }
0x1ff: {  	v8 =	vld [tilespmem:s11+$0x0];
	v5 =	vadd.s32 v7, v5;
	(v2sf) =	vpush v7, $0xF;
	_ =	sdelay $0x1  }
.Ltmp23:
0x200: {  	(pc) =	sbr.rel @p1 .LBB2_35-.Ltmp23, $4  }
0x201: {  	_ = 	snop  }
0x202: {  	v6 =	vshll.u32 v6, $0xE  }
0x203: {  	v4 =	vor.u32 v4, v6;
	[tilespmem:v5+s22+$0x0] =	vst.idx.msk vm0, v8  }
0x204: {  	s11 =	sshra.s32 s21, $0x2;
	s21 =	sadd.s32 $0x40, s21;
	[tilespmem:v5+s24+$0x0] =	vst.idx.msk vm0, v4  }
0x205: {  	v4 =	vld [tilespmem:s11+$0x400];
	_ =	sdelay $0x4  }
0x206: {  	v5 =	vshra.s32 v4, $0xE  }
0x207: {  	vm0 =	veq.s32 v5, v1  }
0x208: {  	v5 =	vsel vm0, $0x1, v2  }
0x209: {  	(xrf0) =	vadd.scan.msk.s32 $0xffff, v5;
	_ =	sdelay $0x5  }
0x20a: {  	v5, _, _ =	vpop (xrf0)  }
0x20b: {  	(v2sf) =	vpush v5, $0xF;
	_ =	sdelay $0x9  }
0x20c: {  	s21 =	spop (v2sf)  }
0x20d: {  	s21 =	sadd.s32 s23, s21  }
0x20e: {  	v6 =	vmov s21  }
0x20f: {  	v6 =	vadd.s32 $0xFFFFFFFF, v6  }
0x210: {  	v6 =	vbroadcast v6, $0x0  }
0x211: {  	v7 =	vld [tilespmem:s11+$0x800];
	s28 =	spop (v2sf)  }
0x212: {  	v8 =	vld [tilespmem:s11+$0x0];
	v5 =	vadd.s32 v5, v6;
	s23 =	sadd.s32 s21, s28  }
0x213: {  	p1 =	slt.s32 s23, $0x200  }
.Ltmp24:
0x214: {  	_ = 	snop;
	(pc) =	sbr.rel @p1 .LBB2_43-.Ltmp24, $4  }
0x215: {  	_ = 	snop  }
0x216: {  	v4 =	vand.u32 $0x3FFF, v4;
	v63 =	vshll.u32 v7, $0xE  }
0x217: {  	v4 =	vor.u32 v4, v63;
	[tilespmem:v5+s22+$0x0] =	vst.idx.msk vm0, v8  }
0x218: {  	[tilespmem:v5+s24+$0x0] =	vst.idx.msk vm0, v4  }
0x219: {  	s11 =	simm.s32 $0x0  }
0x21a: {  	v4 =	vld [tilespmem:s11+$0x2000]  }
0x21b: {  	s21 =	simm.s32 $0x40;
	v5 =	vld [tilespmem:s11+$0x1800]  }
.LBB2_38:
0x21c: {  	p1 =	sne.s32 s21, $0x7C0  }
.Ltmp25:
0x21d: {  	_ = 	snop;
	(pc) =	sbr.rel @p1 .LBB2_38-.Ltmp25, $4  }
0x21e: {  	_ = 	snop  }
0x21f: {  	s28 =	sshra.s32 s21, $0x2;
	s21 =	sadd.s32 $0x40, s21;
	[tilespmem:s11+$0x2A00] =	vst v4  }
0x220: {  	v4 =	vld [tilespmem:s28+$0x2000];
	[tilespmem:s11+$0x2800] =	vst v5;
	s11 =	smov.u32 s28  }
0x221: {  	v5 =	vld [tilespmem:s11+$0x1800]  }
0x222: {  	_ =	sdelay $0x2  }
0x223: {  	[tilespmem:s11+$0x2A00] =	vst v4  }
0x224: {  	[tilespmem:s11+$0x2800] =	vst v5  }
0x225: {  	[tilespmem:s30], [sflag:$0x3] =	stream.indirect.gather [hbm4b:s3+s26], $0x20, s29, s26, $0xb8;
	[tilespmem:$0x1EC80] =	vst v63  }
0x226: {  	_ =	swait.ge [sflag:s31], $0x4000  }
0x227: {  	p1 =	slt.u32 s23, $0x400;
	[sflag:s31] =	ssyncset.done $0x0  }
.Ltmp26:
0x228: {  	[sflag:s31] =	ssyncadd.s32 $0xFFFFC000;
	(pc) =	sbr.rel @p1 .LBB2_43-.Ltmp26, $4  }
0x229: {  	[spmem:s1] =	stream.indirect.scatter.add.bf16 [tilespmem:s30], [sflag:$0x4], $0x20, s0, s26, $0xb8;
	[tilespmem:$0x1EC80] =	vst v63  }
0x22a: {  	_ =	swait.ge [sflag:s5], $0x4000  }
0x22b: {  	[sflag:s5] =	ssyncset.done $0x0  }
0x22c: {  	[sflag:s5] =	ssyncadd.s32 $0xFFFFC000  }
0x22d: {  	s11 =	simm.s32 $0x0  }
0x22e: {  	v4 =	vld [tilespmem:s11+$0x2200]  }
0x22f: {  	s21 =	simm.s32 $0x40;
	v5 =	vld [tilespmem:s11+$0x1A00]  }
.LBB2_41:
0x230: {  	p1 =	sne.s32 s21, $0x7C0  }
.Ltmp27:
0x231: {  	_ = 	snop;
	(pc) =	sbr.rel @p1 .LBB2_41-.Ltmp27, $4  }
0x232: {  	_ = 	snop  }
0x233: {  	s28 =	sshra.s32 s21, $0x2;
	s21 =	sadd.s32 $0x40, s21;
	[tilespmem:s11+$0x2A00] =	vst v4  }
0x234: {  	v4 =	vld [tilespmem:s28+$0x2200];
	[tilespmem:s11+$0x2800] =	vst v5;
	s11 =	smov.u32 s28  }
0x235: {  	v5 =	vld [tilespmem:s11+$0x1A00]  }
0x236: {  	_ =	sdelay $0x2  }
0x237: {  	[tilespmem:s11+$0x2A00] =	vst v4  }
0x238: {  	[tilespmem:s11+$0x2800] =	vst v5  }
0x239: {  	[tilespmem:s30], [sflag:$0x3] =	stream.indirect.gather [hbm4b:s3+s26], $0x20, s29, s26, $0xb8;
	[tilespmem:$0x1EC80] =	vst v63  }
0x23a: {  	_ =	swait.ge [sflag:s31], $0x4000  }
0x23b: {  	[sflag:s31] =	ssyncset.done $0x0  }
0x23c: {  	[sflag:s31] =	ssyncadd.s32 $0xFFFFC000  }
0x23d: {  	[spmem:s1] =	stream.indirect.scatter.add.bf16 [tilespmem:s30], [sflag:$0x4], $0x20, s0, s26, $0xb8;
	[tilespmem:$0x1EC80] =	vst v63  }
0x23e: {  	_ =	swait.ge [sflag:s5], $0x4000  }
0x23f: {  	[sflag:s5] =	ssyncset.done $0x0  }
0x240: {  	[sflag:s5] =	ssyncadd.s32 $0xFFFFC000  }
.LBB2_43:
0x241: {  	s11 =	sand.u32 $0x1FF, s23  }
0x242: {  	s21 =	sshra.s32 s23, $0x1F;
	p1 =	slt.s32 s23, $0x1;
	p2 =	sne.s32 s11, $0x0  }
0x243: {  	s28 =	sshrl.u32 s21, $0x17;
	p1 =	por !p1, !p2  }
0x244: {  	s21 =	simm.s32 $0x1;
	s11 =	sadd.s32 s28, s23;
	p1 =	por !p1, !p1  }
0x245: {  	s11 =	sshra.s32 s11, $0x9;
	s21 =	simm.s32 @!p1 $0x0  }
0x246: {  	s11 =	ssub.s32 s11, s21  }
0x247: {  	p1 =	slt.s32 s11, $0x1  }
.Ltmp28:
0x248: {  	_ = 	snop;
	(pc) =	sbr.rel @p1 .LBB2_47-.Ltmp28, $1  }
0x249: {  	_ =	sdelay $0x3  }
0x24a: {  	s21 =	sshll.u32 s11, $0xB  }
0x24b: {  	s21 =	sshra.s32 s21, $0x2  }
0x24c: {  	s28 =	sadd.s32 $0x2000, s21;
	s21 =	sadd.s32 $0x1800, s21  }
0x24d: {  	v5 =	vmov s21;
	_ =	sdelay $0x3  }
0x24e: {  	v4 =	vmov s28;
	s21 =	simm.s32 $0x0;
	s28 =	simm.s32 $0x40  }
.LBB2_45:
0x24f: {  	p1 =	sne.s32 s28, $0x7C0;
	v6 =	vld.idx.msk [tilespmem:v5+s21+$0x0 ss:$0x1], $0xffff;
	_ =	sdelay $0x5  }
0x250: {  	[tilespmem:s21+$0x1800] =	vst v6  }
0x251: {  	v6 =	vld.idx.msk [tilespmem:v4+s21+$0x0 ss:$0x1], $0xffff;
	_ =	sdelay $0x1  }
.Ltmp29:
0x252: {  	(pc) =	sbr.rel @p1 .LBB2_45-.Ltmp29, $2  }
0x253: {  	_ =	sdelay $0x2  }
0x254: {  	[tilespmem:s21+$0x2000] =	vst v6;
	s21 =	sshra.s32 s28, $0x2;
	s28 =	sadd.s32 $0x40, s28  }
0x255: {  	_ =	sdelay $0x3  }
0x256: {  	v5 =	vld.idx.msk [tilespmem:v5+s21+$0x0 ss:$0x1], $0xffff;
	_ =	sdelay $0x4  }
0x257: {  	[tilespmem:s21+$0x1800] =	vst v5  }
0x258: {  	v4 =	vld.idx.msk [tilespmem:v4+s21+$0x0 ss:$0x1], $0xffff;
	_ =	sdelay $0x4  }
0x259: {  	[tilespmem:s21+$0x2000] =	vst v4  }
.LBB2_47:
0x25a: {  	_ =	swait.ge [sflag:s25], $0x400  }
0x25b: {  	[sflag:s25] =	ssyncset.done $0x0  }
0x25c: {  	s21 =	sshll.u32 s13, $0x1;
	[sflag:s25] =	ssyncadd.s32 $0xFFFFFC00  }
0x25d: {  	s21 =	sadd.s32 $0x2, s21;
	_ =	swait.ge [sflag:s25], $0x400  }
0x25e: {  	p1 =	seq.s32 s21, $0x32;
	s21 =	sshll.u32 s21, $0xA;
	[sflag:s25] =	ssyncset.done $0x0  }
0x25f: {  	s21 =	simm.s32 @p1 $0x0;
	[sflag:s25] =	ssyncadd.s32 $0xFFFFFC00  }
0x260: {  	s21 =	sadd.s32 s7, s21;
	_ =	swait.ge [sflag:s25], $0x400  }
0x261: {  	s21 =	sshrl.u32 s21, $0x3;
	[sflag:s25] =	ssyncset.done $0x0  }
0x262: {  	s9 =	simm.s32 $0x0;
	s28 =	sadd.s32 s4, s21;
	[sflag:s25] =	ssyncadd.s32 $0xFFFFFC00  }
0x263: {  	[tilespmem:s9], [sflag:$0x1] =	stream.linear.gather [hbm4b:s28+s9], $0x400, $0x38;
	[tilespmem:$0x1EC80] =	vst v63  }
0x264: {  	s28 =	sadd.s32 s6, s21  }
0x265: {  	[tilespmem:s15], [sflag:$0x1] =	stream.linear.gather [hbm4b:s28+s9], $0x400, $0x38;
	[tilespmem:$0x1EC80] =	vst v63  }
0x266: {  	s21 =	sadd.s32 s8, s21;
	s28 =	simm.s32 $0x0  }
0x267: {  	[tilespmem:s16], [sflag:$0x1] =	stream.linear.gather [hbm4b:s21+s9], $0x400, $0x38;
	[tilespmem:$0x1EC80] =	vst v63  }
0x268: {  	v4 =	vld [tilespmem:s28+$0x1000];
	_ =	sdelay $0x4  }
0x269: {  	v5 =	vshra.s32 v4, $0xE  }
0x26a: {  	vm0 =	veq.s32 v5, v1  }
0x26b: {  	v5 =	vsel vm0, $0x1, v2  }
0x26c: {  	(xrf0) =	vadd.scan.msk.s32 $0xffff, v5  }
0x26d: {  	s11 =	sshll.u32 s11, $0x9  }
0x26e: {  	s11 =	ssub.s32 s23, s11  }
0x26f: {  	v5 =	vmov s11  }
0x270: {  	v5 =	vadd.s32 $0xFFFFFFFF, v5  }
0x271: {  	v5 =	vbroadcast v5, $0x0  }
0x272: {  	v6 =	vld [tilespmem:s28+$0x1400];
	v7, _, _ =	vpop (xrf0)  }
0x273: {  	v8 =	vld [tilespmem:s28+$0xC00];
	v5 =	vadd.s32 v7, v5;
	(v2sf) =	vpush v7, $0xF;
	_ =	sdelay $0x3  }
0x274: {  	v4 =	vand.u32 $0x3FFF, v4;
	v6 =	vshll.u32 v6, $0xE  }
0x275: {  	v4 =	vor.u32 v4, v6;
	[tilespmem:v5+s22+$0x0] =	vst.idx.msk vm0, v8  }
0x276: {  	s23 =	simm.s32 $0x10;
	s21 =	simm.s32 $0x80;
	[tilespmem:v5+s24+$0x0] =	vst.idx.msk vm0, v4  }
.LBB2_48:
0x277: {  	p1 =	sne.s32 s21, $0xFC0;
	v4 =	vld [tilespmem:s23+$0x1000];
	_ =	sdelay $0x4  }
0x278: {  	v5 =	vshra.s32 v4, $0xE;
	v4 =	vand.u32 $0x3FFF, v4  }
0x279: {  	vm0 =	veq.s32 v5, v1  }
0x27a: {  	v5 =	vsel vm0, $0x1, v2  }
0x27b: {  	(xrf0) =	vadd.scan.msk.s32 $0xffff, v5;
	s9 =	spop (v2sf)  }
0x27c: {  	s11 =	sadd.s32 s11, s9  }
0x27d: {  	v5 =	vmov s11  }
0x27e: {  	v5 =	vadd.s32 $0xFFFFFFFF, v5  }
0x27f: {  	v5 =	vbroadcast v5, $0x0;
	_ =	sdelay $0x1  }
0x280: {  	v6 =	vld [tilespmem:s23+$0x1400];
	v7, _, _ =	vpop (xrf0)  }
0x281: {  	v8 =	vld [tilespmem:s23+$0xC00];
	v5 =	vadd.s32 v7, v5;
	(v2sf) =	vpush v7, $0xF;
	_ =	sdelay $0x1  }
.Ltmp30:
0x282: {  	(pc) =	sbr.rel @p1 .LBB2_48-.Ltmp30, $4  }
0x283: {  	_ = 	snop  }
0x284: {  	v6 =	vshll.u32 v6, $0xE  }
0x285: {  	v4 =	vor.u32 v4, v6;
	[tilespmem:v5+s22+$0x0] =	vst.idx.msk vm0, v8  }
0x286: {  	s23 =	sshra.s32 s21, $0x2;
	s21 =	sadd.s32 $0x40, s21;
	[tilespmem:v5+s24+$0x0] =	vst.idx.msk vm0, v4  }
0x287: {  	v4 =	vld [tilespmem:s23+$0x1000];
	_ =	sdelay $0x4  }
0x288: {  	v5 =	vshra.s32 v4, $0xE  }
0x289: {  	vm0 =	veq.s32 v5, v1  }
0x28a: {  	v5 =	vsel vm0, $0x1, v2  }
0x28b: {  	(xrf0) =	vadd.scan.msk.s32 $0xffff, v5;
	_ =	sdelay $0x5  }
0x28c: {  	v5, _, _ =	vpop (xrf0)  }
0x28d: {  	(v2sf) =	vpush v5, $0xF;
	_ =	sdelay $0x9  }
0x28e: {  	s9 =	spop (v2sf)  }
0x28f: {  	s9 =	sadd.s32 s11, s9  }
0x290: {  	v6 =	vmov s9  }
0x291: {  	v6 =	vadd.s32 $0xFFFFFFFF, v6  }
0x292: {  	v6 =	vbroadcast v6, $0x0  }
0x293: {  	v7 =	vld [tilespmem:s23+$0x1400];
	s28 =	spop (v2sf)  }
0x294: {  	v8 =	vld [tilespmem:s23+$0xC00];
	v5 =	vadd.s32 v5, v6;
	s23 =	sadd.s32 s9, s28  }
0x295: {  	p1 =	slt.s32 s23, $0x200  }
.Ltmp31:
0x296: {  	_ = 	snop;
	(pc) =	sbr.rel @p1 .LBB2_56-.Ltmp31, $4  }
0x297: {  	_ = 	snop  }
0x298: {  	v4 =	vand.u32 $0x3FFF, v4;
	v63 =	vshll.u32 v7, $0xE  }
0x299: {  	v4 =	vor.u32 v4, v63;
	[tilespmem:v5+s22+$0x0] =	vst.idx.msk vm0, v8  }
0x29a: {  	[tilespmem:v5+s24+$0x0] =	vst.idx.msk vm0, v4  }
0x29b: {  	s11 =	simm.s32 $0x0  }
0x29c: {  	v4 =	vld [tilespmem:s11+$0x2000]  }
0x29d: {  	s21 =	simm.s32 $0x40;
	v5 =	vld [tilespmem:s11+$0x1800]  }
.LBB2_51:
0x29e: {  	p1 =	sne.s32 s21, $0x7C0  }
.Ltmp32:
0x29f: {  	_ = 	snop;
	(pc) =	sbr.rel @p1 .LBB2_51-.Ltmp32, $4  }
0x2a0: {  	_ = 	snop  }
0x2a1: {  	s9 =	sshra.s32 s21, $0x2;
	s21 =	sadd.s32 $0x40, s21;
	[tilespmem:s11+$0x2A00] =	vst v4  }
0x2a2: {  	v4 =	vld [tilespmem:s9+$0x2000];
	[tilespmem:s11+$0x2800] =	vst v5;
	s11 =	smov.u32 s9  }
0x2a3: {  	v5 =	vld [tilespmem:s11+$0x1800]  }
0x2a4: {  	_ =	sdelay $0x2  }
0x2a5: {  	[tilespmem:s11+$0x2A00] =	vst v4  }
0x2a6: {  	[tilespmem:s11+$0x2800] =	vst v5  }
0x2a7: {  	[tilespmem:s30], [sflag:$0x3] =	stream.indirect.gather [hbm4b:s3+s26], $0x20, s29, s26, $0xb8;
	[tilespmem:$0x1EC80] =	vst v63  }
0x2a8: {  	_ =	swait.ge [sflag:s31], $0x4000  }
0x2a9: {  	p1 =	slt.u32 s23, $0x400;
	[sflag:s31] =	ssyncset.done $0x0  }
.Ltmp33:
0x2aa: {  	[sflag:s31] =	ssyncadd.s32 $0xFFFFC000;
	(pc) =	sbr.rel @p1 .LBB2_56-.Ltmp33, $4  }
0x2ab: {  	[spmem:s1] =	stream.indirect.scatter.add.bf16 [tilespmem:s30], [sflag:$0x4], $0x20, s0, s26, $0xb8;
	[tilespmem:$0x1EC80] =	vst v63  }
0x2ac: {  	_ =	swait.ge [sflag:s5], $0x4000  }
0x2ad: {  	[sflag:s5] =	ssyncset.done $0x0  }
0x2ae: {  	[sflag:s5] =	ssyncadd.s32 $0xFFFFC000  }
0x2af: {  	s11 =	simm.s32 $0x0  }
0x2b0: {  	v4 =	vld [tilespmem:s11+$0x2200]  }
0x2b1: {  	s21 =	simm.s32 $0x40;
	v5 =	vld [tilespmem:s11+$0x1A00]  }
.LBB2_54:
0x2b2: {  	p1 =	sne.s32 s21, $0x7C0  }
.Ltmp34:
0x2b3: {  	_ = 	snop;
	(pc) =	sbr.rel @p1 .LBB2_54-.Ltmp34, $4  }
0x2b4: {  	_ = 	snop  }
0x2b5: {  	s9 =	sshra.s32 s21, $0x2;
	s21 =	sadd.s32 $0x40, s21;
	[tilespmem:s11+$0x2A00] =	vst v4  }
0x2b6: {  	v4 =	vld [tilespmem:s9+$0x2200];
	[tilespmem:s11+$0x2800] =	vst v5;
	s11 =	smov.u32 s9  }
0x2b7: {  	v5 =	vld [tilespmem:s11+$0x1A00]  }
0x2b8: {  	_ =	sdelay $0x2  }
0x2b9: {  	[tilespmem:s11+$0x2A00] =	vst v4  }
0x2ba: {  	[tilespmem:s11+$0x2800] =	vst v5  }
0x2bb: {  	[tilespmem:s30], [sflag:$0x3] =	stream.indirect.gather [hbm4b:s3+s26], $0x20, s29, s26, $0xb8;
	[tilespmem:$0x1EC80] =	vst v63  }
0x2bc: {  	_ =	swait.ge [sflag:s31], $0x4000  }
0x2bd: {  	[sflag:s31] =	ssyncset.done $0x0  }
0x2be: {  	[sflag:s31] =	ssyncadd.s32 $0xFFFFC000  }
0x2bf: {  	[spmem:s1] =	stream.indirect.scatter.add.bf16 [tilespmem:s30], [sflag:$0x4], $0x20, s0, s26, $0xb8;
	[tilespmem:$0x1EC80] =	vst v63  }
0x2c0: {  	_ =	swait.ge [sflag:s5], $0x4000  }
0x2c1: {  	[sflag:s5] =	ssyncset.done $0x0  }
0x2c2: {  	[sflag:s5] =	ssyncadd.s32 $0xFFFFC000  }
.LBB2_56:
0x2c3: {  	s9 =	sand.u32 $0x1FF, s23  }
0x2c4: {  	s11 =	sshra.s32 s23, $0x1F;
	p1 =	slt.s32 s23, $0x1;
	p2 =	sne.s32 s9, $0x0  }
0x2c5: {  	s28 =	sshrl.u32 s11, $0x17;
	p1 =	por !p1, !p2  }
0x2c6: {  	s11 =	simm.s32 $0x1;
	s9 =	sadd.s32 s28, s23;
	p1 =	por !p1, !p1  }
0x2c7: {  	s9 =	sshra.s32 s9, $0x9;
	s11 =	simm.s32 @!p1 $0x0  }
0x2c8: {  	s11 =	ssub.s32 s9, s11  }
0x2c9: {  	p1 =	slt.s32 s11, $0x1  }
.Ltmp35:
0x2ca: {  	_ = 	snop;
	(pc) =	sbr.rel @p1 .LBB2_60-.Ltmp35, $1  }
0x2cb: {  	_ =	sdelay $0x3  }
0x2cc: {  	s9 =	sshll.u32 s11, $0xB  }
0x2cd: {  	s9 =	sshra.s32 s9, $0x2  }
0x2ce: {  	s21 =	sadd.s32 $0x2000, s9;
	s9 =	sadd.s32 $0x1800, s9  }
0x2cf: {  	v5 =	vmov s9;
	_ =	sdelay $0x3  }
0x2d0: {  	s28 =	simm.s32 $0x40;
	v4 =	vmov s21;
	s21 =	simm.s32 $0x0  }
.LBB2_58:
0x2d1: {  	p1 =	sne.s32 s28, $0x7C0;
	v6 =	vld.idx.msk [tilespmem:v5+s21+$0x0 ss:$0x1], $0xffff;
	_ =	sdelay $0x5  }
0x2d2: {  	[tilespmem:s21+$0x1800] =	vst v6  }
0x2d3: {  	v6 =	vld.idx.msk [tilespmem:v4+s21+$0x0 ss:$0x1], $0xffff;
	_ =	sdelay $0x1  }
.Ltmp36:
0x2d4: {  	(pc) =	sbr.rel @p1 .LBB2_58-.Ltmp36, $2  }
0x2d5: {  	_ =	sdelay $0x2  }
0x2d6: {  	[tilespmem:s21+$0x2000] =	vst v6;
	s21 =	sshra.s32 s28, $0x2;
	s28 =	sadd.s32 $0x40, s28  }
0x2d7: {  	_ =	sdelay $0x3  }
0x2d8: {  	v5 =	vld.idx.msk [tilespmem:v5+s21+$0x0 ss:$0x1], $0xffff;
	_ =	sdelay $0x4  }
0x2d9: {  	[tilespmem:s21+$0x1800] =	vst v5  }
0x2da: {  	v4 =	vld.idx.msk [tilespmem:v4+s21+$0x0 ss:$0x1], $0xffff  }
.Ltmp37:
0x2db: {  	_ = 	snop;
	(pc) =	sbr.rel .LBB2_60-.Ltmp37, $2  }
0x2dc: {  	_ =	sdelay $0x2  }
0x2dd: {  	[tilespmem:s21+$0x2000] =	vst v4  }
.LBB2_61:
0x2de: {  	_ =	swait.ge [sflag:s17], $0x400  }
0x2df: {  	[sflag:s17] =	ssyncset.done $0x0  }
0x2e0: {  	[sflag:s17] =	ssyncadd.s32 $0xFFFFFC00  }
0x2e1: {  	p1 =	slt.s32 s23, $0x1;
	_ =	swait.ge [sflag:s17], $0x400  }
.Ltmp38:
0x2e2: {  	[sflag:s17] =	ssyncset.done $0x0;
	(pc) =	sbr.rel @p1 .LBB2_65-.Ltmp38, $4  }
0x2e3: {  	[sflag:s17] =	ssyncadd.s32 $0xFFFFFC00  }
0x2e4: {  	_ =	swait.ge [sflag:s17], $0x400  }
0x2e5: {  	[sflag:s17] =	ssyncset.done $0x0  }
0x2e6: {  	s11 =	rddreg [dreg:$0x1a];
	[sflag:s17] =	ssyncadd.s32 $0xFFFFFC00  }
0x2e7: {  	s11 =	simm.s32 $0x1800  }
0x2e8: {  	v5 =	vld [tilespmem:s11+$0x0];
	_ =	sdelay $0x1  }
0x2e9: {  	s9 =	simm.s32 $0x0  }
0x2ea: {  	v4 =	vmov s23;
	v6 =	vor.u32 s9, v3  }
0x2eb: {  	vm0 =	vlt.s32 v6, v4  }
0x2ec: {  	s12 =	simm.s32 $0x2800;
	v5 =	vnsel vm0, $0x0, v5  }
0x2ed: {  	s13 =	simm.s32 $0x2000;
	[tilespmem:s12+$0x0] =	vst v5  }
0x2ee: {  	v5 =	vld [tilespmem:s13+$0x0];
	_ =	sdelay $0x4  }
0x2ef: {  	s28 =	simm.s32 $0x2A00;
	s21 =	simm.s32 $0x10;
	s23 =	simm.s32 $0x2A10;
	v5 =	vnsel vm0, $0xC000, v5  }
.LBB2_63:
0x2f0: {  	[tilespmem:s28+$0x0] =	vst v5;
	s11 =	sadd.s32 $0x10, s11;
	s12 =	sadd.s32 $0x10, s12;
	s13 =	sadd.s32 $0x10, s13  }
0x2f1: {  	p1 =	sne.s32 s21, $0x1F0;
	s9 =	smov.u32 s21;
	s21 =	sadd.s32 $0x10, s21;
	v5 =	vld [tilespmem:s11+$0x0]  }
0x2f2: {  	s28 =	smov.u32 s23;
	_ =	sdelay $0x1  }
0x2f3: {  	v6 =	vor.u32 s9, v3  }
0x2f4: {  	vm0 =	vlt.s32 v6, v4  }
0x2f5: {  	v5 =	vnsel vm0, $0x0, v5  }
0x2f6: {  	[tilespmem:s12+$0x0] =	vst v5  }
0x2f7: {  	v5 =	vld [tilespmem:s13+$0x0]  }
.Ltmp39:
0x2f8: {  	(pc) =	sbr.rel @p1 .LBB2_63-.Ltmp39, $2  }
0x2f9: {  	_ =	sdelay $0x2  }
0x2fa: {  	s23 =	sadd.s32 $0x10, s23;
	v5 =	vnsel vm0, $0xC000, v5  }
0x2fb: {  	[tilespmem:s28+$0x0] =	vst v5  }
0x2fc: {  	[tilespmem:s30], [sflag:$0x3] =	stream.indirect.gather [hbm4b:s3+s26], $0x20, s29, s26, $0xb8;
	[tilespmem:$0x1EC80] =	vst v63  }
0x2fd: {  	_ =	swait.ge [sflag:s31], $0x4000  }
0x2fe: {  	[sflag:s31] =	ssyncset.done $0x0  }
.Ltmp40:
0x2ff: {  	[sflag:s31] =	ssyncadd.s32 $0xFFFFC000;
	(pc) =	sbr.rel .LBB2_65-.Ltmp40, $4  }
0x300: {  	[spmem:s1] =	stream.indirect.scatter.add.bf16 [tilespmem:s30], [sflag:$0x4], $0x20, s0, s26, $0xb8;
	[tilespmem:$0x1EC80] =	vst v63  }
0x301: {  	_ =	swait.ge [sflag:s5], $0x4000  }
0x302: {  	[sflag:s5] =	ssyncset.done $0x0  }
0x303: {  	s11 =	rddreg [dreg:$0x1a];
	[sflag:s5] =	ssyncadd.s32 $0xFFFFC000  }
.LBB2_66:
0x304: {  	_ =	sfence.sel $0x180000  }
0x305: {  	[bflag:$0x0] =	sbarrier.arrive $0xFFFF  }
0x306: {  	_ =	strace $0x90000047  }
0x307: {  	[bflag:$0x2] =	sbarrier.arrive $0xFFFF  }
0x308: {  	s0 =	rddreg [dreg:$0x2]  }
0x309: {  	s0 =	sadd.s32 @!p0 $0x100000, s0  }
0x30a: {  	[sflag:s0] =	ssyncadd.tile.s32 @!p0 $0x1;
	_ =	shalt  }
.Lfunc_end2:
_tile_overlayer_lowered:
.L_overlay_start_2:
0x30b: {  	(tag) =	ssettag $0x2  }
0x30c: {  	s0 =	rddreg [dreg:$0x0];
	s2 =	stileid.u32  }
0x30d: {  	s1 =	rddreg [dreg:$0x1];
	p0 =	sne.s32 s2, $0x0  }
0x30e: {  	s3 =	rddreg [dreg:$0x2];
	[bflag:$0x3] =	sbarrier.arrive $0xFFFF;
	s2 =	simm.s32 @!p0 $0x1C04  }
0x30f: {  	[timem:s3], [sflag:s2] =	dma.local @!p0 [hbm:s0], s1  }
0x310: {  	s0 =	simm.s32 @!p0 $0x4  }
0x311: {  	_ =	swait.ge @!p0 [sflag:s0], s1  }
0x312: {  	s1 =	ssub.s32 @!p0 $0x0, s1;
	[sflag:s0] =	ssyncset.done @!p0 $0x0  }
0x313: {  	[sflag:s0] =	ssyncadd.s32 @!p0 s1  }
0x314: {  	[bflag:$0x3] =	sbarrier.arrive $0xFFFF  }
0x315: {  	_ =	shalt  }

// kernel: kernel.15.cloned.1.call-start
scs
__scs_entry_jumppad:
0x0: {  	(pc) =	sbr.rel $0x88, $3  }
0x1: {  	(tag) =	ssettag $0x0;
	lr =	simm.s32 $0x1  }
0x2: {  	[smem:$0x3F91] =	sst lr;
	_ =	strace $0xD0000000  }
0x3: {  	_ = 	snop  }
0x4: {  	_ = 	snop  }
0x5: {  	_ = 	snop  }
0x6: {  	_ = 	snop  }
0x7: {  	_ = 	snop  }
__scs_overlays_trampoline_lowered:
0x8: {  	[smem:$0x3FA0] =	sst s0  }
0x9: {  	[smem:$0x3FA1] =	sst s1  }
0xa: {  	[smem:$0x3FA2] =	sst s2  }
0xb: {  	[smem:$0x3FA3] =	sst s3  }
0xc: {  	[smem:$0x3FA4] =	sst s4  }
0xd: {  	[smem:$0x3FA5] =	sst s5  }
0xe: {  	[smem:$0x3FA6] =	sst s6  }
0xf: {  	[smem:$0x3FA7] =	sst s7  }
0x10: {  	[smem:$0x3FA8] =	sst s8  }
0x11: {  	[smem:$0x3FA9] =	sst s9;
	s0 =	simm.s32 @!p0 $0x0  }
0x12: {  	s1 =	sld [smem:$0x3F8F];
	s0 =	simm.s32 @p0 $0x1  }
0x13: {  	[smem:$0x3FAA] =	sst s0;
	s0 =	simm.s32 @!p1 $0x0  }
0x14: {  	s2 =	sld [smem:$0x3F8E];
	s0 =	simm.s32 @p1 $0x1  }
0x15: {  	[smem:$0x3FAB] =	sst s0;
	s0 =	simm.s32 @!p2 $0x0  }
0x16: {  	s3 =	sld [smem:$0x3FDB];
	s0 =	simm.s32 @p2 $0x1  }
0x17: {  	s4 =	simm.s32 $0x1BF5;
	[smem:$0x3FAD] =	sst s0  }
0x18: {  	s0 =	sld [smem:$0x3F90];
	_ =	swait.ge [sflag:s4], $0x0  }
0x19: {  	s7 =	sld [smem:$0x3F91]  }
0x1a: {  	s8 =	sadd.s32 $0xFFFFE003, lr  }
0x1b: {  	s9 =	sadd.s32 $0xFFFFFEF7, lr;
	s5 =	simm.s32 $0xFFFFFFFF;
	p2 =	slt.u32 s8, $0xFFFFF086  }
0x1c: {  	p1 =	slt.u32 s9, $0xF7A;
	s5 =	simm.s32 @!p2 $0x0  }
0x1d: {  	s5 =	simm.s32 @p1 $0x1;
	p0 =	seq.s32 s7, s2  }
0x1e: {  	s7 =	smul.u32 @!p0 $0xF7A, s2;
	p2 =	seq.s32 @!p0 s5, $0x0  }
0x1f: {  	s9 =	smul.u32 $0xF7A, s1;
	s8 =	simm.s32 @!p0 $0x1BF5;
	p2 =	por !p2, p0  }
0x20: {  	[sflag:s8] =	ssyncset.s32 @!p0 $0xFFFFF086;
	s6 =	sadd.s32 @!p0 s3, s7;
	s7 =	simm.s32 @!p0 $0x108  }
0x21: {  	s3 =	sadd.s32 s3, s9;
	s6 =	sadd.s32 @!p0 $0x88, s6;
	s7 =	simm.s32 @p2 $0x1082  }
0x22: {  	[simem:s7], [sflag:s8] =	dma.local @!p0 [hbm:s6], $0xF7A  }
0x23: {  	s9 =	sor.u32 $0xD0000000, s2;
	s6 =	simm.s32 $0x108;
	_ =	swait.ge @!p0 [sflag:s8], $0x0  }
0x24: {  	s3 =	sadd.s32 $0x88, s3;
	s6 =	simm.s32 @!p1 $0x1082;
	[sflag:s4] =	ssyncset.s32 $0xFFFFF086  }
0x25: {  	[simem:s6], [sflag:s4] =	dma.local [hbm:s3], $0xF7A  }
0x26: {  	[smem:$0x3F91] =	sst s1;
	(tag) =	ssettag s2;
	_ =	strace s9  }
0x27: {  	s1 =	sld [smem:$0x3FA1]  }
0x28: {  	s2 =	sld [smem:$0x3FA2]  }
0x29: {  	s4 =	sld [smem:$0x3FA4]  }
0x2a: {  	p0 =	seq.s32 s5, $0x0;
	s5 =	sld [smem:$0x3FA5]  }
0x2b: {  	s6 =	sld [smem:$0x3FA6]  }
0x2c: {  	s7 =	sld [smem:$0x3FA7]  }
0x2d: {  	s3 =	simm.s32 $0x108;
	s8 =	sld [smem:$0x3FA8]  }
0x2e: {  	s3 =	simm.s32 @!p0 $0x1082;
	s9 =	sld [smem:$0x3FA9]  }
0x2f: {  	lr =	sadd.s32 s0, s3;
	s0 =	sld [smem:$0x3FA0]  }
0x30: {  	s3 =	sld [smem:$0x3FA3]  }
0x31: {  	[smem:$0x3FAC] =	sst s10  }
0x32: {  	s10 =	sld [smem:$0x3FAA];
	_ =	sdelay $0x3  }
0x33: {  	p0 =	seq.s32 s10, $0x1;
	s10 =	sld [smem:$0x3FAC];
	_ =	sdelay $0x3  }
0x34: {  	[smem:$0x3FAC] =	sst s10  }
0x35: {  	s10 =	sld [smem:$0x3FAB];
	_ =	sdelay $0x3  }
0x36: {  	p1 =	seq.s32 s10, $0x1;
	s10 =	sld [smem:$0x3FAC];
	_ =	sdelay $0x3  }
0x37: {  	[smem:$0x3FAC] =	sst s10  }
0x38: {  	s10 =	sld [smem:$0x3FAD]  }
0x39: {  	_ = 	snop;
	(pc) =	sbr.ind lr, $3  }
0x3a: {  	_ = 	snop  }
0x3b: {  	_ = 	snop  }
0x3c: {  	p2 =	seq.s32 s10, $0x1;
	s10 =	sld [smem:$0x3FAC]  }
0x3d: {  	_ =	shalt  }
0x3e: {  	_ =	shalt  }
0x3f: {  	_ =	shalt  }
0x40: {  	_ =	shalt  }
0x41: {  	_ =	shalt  }
0x42: {  	_ =	shalt  }
0x43: {  	_ =	shalt  }
0x44: {  	_ =	shalt  }
0x45: {  	_ =	shalt  }
0x46: {  	_ =	shalt  }
0x47: {  	_ =	shalt  }
0x48: {  	_ =	shalt  }
0x49: {  	_ =	shalt  }
0x4a: {  	_ =	shalt  }
0x4b: {  	_ =	shalt  }
0x4c: {  	_ =	shalt  }
0x4d: {  	_ =	shalt  }
0x4e: {  	_ =	shalt  }
0x4f: {  	_ =	shalt  }
0x50: {  	_ =	shalt  }
0x51: {  	_ =	shalt  }
0x52: {  	_ =	shalt  }
0x53: {  	_ =	shalt  }
0x54: {  	_ =	shalt  }
0x55: {  	_ =	shalt  }
0x56: {  	_ =	shalt  }
0x57: {  	_ =	shalt  }
0x58: {  	_ =	shalt  }
0x59: {  	_ =	shalt  }
0x5a: {  	_ =	shalt  }
0x5b: {  	_ =	shalt  }
0x5c: {  	_ =	shalt  }
0x5d: {  	_ =	shalt  }
0x5e: {  	_ =	shalt  }
0x5f: {  	_ =	shalt  }
0x60: {  	_ =	shalt  }
0x61: {  	_ =	shalt  }
0x62: {  	_ =	shalt  }
0x63: {  	_ =	shalt  }
0x64: {  	_ =	shalt  }
0x65: {  	_ =	shalt  }
0x66: {  	_ =	shalt  }
0x67: {  	_ =	shalt  }
0x68: {  	_ =	shalt  }
0x69: {  	_ =	shalt  }
0x6a: {  	_ =	shalt  }
0x6b: {  	_ =	shalt  }
0x6c: {  	_ =	shalt  }
0x6d: {  	_ =	shalt  }
0x6e: {  	_ =	shalt  }
0x6f: {  	_ =	shalt  }
0x70: {  	_ =	shalt  }
0x71: {  	_ =	shalt  }
0x72: {  	_ =	shalt  }
0x73: {  	_ =	shalt  }
0x74: {  	_ =	shalt  }
0x75: {  	_ =	shalt  }
0x76: {  	_ =	shalt  }
0x77: {  	_ =	shalt  }
0x78: {  	_ =	shalt  }
0x79: {  	_ =	shalt  }
0x7a: {  	_ =	shalt  }
0x7b: {  	_ =	shalt  }
0x7c: {  	_ =	shalt  }
0x7d: {  	_ =	shalt  }
0x7e: {  	_ =	shalt  }
0x7f: {  	_ =	shalt  }
0x80: {  	_ =	shalt  }
0x81: {  	_ =	shalt  }
0x82: {  	_ =	shalt  }
0x83: {  	_ =	shalt  }
0x84: {  	_ =	shalt  }
0x85: {  	_ =	shalt  }
0x86: {  	_ =	shalt  }
0x87: {  	_ =	shalt  }
.Lfunc_end0:
.L_simem_size_0:
called_computation.2_lowered:
.L_overlay_start_0:
0x88: {  	s2 =	sld [smem:$0x3FD9]  }
0x89: {  	s3 =	sld [smem:$0x3FFE];
	_ =	sdelay $0x1  }
0x8a: {  	s1 =	srdreg.scid  }
0x8b: {  	s0 =	sand.u32 $0x1, s1  }
0x8c: {  	s16 =	sshll.u32 s0, $0xA;
	s2 =	sadd.s32 s3, s2  }
0x8d: {  	s2 =	sadd.s32 s2, s16  }
0x8e: {  	[smem:$0x3FB8] =	sst s2  }
0x8f: {  	_ = 	snop  }
0x90: {  	(tm) =	ssettm $0x1  }
0x91: {  	s17 =	sld [smem:$0x3FFB];
	_ =	sdelay $0x3  }
0x92: {  	_ =	strace s17  }
0x93: {  	s2 =	sld [smem:$0x3FFC];
	_ =	sdelay $0x3  }
0x94: {  	_ =	strace s2  }
0x95: {  	s2 =	sld [smem:$0x3FFD];
	_ =	sdelay $0x3  }
0x96: {  	_ =	strace s2  }
0x97: {  	_ =	strace $0x8FFFFFFF  }
0x98: {  	s18 =	sld [smem:$0x3FDB];
	_ =	sdelay $0x1  }
0x99: {  	s19 =	simm.s32 $_scs_section_size  }
0x9a: {  	s4 =	simm.s32 $_size__tile_overlayer_lowered;
	s5 =	simm.s32 $_tile_overlayer_lowered  }
0x9b: {  	s22 =	simm.s32 $0x1BFF;
	s21 =	sshll.u32 s5, $0x1;
	s2 =	sadd.s32 s19, s18  }
0x9c: {  	s6 =	simm.s32 $0x0;
	s20 =	sshll.u32 s4, $0x1;
	s4 =	sadd.s32 s21, s2  }
0x9d: {  	[timem:s6], [sflag:s22] =	dma.local [hbm:s4], s20  }
0x9e: {  	_ =	swait.ge [sflag:s22], s20  }
0x9f: {  	s3 =	ssub.s32 $0x0, s20;
	[sflag:s22] =	ssyncset.done $0x0  }
0xa0: {  	[sflag:s22] =	ssyncadd.s32 s3;
	_ =	sdelay $0x1  }
0xa1: {  	s23 =	simm.s32 $0x1B8B  }
0xa2: {  	_ =	swait.ge [sflag:s23], $0x1  }
0xa3: {  	[sflag:s23] =	ssyncset.done $0x0  }
0xa4: {  	s25 =	simm.s32 $0x1B8E;
	s24 =	sld [smem:$0x3FFE];
	[sflag:s23] =	ssyncadd.s32 $0xFFFFFFFF  }
0xa5: {  	s26 =	simm.s32 $execute0_lowered;
	[smem:$0x3FD2] =	sst s25  }
0xa6: {  	s4 =	sshll.u32 s26, $0x1;
	_ =	strace $0x8000004C;
	[dreg:$0x1] =	wrdreg $0xFFFFFFFF  }
0xa7: {  	s28 =	simm.s32 $_size_execute0_lowered;
	s2 =	sadd.s32 s2, s4;
	[dreg:$0x0] =	wrdreg $0x0  }
0xa8: {  	s4 =	sshll.u32 s28, $0x1;
	[dreg:$0x2] =	wrdreg s2  }
0xa9: {  	[dreg:$0x3] =	wrdreg s4  }
0xaa: {  	[dreg:$0x4] =	wrdreg $0xC0  }
0xab: {  	_ =	task [dreg:s6], $0x5FFFF  }
0xac: {  	[dreg:$0x1] =	wrdreg $0xFFFFFFFF  }
0xad: {  	[dreg:$0x0] =	wrdreg $0x60  }
0xae: {  	[dreg:$0x2] =	wrdreg s24  }
0xaf: {  	[dreg:$0x3] =	wrdreg $0x6C000  }
0xb0: {  	[dreg:$0x4] =	wrdreg $0x9  }
0xb1: {  	_ =	task.clear_ibuf [dreg:s6], $0x5FFFF;
	_ =	strace $0x9000004C  }
0xb2: {  	s29 =	simm.s32 $0x9;
	_ =	strace $0x8000004E  }
0xb3: {  	_ =	swait.ge [sflag:s29], $0x1  }
0xb4: {  	[sflag:s29] =	ssyncadd.s32 $0xFFFFFFFF  }
0xb5: {  	_ =	strace $0x9000004E  }
0xb6: {  	_ =	sfence  }
0xb7: {  	s30 =	sld [smem:$0x0];
	_ =	sdelay $0x2  }
0xb8: {  	s31 =	sshll.u32 s1, $0xD;
	s1 =	sshrl.u32 s1, $0x2  }
0xb9: {  	s3 =	sand.u32 $0x4000, s31;
	s1 =	sadd.s32 s1, s30  }
0xba: {  	s0 =	sor.u32 s3, s0;
	s1 =	sshll.u32 s1, $0x11  }
0xbb: {  	s0 =	sor.u32 s1, s0  }
0xbc: {  	s0 =	sadd.s32 $0x8F2B, s0  }
0xbd: {  	[sflag:s0] =	ssyncadd.remote.s32 $0x1  }
0xbe: {  	_ =	sfence.sel $0xFFFF  }
0xbf: {  	[dreg:$0x0] =	wrdreg $0xFFFFFFFF;
	(pc) =	sbr.abs _section_cstart, $3  }
0xc0: {  	[dreg:$0x1] =	wrdreg $0xFFFFFFFF  }
0xc1: {  	_ =	task.clear_ibuf [dreg:s6], $0x2FFFF;
	_ =	strace $0x9FFFFFFF  }
0xc2: {  	(tm) =	ssettm $0x7FFFFFFF  }
0xc3: {  	_ =	shalt  }
tec
execute0_lowered:
.L_overlay_start_1:
0x0: {  	(tag) =	ssettag $0x1  }
0x1: {  	s0 =	rddreg [dreg:$0x0]  }
0x2: {  	s1 =	rddreg [dreg:$0x1];
	s2 =	simm.s32 $0x0  }
0x3: {  	s20 =	srdreg.scid;
	s9 =	stileid.u32;
	s29 =	simm.s32 $0x2800  }
0x4: {  	s30 =	simm.s32 $0x2C00;
	s31 =	simm.s32 $0x3;
	[smem:$0x7FF] =	sst s2  }
0x5: {  	s3 =	sadd.s32 $0x1E00, s0;
	s4 =	sadd.s32 $0xF6400, s0;
	s6 =	sadd.s32 $0x128C00, s0  }
0x6: {  	s2 =	sand.u32 $0x1, s20;
	s7 =	smul.u32 $0xC800, s9;
	s8 =	sadd.s32 $0x10F400, s0  }
0x7: {  	s5 =	sadd.s32 $0x128400, s0;
	s10 =	sadd.s32 $0x32C00, s0;
	s22 =	sadd.s32 $0x180000, s1  }
0x8: {  	s25 =	sshll.u32 s9, $0x10;
	s28 =	sadd.s32 $0x72C00, s0;
	s0 =	sadd.s32 $0xB2C00, s0  }
0x9: {  	s18 =	sshll.u32 s9, $0xF;
	p0 =	sne.s32 s9, $0x0;
	s9 =	sshll.u32 s9, $0x6  }
0xa: {  	_ =	strace $0x8000004D;
	[dreg:$0x3] =	wrdreg s5;
	s21 =	ssub.s32 $0x2, s2  }
0xb: {  	[dreg:$0x4] =	wrdreg s22;
	s13 =	sshll.u32 s2, $0x14;
	s19 =	sshrl.u32 s25, $0x2  }
0xc: {  	[dreg:$0x12] =	wrdreg s9;
	s22 =	sor.u32 $0x1C05, s9;
	s11 =	sshrl.u32 s21, $0x1  }
0xd: {  	s12 =	sshrl.u32 s7, $0x3;
	s26 =	sor.u32 s25, s13;
	s13 =	sor.u32 $0x2, s2  }
0xe: {  	s14 =	sor.u32 $0x400, s7;
	s20 =	sadd.s32 s19, s1;
	[dreg:$0x14] =	wrdreg s22  }
0xf: {  	s19 =	simm.s32 $0x1000;
	s23 =	sadd.s32 s4, s12;
	[dreg:$0x10] =	wrdreg s20  }
0x10: {  	s22 =	simm.s32 $0x1800;
	s24 =	sadd.s32 s6, s12;
	[dreg:$0x5] =	wrdreg s23  }
0x11: {  	s5 =	ssub.s32 s21, s11;
	s12 =	sadd.s32 s8, s12;
	[dreg:$0x6] =	wrdreg s24  }
0x12: {  	s15 =	sshll.u32 s13, $0x14;
	[dreg:$0x7] =	wrdreg s12;
	s5 =	smax.u32 s5, $0x1  }
0x13: {  	s11 =	simm.s32 $0x0;
	s23 =	sadd.s32 $0x40000, s20;
	[dreg:$0xf] =	wrdreg s5  }
0x14: {  	s12 =	sshrl.u32 s26, $0x4;
	s24 =	sadd.s32 $0x80000, s20;
	[dreg:$0x15] =	wrdreg s23  }
0x15: {  	s15 =	sor.u32 s25, s15;
	s25 =	sadd.s32 $0xC0000, s20;
	[dreg:$0x16] =	wrdreg s24  }
0x16: {  	s26 =	sadd.s32 $0x100000, s20;
	s16 =	sadd.s32 s10, s12;
	[dreg:$0x17] =	wrdreg s25  }
0x17: {  	s17 =	sadd.s32 s12, s28;
	s15 =	sshrl.u32 s15, $0x4;
	[dreg:$0x18] =	wrdreg s26  }
0x18: {  	s12 =	sadd.s32 s12, s0;
	s24 =	simm.s32 $0x2000;
	[dreg:$0x8] =	wrdreg s16  }
0x19: {  	s26 =	simm.s32 $0x200;
	s5 =	simm.s32 $0x4;
	[dreg:$0x9] =	wrdreg s17  }
0x1a: {  	s25 =	simm.s32 $0x2;
	[dreg:$0xa] =	wrdreg s12;
	s10 =	sadd.s32 s10, s15  }
0x1b: {  	s17 =	sadd.s32 s15, s28;
	s0 =	sadd.s32 s15, s0;
	[dreg:$0xb] =	wrdreg s10  }
0x1c: {  	s28 =	sadd.s32 $0x140000, s20;
	s15 =	simm.s32 $0x400;
	[dreg:$0xc] =	wrdreg s17  }
.Ltmp0:
0x1d: {  	s16 =	simm.s32 $0x800;
	[dreg:$0xd] =	wrdreg s0;
	(pc) =	sbr.rel .LBB2_1-.Ltmp0, $4  }
0x1e: {  	s20 =	simm.s32 $0x1400;
	s0 =	sadd.s32 s18, s1;
	[dreg:$0x19] =	wrdreg s28  }
0x1f: {  	s10 =	simm.s32 $0x5;
	s21 =	sadd.s32 $0x80000, s0;
	[dreg:$0xe] =	wrdreg s0  }
0x20: {  	v2 =	vimm.s32 $0x0;
	s17 =	simm.s32 $0x1;
	s0 =	sadd.s32 $0x100000, s0;
	[dreg:$0x11] =	wrdreg s21  }
0x21: {  	v3 =	vlaneseq.u32;
	v0 =	vmov s2;
	v1 =	vmov s13;
	s18 =	simm.s32 $0xC00;
	[dreg:$0x13] =	wrdreg s0;
	s0 =	simm.s32 $0x2A00  }
.LBB2_65:
0x22: {  	[bflag:$0x0] =	sbarrier.arrive $0xFFFF  }
0x23: {  	s12 =	sld [smem:$0x7FA];
	_ =	sdelay $0x1  }
0x24: {  	s9 =	rddreg [dreg:$0xb]  }
0x25: {  	[hbm:s9], [sflag:s2] =	dma.local [spmem:s12], $0x1000  }
0x26: {  	_ =	swait.ge [sflag:s5], $0x1000  }
0x27: {  	s13 =	sld [smem:$0x7FB]  }
0x28: {  	[sflag:s5] =	ssyncset.done $0x0  }
0x29: {  	s12 =	rddreg [dreg:$0xc];
	[sflag:s5] =	ssyncadd.s32 $0xFFFFF000  }
0x2a: {  	[hbm:s12], [sflag:s2] =	dma.local [spmem:s13], $0x1000  }
0x2b: {  	_ =	swait.ge [sflag:s5], $0x1000  }
0x2c: {  	s23 =	sld [smem:$0x7FC]  }
0x2d: {  	[sflag:s5] =	ssyncset.done $0x0  }
0x2e: {  	s21 =	rddreg [dreg:$0xd];
	[sflag:s5] =	ssyncadd.s32 $0xFFFFF000  }
0x2f: {  	[hbm:s21], [sflag:s2] =	dma.local [spmem:s23], $0x1000  }
0x30: {  	_ =	swait.ge [sflag:s5], $0x1000  }
0x31: {  	s11 =	sadd.s32 $0x1, s11;
	s28 =	rddreg [dreg:$0xf]  }
0x32: {  	p1 =	sne.s32 s11, s28  }
.Ltmp1:
0x33: {  	_ = 	snop;
	(pc) =	sbr.rel @!p1 .LBB2_66-.Ltmp1, $3  }
0x34: {  	[sflag:s5] =	ssyncset.done $0x0  }
0x35: {  	[sflag:s5] =	ssyncadd.s32 $0xFFFFF000  }
0x36: {  	[bflag:$0x0] =	sbarrier.arrive $0xFFFF;
	_ =	sdelay $0x1  }
.LBB2_1:
0x37: {  	[dreg:$0x1a] =	wrdreg s11  }
0x38: {  	s2 =	rddreg [dreg:$0x10]  }
0x39: {  	s9 =	rddreg [dreg:$0x3]  }
0x3a: {  	s28 =	sshrl.u32 s2, $0x3;
	s2 =	rddreg [dreg:$0x14]  }
0x3b: {  	[spmem:s28], [sflag:s2] =	dma.local [hbm:s9], $0x800  }
0x3c: {  	_ =	swait.ge [sflag:s10], $0x800  }
0x3d: {  	s23 =	rddreg [dreg:$0x15]  }
0x3e: {  	[sflag:s10] =	ssyncset.done $0x0;
	s11 =	sshrl.u32 s23, $0x3  }
0x3f: {  	[sflag:s10] =	ssyncadd.s32 $0xFFFFF800;
	[dreg:$0x1b] =	wrdreg s11  }
0x40: {  	[spmem:s11], [sflag:s2] =	dma.local [hbm:s9], $0x800  }
0x41: {  	_ =	swait.ge [sflag:s10], $0x800  }
0x42: {  	s12 =	rddreg [dreg:$0x16]  }
0x43: {  	[sflag:s10] =	ssyncset.done $0x0;
	s11 =	sshrl.u32 s12, $0x3  }
0x44: {  	[sflag:s10] =	ssyncadd.s32 $0xFFFFF800;
	[dreg:$0x1c] =	wrdreg s11  }
0x45: {  	[spmem:s11], [sflag:s2] =	dma.local [hbm:s9], $0x800  }
0x46: {  	_ =	swait.ge [sflag:s10], $0x800  }
0x47: {  	s13 =	rddreg [dreg:$0x17]  }
0x48: {  	[sflag:s10] =	ssyncset.done $0x0;
	s11 =	sshrl.u32 s13, $0x3  }
0x49: {  	[sflag:s10] =	ssyncadd.s32 $0xFFFFF800;
	[dreg:$0x1d] =	wrdreg s11  }
0x4a: {  	[spmem:s11], [sflag:s2] =	dma.local [hbm:s9], $0x800  }
0x4b: {  	_ =	swait.ge [sflag:s10], $0x800  }
0x4c: {  	s21 =	rddreg [dreg:$0x18]  }
0x4d: {  	[sflag:s10] =	ssyncset.done $0x0;
	s11 =	sshrl.u32 s21, $0x3  }
0x4e: {  	[sflag:s10] =	ssyncadd.s32 $0xFFFFF800;
	[dreg:$0x1e] =	wrdreg s11  }
0x4f: {  	[spmem:s11], [sflag:s2] =	dma.local [hbm:s9], $0x800  }
0x50: {  	_ =	swait.ge [sflag:s10], $0x800  }
0x51: {  	s23 =	rddreg [dreg:$0x19]  }
0x52: {  	[sflag:s10] =	ssyncset.done $0x0;
	s11 =	sshrl.u32 s23, $0x3  }
0x53: {  	[sflag:s10] =	ssyncadd.s32 $0xFFFFF800;
	[dreg:$0x1f] =	wrdreg s11  }
0x54: {  	[spmem:s11], [sflag:s2] =	dma.local [hbm:s9], $0x800  }
0x55: {  	_ =	swait.ge [sflag:s10], $0x800  }
0x56: {  	s2 =	stileid.u32;
	s11 =	rddreg [dreg:$0x4]  }
0x57: {  	s2 =	sshll.u32 @!p0 s2, $0x6;
	[sflag:s10] =	ssyncset.done $0x0;
	s11 =	sshrl.u32 @!p0 s11, $0x3  }
0x58: {  	s2 =	sor.u32 @!p0 $0x1C04, s2;
	[sflag:s10] =	ssyncadd.s32 $0xFFFFF800;
	[smem:$0x7FD] =	sst s11  }
0x59: {  	[spmem:s11], [sflag:s2] =	dma.local @!p0 [hbm:s9], $0x100  }
0x5a: {  	s2 =	simm.s32 @!p0 $0x4  }
0x5b: {  	_ =	swait.ge @!p0 [sflag:s2], $0x100  }
0x5c: {  	[sflag:s2] =	ssyncset.done @!p0 $0x0  }
0x5d: {  	[sflag:s2] =	ssyncadd.s32 @!p0 $0xFFFFFF00  }
0x5e: {  	[bflag:$0x0] =	sbarrier.arrive $0xFFFF  }
0x5f: {  	s12 =	simm.s32 $0x0;
	s13 =	rddreg [dreg:$0x5]  }
0x60: {  	[tilespmem:s12], [sflag:$0x1] =	stream.linear.gather [hbm4b:s13+s12], $0x400, $0x38;
	[tilespmem:$0x1EC80] =	vst v63  }
.Ltmp2:
0x61: {  	_ = 	snop;
	(pc) =	sbr.rel .LBB2_2-.Ltmp2, $4  }
0x62: {  	s21 =	rddreg [dreg:$0x6]  }
0x63: {  	[tilespmem:s15], [sflag:$0x1] =	stream.linear.gather [hbm4b:s21+s12], $0x400, $0x38;
	[tilespmem:$0x1EC80] =	vst v63  }
0x64: {  	s11 =	simm.s32 $0x0;
	s2 =	simm.s32 $0x0;
	s23 =	rddreg [dreg:$0x7]  }
0x65: {  	[tilespmem:s16], [sflag:$0x1] =	stream.linear.gather [hbm4b:s23+s12], $0x400, $0x38;
	[tilespmem:$0x1EC80] =	vst v63  }
.LBB2_28:
0x66: {  	s2 =	sadd.s32 $0x1, s2  }
0x67: {  	p1 =	sne.s32 s2, $0x19  }
.Ltmp3:
0x68: {  	_ = 	snop;
	(pc) =	sbr.rel @!p1 .LBB2_29-.Ltmp3, $3  }
0x69: {  	_ =	sdelay $0x1  }
0x6a: {  	s12 =	sshll.u32 s13, $0x9  }
0x6b: {  	s11 =	ssub.s32 s11, s12  }
.LBB2_2:
0x6c: {  	_ =	swait.ge [sflag:s17], $0x400  }
0x6d: {  	[sflag:s17] =	ssyncset.done $0x0  }
0x6e: {  	[sflag:s17] =	ssyncadd.s32 $0xFFFFFC00  }
0x6f: {  	_ =	swait.ge [sflag:s17], $0x400  }
0x70: {  	[sflag:s17] =	ssyncset.done $0x0  }
0x71: {  	s12 =	sshll.u32 s2, $0xB;
	[sflag:s17] =	ssyncadd.s32 $0xFFFFFC00  }
0x72: {  	s12 =	sadd.s32 s12, s14;
	_ =	swait.ge [sflag:s17], $0x400  }
0x73: {  	s12 =	sshrl.u32 s12, $0x3;
	[sflag:s17] =	ssyncset.done $0x0  }
0x74: {  	s21 =	simm.s32 $0x0;
	s13 =	sadd.s32 s4, s12;
	[sflag:s17] =	ssyncadd.s32 $0xFFFFFC00  }
0x75: {  	[tilespmem:s18], [sflag:$0x2] =	stream.linear.gather [hbm4b:s13+s21], $0x400, $0x38;
	[tilespmem:$0x1EC80] =	vst v63  }
0x76: {  	s9 =	sadd.s32 s6, s12  }
0x77: {  	[tilespmem:s19], [sflag:$0x2] =	stream.linear.gather [hbm4b:s9+s21], $0x400, $0x38;
	[tilespmem:$0x1EC80] =	vst v63  }
0x78: {  	s23 =	simm.s32 $0x0;
	s12 =	sadd.s32 s8, s12  }
0x79: {  	[tilespmem:s20], [sflag:$0x2] =	stream.linear.gather [hbm4b:s12+s21], $0x400, $0x38;
	[tilespmem:$0x1EC80] =	vst v63  }
0x7a: {  	v4 =	vld [tilespmem:s23+$0x400];
	_ =	sdelay $0x4  }
0x7b: {  	v5 =	vshra.s32 v4, $0xE  }
0x7c: {  	vm0 =	veq.s32 v5, v0  }
0x7d: {  	v5 =	vsel vm0, $0x1, v2  }
0x7e: {  	(xrf0) =	vadd.scan.msk.s32 $0xffff, v5;
	_ =	sdelay $0x2  }
0x7f: {  	v5 =	vmov s11  }
0x80: {  	v5 =	vadd.s32 $0xFFFFFFFF, v5  }
0x81: {  	v5 =	vbroadcast v5, $0x0  }
0x82: {  	v6 =	vld [tilespmem:s23+$0x800];
	v7, _, _ =	vpop (xrf0)  }
0x83: {  	v8 =	vld [tilespmem:s23+$0x0];
	v5 =	vadd.s32 v7, v5;
	(v2sf) =	vpush v7, $0xF;
	_ =	sdelay $0x3  }
0x84: {  	v4 =	vand.u32 $0x3FFF, v4;
	v6 =	vshll.u32 v6, $0xE  }
0x85: {  	v4 =	vor.u32 v4, v6;
	[tilespmem:v5+s22+$0x0] =	vst.idx.msk vm0, v8  }
0x86: {  	s13 =	simm.s32 $0x10;
	s23 =	simm.s32 $0x80;
	[tilespmem:v5+s24+$0x0] =	vst.idx.msk vm0, v4  }
.LBB2_3:
0x87: {  	p1 =	sne.s32 s23, $0xFC0;
	v4 =	vld [tilespmem:s13+$0x400];
	_ =	sdelay $0x4  }
0x88: {  	v5 =	vshra.s32 v4, $0xE;
	v4 =	vand.u32 $0x3FFF, v4  }
0x89: {  	vm0 =	veq.s32 v5, v0  }
0x8a: {  	v5 =	vsel vm0, $0x1, v2  }
0x8b: {  	(xrf0) =	vadd.scan.msk.s32 $0xffff, v5;
	s12 =	spop (v2sf)  }
0x8c: {  	s11 =	sadd.s32 s11, s12  }
0x8d: {  	v5 =	vmov s11  }
0x8e: {  	v5 =	vadd.s32 $0xFFFFFFFF, v5  }
0x8f: {  	v5 =	vbroadcast v5, $0x0;
	_ =	sdelay $0x1  }
0x90: {  	v6 =	vld [tilespmem:s13+$0x800];
	v7, _, _ =	vpop (xrf0)  }
0x91: {  	v8 =	vld [tilespmem:s13+$0x0];
	v5 =	vadd.s32 v7, v5;
	(v2sf) =	vpush v7, $0xF;
	_ =	sdelay $0x1  }
.Ltmp4:
0x92: {  	(pc) =	sbr.rel @p1 .LBB2_3-.Ltmp4, $4  }
0x93: {  	_ = 	snop  }
0x94: {  	v6 =	vshll.u32 v6, $0xE  }
0x95: {  	v4 =	vor.u32 v4, v6;
	[tilespmem:v5+s22+$0x0] =	vst.idx.msk vm0, v8  }
0x96: {  	s13 =	sshra.s32 s23, $0x2;
	s23 =	sadd.s32 $0x40, s23;
	[tilespmem:v5+s24+$0x0] =	vst.idx.msk vm0, v4  }
0x97: {  	v4 =	vld [tilespmem:s13+$0x400];
	_ =	sdelay $0x4  }
0x98: {  	v5 =	vshra.s32 v4, $0xE  }
0x99: {  	vm0 =	veq.s32 v5, v0  }
0x9a: {  	v5 =	vsel vm0, $0x1, v2  }
0x9b: {  	(xrf0) =	vadd.scan.msk.s32 $0xffff, v5;
	_ =	sdelay $0x5  }
0x9c: {  	v5, _, _ =	vpop (xrf0)  }
0x9d: {  	(v2sf) =	vpush v5, $0xF;
	_ =	sdelay $0x9  }
0x9e: {  	s12 =	spop (v2sf)  }
0x9f: {  	s11 =	sadd.s32 s11, s12  }
0xa0: {  	v6 =	vmov s11  }
0xa1: {  	v6 =	vadd.s32 $0xFFFFFFFF, v6  }
0xa2: {  	v6 =	vbroadcast v6, $0x0  }
0xa3: {  	v7 =	vld [tilespmem:s13+$0x800];
	s23 =	spop (v2sf)  }
0xa4: {  	v8 =	vld [tilespmem:s13+$0x0];
	v5 =	vadd.s32 v5, v6;
	s11 =	sadd.s32 s11, s23  }
0xa5: {  	p1 =	slt.s32 s11, $0x200  }
.Ltmp5:
0xa6: {  	_ = 	snop;
	(pc) =	sbr.rel @p1 .LBB2_11-.Ltmp5, $4  }
0xa7: {  	_ = 	snop  }
0xa8: {  	v4 =	vand.u32 $0x3FFF, v4;
	v63 =	vshll.u32 v7, $0xE  }
0xa9: {  	v4 =	vor.u32 v4, v63;
	[tilespmem:v5+s22+$0x0] =	vst.idx.msk vm0, v8  }
0xaa: {  	[tilespmem:v5+s24+$0x0] =	vst.idx.msk vm0, v4  }
0xab: {  	s12 =	simm.s32 $0x0  }
0xac: {  	v4 =	vld [tilespmem:s12+$0x2000]  }
0xad: {  	s13 =	simm.s32 $0x40;
	v5 =	vld [tilespmem:s12+$0x1800]  }
.LBB2_6:
0xae: {  	p1 =	sne.s32 s13, $0x7C0  }
.Ltmp6:
0xaf: {  	_ = 	snop;
	(pc) =	sbr.rel @p1 .LBB2_6-.Ltmp6, $4  }
0xb0: {  	_ = 	snop  }
0xb1: {  	s21 =	sshra.s32 s13, $0x2;
	s13 =	sadd.s32 $0x40, s13;
	[tilespmem:s12+$0x2A00] =	vst v4  }
0xb2: {  	v4 =	vld [tilespmem:s21+$0x2000];
	[tilespmem:s12+$0x2800] =	vst v5;
	s12 =	smov.u32 s21  }
0xb3: {  	v5 =	vld [tilespmem:s12+$0x1800]  }
0xb4: {  	_ =	sdelay $0x2  }
0xb5: {  	[tilespmem:s12+$0x2A00] =	vst v4  }
0xb6: {  	[tilespmem:s12+$0x2800] =	vst v5  }
0xb7: {  	[tilespmem:s30], [sflag:$0x3] =	stream.indirect.gather [hbm4b:s3+s26], $0x20, s29, s26, $0xb8;
	[tilespmem:$0x1EC80] =	vst v63  }
0xb8: {  	_ =	swait.ge [sflag:s31], $0x4000  }
0xb9: {  	p1 =	slt.u32 s11, $0x400;
	[sflag:s31] =	ssyncset.done $0x0  }
.Ltmp7:
0xba: {  	[sflag:s31] =	ssyncadd.s32 $0xFFFFC000;
	(pc) =	sbr.rel @p1 .LBB2_11-.Ltmp7, $4  }
0xbb: {  	[spmem:s1] =	stream.indirect.scatter.add.bf16 [tilespmem:s30], [sflag:$0x4], $0x20, s0, s26, $0xb8;
	[tilespmem:$0x1EC80] =	vst v63  }
0xbc: {  	_ =	swait.ge [sflag:s5], $0x4000  }
0xbd: {  	[sflag:s5] =	ssyncset.done $0x0  }
0xbe: {  	[sflag:s5] =	ssyncadd.s32 $0xFFFFC000  }
0xbf: {  	s12 =	simm.s32 $0x0  }
0xc0: {  	v4 =	vld [tilespmem:s12+$0x2200]  }
0xc1: {  	s13 =	simm.s32 $0x40;
	v5 =	vld [tilespmem:s12+$0x1A00]  }
.LBB2_9:
0xc2: {  	p1 =	sne.s32 s13, $0x7C0  }
.Ltmp8:
0xc3: {  	_ = 	snop;
	(pc) =	sbr.rel @p1 .LBB2_9-.Ltmp8, $4  }
0xc4: {  	_ = 	snop  }
0xc5: {  	s21 =	sshra.s32 s13, $0x2;
	s13 =	sadd.s32 $0x40, s13;
	[tilespmem:s12+$0x2A00] =	vst v4  }
0xc6: {  	v4 =	vld [tilespmem:s21+$0x2200];
	[tilespmem:s12+$0x2800] =	vst v5;
	s12 =	smov.u32 s21  }
0xc7: {  	v5 =	vld [tilespmem:s12+$0x1A00]  }
0xc8: {  	_ =	sdelay $0x2  }
0xc9: {  	[tilespmem:s12+$0x2A00] =	vst v4  }
0xca: {  	[tilespmem:s12+$0x2800] =	vst v5  }
0xcb: {  	[tilespmem:s30], [sflag:$0x3] =	stream.indirect.gather [hbm4b:s3+s26], $0x20, s29, s26, $0xb8;
	[tilespmem:$0x1EC80] =	vst v63  }
0xcc: {  	_ =	swait.ge [sflag:s31], $0x4000  }
0xcd: {  	[sflag:s31] =	ssyncset.done $0x0  }
0xce: {  	[sflag:s31] =	ssyncadd.s32 $0xFFFFC000  }
0xcf: {  	[spmem:s1] =	stream.indirect.scatter.add.bf16 [tilespmem:s30], [sflag:$0x4], $0x20, s0, s26, $0xb8;
	[tilespmem:$0x1EC80] =	vst v63  }
0xd0: {  	_ =	swait.ge [sflag:s5], $0x4000  }
0xd1: {  	[sflag:s5] =	ssyncset.done $0x0  }
0xd2: {  	[sflag:s5] =	ssyncadd.s32 $0xFFFFC000  }
.LBB2_11:
0xd3: {  	s12 =	sand.u32 $0x1FF, s11  }
0xd4: {  	s13 =	sshra.s32 s11, $0x1F;
	p1 =	slt.s32 s11, $0x1;
	p2 =	sne.s32 s12, $0x0  }
0xd5: {  	s23 =	sshrl.u32 s13, $0x17;
	p1 =	por !p1, !p2  }
0xd6: {  	s13 =	simm.s32 $0x1;
	s12 =	sadd.s32 s23, s11;
	p1 =	por !p1, !p1  }
0xd7: {  	s12 =	sshra.s32 s12, $0x9;
	s13 =	simm.s32 @!p1 $0x0  }
0xd8: {  	s13 =	ssub.s32 s12, s13  }
0xd9: {  	p1 =	slt.s32 s13, $0x1  }
.Ltmp9:
0xda: {  	_ = 	snop;
	(pc) =	sbr.rel @p1 .LBB2_15-.Ltmp9, $1  }
0xdb: {  	_ =	sdelay $0x3  }
0xdc: {  	s12 =	sshll.u32 s13, $0xB  }
0xdd: {  	s12 =	sshra.s32 s12, $0x2  }
0xde: {  	s21 =	sadd.s32 $0x2000, s12;
	s12 =	sadd.s32 $0x1800, s12  }
0xdf: {  	v5 =	vmov s12;
	_ =	sdelay $0x3  }
0xe0: {  	v4 =	vmov s21;
	s21 =	simm.s32 $0x0;
	s12 =	simm.s32 $0x40  }
.LBB2_13:
0xe1: {  	p1 =	sne.s32 s12, $0x7C0;
	v6 =	vld.idx.msk [tilespmem:v5+s21+$0x0 ss:$0x1], $0xffff;
	_ =	sdelay $0x5  }
0xe2: {  	[tilespmem:s21+$0x1800] =	vst v6  }
0xe3: {  	v6 =	vld.idx.msk [tilespmem:v4+s21+$0x0 ss:$0x1], $0xffff;
	_ =	sdelay $0x1  }
.Ltmp10:
0xe4: {  	(pc) =	sbr.rel @p1 .LBB2_13-.Ltmp10, $2  }
0xe5: {  	_ =	sdelay $0x2  }
0xe6: {  	[tilespmem:s21+$0x2000] =	vst v6;
	s21 =	sshra.s32 s12, $0x2;
	s12 =	sadd.s32 $0x40, s12  }
0xe7: {  	_ =	sdelay $0x3  }
0xe8: {  	v5 =	vld.idx.msk [tilespmem:v5+s21+$0x0 ss:$0x1], $0xffff;
	_ =	sdelay $0x4  }
0xe9: {  	[tilespmem:s21+$0x1800] =	vst v5  }
0xea: {  	v4 =	vld.idx.msk [tilespmem:v4+s21+$0x0 ss:$0x1], $0xffff;
	_ =	sdelay $0x4  }
0xeb: {  	[tilespmem:s21+$0x2000] =	vst v4  }
.LBB2_15:
0xec: {  	_ =	swait.ge [sflag:s25], $0x400  }
0xed: {  	[sflag:s25] =	ssyncset.done $0x0  }
0xee: {  	s12 =	sshll.u32 s2, $0x1;
	[sflag:s25] =	ssyncadd.s32 $0xFFFFFC00  }
0xef: {  	s12 =	sadd.s32 $0x2, s12;
	_ =	swait.ge [sflag:s25], $0x400  }
0xf0: {  	p1 =	seq.s32 s12, $0x32;
	s12 =	sshll.u32 s12, $0xA;
	[sflag:s25] =	ssyncset.done $0x0  }
0xf1: {  	s12 =	simm.s32 @p1 $0x0;
	[sflag:s25] =	ssyncadd.s32 $0xFFFFFC00  }
0xf2: {  	s12 =	sadd.s32 s7, s12;
	_ =	swait.ge [sflag:s25], $0x400  }
0xf3: {  	s12 =	sshrl.u32 s12, $0x3;
	[sflag:s25] =	ssyncset.done $0x0  }
0xf4: {  	s23 =	simm.s32 $0x0;
	s21 =	sadd.s32 s4, s12;
	[sflag:s25] =	ssyncadd.s32 $0xFFFFFC00  }
0xf5: {  	[tilespmem:s23], [sflag:$0x1] =	stream.linear.gather [hbm4b:s21+s23], $0x400, $0x38;
	[tilespmem:$0x1EC80] =	vst v63  }
0xf6: {  	s9 =	sadd.s32 s6, s12  }
0xf7: {  	[tilespmem:s15], [sflag:$0x1] =	stream.linear.gather [hbm4b:s9+s23], $0x400, $0x38;
	[tilespmem:$0x1EC80] =	vst v63  }
0xf8: {  	s12 =	sadd.s32 s8, s12  }
0xf9: {  	[tilespmem:s16], [sflag:$0x1] =	stream.linear.gather [hbm4b:s12+s23], $0x400, $0x38;
	[tilespmem:$0x1EC80] =	vst v63  }
0xfa: {  	s23 =	simm.s32 $0x0  }
0xfb: {  	v4 =	vld [tilespmem:s23+$0x1000];
	_ =	sdelay $0x4  }
0xfc: {  	v5 =	vshra.s32 v4, $0xE  }
0xfd: {  	vm0 =	veq.s32 v5, v0  }
0xfe: {  	v5 =	vsel vm0, $0x1, v2  }
0xff: {  	(xrf0) =	vadd.scan.msk.s32 $0xffff, v5  }
0x100: {  	s13 =	sshll.u32 s13, $0x9  }
0x101: {  	s11 =	ssub.s32 s11, s13  }
0x102: {  	v5 =	vmov s11  }
0x103: {  	v5 =	vadd.s32 $0xFFFFFFFF, v5  }
0x104: {  	v5 =	vbroadcast v5, $0x0  }
0x105: {  	v6 =	vld [tilespmem:s23+$0x1400];
	v7, _, _ =	vpop (xrf0)  }
0x106: {  	v8 =	vld [tilespmem:s23+$0xC00];
	v5 =	vadd.s32 v7, v5;
	(v2sf) =	vpush v7, $0xF;
	_ =	sdelay $0x3  }
0x107: {  	v4 =	vand.u32 $0x3FFF, v4;
	v6 =	vshll.u32 v6, $0xE  }
0x108: {  	v4 =	vor.u32 v4, v6;
	[tilespmem:v5+s22+$0x0] =	vst.idx.msk vm0, v8  }
0x109: {  	s13 =	simm.s32 $0x10;
	s23 =	simm.s32 $0x80;
	[tilespmem:v5+s24+$0x0] =	vst.idx.msk vm0, v4  }
.LBB2_16:
0x10a: {  	p1 =	sne.s32 s23, $0xFC0;
	v4 =	vld [tilespmem:s13+$0x1000];
	_ =	sdelay $0x4  }
0x10b: {  	v5 =	vshra.s32 v4, $0xE;
	v4 =	vand.u32 $0x3FFF, v4  }
0x10c: {  	vm0 =	veq.s32 v5, v0  }
0x10d: {  	v5 =	vsel vm0, $0x1, v2  }
0x10e: {  	(xrf0) =	vadd.scan.msk.s32 $0xffff, v5;
	s12 =	spop (v2sf)  }
0x10f: {  	s11 =	sadd.s32 s11, s12  }
0x110: {  	v5 =	vmov s11  }
0x111: {  	v5 =	vadd.s32 $0xFFFFFFFF, v5  }
0x112: {  	v5 =	vbroadcast v5, $0x0;
	_ =	sdelay $0x1  }
0x113: {  	v6 =	vld [tilespmem:s13+$0x1400];
	v7, _, _ =	vpop (xrf0)  }
0x114: {  	v8 =	vld [tilespmem:s13+$0xC00];
	v5 =	vadd.s32 v7, v5;
	(v2sf) =	vpush v7, $0xF;
	_ =	sdelay $0x1  }
.Ltmp11:
0x115: {  	(pc) =	sbr.rel @p1 .LBB2_16-.Ltmp11, $4  }
0x116: {  	_ = 	snop  }
0x117: {  	v6 =	vshll.u32 v6, $0xE  }
0x118: {  	v4 =	vor.u32 v4, v6;
	[tilespmem:v5+s22+$0x0] =	vst.idx.msk vm0, v8  }
0x119: {  	s13 =	sshra.s32 s23, $0x2;
	s23 =	sadd.s32 $0x40, s23;
	[tilespmem:v5+s24+$0x0] =	vst.idx.msk vm0, v4  }
0x11a: {  	v4 =	vld [tilespmem:s13+$0x1000];
	_ =	sdelay $0x4  }
0x11b: {  	v5 =	vshra.s32 v4, $0xE  }
0x11c: {  	vm0 =	veq.s32 v5, v0  }
0x11d: {  	v5 =	vsel vm0, $0x1, v2  }
0x11e: {  	(xrf0) =	vadd.scan.msk.s32 $0xffff, v5;
	_ =	sdelay $0x5  }
0x11f: {  	v5, _, _ =	vpop (xrf0)  }
0x120: {  	(v2sf) =	vpush v5, $0xF;
	_ =	sdelay $0x9  }
0x121: {  	s12 =	spop (v2sf)  }
0x122: {  	s11 =	sadd.s32 s11, s12  }
0x123: {  	v6 =	vmov s11  }
0x124: {  	v6 =	vadd.s32 $0xFFFFFFFF, v6  }
0x125: {  	v6 =	vbroadcast v6, $0x0  }
0x126: {  	v7 =	vld [tilespmem:s13+$0x1400];
	s23 =	spop (v2sf)  }
0x127: {  	v8 =	vld [tilespmem:s13+$0xC00];
	v5 =	vadd.s32 v5, v6;
	s11 =	sadd.s32 s11, s23  }
0x128: {  	p1 =	slt.s32 s11, $0x200  }
.Ltmp12:
0x129: {  	_ = 	snop;
	(pc) =	sbr.rel @p1 .LBB2_24-.Ltmp12, $4  }
0x12a: {  	_ = 	snop  }
0x12b: {  	v4 =	vand.u32 $0x3FFF, v4;
	v63 =	vshll.u32 v7, $0xE  }
0x12c: {  	v4 =	vor.u32 v4, v63;
	[tilespmem:v5+s22+$0x0] =	vst.idx.msk vm0, v8  }
0x12d: {  	[tilespmem:v5+s24+$0x0] =	vst.idx.msk vm0, v4  }
0x12e: {  	s12 =	simm.s32 $0x0  }
0x12f: {  	v4 =	vld [tilespmem:s12+$0x2000]  }
0x130: {  	s13 =	simm.s32 $0x40;
	v5 =	vld [tilespmem:s12+$0x1800]  }
.LBB2_19:
0x131: {  	p1 =	sne.s32 s13, $0x7C0  }
.Ltmp13:
0x132: {  	_ = 	snop;
	(pc) =	sbr.rel @p1 .LBB2_19-.Ltmp13, $4  }
0x133: {  	_ = 	snop  }
0x134: {  	s21 =	sshra.s32 s13, $0x2;
	s13 =	sadd.s32 $0x40, s13;
	[tilespmem:s12+$0x2A00] =	vst v4  }
0x135: {  	v4 =	vld [tilespmem:s21+$0x2000];
	[tilespmem:s12+$0x2800] =	vst v5;
	s12 =	smov.u32 s21  }
0x136: {  	v5 =	vld [tilespmem:s12+$0x1800]  }
0x137: {  	_ =	sdelay $0x2  }
0x138: {  	[tilespmem:s12+$0x2A00] =	vst v4  }
0x139: {  	[tilespmem:s12+$0x2800] =	vst v5  }
0x13a: {  	[tilespmem:s30], [sflag:$0x3] =	stream.indirect.gather [hbm4b:s3+s26], $0x20, s29, s26, $0xb8;
	[tilespmem:$0x1EC80] =	vst v63  }
0x13b: {  	_ =	swait.ge [sflag:s31], $0x4000  }
0x13c: {  	p1 =	slt.u32 s11, $0x400;
	[sflag:s31] =	ssyncset.done $0x0  }
.Ltmp14:
0x13d: {  	[sflag:s31] =	ssyncadd.s32 $0xFFFFC000;
	(pc) =	sbr.rel @p1 .LBB2_24-.Ltmp14, $4  }
0x13e: {  	[spmem:s1] =	stream.indirect.scatter.add.bf16 [tilespmem:s30], [sflag:$0x4], $0x20, s0, s26, $0xb8;
	[tilespmem:$0x1EC80] =	vst v63  }
0x13f: {  	_ =	swait.ge [sflag:s5], $0x4000  }
0x140: {  	[sflag:s5] =	ssyncset.done $0x0  }
0x141: {  	[sflag:s5] =	ssyncadd.s32 $0xFFFFC000  }
0x142: {  	s12 =	simm.s32 $0x0  }
0x143: {  	v4 =	vld [tilespmem:s12+$0x2200]  }
0x144: {  	s13 =	simm.s32 $0x40;
	v5 =	vld [tilespmem:s12+$0x1A00]  }
.LBB2_22:
0x145: {  	p1 =	sne.s32 s13, $0x7C0  }
.Ltmp15:
0x146: {  	_ = 	snop;
	(pc) =	sbr.rel @p1 .LBB2_22-.Ltmp15, $4  }
0x147: {  	_ = 	snop  }
0x148: {  	s21 =	sshra.s32 s13, $0x2;
	s13 =	sadd.s32 $0x40, s13;
	[tilespmem:s12+$0x2A00] =	vst v4  }
0x149: {  	v4 =	vld [tilespmem:s21+$0x2200];
	[tilespmem:s12+$0x2800] =	vst v5;
	s12 =	smov.u32 s21  }
0x14a: {  	v5 =	vld [tilespmem:s12+$0x1A00]  }
0x14b: {  	_ =	sdelay $0x2  }
0x14c: {  	[tilespmem:s12+$0x2A00] =	vst v4  }
0x14d: {  	[tilespmem:s12+$0x2800] =	vst v5  }
0x14e: {  	[tilespmem:s30], [sflag:$0x3] =	stream.indirect.gather [hbm4b:s3+s26], $0x20, s29, s26, $0xb8;
	[tilespmem:$0x1EC80] =	vst v63  }
0x14f: {  	_ =	swait.ge [sflag:s31], $0x4000  }
0x150: {  	[sflag:s31] =	ssyncset.done $0x0  }
0x151: {  	[sflag:s31] =	ssyncadd.s32 $0xFFFFC000  }
0x152: {  	[spmem:s1] =	stream.indirect.scatter.add.bf16 [tilespmem:s30], [sflag:$0x4], $0x20, s0, s26, $0xb8;
	[tilespmem:$0x1EC80] =	vst v63  }
0x153: {  	_ =	swait.ge [sflag:s5], $0x4000  }
0x154: {  	[sflag:s5] =	ssyncset.done $0x0  }
0x155: {  	[sflag:s5] =	ssyncadd.s32 $0xFFFFC000  }
.LBB2_24:
0x156: {  	s12 =	sand.u32 $0x1FF, s11  }
0x157: {  	s13 =	sshra.s32 s11, $0x1F;
	p1 =	slt.s32 s11, $0x1;
	p2 =	sne.s32 s12, $0x0  }
0x158: {  	s23 =	sshrl.u32 s13, $0x17;
	p1 =	por !p1, !p2  }
0x159: {  	s13 =	simm.s32 $0x1;
	s12 =	sadd.s32 s23, s11;
	p1 =	por !p1, !p1  }
0x15a: {  	s12 =	sshra.s32 s12, $0x9;
	s13 =	simm.s32 @!p1 $0x0  }
0x15b: {  	s13 =	ssub.s32 s12, s13  }
0x15c: {  	p1 =	slt.s32 s13, $0x1  }
.Ltmp16:
0x15d: {  	_ = 	snop;
	(pc) =	sbr.rel @p1 .LBB2_28-.Ltmp16, $1  }
0x15e: {  	_ =	sdelay $0x3  }
0x15f: {  	s12 =	sshll.u32 s13, $0xB  }
0x160: {  	s12 =	sshra.s32 s12, $0x2  }
0x161: {  	s21 =	sadd.s32 $0x2000, s12;
	s12 =	sadd.s32 $0x1800, s12  }
0x162: {  	v5 =	vmov s12;
	_ =	sdelay $0x3  }
0x163: {  	v4 =	vmov s21;
	s21 =	simm.s32 $0x0;
	s12 =	simm.s32 $0x40  }
.LBB2_26:
0x164: {  	p1 =	sne.s32 s12, $0x7C0;
	v6 =	vld.idx.msk [tilespmem:v5+s21+$0x0 ss:$0x1], $0xffff;
	_ =	sdelay $0x5  }
0x165: {  	[tilespmem:s21+$0x1800] =	vst v6  }
0x166: {  	v6 =	vld.idx.msk [tilespmem:v4+s21+$0x0 ss:$0x1], $0xffff;
	_ =	sdelay $0x1  }
.Ltmp17:
0x167: {  	(pc) =	sbr.rel @p1 .LBB2_26-.Ltmp17, $2  }
0x168: {  	_ =	sdelay $0x2  }
0x169: {  	[tilespmem:s21+$0x2000] =	vst v6;
	s21 =	sshra.s32 s12, $0x2;
	s12 =	sadd.s32 $0x40, s12  }
0x16a: {  	_ =	sdelay $0x3  }
0x16b: {  	v5 =	vld.idx.msk [tilespmem:v5+s21+$0x0 ss:$0x1], $0xffff;
	_ =	sdelay $0x4  }
0x16c: {  	[tilespmem:s21+$0x1800] =	vst v5  }
0x16d: {  	v4 =	vld.idx.msk [tilespmem:v4+s21+$0x0 ss:$0x1], $0xffff  }
.Ltmp18:
0x16e: {  	_ = 	snop;
	(pc) =	sbr.rel .LBB2_28-.Ltmp18, $2  }
0x16f: {  	_ =	sdelay $0x2  }
0x170: {  	[tilespmem:s21+$0x2000] =	vst v4  }
.LBB2_29:
0x171: {  	_ =	swait.ge [sflag:s17], $0x400  }
0x172: {  	[sflag:s17] =	ssyncset.done $0x0  }
0x173: {  	[sflag:s17] =	ssyncadd.s32 $0xFFFFFC00  }
0x174: {  	p1 =	slt.s32 s11, $0x1;
	_ =	swait.ge [sflag:s17], $0x400  }
.Ltmp19:
0x175: {  	[sflag:s17] =	ssyncset.done $0x0;
	(pc) =	sbr.rel @p1 .LBB2_33-.Ltmp19, $4  }
0x176: {  	[sflag:s17] =	ssyncadd.s32 $0xFFFFFC00  }
0x177: {  	_ =	swait.ge [sflag:s17], $0x400  }
0x178: {  	[sflag:s17] =	ssyncset.done $0x0  }
0x179: {  	[sflag:s17] =	ssyncadd.s32 $0xFFFFFC00  }
0x17a: {  	s2 =	simm.s32 $0x1800  }
0x17b: {  	v5 =	vld [tilespmem:s2+$0x0];
	_ =	sdelay $0x1  }
0x17c: {  	s12 =	simm.s32 $0x0  }
0x17d: {  	v4 =	vmov s11;
	v6 =	vor.u32 s12, v3  }
0x17e: {  	vm0 =	vlt.s32 v6, v4  }
0x17f: {  	s11 =	simm.s32 $0x2800;
	v5 =	vnsel vm0, $0x0, v5  }
0x180: {  	s13 =	simm.s32 $0x2000;
	[tilespmem:s11+$0x0] =	vst v5  }
0x181: {  	v5 =	vld [tilespmem:s13+$0x0];
	_ =	sdelay $0x3  }
0x182: {  	s9 =	smov.u32 s28  }
0x183: {  	s21 =	simm.s32 $0x10;
	s23 =	simm.s32 $0x2A10;
	s12 =	simm.s32 $0x2A00;
	v5 =	vnsel vm0, $0xC000, v5  }
.LBB2_31:
0x184: {  	[tilespmem:s12+$0x0] =	vst v5;
	s2 =	sadd.s32 $0x10, s2;
	s11 =	sadd.s32 $0x10, s11;
	s13 =	sadd.s32 $0x10, s13  }
0x185: {  	p1 =	sne.s32 s21, $0x1F0;
	s28 =	smov.u32 s21;
	s21 =	sadd.s32 $0x10, s21;
	v5 =	vld [tilespmem:s2+$0x0]  }
0x186: {  	s12 =	smov.u32 s23;
	_ =	sdelay $0x1  }
0x187: {  	v6 =	vor.u32 s28, v3  }
0x188: {  	vm0 =	vlt.s32 v6, v4  }
0x189: {  	v5 =	vnsel vm0, $0x0, v5  }
0x18a: {  	[tilespmem:s11+$0x0] =	vst v5  }
0x18b: {  	v5 =	vld [tilespmem:s13+$0x0]  }
.Ltmp20:
0x18c: {  	(pc) =	sbr.rel @p1 .LBB2_31-.Ltmp20, $2  }
0x18d: {  	_ =	sdelay $0x2  }
0x18e: {  	s23 =	sadd.s32 $0x10, s23;
	v5 =	vnsel vm0, $0xC000, v5  }
0x18f: {  	[tilespmem:s12+$0x0] =	vst v5  }
0x190: {  	[tilespmem:s30], [sflag:$0x3] =	stream.indirect.gather [hbm4b:s3+s26], $0x20, s29, s26, $0xb8;
	[tilespmem:$0x1EC80] =	vst v63  }
0x191: {  	_ =	swait.ge [sflag:s31], $0x4000  }
0x192: {  	[sflag:s31] =	ssyncset.done $0x0  }
0x193: {  	[sflag:s31] =	ssyncadd.s32 $0xFFFFC000  }
0x194: {  	[spmem:s1] =	stream.indirect.scatter.add.bf16 [tilespmem:s30], [sflag:$0x4], $0x20, s0, s26, $0xb8;
	[tilespmem:$0x1EC80] =	vst v63  }
0x195: {  	_ =	swait.ge [sflag:s5], $0x4000  }
0x196: {  	[sflag:s5] =	ssyncset.done $0x0  }
0x197: {  	s28 =	smov.u32 s9;
	[sflag:s5] =	ssyncadd.s32 $0xFFFFC000  }
.LBB2_33:
0x198: {  	[bflag:$0x0] =	sbarrier.arrive $0xFFFF  }
0x199: {  	s2 =	rddreg [dreg:$0x12]  }
0x19a: {  	s9 =	rddreg [dreg:$0xe]  }
0x19b: {  	s12 =	rddreg [dreg:$0x8];
	s11 =	sshrl.u32 s9, $0x3  }
0x19c: {  	s2 =	sor.u32 $0x1C04, s2;
	[smem:$0x7FA] =	sst s11  }
0x19d: {  	[hbm:s12], [sflag:s2] =	dma.local [spmem:s11], $0x1000  }
0x19e: {  	_ =	swait.ge [sflag:s5], $0x1000  }
0x19f: {  	s13 =	rddreg [dreg:$0x11]  }
0x1a0: {  	[sflag:s5] =	ssyncset.done $0x0;
	s23 =	rddreg [dreg:$0x9];
	s21 =	sshrl.u32 s13, $0x3  }
0x1a1: {  	[sflag:s5] =	ssyncadd.s32 $0xFFFFF000;
	[smem:$0x7FB] =	sst s21  }
0x1a2: {  	[hbm:s23], [sflag:s2] =	dma.local [spmem:s21], $0x1000  }
0x1a3: {  	_ =	swait.ge [sflag:s5], $0x1000  }
0x1a4: {  	s11 =	rddreg [dreg:$0x13]  }
0x1a5: {  	[sflag:s5] =	ssyncset.done $0x0;
	s13 =	rddreg [dreg:$0xa];
	s12 =	sshrl.u32 s11, $0x3  }
0x1a6: {  	[sflag:s5] =	ssyncadd.s32 $0xFFFFF000;
	[smem:$0x7FC] =	sst s12  }
0x1a7: {  	[hbm:s13], [sflag:s2] =	dma.local [spmem:s12], $0x1000  }
0x1a8: {  	_ =	swait.ge [sflag:s5], $0x1000  }
0x1a9: {  	[sflag:s5] =	ssyncset.done $0x0  }
0x1aa: {  	[sflag:s5] =	ssyncadd.s32 $0xFFFFF000  }
0x1ab: {  	[bflag:$0x0] =	sbarrier.arrive $0xFFFF  }
0x1ac: {  	s9 =	rddreg [dreg:$0x3]  }
0x1ad: {  	s11 =	rddreg [dreg:$0x14]  }
0x1ae: {  	[spmem:s28], [sflag:s11] =	dma.local [hbm:s9], $0x800  }
0x1af: {  	_ =	swait.ge [sflag:s10], $0x800  }
0x1b0: {  	[sflag:s10] =	ssyncset.done $0x0  }
0x1b1: {  	s12 =	rddreg [dreg:$0x1b];
	[sflag:s10] =	ssyncadd.s32 $0xFFFFF800  }
0x1b2: {  	[spmem:s12], [sflag:s11] =	dma.local [hbm:s9], $0x800  }
0x1b3: {  	_ =	swait.ge [sflag:s10], $0x800  }
0x1b4: {  	[sflag:s10] =	ssyncset.done $0x0  }
0x1b5: {  	s21 =	rddreg [dreg:$0x1c];
	[sflag:s10] =	ssyncadd.s32 $0xFFFFF800  }
0x1b6: {  	[spmem:s21], [sflag:s11] =	dma.local [hbm:s9], $0x800  }
0x1b7: {  	_ =	swait.ge [sflag:s10], $0x800  }
0x1b8: {  	[sflag:s10] =	ssyncset.done $0x0  }
0x1b9: {  	s23 =	rddreg [dreg:$0x1d];
	[sflag:s10] =	ssyncadd.s32 $0xFFFFF800  }
0x1ba: {  	[spmem:s23], [sflag:s11] =	dma.local [hbm:s9], $0x800  }
0x1bb: {  	_ =	swait.ge [sflag:s10], $0x800  }
0x1bc: {  	[sflag:s10] =	ssyncset.done $0x0  }
0x1bd: {  	s28 =	rddreg [dreg:$0x1e];
	[sflag:s10] =	ssyncadd.s32 $0xFFFFF800  }
0x1be: {  	[spmem:s28], [sflag:s11] =	dma.local [hbm:s9], $0x800  }
0x1bf: {  	_ =	swait.ge [sflag:s10], $0x800  }
0x1c0: {  	[sflag:s10] =	ssyncset.done $0x0  }
0x1c1: {  	s13 =	rddreg [dreg:$0x1f];
	[sflag:s10] =	ssyncadd.s32 $0xFFFFF800  }
0x1c2: {  	[spmem:s13], [sflag:s11] =	dma.local [hbm:s9], $0x800  }
0x1c3: {  	_ =	swait.ge [sflag:s10], $0x800  }
0x1c4: {  	s11 =	sld [smem:$0x7FD]  }
0x1c5: {  	[sflag:s10] =	ssyncset.done $0x0  }
0x1c6: {  	[sflag:s10] =	ssyncadd.s32 $0xFFFFF800  }
0x1c7: {  	[spmem:s11], [sflag:s2] =	dma.local @!p0 [hbm:s9], $0x100  }
0x1c8: {  	s11 =	simm.s32 @!p0 $0x4  }
0x1c9: {  	_ =	swait.ge @!p0 [sflag:s11], $0x100  }
0x1ca: {  	[sflag:s11] =	ssyncset.done @!p0 $0x0  }
0x1cb: {  	[sflag:s11] =	ssyncadd.s32 @!p0 $0xFFFFFF00  }
0x1cc: {  	[bflag:$0x0] =	sbarrier.arrive $0xFFFF  }
0x1cd: {  	s12 =	simm.s32 $0x0;
	s21 =	rddreg [dreg:$0x5]  }
0x1ce: {  	[tilespmem:s12], [sflag:$0x1] =	stream.linear.gather [hbm4b:s21+s12], $0x400, $0x38;
	[tilespmem:$0x1EC80] =	vst v63  }
.Ltmp21:
0x1cf: {  	_ = 	snop;
	(pc) =	sbr.rel .LBB2_34-.Ltmp21, $4  }
0x1d0: {  	s23 =	rddreg [dreg:$0x6]  }
0x1d1: {  	[tilespmem:s15], [sflag:$0x1] =	stream.linear.gather [hbm4b:s23+s12], $0x400, $0x38;
	[tilespmem:$0x1EC80] =	vst v63  }
0x1d2: {  	s13 =	simm.s32 $0x0;
	s28 =	rddreg [dreg:$0x7];
	s23 =	simm.s32 $0x0  }
0x1d3: {  	[tilespmem:s16], [sflag:$0x1] =	stream.linear.gather [hbm4b:s28+s12], $0x400, $0x38;
	[tilespmem:$0x1EC80] =	vst v63  }
.LBB2_60:
0x1d4: {  	s13 =	sadd.s32 $0x1, s13  }
0x1d5: {  	p1 =	sne.s32 s13, $0x19  }
.Ltmp22:
0x1d6: {  	_ = 	snop;
	(pc) =	sbr.rel @!p1 .LBB2_61-.Ltmp22, $3  }
0x1d7: {  	_ =	sdelay $0x1  }
0x1d8: {  	s9 =	sshll.u32 s11, $0x9  }
0x1d9: {  	s23 =	ssub.s32 s23, s9  }
.LBB2_34:
0x1da: {  	_ =	swait.ge [sflag:s17], $0x400  }
0x1db: {  	[sflag:s17] =	ssyncset.done $0x0  }
0x1dc: {  	[sflag:s17] =	ssyncadd.s32 $0xFFFFFC00  }
0x1dd: {  	_ =	swait.ge [sflag:s17], $0x400  }
0x1de: {  	[sflag:s17] =	ssyncset.done $0x0  }
0x1df: {  	s11 =	sshll.u32 s13, $0xB;
	[sflag:s17] =	ssyncadd.s32 $0xFFFFFC00  }
0x1e0: {  	s11 =	sadd.s32 s11, s14;
	_ =	swait.ge [sflag:s17], $0x400  }
0x1e1: {  	s11 =	sshrl.u32 s11, $0x3;
	[sflag:s17] =	ssyncset.done $0x0  }
0x1e2: {  	s21 =	sadd.s32 s4, s11;
	[sflag:s17] =	ssyncadd.s32 $0xFFFFFC00  }
0x1e3: {  	[tilespmem:s18], [sflag:$0x2] =	stream.linear.gather [hbm4b:s21+s12], $0x400, $0x38;
	[tilespmem:$0x1EC80] =	vst v63  }
0x1e4: {  	s9 =	sadd.s32 s6, s11  }
0x1e5: {  	[tilespmem:s19], [sflag:$0x2] =	stream.linear.gather [hbm4b:s9+s12], $0x400, $0x38;
	[tilespmem:$0x1EC80] =	vst v63  }
0x1e6: {  	s28 =	simm.s32 $0x0;
	s11 =	sadd.s32 s8, s11  }
0x1e7: {  	[tilespmem:s20], [sflag:$0x2] =	stream.linear.gather [hbm4b:s11+s12], $0x400, $0x38;
	[tilespmem:$0x1EC80] =	vst v63  }
0x1e8: {  	v4 =	vld [tilespmem:s28+$0x400];
	_ =	sdelay $0x4  }
0x1e9: {  	v5 =	vshra.s32 v4, $0xE  }
0x1ea: {  	vm0 =	veq.s32 v5, v1  }
0x1eb: {  	v5 =	vsel vm0, $0x1, v2  }
0x1ec: {  	(xrf0) =	vadd.scan.msk.s32 $0xffff, v5;
	_ =	sdelay $0x2  }
0x1ed: {  	v5 =	vmov s23  }
0x1ee: {  	v5 =	vadd.s32 $0xFFFFFFFF, v5  }
0x1ef: {  	v5 =	vbroadcast v5, $0x0  }
0x1f0: {  	v6 =	vld [tilespmem:s28+$0x800];
	v7, _, _ =	vpop (xrf0)  }
0x1f1: {  	v8 =	vld [tilespmem:s28+$0x0];
	v5 =	vadd.s32 v7, v5;
	(v2sf) =	vpush v7, $0xF;
	_ =	sdelay $0x3  }
0x1f2: {  	v4 =	vand.u32 $0x3FFF, v4;
	v6 =	vshll.u32 v6, $0xE  }
0x1f3: {  	v4 =	vor.u32 v4, v6;
	[tilespmem:v5+s22+$0x0] =	vst.idx.msk vm0, v8  }
0x1f4: {  	s21 =	simm.s32 $0x80;
	s11 =	simm.s32 $0x10;
	[tilespmem:v5+s24+$0x0] =	vst.idx.msk vm0, v4  }
.LBB2_35:
0x1f5: {  	p1 =	sne.s32 s21, $0xFC0;
	v4 =	vld [tilespmem:s11+$0x400];
	_ =	sdelay $0x4  }
0x1f6: {  	v5 =	vshra.s32 v4, $0xE;
	v4 =	vand.u32 $0x3FFF, v4  }
0x1f7: {  	vm0 =	veq.s32 v5, v1  }
0x1f8: {  	v5 =	vsel vm0, $0x1, v2  }
0x1f9: {  	(xrf0) =	vadd.scan.msk.s32 $0xffff, v5;
	s28 =	spop (v2sf)  }
0x1fa: {  	s23 =	sadd.s32 s23, s28  }
0x1fb: {  	v5 =	vmov s23  }
0x1fc: {  	v5 =	vadd.s32 $0xFFFFFFFF, v5  }
0x1fd: {  	v5 =	vbroadcast v5, $0x0;
	_ =	sdelay $0x1  }
0x1fe: {  	v6 =	vld [tilespmem:s11+$0x800];
	v7, _, _ =	vpop (xrf0)  }
0x1ff: {  	v8 =	vld [tilespmem:s11+$0x0];
	v5 =	vadd.s32 v7, v5;
	(v2sf) =	vpush v7, $0xF;
	_ =	sdelay $0x1  }
.Ltmp23:
0x200: {  	(pc) =	sbr.rel @p1 .LBB2_35-.Ltmp23, $4  }
0x201: {  	_ = 	snop  }
0x202: {  	v6 =	vshll.u32 v6, $0xE  }
0x203: {  	v4 =	vor.u32 v4, v6;
	[tilespmem:v5+s22+$0x0] =	vst.idx.msk vm0, v8  }
0x204: {  	s11 =	sshra.s32 s21, $0x2;
	s21 =	sadd.s32 $0x40, s21;
	[tilespmem:v5+s24+$0x0] =	vst.idx.msk vm0, v4  }
0x205: {  	v4 =	vld [tilespmem:s11+$0x400];
	_ =	sdelay $0x4  }
0x206: {  	v5 =	vshra.s32 v4, $0xE  }
0x207: {  	vm0 =	veq.s32 v5, v1  }
0x208: {  	v5 =	vsel vm0, $0x1, v2  }
0x209: {  	(xrf0) =	vadd.scan.msk.s32 $0xffff, v5;
	_ =	sdelay $0x5  }
0x20a: {  	v5, _, _ =	vpop (xrf0)  }
0x20b: {  	(v2sf) =	vpush v5, $0xF;
	_ =	sdelay $0x9  }
0x20c: {  	s21 =	spop (v2sf)  }
0x20d: {  	s21 =	sadd.s32 s23, s21  }
0x20e: {  	v6 =	vmov s21  }
0x20f: {  	v6 =	vadd.s32 $0xFFFFFFFF, v6  }
0x210: {  	v6 =	vbroadcast v6, $0x0  }
0x211: {  	v7 =	vld [tilespmem:s11+$0x800];
	s28 =	spop (v2sf)  }
0x212: {  	v8 =	vld [tilespmem:s11+$0x0];
	v5 =	vadd.s32 v5, v6;
	s23 =	sadd.s32 s21, s28  }
0x213: {  	p1 =	slt.s32 s23, $0x200  }
.Ltmp24:
0x214: {  	_ = 	snop;
	(pc) =	sbr.rel @p1 .LBB2_43-.Ltmp24, $4  }
0x215: {  	_ = 	snop  }
0x216: {  	v4 =	vand.u32 $0x3FFF, v4;
	v63 =	vshll.u32 v7, $0xE  }
0x217: {  	v4 =	vor.u32 v4, v63;
	[tilespmem:v5+s22+$0x0] =	vst.idx.msk vm0, v8  }
0x218: {  	[tilespmem:v5+s24+$0x0] =	vst.idx.msk vm0, v4  }
0x219: {  	s11 =	simm.s32 $0x0  }
0x21a: {  	v4 =	vld [tilespmem:s11+$0x2000]  }
0x21b: {  	s21 =	simm.s32 $0x40;
	v5 =	vld [tilespmem:s11+$0x1800]  }
.LBB2_38:
0x21c: {  	p1 =	sne.s32 s21, $0x7C0  }
.Ltmp25:
0x21d: {  	_ = 	snop;
	(pc) =	sbr.rel @p1 .LBB2_38-.Ltmp25, $4  }
0x21e: {  	_ = 	snop  }
0x21f: {  	s28 =	sshra.s32 s21, $0x2;
	s21 =	sadd.s32 $0x40, s21;
	[tilespmem:s11+$0x2A00] =	vst v4  }
0x220: {  	v4 =	vld [tilespmem:s28+$0x2000];
	[tilespmem:s11+$0x2800] =	vst v5;
	s11 =	smov.u32 s28  }
0x221: {  	v5 =	vld [tilespmem:s11+$0x1800]  }
0x222: {  	_ =	sdelay $0x2  }
0x223: {  	[tilespmem:s11+$0x2A00] =	vst v4  }
0x224: {  	[tilespmem:s11+$0x2800] =	vst v5  }
0x225: {  	[tilespmem:s30], [sflag:$0x3] =	stream.indirect.gather [hbm4b:s3+s26], $0x20, s29, s26, $0xb8;
	[tilespmem:$0x1EC80] =	vst v63  }
0x226: {  	_ =	swait.ge [sflag:s31], $0x4000  }
0x227: {  	p1 =	slt.u32 s23, $0x400;
	[sflag:s31] =	ssyncset.done $0x0  }
.Ltmp26:
0x228: {  	[sflag:s31] =	ssyncadd.s32 $0xFFFFC000;
	(pc) =	sbr.rel @p1 .LBB2_43-.Ltmp26, $4  }
0x229: {  	[spmem:s1] =	stream.indirect.scatter.add.bf16 [tilespmem:s30], [sflag:$0x4], $0x20, s0, s26, $0xb8;
	[tilespmem:$0x1EC80] =	vst v63  }
0x22a: {  	_ =	swait.ge [sflag:s5], $0x4000  }
0x22b: {  	[sflag:s5] =	ssyncset.done $0x0  }
0x22c: {  	[sflag:s5] =	ssyncadd.s32 $0xFFFFC000  }
0x22d: {  	s11 =	simm.s32 $0x0  }
0x22e: {  	v4 =	vld [tilespmem:s11+$0x2200]  }
0x22f: {  	s21 =	simm.s32 $0x40;
	v5 =	vld [tilespmem:s11+$0x1A00]  }
.LBB2_41:
0x230: {  	p1 =	sne.s32 s21, $0x7C0  }
.Ltmp27:
0x231: {  	_ = 	snop;
	(pc) =	sbr.rel @p1 .LBB2_41-.Ltmp27, $4  }
0x232: {  	_ = 	snop  }
0x233: {  	s28 =	sshra.s32 s21, $0x2;
	s21 =	sadd.s32 $0x40, s21;
	[tilespmem:s11+$0x2A00] =	vst v4  }
0x234: {  	v4 =	vld [tilespmem:s28+$0x2200];
	[tilespmem:s11+$0x2800] =	vst v5;
	s11 =	smov.u32 s28  }
0x235: {  	v5 =	vld [tilespmem:s11+$0x1A00]  }
0x236: {  	_ =	sdelay $0x2  }
0x237: {  	[tilespmem:s11+$0x2A00] =	vst v4  }
0x238: {  	[tilespmem:s11+$0x2800] =	vst v5  }
0x239: {  	[tilespmem:s30], [sflag:$0x3] =	stream.indirect.gather [hbm4b:s3+s26], $0x20, s29, s26, $0xb8;
	[tilespmem:$0x1EC80] =	vst v63  }
0x23a: {  	_ =	swait.ge [sflag:s31], $0x4000  }
0x23b: {  	[sflag:s31] =	ssyncset.done $0x0  }
0x23c: {  	[sflag:s31] =	ssyncadd.s32 $0xFFFFC000  }
0x23d: {  	[spmem:s1] =	stream.indirect.scatter.add.bf16 [tilespmem:s30], [sflag:$0x4], $0x20, s0, s26, $0xb8;
	[tilespmem:$0x1EC80] =	vst v63  }
0x23e: {  	_ =	swait.ge [sflag:s5], $0x4000  }
0x23f: {  	[sflag:s5] =	ssyncset.done $0x0  }
0x240: {  	[sflag:s5] =	ssyncadd.s32 $0xFFFFC000  }
.LBB2_43:
0x241: {  	s11 =	sand.u32 $0x1FF, s23  }
0x242: {  	s21 =	sshra.s32 s23, $0x1F;
	p1 =	slt.s32 s23, $0x1;
	p2 =	sne.s32 s11, $0x0  }
0x243: {  	s28 =	sshrl.u32 s21, $0x17;
	p1 =	por !p1, !p2  }
0x244: {  	s21 =	simm.s32 $0x1;
	s11 =	sadd.s32 s28, s23;
	p1 =	por !p1, !p1  }
0x245: {  	s11 =	sshra.s32 s11, $0x9;
	s21 =	simm.s32 @!p1 $0x0  }
0x246: {  	s11 =	ssub.s32 s11, s21  }
0x247: {  	p1 =	slt.s32 s11, $0x1  }
.Ltmp28:
0x248: {  	_ = 	snop;
	(pc) =	sbr.rel @p1 .LBB2_47-.Ltmp28, $1  }
0x249: {  	_ =	sdelay $0x3  }
0x24a: {  	s21 =	sshll.u32 s11, $0xB  }
0x24b: {  	s21 =	sshra.s32 s21, $0x2  }
0x24c: {  	s28 =	sadd.s32 $0x2000, s21;
	s21 =	sadd.s32 $0x1800, s21  }
0x24d: {  	v5 =	vmov s21;
	_ =	sdelay $0x3  }
0x24e: {  	v4 =	vmov s28;
	s21 =	simm.s32 $0x0;
	s28 =	simm.s32 $0x40  }
.LBB2_45:
0x24f: {  	p1 =	sne.s32 s28, $0x7C0;
	v6 =	vld.idx.msk [tilespmem:v5+s21+$0x0 ss:$0x1], $0xffff;
	_ =	sdelay $0x5  }
0x250: {  	[tilespmem:s21+$0x1800] =	vst v6  }
0x251: {  	v6 =	vld.idx.msk [tilespmem:v4+s21+$0x0 ss:$0x1], $0xffff;
	_ =	sdelay $0x1  }
.Ltmp29:
0x252: {  	(pc) =	sbr.rel @p1 .LBB2_45-.Ltmp29, $2  }
0x253: {  	_ =	sdelay $0x2  }
0x254: {  	[tilespmem:s21+$0x2000] =	vst v6;
	s21 =	sshra.s32 s28, $0x2;
	s28 =	sadd.s32 $0x40, s28  }
0x255: {  	_ =	sdelay $0x3  }
0x256: {  	v5 =	vld.idx.msk [tilespmem:v5+s21+$0x0 ss:$0x1], $0xffff;
	_ =	sdelay $0x4  }
0x257: {  	[tilespmem:s21+$0x1800] =	vst v5  }
0x258: {  	v4 =	vld.idx.msk [tilespmem:v4+s21+$0x0 ss:$0x1], $0xffff;
	_ =	sdelay $0x4  }
0x259: {  	[tilespmem:s21+$0x2000] =	vst v4  }
.LBB2_47:
0x25a: {  	_ =	swait.ge [sflag:s25], $0x400  }
0x25b: {  	[sflag:s25] =	ssyncset.done $0x0  }
0x25c: {  	s21 =	sshll.u32 s13, $0x1;
	[sflag:s25] =	ssyncadd.s32 $0xFFFFFC00  }
0x25d: {  	s21 =	sadd.s32 $0x2, s21;
	_ =	swait.ge [sflag:s25], $0x400  }
0x25e: {  	p1 =	seq.s32 s21, $0x32;
	s21 =	sshll.u32 s21, $0xA;
	[sflag:s25] =	ssyncset.done $0x0  }
0x25f: {  	s21 =	simm.s32 @p1 $0x0;
	[sflag:s25] =	ssyncadd.s32 $0xFFFFFC00  }
0x260: {  	s21 =	sadd.s32 s7, s21;
	_ =	swait.ge [sflag:s25], $0x400  }
0x261: {  	s21 =	sshrl.u32 s21, $0x3;
	[sflag:s25] =	ssyncset.done $0x0  }
0x262: {  	s9 =	simm.s32 $0x0;
	s28 =	sadd.s32 s4, s21;
	[sflag:s25] =	ssyncadd.s32 $0xFFFFFC00  }
0x263: {  	[tilespmem:s9], [sflag:$0x1] =	stream.linear.gather [hbm4b:s28+s9], $0x400, $0x38;
	[tilespmem:$0x1EC80] =	vst v63  }
0x264: {  	s28 =	sadd.s32 s6, s21  }
0x265: {  	[tilespmem:s15], [sflag:$0x1] =	stream.linear.gather [hbm4b:s28+s9], $0x400, $0x38;
	[tilespmem:$0x1EC80] =	vst v63  }
0x266: {  	s21 =	sadd.s32 s8, s21;
	s28 =	simm.s32 $0x0  }
0x267: {  	[tilespmem:s16], [sflag:$0x1] =	stream.linear.gather [hbm4b:s21+s9], $0x400, $0x38;
	[tilespmem:$0x1EC80] =	vst v63  }
0x268: {  	v4 =	vld [tilespmem:s28+$0x1000];
	_ =	sdelay $0x4  }
0x269: {  	v5 =	vshra.s32 v4, $0xE  }
0x26a: {  	vm0 =	veq.s32 v5, v1  }
0x26b: {  	v5 =	vsel vm0, $0x1, v2  }
0x26c: {  	(xrf0) =	vadd.scan.msk.s32 $0xffff, v5  }
0x26d: {  	s11 =	sshll.u32 s11, $0x9  }
0x26e: {  	s11 =	ssub.s32 s23, s11  }
0x26f: {  	v5 =	vmov s11  }
0x270: {  	v5 =	vadd.s32 $0xFFFFFFFF, v5  }
0x271: {  	v5 =	vbroadcast v5, $0x0  }
0x272: {  	v6 =	vld [tilespmem:s28+$0x1400];
	v7, _, _ =	vpop (xrf0)  }
0x273: {  	v8 =	vld [tilespmem:s28+$0xC00];
	v5 =	vadd.s32 v7, v5;
	(v2sf) =	vpush v7, $0xF;
	_ =	sdelay $0x3  }
0x274: {  	v4 =	vand.u32 $0x3FFF, v4;
	v6 =	vshll.u32 v6, $0xE  }
0x275: {  	v4 =	vor.u32 v4, v6;
	[tilespmem:v5+s22+$0x0] =	vst.idx.msk vm0, v8  }
0x276: {  	s23 =	simm.s32 $0x10;
	s21 =	simm.s32 $0x80;
	[tilespmem:v5+s24+$0x0] =	vst.idx.msk vm0, v4  }
.LBB2_48:
0x277: {  	p1 =	sne.s32 s21, $0xFC0;
	v4 =	vld [tilespmem:s23+$0x1000];
	_ =	sdelay $0x4  }
0x278: {  	v5 =	vshra.s32 v4, $0xE;
	v4 =	vand.u32 $0x3FFF, v4  }
0x279: {  	vm0 =	veq.s32 v5, v1  }
0x27a: {  	v5 =	vsel vm0, $0x1, v2  }
0x27b: {  	(xrf0) =	vadd.scan.msk.s32 $0xffff, v5;
	s9 =	spop (v2sf)  }
0x27c: {  	s11 =	sadd.s32 s11, s9  }
0x27d: {  	v5 =	vmov s11  }
0x27e: {  	v5 =	vadd.s32 $0xFFFFFFFF, v5  }
0x27f: {  	v5 =	vbroadcast v5, $0x0;
	_ =	sdelay $0x1  }
0x280: {  	v6 =	vld [tilespmem:s23+$0x1400];
	v7, _, _ =	vpop (xrf0)  }
0x281: {  	v8 =	vld [tilespmem:s23+$0xC00];
	v5 =	vadd.s32 v7, v5;
	(v2sf) =	vpush v7, $0xF;
	_ =	sdelay $0x1  }
.Ltmp30:
0x282: {  	(pc) =	sbr.rel @p1 .LBB2_48-.Ltmp30, $4  }
0x283: {  	_ = 	snop  }
0x284: {  	v6 =	vshll.u32 v6, $0xE  }
0x285: {  	v4 =	vor.u32 v4, v6;
	[tilespmem:v5+s22+$0x0] =	vst.idx.msk vm0, v8  }
0x286: {  	s23 =	sshra.s32 s21, $0x2;
	s21 =	sadd.s32 $0x40, s21;
	[tilespmem:v5+s24+$0x0] =	vst.idx.msk vm0, v4  }
0x287: {  	v4 =	vld [tilespmem:s23+$0x1000];
	_ =	sdelay $0x4  }
0x288: {  	v5 =	vshra.s32 v4, $0xE  }
0x289: {  	vm0 =	veq.s32 v5, v1  }
0x28a: {  	v5 =	vsel vm0, $0x1, v2  }
0x28b: {  	(xrf0) =	vadd.scan.msk.s32 $0xffff, v5;
	_ =	sdelay $0x5  }
0x28c: {  	v5, _, _ =	vpop (xrf0)  }
0x28d: {  	(v2sf) =	vpush v5, $0xF;
	_ =	sdelay $0x9  }
0x28e: {  	s9 =	spop (v2sf)  }
0x28f: {  	s9 =	sadd.s32 s11, s9  }
0x290: {  	v6 =	vmov s9  }
0x291: {  	v6 =	vadd.s32 $0xFFFFFFFF, v6  }
0x292: {  	v6 =	vbroadcast v6, $0x0  }
0x293: {  	v7 =	vld [tilespmem:s23+$0x1400];
	s28 =	spop (v2sf)  }
0x294: {  	v8 =	vld [tilespmem:s23+$0xC00];
	v5 =	vadd.s32 v5, v6;
	s23 =	sadd.s32 s9, s28  }
0x295: {  	p1 =	slt.s32 s23, $0x200  }
.Ltmp31:
0x296: {  	_ = 	snop;
	(pc) =	sbr.rel @p1 .LBB2_56-.Ltmp31, $4  }
0x297: {  	_ = 	snop  }
0x298: {  	v4 =	vand.u32 $0x3FFF, v4;
	v63 =	vshll.u32 v7, $0xE  }
0x299: {  	v4 =	vor.u32 v4, v63;
	[tilespmem:v5+s22+$0x0] =	vst.idx.msk vm0, v8  }
0x29a: {  	[tilespmem:v5+s24+$0x0] =	vst.idx.msk vm0, v4  }
0x29b: {  	s11 =	simm.s32 $0x0  }
0x29c: {  	v4 =	vld [tilespmem:s11+$0x2000]  }
0x29d: {  	s21 =	simm.s32 $0x40;
	v5 =	vld [tilespmem:s11+$0x1800]  }
.LBB2_51:
0x29e: {  	p1 =	sne.s32 s21, $0x7C0  }
.Ltmp32:
0x29f: {  	_ = 	snop;
	(pc) =	sbr.rel @p1 .LBB2_51-.Ltmp32, $4  }
0x2a0: {  	_ = 	snop  }
0x2a1: {  	s9 =	sshra.s32 s21, $0x2;
	s21 =	sadd.s32 $0x40, s21;
	[tilespmem:s11+$0x2A00] =	vst v4  }
0x2a2: {  	v4 =	vld [tilespmem:s9+$0x2000];
	[tilespmem:s11+$0x2800] =	vst v5;
	s11 =	smov.u32 s9  }
0x2a3: {  	v5 =	vld [tilespmem:s11+$0x1800]  }
0x2a4: {  	_ =	sdelay $0x2  }
0x2a5: {  	[tilespmem:s11+$0x2A00] =	vst v4  }
0x2a6: {  	[tilespmem:s11+$0x2800] =	vst v5  }
0x2a7: {  	[tilespmem:s30], [sflag:$0x3] =	stream.indirect.gather [hbm4b:s3+s26], $0x20, s29, s26, $0xb8;
	[tilespmem:$0x1EC80] =	vst v63  }
0x2a8: {  	_ =	swait.ge [sflag:s31], $0x4000  }
0x2a9: {  	p1 =	slt.u32 s23, $0x400;
	[sflag:s31] =	ssyncset.done $0x0  }
.Ltmp33:
0x2aa: {  	[sflag:s31] =	ssyncadd.s32 $0xFFFFC000;
	(pc) =	sbr.rel @p1 .LBB2_56-.Ltmp33, $4  }
0x2ab: {  	[spmem:s1] =	stream.indirect.scatter.add.bf16 [tilespmem:s30], [sflag:$0x4], $0x20, s0, s26, $0xb8;
	[tilespmem:$0x1EC80] =	vst v63  }
0x2ac: {  	_ =	swait.ge [sflag:s5], $0x4000  }
0x2ad: {  	[sflag:s5] =	ssyncset.done $0x0  }
0x2ae: {  	[sflag:s5] =	ssyncadd.s32 $0xFFFFC000  }
0x2af: {  	s11 =	simm.s32 $0x0  }
0x2b0: {  	v4 =	vld [tilespmem:s11+$0x2200]  }
0x2b1: {  	s21 =	simm.s32 $0x40;
	v5 =	vld [tilespmem:s11+$0x1A00]  }
.LBB2_54:
0x2b2: {  	p1 =	sne.s32 s21, $0x7C0  }
.Ltmp34:
0x2b3: {  	_ = 	snop;
	(pc) =	sbr.rel @p1 .LBB2_54-.Ltmp34, $4  }
0x2b4: {  	_ = 	snop  }
0x2b5: {  	s9 =	sshra.s32 s21, $0x2;
	s21 =	sadd.s32 $0x40, s21;
	[tilespmem:s11+$0x2A00] =	vst v4  }
0x2b6: {  	v4 =	vld [tilespmem:s9+$0x2200];
	[tilespmem:s11+$0x2800] =	vst v5;
	s11 =	smov.u32 s9  }
0x2b7: {  	v5 =	vld [tilespmem:s11+$0x1A00]  }
0x2b8: {  	_ =	sdelay $0x2  }
0x2b9: {  	[tilespmem:s11+$0x2A00] =	vst v4  }
0x2ba: {  	[tilespmem:s11+$0x2800] =	vst v5  }
0x2bb: {  	[tilespmem:s30], [sflag:$0x3] =	stream.indirect.gather [hbm4b:s3+s26], $0x20, s29, s26, $0xb8;
	[tilespmem:$0x1EC80] =	vst v63  }
0x2bc: {  	_ =	swait.ge [sflag:s31], $0x4000  }
0x2bd: {  	[sflag:s31] =	ssyncset.done $0x0  }
0x2be: {  	[sflag:s31] =	ssyncadd.s32 $0xFFFFC000  }
0x2bf: {  	[spmem:s1] =	stream.indirect.scatter.add.bf16 [tilespmem:s30], [sflag:$0x4], $0x20, s0, s26, $0xb8;
	[tilespmem:$0x1EC80] =	vst v63  }
0x2c0: {  	_ =	swait.ge [sflag:s5], $0x4000  }
0x2c1: {  	[sflag:s5] =	ssyncset.done $0x0  }
0x2c2: {  	[sflag:s5] =	ssyncadd.s32 $0xFFFFC000  }
.LBB2_56:
0x2c3: {  	s9 =	sand.u32 $0x1FF, s23  }
0x2c4: {  	s11 =	sshra.s32 s23, $0x1F;
	p1 =	slt.s32 s23, $0x1;
	p2 =	sne.s32 s9, $0x0  }
0x2c5: {  	s28 =	sshrl.u32 s11, $0x17;
	p1 =	por !p1, !p2  }
0x2c6: {  	s11 =	simm.s32 $0x1;
	s9 =	sadd.s32 s28, s23;
	p1 =	por !p1, !p1  }
0x2c7: {  	s9 =	sshra.s32 s9, $0x9;
	s11 =	simm.s32 @!p1 $0x0  }
0x2c8: {  	s11 =	ssub.s32 s9, s11  }
0x2c9: {  	p1 =	slt.s32 s11, $0x1  }
.Ltmp35:
0x2ca: {  	_ = 	snop;
	(pc) =	sbr.rel @p1 .LBB2_60-.Ltmp35, $1  }
0x2cb: {  	_ =	sdelay $0x3  }
0x2cc: {  	s9 =	sshll.u32 s11, $0xB  }
0x2cd: {  	s9 =	sshra.s32 s9, $0x2  }
0x2ce: {  	s21 =	sadd.s32 $0x2000, s9;
	s9 =	sadd.s32 $0x1800, s9  }
0x2cf: {  	v5 =	vmov s9;
	_ =	sdelay $0x3  }
0x2d0: {  	s28 =	simm.s32 $0x40;
	v4 =	vmov s21;
	s21 =	simm.s32 $0x0  }
.LBB2_58:
0x2d1: {  	p1 =	sne.s32 s28, $0x7C0;
	v6 =	vld.idx.msk [tilespmem:v5+s21+$0x0 ss:$0x1], $0xffff;
	_ =	sdelay $0x5  }
0x2d2: {  	[tilespmem:s21+$0x1800] =	vst v6  }
0x2d3: {  	v6 =	vld.idx.msk [tilespmem:v4+s21+$0x0 ss:$0x1], $0xffff;
	_ =	sdelay $0x1  }
.Ltmp36:
0x2d4: {  	(pc) =	sbr.rel @p1 .LBB2_58-.Ltmp36, $2  }
0x2d5: {  	_ =	sdelay $0x2  }
0x2d6: {  	[tilespmem:s21+$0x2000] =	vst v6;
	s21 =	sshra.s32 s28, $0x2;
	s28 =	sadd.s32 $0x40, s28  }
0x2d7: {  	_ =	sdelay $0x3  }
0x2d8: {  	v5 =	vld.idx.msk [tilespmem:v5+s21+$0x0 ss:$0x1], $0xffff;
	_ =	sdelay $0x4  }
0x2d9: {  	[tilespmem:s21+$0x1800] =	vst v5  }
0x2da: {  	v4 =	vld.idx.msk [tilespmem:v4+s21+$0x0 ss:$0x1], $0xffff  }
.Ltmp37:
0x2db: {  	_ = 	snop;
	(pc) =	sbr.rel .LBB2_60-.Ltmp37, $2  }
0x2dc: {  	_ =	sdelay $0x2  }
0x2dd: {  	[tilespmem:s21+$0x2000] =	vst v4  }
.LBB2_61:
0x2de: {  	_ =	swait.ge [sflag:s17], $0x400  }
0x2df: {  	[sflag:s17] =	ssyncset.done $0x0  }
0x2e0: {  	[sflag:s17] =	ssyncadd.s32 $0xFFFFFC00  }
0x2e1: {  	p1 =	slt.s32 s23, $0x1;
	_ =	swait.ge [sflag:s17], $0x400  }
.Ltmp38:
0x2e2: {  	[sflag:s17] =	ssyncset.done $0x0;
	(pc) =	sbr.rel @p1 .LBB2_65-.Ltmp38, $4  }
0x2e3: {  	[sflag:s17] =	ssyncadd.s32 $0xFFFFFC00  }
0x2e4: {  	_ =	swait.ge [sflag:s17], $0x400  }
0x2e5: {  	[sflag:s17] =	ssyncset.done $0x0  }
0x2e6: {  	s11 =	rddreg [dreg:$0x1a];
	[sflag:s17] =	ssyncadd.s32 $0xFFFFFC00  }
0x2e7: {  	s11 =	simm.s32 $0x1800  }
0x2e8: {  	v5 =	vld [tilespmem:s11+$0x0];
	_ =	sdelay $0x1  }
0x2e9: {  	s9 =	simm.s32 $0x0  }
0x2ea: {  	v4 =	vmov s23;
	v6 =	vor.u32 s9, v3  }
0x2eb: {  	vm0 =	vlt.s32 v6, v4  }
0x2ec: {  	s12 =	simm.s32 $0x2800;
	v5 =	vnsel vm0, $0x0, v5  }
0x2ed: {  	s13 =	simm.s32 $0x2000;
	[tilespmem:s12+$0x0] =	vst v5  }
0x2ee: {  	v5 =	vld [tilespmem:s13+$0x0];
	_ =	sdelay $0x4  }
0x2ef: {  	s28 =	simm.s32 $0x2A00;
	s21 =	simm.s32 $0x10;
	s23 =	simm.s32 $0x2A10;
	v5 =	vnsel vm0, $0xC000, v5  }
.LBB2_63:
0x2f0: {  	[tilespmem:s28+$0x0] =	vst v5;
	s11 =	sadd.s32 $0x10, s11;
	s12 =	sadd.s32 $0x10, s12;
	s13 =	sadd.s32 $0x10, s13  }
0x2f1: {  	p1 =	sne.s32 s21, $0x1F0;
	s9 =	smov.u32 s21;
	s21 =	sadd.s32 $0x10, s21;
	v5 =	vld [tilespmem:s11+$0x0]  }
0x2f2: {  	s28 =	smov.u32 s23;
	_ =	sdelay $0x1  }
0x2f3: {  	v6 =	vor.u32 s9, v3  }
0x2f4: {  	vm0 =	vlt.s32 v6, v4  }
0x2f5: {  	v5 =	vnsel vm0, $0x0, v5  }
0x2f6: {  	[tilespmem:s12+$0x0] =	vst v5  }
0x2f7: {  	v5 =	vld [tilespmem:s13+$0x0]  }
.Ltmp39:
0x2f8: {  	(pc) =	sbr.rel @p1 .LBB2_63-.Ltmp39, $2  }
0x2f9: {  	_ =	sdelay $0x2  }
0x2fa: {  	s23 =	sadd.s32 $0x10, s23;
	v5 =	vnsel vm0, $0xC000, v5  }
0x2fb: {  	[tilespmem:s28+$0x0] =	vst v5  }
0x2fc: {  	[tilespmem:s30], [sflag:$0x3] =	stream.indirect.gather [hbm4b:s3+s26], $0x20, s29, s26, $0xb8;
	[tilespmem:$0x1EC80] =	vst v63  }
0x2fd: {  	_ =	swait.ge [sflag:s31], $0x4000  }
0x2fe: {  	[sflag:s31] =	ssyncset.done $0x0  }
.Ltmp40:
0x2ff: {  	[sflag:s31] =	ssyncadd.s32 $0xFFFFC000;
	(pc) =	sbr.rel .LBB2_65-.Ltmp40, $4  }
0x300: {  	[spmem:s1] =	stream.indirect.scatter.add.bf16 [tilespmem:s30], [sflag:$0x4], $0x20, s0, s26, $0xb8;
	[tilespmem:$0x1EC80] =	vst v63  }
0x301: {  	_ =	swait.ge [sflag:s5], $0x4000  }
0x302: {  	[sflag:s5] =	ssyncset.done $0x0  }
0x303: {  	s11 =	rddreg [dreg:$0x1a];
	[sflag:s5] =	ssyncadd.s32 $0xFFFFC000  }
.LBB2_66:
0x304: {  	_ =	sfence.sel $0x180000  }
0x305: {  	[bflag:$0x0] =	sbarrier.arrive $0xFFFF  }
0x306: {  	_ =	strace $0x9000004D  }
0x307: {  	[bflag:$0x2] =	sbarrier.arrive $0xFFFF  }
0x308: {  	s0 =	rddreg [dreg:$0x2]  }
0x309: {  	s0 =	sadd.s32 @!p0 $0x100000, s0  }
0x30a: {  	[sflag:s0] =	ssyncadd.tile.s32 @!p0 $0x1;
	_ =	shalt  }
.Lfunc_end2:
_tile_overlayer_lowered:
.L_overlay_start_2:
0x30b: {  	(tag) =	ssettag $0x2  }
0x30c: {  	s0 =	rddreg [dreg:$0x0];
	s2 =	stileid.u32  }
0x30d: {  	s1 =	rddreg [dreg:$0x1];
	p0 =	sne.s32 s2, $0x0  }
0x30e: {  	s3 =	rddreg [dreg:$0x2];
	[bflag:$0x3] =	sbarrier.arrive $0xFFFF;
	s2 =	simm.s32 @!p0 $0x1C04  }
0x30f: {  	[timem:s3], [sflag:s2] =	dma.local @!p0 [hbm:s0], s1  }
0x310: {  	s0 =	simm.s32 @!p0 $0x4  }
0x311: {  	_ =	swait.ge @!p0 [sflag:s0], s1  }
0x312: {  	s1 =	ssub.s32 @!p0 $0x0, s1;
	[sflag:s0] =	ssyncset.done @!p0 $0x0  }
0x313: {  	[sflag:s0] =	ssyncadd.s32 @!p0 s1  }
0x314: {  	[bflag:$0x3] =	sbarrier.arrive $0xFFFF  }
0x315: {  	_ =	shalt  }

// kernel: kernel.9.cloned.1.call-start
scs
__scs_entry_jumppad:
0x0: {  	(pc) =	sbr.rel $0x88, $3  }
0x1: {  	(tag) =	ssettag $0x0;
	lr =	simm.s32 $0x1  }
0x2: {  	[smem:$0x3F91] =	sst lr;
	_ =	strace $0xD0000000  }
0x3: {  	_ = 	snop  }
0x4: {  	_ = 	snop  }
0x5: {  	_ = 	snop  }
0x6: {  	_ = 	snop  }
0x7: {  	_ = 	snop  }
__scs_overlays_trampoline_lowered:
0x8: {  	[smem:$0x3FA0] =	sst s0  }
0x9: {  	[smem:$0x3FA1] =	sst s1  }
0xa: {  	[smem:$0x3FA2] =	sst s2  }
0xb: {  	[smem:$0x3FA3] =	sst s3  }
0xc: {  	[smem:$0x3FA4] =	sst s4  }
0xd: {  	[smem:$0x3FA5] =	sst s5  }
0xe: {  	[smem:$0x3FA6] =	sst s6  }
0xf: {  	[smem:$0x3FA7] =	sst s7  }
0x10: {  	[smem:$0x3FA8] =	sst s8  }
0x11: {  	[smem:$0x3FA9] =	sst s9;
	s0 =	simm.s32 @!p0 $0x0  }
0x12: {  	s1 =	sld [smem:$0x3F8F];
	s0 =	simm.s32 @p0 $0x1  }
0x13: {  	[smem:$0x3FAA] =	sst s0;
	s0 =	simm.s32 @!p1 $0x0  }
0x14: {  	s2 =	sld [smem:$0x3F8E];
	s0 =	simm.s32 @p1 $0x1  }
0x15: {  	[smem:$0x3FAB] =	sst s0;
	s0 =	simm.s32 @!p2 $0x0  }
0x16: {  	s3 =	sld [smem:$0x3FDB];
	s0 =	simm.s32 @p2 $0x1  }
0x17: {  	s4 =	simm.s32 $0x1BF5;
	[smem:$0x3FAD] =	sst s0  }
0x18: {  	s0 =	sld [smem:$0x3F90];
	_ =	swait.ge [sflag:s4], $0x0  }
0x19: {  	s7 =	sld [smem:$0x3F91]  }
0x1a: {  	s8 =	sadd.s32 $0xFFFFE003, lr  }
0x1b: {  	s9 =	sadd.s32 $0xFFFFFEF7, lr;
	s5 =	simm.s32 $0xFFFFFFFF;
	p2 =	slt.u32 s8, $0xFFFFF086  }
0x1c: {  	p1 =	slt.u32 s9, $0xF7A;
	s5 =	simm.s32 @!p2 $0x0  }
0x1d: {  	s5 =	simm.s32 @p1 $0x1;
	p0 =	seq.s32 s7, s2  }
0x1e: {  	s7 =	smul.u32 @!p0 $0xF7A, s2;
	p2 =	seq.s32 @!p0 s5, $0x0  }
0x1f: {  	s9 =	smul.u32 $0xF7A, s1;
	s8 =	simm.s32 @!p0 $0x1BF5;
	p2 =	por !p2, p0  }
0x20: {  	[sflag:s8] =	ssyncset.s32 @!p0 $0xFFFFF086;
	s6 =	sadd.s32 @!p0 s3, s7;
	s7 =	simm.s32 @!p0 $0x108  }
0x21: {  	s3 =	sadd.s32 s3, s9;
	s6 =	sadd.s32 @!p0 $0x88, s6;
	s7 =	simm.s32 @p2 $0x1082  }
0x22: {  	[simem:s7], [sflag:s8] =	dma.local @!p0 [hbm:s6], $0xF7A  }
0x23: {  	s9 =	sor.u32 $0xD0000000, s2;
	s6 =	simm.s32 $0x108;
	_ =	swait.ge @!p0 [sflag:s8], $0x0  }
0x24: {  	s3 =	sadd.s32 $0x88, s3;
	s6 =	simm.s32 @!p1 $0x1082;
	[sflag:s4] =	ssyncset.s32 $0xFFFFF086  }
0x25: {  	[simem:s6], [sflag:s4] =	dma.local [hbm:s3], $0xF7A  }
0x26: {  	[smem:$0x3F91] =	sst s1;
	(tag) =	ssettag s2;
	_ =	strace s9  }
0x27: {  	s1 =	sld [smem:$0x3FA1]  }
0x28: {  	s2 =	sld [smem:$0x3FA2]  }
0x29: {  	s4 =	sld [smem:$0x3FA4]  }
0x2a: {  	p0 =	seq.s32 s5, $0x0;
	s5 =	sld [smem:$0x3FA5]  }
0x2b: {  	s6 =	sld [smem:$0x3FA6]  }
0x2c: {  	s7 =	sld [smem:$0x3FA7]  }
0x2d: {  	s3 =	simm.s32 $0x108;
	s8 =	sld [smem:$0x3FA8]  }
0x2e: {  	s3 =	simm.s32 @!p0 $0x1082;
	s9 =	sld [smem:$0x3FA9]  }
0x2f: {  	lr =	sadd.s32 s0, s3;
	s0 =	sld [smem:$0x3FA0]  }
0x30: {  	s3 =	sld [smem:$0x3FA3]  }
0x31: {  	[smem:$0x3FAC] =	sst s10  }
0x32: {  	s10 =	sld [smem:$0x3FAA];
	_ =	sdelay $0x3  }
0x33: {  	p0 =	seq.s32 s10, $0x1;
	s10 =	sld [smem:$0x3FAC];
	_ =	sdelay $0x3  }
0x34: {  	[smem:$0x3FAC] =	sst s10  }
0x35: {  	s10 =	sld [smem:$0x3FAB];
	_ =	sdelay $0x3  }
0x36: {  	p1 =	seq.s32 s10, $0x1;
	s10 =	sld [smem:$0x3FAC];
	_ =	sdelay $0x3  }
0x37: {  	[smem:$0x3FAC] =	sst s10  }
0x38: {  	s10 =	sld [smem:$0x3FAD]  }
0x39: {  	_ = 	snop;
	(pc) =	sbr.ind lr, $3  }
0x3a: {  	_ = 	snop  }
0x3b: {  	_ = 	snop  }
0x3c: {  	p2 =	seq.s32 s10, $0x1;
	s10 =	sld [smem:$0x3FAC]  }
0x3d: {  	_ =	shalt  }
0x3e: {  	_ =	shalt  }
0x3f: {  	_ =	shalt  }
0x40: {  	_ =	shalt  }
0x41: {  	_ =	shalt  }
0x42: {  	_ =	shalt  }
0x43: {  	_ =	shalt  }
0x44: {  	_ =	shalt  }
0x45: {  	_ =	shalt  }
0x46: {  	_ =	shalt  }
0x47: {  	_ =	shalt  }
0x48: {  	_ =	shalt  }
0x49: {  	_ =	shalt  }
0x4a: {  	_ =	shalt  }
0x4b: {  	_ =	shalt  }
0x4c: {  	_ =	shalt  }
0x4d: {  	_ =	shalt  }
0x4e: {  	_ =	shalt  }
0x4f: {  	_ =	shalt  }
0x50: {  	_ =	shalt  }
0x51: {  	_ =	shalt  }
0x52: {  	_ =	shalt  }
0x53: {  	_ =	shalt  }
0x54: {  	_ =	shalt  }
0x55: {  	_ =	shalt  }
0x56: {  	_ =	shalt  }
0x57: {  	_ =	shalt  }
0x58: {  	_ =	shalt  }
0x59: {  	_ =	shalt  }
0x5a: {  	_ =	shalt  }
0x5b: {  	_ =	shalt  }
0x5c: {  	_ =	shalt  }
0x5d: {  	_ =	shalt  }
0x5e: {  	_ =	shalt  }
0x5f: {  	_ =	shalt  }
0x60: {  	_ =	shalt  }
0x61: {  	_ =	shalt  }
0x62: {  	_ =	shalt  }
0x63: {  	_ =	shalt  }
0x64: {  	_ =	shalt  }
0x65: {  	_ =	shalt  }
0x66: {  	_ =	shalt  }
0x67: {  	_ =	shalt  }
0x68: {  	_ =	shalt  }
0x69: {  	_ =	shalt  }
0x6a: {  	_ =	shalt  }
0x6b: {  	_ =	shalt  }
0x6c: {  	_ =	shalt  }
0x6d: {  	_ =	shalt  }
0x6e: {  	_ =	shalt  }
0x6f: {  	_ =	shalt  }
0x70: {  	_ =	shalt  }
0x71: {  	_ =	shalt  }
0x72: {  	_ =	shalt  }
0x73: {  	_ =	shalt  }
0x74: {  	_ =	shalt  }
0x75: {  	_ =	shalt  }
0x76: {  	_ =	shalt  }
0x77: {  	_ =	shalt  }
0x78: {  	_ =	shalt  }
0x79: {  	_ =	shalt  }
0x7a: {  	_ =	shalt  }
0x7b: {  	_ =	shalt  }
0x7c: {  	_ =	shalt  }
0x7d: {  	_ =	shalt  }
0x7e: {  	_ =	shalt  }
0x7f: {  	_ =	shalt  }
0x80: {  	_ =	shalt  }
0x81: {  	_ =	shalt  }
0x82: {  	_ =	shalt  }
0x83: {  	_ =	shalt  }
0x84: {  	_ =	shalt  }
0x85: {  	_ =	shalt  }
0x86: {  	_ =	shalt  }
0x87: {  	_ =	shalt  }
.Lfunc_end0:
.L_simem_size_0:
called_computation_lowered:
.L_overlay_start_0:
0x88: {  	s2 =	sld [smem:$0x3FD9]  }
0x89: {  	s3 =	sld [smem:$0x3FFE];
	_ =	sdelay $0x1  }
0x8a: {  	s1 =	srdreg.scid  }
0x8b: {  	s0 =	sand.u32 $0x1, s1  }
0x8c: {  	s17 =	sshll.u32 s0, $0xA;
	s2 =	sadd.s32 s3, s2  }
0x8d: {  	s2 =	sadd.s32 s2, s17  }
0x8e: {  	[smem:$0x3FB8] =	sst s2  }
0x8f: {  	_ = 	snop  }
0x90: {  	(tm) =	ssettm $0x1  }
0x91: {  	s18 =	sld [smem:$0x3FFB];
	_ =	sdelay $0x3  }
0x92: {  	_ =	strace s18  }
0x93: {  	s2 =	sld [smem:$0x3FFC];
	_ =	sdelay $0x3  }
0x94: {  	_ =	strace s2  }
0x95: {  	s2 =	sld [smem:$0x3FFD];
	_ =	sdelay $0x3  }
0x96: {  	_ =	strace s2  }
0x97: {  	_ =	strace $0x8FFFFFFF  }
0x98: {  	s19 =	sld [smem:$0x3FDB];
	_ =	sdelay $0x1  }
0x99: {  	s20 =	simm.s32 $_scs_section_size  }
0x9a: {  	s4 =	simm.s32 $_size__tile_overlayer_lowered;
	s5 =	simm.s32 $_tile_overlayer_lowered  }
0x9b: {  	s6 =	simm.s32 $0x1BFF;
	s21 =	sshll.u32 s5, $0x1;
	s3 =	sadd.s32 s20, s19  }
0x9c: {  	s22 =	simm.s32 $0x0;
	s4 =	sshll.u32 s4, $0x1;
	s5 =	sadd.s32 s21, s3  }
0x9d: {  	[timem:s22], [sflag:s6] =	dma.local [hbm:s5], s4  }
0x9e: {  	_ =	swait.ge [sflag:s6], s4  }
0x9f: {  	s4 =	ssub.s32 $0x0, s4;
	[sflag:s6] =	ssyncset.done $0x0  }
0xa0: {  	[sflag:s6] =	ssyncadd.s32 s4;
	_ =	sdelay $0x1  }
0xa1: {  	s23 =	simm.s32 $0x1B8B  }
0xa2: {  	_ =	swait.ge [sflag:s23], $0x1  }
0xa3: {  	[sflag:s23] =	ssyncset.done $0x0  }
0xa4: {  	[sflag:s23] =	ssyncadd.s32 $0xFFFFFFFF  }
0xa5: {  	s4 =	sld [smem:$0x0]  }
0xa6: {  	s5 =	sand.u32 $0xFFFFFFFE, s1  }
0xa7: {  	p0 =	sne.s32 s1, s5  }
0xa8: {  	s5 =	sshll.u32 @p0 s5, $0xE  }
0xa9: {  	s5 =	sadd.s32 @p0 $0x11B8D, s5;
	s6 =	sshll.u32 @p0 s4, $0x11  }
0xaa: {  	s5 =	sor.u32 @p0 s6, s5  }
0xab: {  	[sflag:s5] =	ssyncadd.remote.s32 @p0 $0x1;
	_ =	sdelay $0x1  }
0xac: {  	s5 =	simm.s32 @p0 $0x1B8D  }
0xad: {  	_ =	swait.eq @p0 [sflag:s5], $0x1  }
0xae: {  	[sflag:s5] =	ssyncadd.s32 @p0 $0xFFFFFFFF  }
0xaf: {  	s6 =	sshll.u32 @!p0 s1, $0xE  }
0xb0: {  	s6 =	sor.u32 @!p0 $0x4000, s6;
	s5 =	simm.s32 @!p0 $0x1B8D  }
0xb1: {  	s4 =	sshll.u32 @!p0 s4, $0x11;
	s6 =	sadd.s32 @!p0 $0x11B8D, s6;
	_ =	swait.eq @!p0 [sflag:s5], $0x1  }
0xb2: {  	s4 =	sor.u32 @!p0 s4, s6;
	[sflag:s5] =	ssyncadd.s32 @!p0 $0xFFFFFFFF  }
0xb3: {  	s25 =	simm.s32 $0x1B8E;
	s24 =	sld [smem:$0x3FFE];
	[sflag:s4] =	ssyncadd.remote.s32 @!p0 $0x1  }
0xb4: {  	s26 =	simm.s32 $execute0_lowered;
	[smem:$0x3FD2] =	sst s25  }
0xb5: {  	s5 =	sshll.u32 s26, $0x1;
	_ =	strace $0x80000049;
	[dreg:$0x1] =	wrdreg $0xFFFFFFFF  }
0xb6: {  	s28 =	simm.s32 $_size_execute0_lowered;
	s3 =	sadd.s32 s3, s5;
	[dreg:$0x0] =	wrdreg $0x0  }
0xb7: {  	s5 =	sshll.u32 s28, $0x1;
	[dreg:$0x2] =	wrdreg s3  }
0xb8: {  	[dreg:$0x3] =	wrdreg s5  }
0xb9: {  	[dreg:$0x4] =	wrdreg $0xC0  }
0xba: {  	_ =	task [dreg:s22], $0x5FFFF  }
0xbb: {  	[dreg:$0x1] =	wrdreg $0xFFFFFFFF  }
0xbc: {  	[dreg:$0x0] =	wrdreg $0x60  }
0xbd: {  	[dreg:$0x2] =	wrdreg s24  }
0xbe: {  	[dreg:$0x3] =	wrdreg $0x54000  }
0xbf: {  	[dreg:$0x4] =	wrdreg $0x9  }
0xc0: {  	_ =	task.clear_ibuf [dreg:s22], $0x5FFFF;
	_ =	strace $0x90000049  }
0xc1: {  	s29 =	simm.s32 $0x9;
	_ =	strace $0x8000004B  }
0xc2: {  	_ =	swait.ge [sflag:s29], $0x1  }
0xc3: {  	[sflag:s29] =	ssyncadd.s32 $0xFFFFFFFF  }
0xc4: {  	_ =	strace $0x9000004B  }
0xc5: {  	_ =	sfence  }
0xc6: {  	s30 =	sld [smem:$0x0];
	_ =	sdelay $0x2  }
0xc7: {  	s31 =	sshll.u32 s1, $0xD;
	s1 =	sshrl.u32 s1, $0x2  }
0xc8: {  	s4 =	sand.u32 $0x4000, s31;
	s1 =	sadd.s32 s1, s30  }
0xc9: {  	s0 =	sor.u32 s4, s0;
	s1 =	sshll.u32 s1, $0x11  }
0xca: {  	s0 =	sor.u32 s1, s0  }
0xcb: {  	s0 =	sadd.s32 $0x8F2B, s0  }
0xcc: {  	[sflag:s0] =	ssyncadd.remote.s32 $0x1  }
0xcd: {  	_ =	sfence.sel $0xFFFF  }
0xce: {  	[dreg:$0x0] =	wrdreg $0xFFFFFFFF;
	(pc) =	sbr.abs _section_cstart, $3  }
0xcf: {  	[dreg:$0x1] =	wrdreg $0xFFFFFFFF  }
0xd0: {  	_ =	task.clear_ibuf [dreg:s22], $0x2FFFF;
	_ =	strace $0x9FFFFFFF  }
0xd1: {  	(tm) =	ssettm $0x7FFFFFFF  }
tec
execute0_lowered:
.L_overlay_start_1:
0x0: {  	(tag) =	ssettag $0x1  }
0x1: {  	s7 =	rddreg [dreg:$0x0]  }
0x2: {  	s1 =	rddreg [dreg:$0x1]  }
0x3: {  	s0 =	rddreg [dreg:$0x2];
	s2 =	simm.s32 $0x0;
	s5 =	srdreg.scid  }
0x4: {  	s12 =	stileid.u32;
	s13 =	simm.s32 $0x2;
	s19 =	simm.s32 $0x800  }
0x5: {  	s20 =	simm.s32 $0x1;
	s22 =	simm.s32 $0x1000;
	[smem:$0x7FF] =	sst s2  }
0x6: {  	s23 =	simm.s32 $0x0;
	s3 =	sadd.s32 $0x128C00, s7;
	s4 =	sadd.s32 $0x10F400, s7  }
0x7: {  	s21 =	sand.u32 $0x1, s5;
	s5 =	sadd.s32 $0x202C00, s7;
	s9 =	sshll.u32 s12, $0xC  }
0x8: {  	s6 =	sadd.s32 $0x201C00, s7;
	s31 =	sshll.u32 s12, $0xF;
	s18 =	sadd.s32 $0x180000, s1  }
0x9: {  	p0 =	sne.s32 s12, $0x0;
	s14 =	sshll.u32 s12, $0x6;
	_ =	strace $0x8000004A  }
0xa: {  	s8 =	sshll.u32 s21, $0x10;
	s29 =	ssub.s32 $0x2, s21;
	s15 =	sadd.s32 s31, s1  }
0xb: {  	s14 =	sor.u32 $0x1C02, s14;
	s18 =	sshrl.u32 @!p0 s18, $0x3;
	v0 =	vmov s21;
	s21 =	simm.s32 $0x400  }
0xc: {  	s8 =	sor.u32 s9, s8;
	s30 =	sshrl.u32 s29, $0x1;
	s16 =	sadd.s32 $0x80000, s15  }
0xd: {  	s17 =	sadd.s32 $0x100000, s15;
	s15 =	sshrl.u32 s15, $0x3;
	s10 =	sadd.s32 s8, s7  }
0xe: {  	s11 =	ssub.s32 s29, s30;
	s8 =	smul.u32 $0xC800, s12;
	s12 =	simm.s32 $0x1400  }
0xf: {  	s16 =	sshrl.u32 s16, $0x3;
	s17 =	sshrl.u32 s17, $0x3;
	s7 =	sadd.s32 $0x203400, s10  }
0x10: {  	s9 =	sadd.s32 $0x223400, s10;
	s10 =	sadd.s32 $0x243400, s10;
	s11 =	smax.u32 s11, $0x1  }
.LBB2_1:
0x11: {  	[tilespmem:s12], [sflag:$0x2] =	stream.linear.gather [hbm4b:s5+s2], $0x4000, $0x38;
	[tilespmem:$0x1DC00] =	vst v63  }
0x12: {  	_ =	swait.ge [sflag:s13], $0x4000  }
0x13: {  	[sflag:s13] =	ssyncset.done $0x0  }
0x14: {  	[sflag:s13] =	ssyncadd.s32 $0xFFFFC000  }
0x15: {  	[spmem:s15], [sflag:s14] =	dma.local [hbm:s6], $0x1000  }
0x16: {  	_ =	swait.ge [sflag:s13], $0x1000  }
0x17: {  	[sflag:s13] =	ssyncset.done $0x0  }
0x18: {  	[sflag:s13] =	ssyncadd.s32 $0xFFFFF000  }
0x19: {  	[spmem:s16], [sflag:s14] =	dma.local [hbm:s6], $0x1000  }
0x1a: {  	_ =	swait.ge [sflag:s13], $0x1000  }
0x1b: {  	[sflag:s13] =	ssyncset.done $0x0  }
0x1c: {  	[sflag:s13] =	ssyncadd.s32 $0xFFFFF000  }
0x1d: {  	[spmem:s17], [sflag:s14] =	dma.local [hbm:s6], $0x1000  }
0x1e: {  	_ =	swait.ge [sflag:s13], $0x1000  }
0x1f: {  	[sflag:s13] =	ssyncset.done $0x0  }
0x20: {  	s24 =	simm.s32 @!p0 $0x2;
	[sflag:s13] =	ssyncadd.s32 $0xFFFFF000  }
0x21: {  	[spmem:s18], [sflag:s14] =	dma.local @!p0 [hbm:s6], $0x1000  }
0x22: {  	_ =	swait.ge @!p0 [sflag:s24], $0x1000  }
0x23: {  	[sflag:s24] =	ssyncset.done @!p0 $0x0  }
0x24: {  	[sflag:s24] =	ssyncadd.s32 @!p0 $0xFFFFF000  }
0x25: {  	s24 =	simm.s32 $0x0;
	[bflag:$0x0] =	sbarrier.arrive $0xFFFF  }
.LBB2_2:
0x26: {  	s25 =	sshll.u32 s24, $0xB  }
0x27: {  	s25 =	sadd.s32 s8, s25  }
0x28: {  	s25 =	sshrl.u32 s25, $0x3  }
0x29: {  	s28 =	simm.s32 $0x0;
	s26 =	sadd.s32 s3, s25  }
0x2a: {  	[tilespmem:s28], [sflag:$0x1] =	stream.linear.gather [hbm4b:s26+s28], $0x800, $0x38;
	[tilespmem:$0x1DC00] =	vst v63  }
0x2b: {  	s25 =	sadd.s32 s4, s25  }
0x2c: {  	[tilespmem:s19], [sflag:$0x1] =	stream.linear.gather [hbm4b:s25+s28], $0x800, $0x38;
	[tilespmem:$0x1DC00] =	vst v63  }
0x2d: {  	_ =	swait.ge [sflag:s20], $0x800  }
0x2e: {  	[sflag:s20] =	ssyncset.done $0x0  }
0x2f: {  	[sflag:s20] =	ssyncadd.s32 $0xFFFFF800  }
0x30: {  	_ =	swait.ge [sflag:s20], $0x800  }
0x31: {  	[sflag:s20] =	ssyncset.done $0x0  }
0x32: {  	s25 =	simm.s32 $0x0;
	[sflag:s20] =	ssyncadd.s32 $0xFFFFF800  }
0x33: {  	v1 =	vld [tilespmem:s25+$0x0]  }
0x34: {  	v2 =	vld [tilespmem:s25+$0x800];
	_ =	sdelay $0x1  }
0x35: {  	s26 =	simm.s32 $0x40  }
.LBB2_3:
0x36: {  	p1 =	sne.s32 s26, $0xFC0  }
.Ltmp0:
0x37: {  	s28 =	sshra.s32 s26, $0x2;
	(pc) =	sbr.rel @p1 .LBB2_3-.Ltmp0, $4  }
0x38: {  	s26 =	sadd.s32 $0x40, s26;
	v3 =	vshra.s32 v1, $0xF;
	v5 =	vand.u32 $0x7FFF, v1;
	v1 =	vld [tilespmem:s28+$0x0];
	v4 =	vshll.u32 v2, $0xF  }
0x39: {  	vm0 =	veq.s32 v3, v0;
	v2 =	vld [tilespmem:s28+$0x800];
	v3 =	vor.u32 v5, v4  }
0x3a: {  	v3 =	vnsel vm0, $0x18000, v3  }
0x3b: {  	[tilespmem:s25+$0x1000] =	vst v3;
	s25 =	smov.u32 s28  }
0x3c: {  	_ =	sdelay $0x1  }
0x3d: {  	v3 =	vshra.s32 v1, $0xF;
	v1 =	vand.u32 $0x7FFF, v1;
	v2 =	vshll.u32 v2, $0xF  }
0x3e: {  	vm0 =	veq.s32 v3, v0;
	v1 =	vor.u32 v1, v2  }
0x3f: {  	v1 =	vnsel vm0, $0x18000, v1  }
0x40: {  	[tilespmem:s25+$0x1000] =	vst v1  }
0x41: {  	[spmem:s1] =	stream.indirect.scatter.add.f32 [tilespmem:s12], [sflag:$0x2], $0x10, s22, s21, $0xb8;
	[tilespmem:$0x1DC00] =	vst v63  }
0x42: {  	_ =	swait.ge [sflag:s13], $0x4000  }
0x43: {  	[sflag:s13] =	ssyncset.done $0x0  }
0x44: {  	s25 =	simm.s32 $0x0;
	[sflag:s13] =	ssyncadd.s32 $0xFFFFC000  }
0x45: {  	v1 =	vld [tilespmem:s25+$0x400]  }
0x46: {  	v2 =	vld [tilespmem:s25+$0xC00];
	_ =	sdelay $0x1  }
0x47: {  	s26 =	simm.s32 $0x40  }
.LBB2_5:
0x48: {  	p1 =	sne.s32 s26, $0xFC0  }
.Ltmp1:
0x49: {  	s28 =	sshra.s32 s26, $0x2;
	(pc) =	sbr.rel @p1 .LBB2_5-.Ltmp1, $4  }
0x4a: {  	s26 =	sadd.s32 $0x40, s26;
	v3 =	vshra.s32 v1, $0xF;
	v5 =	vand.u32 $0x7FFF, v1;
	v1 =	vld [tilespmem:s28+$0x400];
	v4 =	vshll.u32 v2, $0xF  }
0x4b: {  	vm0 =	veq.s32 v3, v0;
	v2 =	vld [tilespmem:s28+$0xC00];
	v3 =	vor.u32 v5, v4  }
0x4c: {  	v3 =	vnsel vm0, $0x18000, v3  }
0x4d: {  	[tilespmem:s25+$0x1000] =	vst v3;
	s25 =	smov.u32 s28  }
0x4e: {  	_ =	sdelay $0x1  }
0x4f: {  	v3 =	vshra.s32 v1, $0xF;
	v1 =	vand.u32 $0x7FFF, v1;
	v2 =	vshll.u32 v2, $0xF  }
0x50: {  	s24 =	sadd.s32 $0x1, s24;
	vm0 =	veq.s32 v3, v0;
	v1 =	vor.u32 v1, v2  }
0x51: {  	p1 =	sne.s32 s24, $0x19;
	v1 =	vnsel vm0, $0x18000, v1  }
.Ltmp2:
0x52: {  	[tilespmem:s25+$0x1000] =	vst v1;
	(pc) =	sbr.rel @p1 .LBB2_2-.Ltmp2, $4  }
0x53: {  	[spmem:s1] =	stream.indirect.scatter.add.f32 [tilespmem:s12], [sflag:$0x2], $0x10, s22, s21, $0xb8;
	[tilespmem:$0x1DC00] =	vst v63  }
0x54: {  	_ =	swait.ge [sflag:s13], $0x4000  }
0x55: {  	[sflag:s13] =	ssyncset.done $0x0  }
0x56: {  	[sflag:s13] =	ssyncadd.s32 $0xFFFFC000  }
0x57: {  	[bflag:$0x0] =	sbarrier.arrive $0xFFFF  }
0x58: {  	[hbm:s7], [sflag:s14] =	dma.local [spmem:s15], $0x1000  }
0x59: {  	_ =	swait.ge [sflag:s13], $0x1000  }
0x5a: {  	[sflag:s13] =	ssyncset.done $0x0  }
0x5b: {  	[sflag:s13] =	ssyncadd.s32 $0xFFFFF000  }
0x5c: {  	[hbm:s9], [sflag:s14] =	dma.local [spmem:s16], $0x1000  }
0x5d: {  	s23 =	sadd.s32 $0x1, s23;
	_ =	swait.ge [sflag:s13], $0x1000  }
0x5e: {  	p1 =	sne.s32 s23, s11;
	[sflag:s13] =	ssyncset.done $0x0  }
.Ltmp3:
0x5f: {  	[sflag:s13] =	ssyncadd.s32 $0xFFFFF000;
	(pc) =	sbr.rel @p1 .LBB2_1-.Ltmp3, $4  }
0x60: {  	[hbm:s10], [sflag:s14] =	dma.local [spmem:s17], $0x1000  }
0x61: {  	_ =	swait.ge [sflag:s13], $0x1000  }
0x62: {  	[sflag:s13] =	ssyncset.done $0x0  }
0x63: {  	[sflag:s13] =	ssyncadd.s32 $0xFFFFF000  }
0x64: {  	_ =	sfence.sel $0x180000  }
0x65: {  	[bflag:$0x0] =	sbarrier.arrive $0xFFFF  }
0x66: {  	_ =	strace $0x9000004A  }
0x67: {  	s0 =	sadd.s32 @!p0 $0x100000, s0;
	[bflag:$0x2] =	sbarrier.arrive $0xFFFF  }
0x68: {  	[sflag:s0] =	ssyncadd.tile.s32 @!p0 $0x1;
	_ =	shalt  }
.Lfunc_end2:
_tile_overlayer_lowered:
.L_overlay_start_2:
0x69: {  	(tag) =	ssettag $0x2  }
0x6a: {  	s0 =	rddreg [dreg:$0x0];
	s2 =	stileid.u32  }
0x6b: {  	s1 =	rddreg [dreg:$0x1];
	p0 =	sne.s32 s2, $0x0  }
0x6c: {  	s3 =	rddreg [dreg:$0x2];
	[bflag:$0x3] =	sbarrier.arrive $0xFFFF;
	s2 =	simm.s32 @!p0 $0x1C02  }
0x6d: {  	[timem:s3], [sflag:s2] =	dma.local @!p0 [hbm:s0], s1  }
0x6e: {  	s0 =	simm.s32 @!p0 $0x2  }
0x6f: {  	_ =	swait.ge @!p0 [sflag:s0], s1  }
0x70: {  	s1 =	ssub.s32 @!p0 $0x0, s1;
	[sflag:s0] =	ssyncset.done @!p0 $0x0  }
0x71: {  	[sflag:s0] =	ssyncadd.s32 @!p0 s1  }
0x72: {  	[bflag:$0x3] =	sbarrier.arrive $0xFFFF  }
0x73: {  	_ =	shalt  }

</sc_bundles>
